<compile_context>
chip_gen: v7x
topology: tpu7x:2x2x1
jax: 0.10.2.dev20260603
libtpu: 0.0.44.dev20260713+nightly
codegen_flags: <defaults>
</compile_context>

<pallas_src>
import jax
import jax.numpy as jnp
from jax import lax
from jax.experimental import pallas as pl
from jax.experimental.pallas import tpu as pltpu
from jax.experimental.pallas import tpu_sc as plsc

_NC = 2
_NS = 16
_NW = _NC * _NS
_CHUNK = 128
_EB = 2048


def _sc_gather(table, idx3d, e_pad):
    n, d = table.shape
    per_w = e_pad // _NW
    k = per_w // _CHUNK
    ngrp = 1 if k <= 5 else 2
    kg = k // ngrp
    grp = per_w // ngrp
    mesh = plsc.VectorSubcoreMesh(core_axis_name="c", subcore_axis_name="s")

    def body(tab_hbm, idx_hbm, out_hbm, idx_v, rows_v, sem):
        c = lax.axis_index("c")
        s = lax.axis_index("s")
        wid = s * _NC + c
        pltpu.sync_copy(idx_hbm.at[wid], idx_v)
        for hf in range(ngrp):
            cps = [
                pltpu.async_copy(
                    tab_hbm.at[idx_v.at[hf * kg + j]],
                    rows_v.at[pl.ds(j * _CHUNK, _CHUNK)],
                    sem,
                )
                for j in range(kg)
            ]
            for cp in cps:
                cp.wait()
            pltpu.sync_copy(
                rows_v, out_hbm.at[pl.ds(wid * per_w + hf * grp, grp)])

    fn = pl.kernel(
        body,
        out_type=jax.ShapeDtypeStruct((e_pad, d), jnp.float32),
        mesh=mesh,
        scratch_types=[
            pltpu.VMEM((k, _CHUNK), jnp.int32),
            pltpu.VMEM((grp, d), jnp.float32),
            pltpu.SemaphoreType.DMA,
        ],
        compiler_params=pltpu.CompilerParams(use_tc_tiling_on_sc=False),
    )
    return fn(table, idx3d)


def _sc_scatter_add(msg, idx3d, zeros_init, n_sc):
    e_pad, d = msg.shape
    per_w = e_pad // _NW
    k = per_w // _CHUNK
    ngrp = 1 if k <= 5 else 2
    kg = k // ngrp
    grp = per_w // ngrp
    rows_per_s = n_sc // _NS
    mesh = plsc.VectorSubcoreMesh(core_axis_name="c", subcore_axis_name="s")

    def body(msg_hbm, idx_hbm, zero_hbm, out_hbm, idx_v, msg_v, acc_sh):
        c = lax.axis_index("c")
        s = lax.axis_index("s")
        wid = s * _NC + c
        pltpu.sync_copy(
            zero_hbm.at[pl.ds(s * rows_per_s, rows_per_s)],
            acc_sh.at[pl.ds(s * rows_per_s, rows_per_s)],
        )
        plsc.subcore_barrier()
        pltpu.sync_copy(idx_hbm.at[wid], idx_v)
        for hf in range(ngrp):
            pltpu.sync_copy(
                msg_hbm.at[pl.ds(wid * per_w + hf * grp, grp)], msg_v)
            for j in range(kg):
                pltpu.sync_copy(
                    msg_v.at[pl.ds(j * _CHUNK, _CHUNK)],
                    acc_sh.at[idx_v.at[hf * kg + j]],
                    add=True,
                )
        plsc.subcore_barrier()
        pltpu.sync_copy(
            acc_sh.at[pl.ds(s * rows_per_s, rows_per_s)],
            out_hbm.at[pl.ds(c * n_sc + s * rows_per_s, rows_per_s)],
        )

    fn = pl.kernel(
        body,
        out_type=jax.ShapeDtypeStruct((2 * n_sc, d), jnp.float32),
        mesh=mesh,
        scratch_types=[
            pltpu.VMEM((k, _CHUNK), jnp.int32),
            pltpu.VMEM((grp, d), jnp.float32),
            pltpu.VMEM_SHARED((n_sc, d), jnp.float32),
        ],
        compiler_params=pltpu.CompilerParams(use_tc_tiling_on_sc=False),
    )
    return fn(msg, idx3d, zeros_init)


def _edge_messages(ea_ext, xj, We1e, We2e, R128):
    e_pad, bfe = ea_ext.shape
    kc = We2e.shape[1]
    nblocks = kc // 128
    h_d = We1e.shape[1]

    def body(ea_ref, xj_ref, We1_ref, We2_ref, R_ref, out_ref):
        h = jnp.maximum(
            jnp.dot(ea_ref[...], We1_ref[...],
                    preferred_element_type=jnp.float32), 0.0)
        hb = h.astype(jnp.bfloat16)
        xb = xj_ref[...].astype(jnp.bfloat16)
        ngr = 4
        gw = kc // ngr
        acc = None
        for gr in range(ngr):
            gsl = slice(gr * gw, (gr + 1) * gw)
            Wt = jnp.dot(hb, We2_ref[:, gsl],
                         preferred_element_type=jnp.float32)
            XR = jnp.dot(xb, R_ref[:, gsl],
                         preferred_element_type=jnp.float32)
            for j in range(gw // 128):
                sl = slice(j * 128, (j + 1) * 128)
                t = Wt[:, sl] * XR[:, sl]
                acc = t if acc is None else acc + t
        out_ref[...] = acc

    return pl.pallas_call(
        body,
        grid=(e_pad // _EB,),
        in_specs=[
            pl.BlockSpec((_EB, bfe), lambda i: (i, 0)),
            pl.BlockSpec((_EB, 128), lambda i: (i, 0)),
            pl.BlockSpec((bfe, h_d), lambda i: (0, 0)),
            pl.BlockSpec((h_d, kc), lambda i: (0, 0)),
            pl.BlockSpec((128, kc), lambda i: (0, 0)),
        ],
        out_specs=pl.BlockSpec((_EB, 128), lambda i: (i, 0)),
        out_shape=jax.ShapeDtypeStruct((e_pad, 128), jnp.float32),
    )(ea_ext, xj, We1e, We2e, R128)


def _prep_inputs(ea, x, e_pad):
    e, bf = ea.shape
    n = x.shape[0]
    e_half = e_pad // 2
    tail = e - e_half

    def body(ea_ref, x_ref, out0_ref, out1_ref, x128_ref):
        ones0 = jnp.ones((e_half, 1), jnp.float32)
        out0_ref[:, 0:bf] = ea_ref[0:e_half, :]
        out0_ref[:, bf:bf + 1] = ones0
        out1_ref[0:tail, 0:bf] = ea_ref[e_half:e, :]
        out1_ref[tail:e_half, 0:bf] = jnp.zeros(
            (e_half - tail, bf), jnp.float32)
        out1_ref[:, bf:bf + 1] = ones0
        x128_ref[:, 0:64] = x_ref[...]
        x128_ref[:, 64:128] = jnp.zeros((n, 64), jnp.float32)

    return pl.pallas_call(
        body,
        out_shape=(jax.ShapeDtypeStruct((e_half, bf + 1), jnp.float32),
                   jax.ShapeDtypeStruct((e_half, bf + 1), jnp.float32),
                   jax.ShapeDtypeStruct((n, 128), jnp.float32)),
    )(ea, x)


def _node_update(partsA, partsB, x, root, bias, g, b, n, n_sc):
    def body(pa_ref, pb_ref, x_ref, root_ref, bias_ref, g_ref, b_ref,
             out_ref):
        s128 = (pa_ref[0:n, :] + pa_ref[n_sc:n_sc + n, :]
                + pb_ref[0:n, :] + pb_ref[n_sc:n_sc + n, :])
        agg = (s128[:, 0:64] + s128[:, 64:128]
               + jnp.dot(x_ref[:, 0:64], root_ref[...],
                         preferred_element_type=jnp.float32)
               + bias_ref[...])
        m = jnp.mean(agg, axis=-1, keepdims=True)
        cen = agg - m
        v = jnp.mean(cen * cen, axis=-1, keepdims=True)
        hout = jnp.maximum(
            cen * lax.rsqrt(v + 1e-5) * g_ref[...] + b_ref[...], 0.0)
        out_ref[...] = jnp.concatenate(
            [hout, jnp.zeros_like(hout)], axis=1)

    return pl.pallas_call(
        body,
        out_shape=jax.ShapeDtypeStruct((n, 128), jnp.float32),
    )(partsA, partsB, x, root, bias, g, b)


def _pool_head(h, batch_col, fc1_W, fc1_b, fc2_W, fc2_b, gpad):
    n = h.shape[0]
    out_d = fc2_W.shape[1]

    def body(h_ref, batch_ref, w1_ref, b1_ref, w2_ref, b2_ref, out_ref):
        gids = lax.broadcasted_iota(jnp.int32, (1, gpad), 1)
        oh = (batch_ref[...] == gids).astype(jnp.float32)
        dn = (((0,), (0,)), ((), ()))
        sums = lax.dot_general(oh, h_ref[:, 0:64], dn,
                               preferred_element_type=jnp.float32)
        ones = jnp.ones((n, 1), jnp.float32)
        cnts = lax.dot_general(oh, ones, dn,
                               preferred_element_type=jnp.float32)
        hg = sums / jnp.maximum(cnts, 1.0)
        h2 = jnp.maximum(
            jnp.dot(hg, w1_ref[...], preferred_element_type=jnp.float32)
            + b1_ref[...], 0.0)
        out_ref[...] = (
            jnp.dot(h2, w2_ref[...], preferred_element_type=jnp.float32)
            + b2_ref[...])

    return pl.pallas_call(
        body,
        out_shape=jax.ShapeDtypeStruct((gpad, out_d), jnp.float32),
    )(h, batch_col, fc1_W, fc1_b, fc2_W, fc2_b)


def kernel(x, edge_index, edge_attr, batch,
           We1_1, be1_1, We2_1, be2_1, root1, bias1, g1, b1,
           We1_2, be1_2, We2_2, be2_2, root2, bias2, g2, b2,
           We1_3, be1_3, We2_3, be2_3, root3, bias3, g3, b3,
           fc1_W, fc1_b, fc2_W, fc2_b):
    n, nf = x.shape
    e = edge_index.shape[1]
    bf = edge_attr.shape[1]
    num_graphs = 50

    align = _NW * _CHUNK
    e_pad = -(-e // align) * align
    n_sc = -(-(n + 1) // (_NS * 8)) * (_NS * 8)

    pad_e = e_pad - e
    src = jnp.concatenate([edge_index[0], jnp.zeros((pad_e,), jnp.int32)])
    dump = n + (jnp.arange(pad_e, dtype=jnp.int32) % (n_sc - n))
    dst = jnp.concatenate([edge_index[1], dump])
    e_half = e_pad // 2
    kk = e_half // (_NW * _CHUNK)
    src0 = src[:e_half].reshape(_NW, kk, _CHUNK)
    src1 = src[e_half:].reshape(_NW, kk, _CHUNK)
    dst0 = dst[:e_half].reshape(_NW, kk, _CHUNK)
    dst1 = dst[e_half:].reshape(_NW, kk, _CHUNK)
    ea0, ea1, h0 = _prep_inputs(edge_attr, x, e_pad)
    zeros_init = jnp.zeros((n_sc, 128), jnp.float32)
    R = jnp.kron(jnp.eye(64, dtype=jnp.float32),
                 jnp.ones((1, 64), jnp.float32))
    R128 = jnp.concatenate(
        [R, jnp.zeros((64, R.shape[1]), jnp.float32)],
        axis=0).astype(jnp.bfloat16)

    layers = [
        (We1_1, be1_1, We2_1, be2_1, root1, bias1, g1, b1),
        (We1_2, be1_2, We2_2, be2_2, root2, bias2, g2, b2),
        (We1_3, be1_3, We2_3, be2_3, root3, bias3, g3, b3),
    ]

    h = h0
    for We1, be1, We2, be2, root, bias, g, b in layers:
        top = jnp.concatenate([We1, jnp.zeros((bf, 1), jnp.float32)], axis=1)
        bot = jnp.concatenate(
            [be1[None, :], jnp.ones((1, 1), jnp.float32)], axis=1)
        We1e = jnp.concatenate([top, bot], axis=0)
        We2e = jnp.concatenate(
            [We2, be2[None, :]], axis=0).astype(jnp.bfloat16)

        xj0 = _sc_gather(h, src0, e_half)
        msg0 = _edge_messages(ea0, xj0, We1e, We2e, R128)
        xj1 = _sc_gather(h, src1, e_half)
        partsA = _sc_scatter_add(msg0, dst0, zeros_init, n_sc)
        msg1 = _edge_messages(ea1, xj1, We1e, We2e, R128)
        partsB = _sc_scatter_add(msg1, dst1, zeros_init, n_sc)
        h = _node_update(partsA, partsB, h, root, bias.reshape(1, 64),
                         g.reshape(1, 64), b.reshape(1, 64), n, n_sc)

    out = _pool_head(h, batch.reshape(n, 1).astype(jnp.int32),
                     fc1_W, fc1_b.reshape(1, -1), fc2_W, fc2_b.reshape(1, -1),
                     gpad=64)
    return out[:num_graphs]

# --- scband reference (transcript-rebuilt; emitter-appended) ---
"""Pipeline reference for scband-mpnn-83751862272705 (READ-ONLY COPY).

The authoritative reference and input builder live on the scoring server;
editing this copy changes nothing except your own understanding.
"""

import jax, jax.numpy as jnp
import numpy as np

N = 5000
E = 40000
NF = 64
BF = 16
G = 50
OUT = 32


def _lin_init(k, fan_in, shape):
    return jax.random.normal(k, shape, jnp.float32) / np.sqrt(fan_in)


def setup_inputs(seed: int = 0):
    key = jax.random.key(seed)
    ks = jax.random.split(key, 40)
    inp = {}
    inp["x"] = jax.random.normal(ks[0], (N, NF), jnp.float32)
    inp["edge_index"] = jax.random.randint(ks[1], (2, E), 0, N, dtype=jnp.int32)
    inp["edge_attr"] = jax.random.normal(ks[2], (E, BF), jnp.float32)
    inp["batch"] = jnp.sort(jax.random.randint(ks[3], (N,), 0, G, dtype=jnp.int32))
    i = 4
    for l, in_c in [(1, NF), (2, 64), (3, 64)]:
        inp[f"We1_{l}"] = _lin_init(ks[i], BF, (BF, 64)); i += 1
        inp[f"be1_{l}"] = jnp.zeros((64,), jnp.float32)
        inp[f"We2_{l}"] = _lin_init(ks[i], 64, (64, in_c * 64)); i += 1
        inp[f"be2_{l}"] = jnp.zeros((in_c * 64,), jnp.float32)
        inp[f"root{l}"] = _lin_init(ks[i], in_c, (in_c, 64)); i += 1
        inp[f"bias{l}"] = jnp.zeros((64,), jnp.float32)
        inp[f"g{l}"] = jnp.ones((64,), jnp.float32)
        inp[f"b{l}"] = jnp.zeros((64,), jnp.float32)
    inp["fc1_W"] = _lin_init(ks[i], 64, (64, 32)); i += 1
    inp["fc1_b"] = jnp.zeros((32,), jnp.float32)
    inp["fc2_W"] = _lin_init(ks[i], 32, (32, OUT)); i += 1
    inp["fc2_b"] = jnp.zeros((OUT,), jnp.float32)
    return inp


def _nnconv(x, ei, ea, We1, be1, We2, be2, root, bias, in_c):
    # edge MLP: Linear(BF,64) -> ReLU -> Linear(64, in_c*64)
    h = jax.nn.relu(ea @ We1 + be1)
    W = (h @ We2 + be2).reshape(-1, in_c, 64)
    # message: x_j (source) transformed by per-edge weight matrix
    xj = jnp.take(x, ei[0], axis=0)
    msg = jnp.einsum('ei,eio->eo', xj, W)
    # scatter-add aggregation at destination nodes
    agg = jnp.zeros((x.shape[0], 64), x.dtype).at[ei[1]].add(msg)
    return agg + x @ root + bias


def _ln(h, g, b):
    m = jnp.mean(h, axis=-1, keepdims=True)
    v = jnp.var(h, axis=-1, keepdims=True)
    return (h - m) / jnp.sqrt(v + 1e-5) * g + b


def _forward(fl, edge_index, batch):
    (x, edge_attr,
     We1_1, be1_1, We2_1, be2_1, root1, bias1, g1, b1,
     We1_2, be1_2, We2_2, be2_2, root2, bias2, g2, b2,
     We1_3, be1_3, We2_3, be2_3, root3, bias3, g3, b3,
     fc1_W, fc1_b, fc2_W, fc2_b) = fl
    h = jax.nn.relu(_ln(_nnconv(x, edge_index, edge_attr, We1_1, be1_1, We2_1, be2_1, root1, bias1, NF), g1, b1))
    h = jax.nn.relu(_ln(_nnconv(h, edge_index, edge_attr, We1_2, be1_2, We2_2, be2_2, root2, bias2, 64), g2, b2))
    h = jax.nn.relu(_ln(_nnconv(h, edge_index, edge_attr, We1_3, be1_3, We2_3, be2_3, root3, bias3, 64), g3, b3))
    # global mean pool by graph id
    sums = jnp.zeros((G, 64), h.dtype).at[batch].add(h)
    cnts = jnp.zeros((G,), h.dtype).at[batch].add(1.0)
    hg = sums / jnp.maximum(cnts, 1.0)[:, None]
    h2 = jax.nn.relu(hg @ fc1_W + fc1_b)
    return h2 @ fc2_W + fc2_b


def reference(x, edge_index, edge_attr, batch,
              We1_1, be1_1, We2_1, be2_1, root1, bias1, g1, b1,
              We1_2, be1_2, We2_2, be2_2, root2, bias2, g2, b2,
              We1_3, be1_3, We2_3, be2_3, root3, bias3, g3, b3,
              fc1_W, fc1_b, fc2_W, fc2_b):
    fl = (x, edge_attr,
          We1_1, be1_1, We2_1, be2_1, root1, bias1, g1, b1,
          We1_2, be1_2, We2_2, be2_2, root2, bias2, g2, b2,
          We1_3, be1_3, We2_3, be2_3, root3, bias3, g3, b3,
          fc1_W, fc1_b, fc2_W, fc2_b)
    return _forward(fl, edge_index, batch)

if __name__ == "__main__":
    import jax
    _d = setup_inputs()
    print(jax.jit(kernel)(*tuple(_d.values())))

</pallas_src>

<mosaic_0001>
#map = affine_map<(d0, d1) -> (0, 0)>
#map1 = affine_map<(d0, d1) -> (0, 0, 0)>
module attributes {stable_mosaic.version = 14 : i64} {
  func.func @body(%arg0: i32, %arg1: i32, %arg2: memref<5000x128xf32, #tpu.memory_space<hbm>>, %arg3: memref<32x5x128xi32, #tpu.memory_space<hbm>>, %arg4: memref<20480x128xf32, #tpu.memory_space<hbm>>, %arg5: memref<5x128xi32, #tpu.memory_space<vmem>>, %arg6: memref<640x128xf32, #tpu.memory_space<vmem>>, %arg7: memref<!tpu.dma_semaphore, #tpu.memory_space<semaphore_mem>>) attributes {dimension_semantics = [#tpu.dimension_semantics<core_parallel>, #tpu.dimension_semantics<subcore_parallel>], iteration_bounds = array<i64: 2, 16>, scalar_prefetch = 0 : i64, scratch_operands = 3 : i64, tpu.core_type = #tpu.core_type<sc_vector_subcore>, window_params = [{transform_indices = #map}, {transform_indices = #map1}, {transform_indices = #map}]} {
    %mul3A = arith.constant 2 : i32
    %mul3A_0 = arith.muli %arg1, %mul3A : i32
    %add3A = arith.addi %mul3A_0, %arg0 : i32
    "tpu.region"() ({
      %run_scoped3A = tpu.sem_alloc : memref<!tpu.dma_semaphore, #tpu.memory_space<semaphore_mem>>
      %dma_start3A_103 = arith.constant 0 : i32
      %dma_start3A_104 = arith.constant 0 : i32
      %dma_start3A_105 = tpu.memref_slice %arg3[%add3A, %dma_start3A_103, %dma_start3A_104] : memref<32x5x128xi32, #tpu.memory_space<hbm>> -> memref<1x5x128xi32, #tpu.memory_space<hbm>>
      %dma_start3A_106 = tpu.memref_squeeze %dma_start3A_105 : memref<1x5x128xi32, #tpu.memory_space<hbm>> -> memref<5x128xi32, #tpu.memory_space<hbm>>
      %dma_start3A_107 = arith.constant 0 : i32
      %dma_start3A_108 = arith.constant 0 : i32
      %dma_start3A_109 = tpu.memref_slice %arg3[%add3A, %dma_start3A_107, %dma_start3A_108] : memref<32x5x128xi32, #tpu.memory_space<hbm>> -> memref<1x5x128xi32, #tpu.memory_space<hbm>>
      %dma_start3A_110 = tpu.memref_squeeze %dma_start3A_109 : memref<1x5x128xi32, #tpu.memory_space<hbm>> -> memref<5x128xi32, #tpu.memory_space<hbm>>
      tpu.enqueue_dma source(%dma_start3A_110 : memref<5x128xi32, #tpu.memory_space<hbm>>) target(%arg5 : memref<5x128xi32, #tpu.memory_space<vmem>>) target_semaphore(%run_scoped3A : memref<!tpu.dma_semaphore, #tpu.memory_space<semaphore_mem>>)
      %dma_wait3A_111 = arith.constant 0 : i32
      %dma_wait3A_112 = arith.constant 0 : i32
      %dma_wait3A_113 = tpu.memref_slice %arg3[%add3A, %dma_wait3A_111, %dma_wait3A_112] : memref<32x5x128xi32, #tpu.memory_space<hbm>> -> memref<1x5x128xi32, #tpu.memory_space<hbm>>
      %dma_wait3A_114 = tpu.memref_squeeze %dma_wait3A_113 : memref<1x5x128xi32, #tpu.memory_space<hbm>> -> memref<5x128xi32, #tpu.memory_space<hbm>>
      %dma_wait3A_115 = arith.constant 0 : i32
      %dma_wait3A_116 = arith.constant 0 : i32
      %dma_wait3A_117 = tpu.memref_slice %arg3[%add3A, %dma_wait3A_115, %dma_wait3A_116] : memref<32x5x128xi32, #tpu.memory_space<hbm>> -> memref<1x5x128xi32, #tpu.memory_space<hbm>>
      %dma_wait3A_118 = tpu.memref_squeeze %dma_wait3A_117 : memref<1x5x128xi32, #tpu.memory_space<hbm>> -> memref<5x128xi32, #tpu.memory_space<hbm>>
      tpu.wait_dma2 semaphore(%run_scoped3A : memref<!tpu.dma_semaphore, #tpu.memory_space<semaphore_mem>>) src(%dma_wait3A_118 : memref<5x128xi32, #tpu.memory_space<hbm>>) dst(%arg5 : memref<5x128xi32, #tpu.memory_space<vmem>>)
      tpu.yield
    }) : () -> ()
    %dma_start3A = arith.constant 0 : i32
    %dma_start3A_1 = arith.constant 0 : i32
    %dma_start3A_2 = arith.constant 0 : i32
    %dma_start3A_3 = tpu.memref_slice %arg6[%dma_start3A_1, %dma_start3A_2] : memref<640x128xf32, #tpu.memory_space<vmem>> -> memref<128x128xf32, #tpu.memory_space<vmem>>
    %dma_start3A_4 = arith.constant 0 : i32
    %dma_start3A_5 = tpu.memref_slice %arg5[%dma_start3A, %dma_start3A_4] : memref<5x128xi32, #tpu.memory_space<vmem>> -> memref<1x128xi32, #tpu.memory_space<vmem>>
    %dma_start3A_6 = tpu.memref_squeeze %dma_start3A_5 : memref<1x128xi32, #tpu.memory_space<vmem>> -> memref<128xi32, #tpu.memory_space<vmem>>
    %dma_start3A_7 = arith.constant 0 : i32
    %dma_start3A_8 = arith.constant 0 : i32
    %dma_start3A_9 = tpu.memref_slice %arg2[%dma_start3A_7, %dma_start3A_8] : memref<5000x128xf32, #tpu.memory_space<hbm>> -> memref<5000x128xf32, #tpu.memory_space<hbm>>
    tpu.enqueue_indirect_dma source(%dma_start3A_9 : memref<5000x128xf32, #tpu.memory_space<hbm>>) target(%dma_start3A_3 : memref<128x128xf32, #tpu.memory_space<vmem>>) offsets(%dma_start3A_6 : memref<128xi32, #tpu.memory_space<vmem>>) semaphore(%arg7 : memref<!tpu.dma_semaphore, #tpu.memory_space<semaphore_mem>>)
    %dma_start3A_10 = arith.constant 1 : i32
    %dma_start3A_11 = arith.constant 128 : i32
    %dma_start3A_12 = arith.constant 0 : i32
    %dma_start3A_13 = tpu.memref_slice %arg6[%dma_start3A_11, %dma_start3A_12] : memref<640x128xf32, #tpu.memory_space<vmem>> -> memref<128x128xf32, #tpu.memory_space<vmem>>
    %dma_start3A_14 = arith.constant 0 : i32
    %dma_start3A_15 = tpu.memref_slice %arg5[%dma_start3A_10, %dma_start3A_14] : memref<5x128xi32, #tpu.memory_space<vmem>> -> memref<1x128xi32, #tpu.memory_space<vmem>>
    %dma_start3A_16 = tpu.memref_squeeze %dma_start3A_15 : memref<1x128xi32, #tpu.memory_space<vmem>> -> memref<128xi32, #tpu.memory_space<vmem>>
    %dma_start3A_17 = arith.constant 0 : i32
    %dma_start3A_18 = arith.constant 0 : i32
    %dma_start3A_19 = tpu.memref_slice %arg2[%dma_start3A_17, %dma_start3A_18] : memref<5000x128xf32, #tpu.memory_space<hbm>> -> memref<5000x128xf32, #tpu.memory_space<hbm>>
    tpu.enqueue_indirect_dma source(%dma_start3A_19 : memref<5000x128xf32, #tpu.memory_space<hbm>>) target(%dma_start3A_13 : memref<128x128xf32, #tpu.memory_space<vmem>>) offsets(%dma_start3A_16 : memref<128xi32, #tpu.memory_space<vmem>>) semaphore(%arg7 : memref<!tpu.dma_semaphore, #tpu.memory_space<semaphore_mem>>)
    %dma_start3A_20 = arith.constant 2 : i32
    %dma_start3A_21 = arith.constant 256 : i32
    %dma_start3A_22 = arith.constant 0 : i32
    %dma_start3A_23 = tpu.memref_slice %arg6[%dma_start3A_21, %dma_start3A_22] : memref<640x128xf32, #tpu.memory_space<vmem>> -> memref<128x128xf32, #tpu.memory_space<vmem>>
    %dma_start3A_24 = arith.constant 0 : i32
    %dma_start3A_25 = tpu.memref_slice %arg5[%dma_start3A_20, %dma_start3A_24] : memref<5x128xi32, #tpu.memory_space<vmem>> -> memref<1x128xi32, #tpu.memory_space<vmem>>
    %dma_start3A_26 = tpu.memref_squeeze %dma_start3A_25 : memref<1x128xi32, #tpu.memory_space<vmem>> -> memref<128xi32, #tpu.memory_space<vmem>>
    %dma_start3A_27 = arith.constant 0 : i32
    %dma_start3A_28 = arith.constant 0 : i32
    %dma_start3A_29 = tpu.memref_slice %arg2[%dma_start3A_27, %dma_start3A_28] : memref<5000x128xf32, #tpu.memory_space<hbm>> -> memref<5000x128xf32, #tpu.memory_space<hbm>>
    tpu.enqueue_indirect_dma source(%dma_start3A_29 : memref<5000x128xf32, #tpu.memory_space<hbm>>) target(%dma_start3A_23 : memref<128x128xf32, #tpu.memory_space<vmem>>) offsets(%dma_start3A_26 : memref<128xi32, #tpu.memory_space<vmem>>) semaphore(%arg7 : memref<!tpu.dma_semaphore, #tpu.memory_space<semaphore_mem>>)
    %dma_start3A_30 = arith.constant 3 : i32
    %dma_start3A_31 = arith.constant 384 : i32
    %dma_start3A_32 = arith.constant 0 : i32
    %dma_start3A_33 = tpu.memref_slice %arg6[%dma_start3A_31, %dma_start3A_32] : memref<640x128xf32, #tpu.memory_space<vmem>> -> memref<128x128xf32, #tpu.memory_space<vmem>>
    %dma_start3A_34 = arith.constant 0 : i32
    %dma_start3A_35 = tpu.memref_slice %arg5[%dma_start3A_30, %dma_start3A_34] : memref<5x128xi32, #tpu.memory_space<vmem>> -> memref<1x128xi32, #tpu.memory_space<vmem>>
    %dma_start3A_36 = tpu.memref_squeeze %dma_start3A_35 : memref<1x128xi32, #tpu.memory_space<vmem>> -> memref<128xi32, #tpu.memory_space<vmem>>
    %dma_start3A_37 = arith.constant 0 : i32
    %dma_start3A_38 = arith.constant 0 : i32
    %dma_start3A_39 = tpu.memref_slice %arg2[%dma_start3A_37, %dma_start3A_38] : memref<5000x128xf32, #tpu.memory_space<hbm>> -> memref<5000x128xf32, #tpu.memory_space<hbm>>
    tpu.enqueue_indirect_dma source(%dma_start3A_39 : memref<5000x128xf32, #tpu.memory_space<hbm>>) target(%dma_start3A_33 : memref<128x128xf32, #tpu.memory_space<vmem>>) offsets(%dma_start3A_36 : memref<128xi32, #tpu.memory_space<vmem>>) semaphore(%arg7 : memref<!tpu.dma_semaphore, #tpu.memory_space<semaphore_mem>>)
    %dma_start3A_40 = arith.constant 4 : i32
    %dma_start3A_41 = arith.constant 512 : i32
    %dma_start3A_42 = arith.constant 0 : i32
    %dma_start3A_43 = tpu.memref_slice %arg6[%dma_start3A_41, %dma_start3A_42] : memref<640x128xf32, #tpu.memory_space<vmem>> -> memref<128x128xf32, #tpu.memory_space<vmem>>
    %dma_start3A_44 = arith.constant 0 : i32
    %dma_start3A_45 = tpu.memref_slice %arg5[%dma_start3A_40, %dma_start3A_44] : memref<5x128xi32, #tpu.memory_space<vmem>> -> memref<1x128xi32, #tpu.memory_space<vmem>>
    %dma_start3A_46 = tpu.memref_squeeze %dma_start3A_45 : memref<1x128xi32, #tpu.memory_space<vmem>> -> memref<128xi32, #tpu.memory_space<vmem>>
    %dma_start3A_47 = arith.constant 0 : i32
    %dma_start3A_48 = arith.constant 0 : i32
    %dma_start3A_49 = tpu.memref_slice %arg2[%dma_start3A_47, %dma_start3A_48] : memref<5000x128xf32, #tpu.memory_space<hbm>> -> memref<5000x128xf32, #tpu.memory_space<hbm>>
    tpu.enqueue_indirect_dma source(%dma_start3A_49 : memref<5000x128xf32, #tpu.memory_space<hbm>>) target(%dma_start3A_43 : memref<128x128xf32, #tpu.memory_space<vmem>>) offsets(%dma_start3A_46 : memref<128xi32, #tpu.memory_space<vmem>>) semaphore(%arg7 : memref<!tpu.dma_semaphore, #tpu.memory_space<semaphore_mem>>)
    %dma_wait3A = arith.constant 0 : i32
    %dma_wait3A_50 = arith.constant 0 : i32
    %dma_wait3A_51 = arith.constant 0 : i32
    %dma_wait3A_52 = tpu.memref_slice %arg6[%dma_wait3A_50, %dma_wait3A_51] : memref<640x128xf32, #tpu.memory_space<vmem>> -> memref<128x128xf32, #tpu.memory_space<vmem>>
    %dma_wait3A_53 = arith.constant 0 : i32
    %dma_wait3A_54 = tpu.memref_slice %arg5[%dma_wait3A, %dma_wait3A_53] : memref<5x128xi32, #tpu.memory_space<vmem>> -> memref<1x128xi32, #tpu.memory_space<vmem>>
    %dma_wait3A_55 = tpu.memref_squeeze %dma_wait3A_54 : memref<1x128xi32, #tpu.memory_space<vmem>> -> memref<128xi32, #tpu.memory_space<vmem>>
    %dma_wait3A_56 = arith.constant 0 : i32
    %dma_wait3A_57 = arith.constant 0 : i32
    %dma_wait3A_58 = tpu.memref_slice %arg2[%dma_wait3A_56, %dma_wait3A_57] : memref<5000x128xf32, #tpu.memory_space<hbm>> -> memref<5000x128xf32, #tpu.memory_space<hbm>>
    tpu.wait_indirect_dma semaphore(%arg7 : memref<!tpu.dma_semaphore, #tpu.memory_space<semaphore_mem>>) src(%dma_wait3A_58 : memref<5000x128xf32, #tpu.memory_space<hbm>>) dst(%dma_wait3A_52 : memref<128x128xf32, #tpu.memory_space<vmem>>)
    %dma_wait3A_59 = arith.constant 1 : i32
    %dma_wait3A_60 = arith.constant 128 : i32
    %dma_wait3A_61 = arith.constant 0 : i32
    %dma_wait3A_62 = tpu.memref_slice %arg6[%dma_wait3A_60, %dma_wait3A_61] : memref<640x128xf32, #tpu.memory_space<vmem>> -> memref<128x128xf32, #tpu.memory_space<vmem>>
    %dma_wait3A_63 = arith.constant 0 : i32
    %dma_wait3A_64 = tpu.memref_slice %arg5[%dma_wait3A_59, %dma_wait3A_63] : memref<5x128xi32, #tpu.memory_space<vmem>> -> memref<1x128xi32, #tpu.memory_space<vmem>>
    %dma_wait3A_65 = tpu.memref_squeeze %dma_wait3A_64 : memref<1x128xi32, #tpu.memory_space<vmem>> -> memref<128xi32, #tpu.memory_space<vmem>>
    %dma_wait3A_66 = arith.constant 0 : i32
    %dma_wait3A_67 = arith.constant 0 : i32
    %dma_wait3A_68 = tpu.memref_slice %arg2[%dma_wait3A_66, %dma_wait3A_67] : memref<5000x128xf32, #tpu.memory_space<hbm>> -> memref<5000x128xf32, #tpu.memory_space<hbm>>
    tpu.wait_indirect_dma semaphore(%arg7 : memref<!tpu.dma_semaphore, #tpu.memory_space<semaphore_mem>>) src(%dma_wait3A_68 : memref<5000x128xf32, #tpu.memory_space<hbm>>) dst(%dma_wait3A_62 : memref<128x128xf32, #tpu.memory_space<vmem>>)
    %dma_wait3A_69 = arith.constant 2 : i32
    %dma_wait3A_70 = arith.constant 256 : i32
    %dma_wait3A_71 = arith.constant 0 : i32
    %dma_wait3A_72 = tpu.memref_slice %arg6[%dma_wait3A_70, %dma_wait3A_71] : memref<640x128xf32, #tpu.memory_space<vmem>> -> memref<128x128xf32, #tpu.memory_space<vmem>>
    %dma_wait3A_73 = arith.constant 0 : i32
    %dma_wait3A_74 = tpu.memref_slice %arg5[%dma_wait3A_69, %dma_wait3A_73] : memref<5x128xi32, #tpu.memory_space<vmem>> -> memref<1x128xi32, #tpu.memory_space<vmem>>
    %dma_wait3A_75 = tpu.memref_squeeze %dma_wait3A_74 : memref<1x128xi32, #tpu.memory_space<vmem>> -> memref<128xi32, #tpu.memory_space<vmem>>
    %dma_wait3A_76 = arith.constant 0 : i32
    %dma_wait3A_77 = arith.constant 0 : i32
    %dma_wait3A_78 = tpu.memref_slice %arg2[%dma_wait3A_76, %dma_wait3A_77] : memref<5000x128xf32, #tpu.memory_space<hbm>> -> memref<5000x128xf32, #tpu.memory_space<hbm>>
    tpu.wait_indirect_dma semaphore(%arg7 : memref<!tpu.dma_semaphore, #tpu.memory_space<semaphore_mem>>) src(%dma_wait3A_78 : memref<5000x128xf32, #tpu.memory_space<hbm>>) dst(%dma_wait3A_72 : memref<128x128xf32, #tpu.memory_space<vmem>>)
    %dma_wait3A_79 = arith.constant 3 : i32
    %dma_wait3A_80 = arith.constant 384 : i32
    %dma_wait3A_81 = arith.constant 0 : i32
    %dma_wait3A_82 = tpu.memref_slice %arg6[%dma_wait3A_80, %dma_wait3A_81] : memref<640x128xf32, #tpu.memory_space<vmem>> -> memref<128x128xf32, #tpu.memory_space<vmem>>
    %dma_wait3A_83 = arith.constant 0 : i32
    %dma_wait3A_84 = tpu.memref_slice %arg5[%dma_wait3A_79, %dma_wait3A_83] : memref<5x128xi32, #tpu.memory_space<vmem>> -> memref<1x128xi32, #tpu.memory_space<vmem>>
    %dma_wait3A_85 = tpu.memref_squeeze %dma_wait3A_84 : memref<1x128xi32, #tpu.memory_space<vmem>> -> memref<128xi32, #tpu.memory_space<vmem>>
    %dma_wait3A_86 = arith.constant 0 : i32
    %dma_wait3A_87 = arith.constant 0 : i32
    %dma_wait3A_88 = tpu.memref_slice %arg2[%dma_wait3A_86, %dma_wait3A_87] : memref<5000x128xf32, #tpu.memory_space<hbm>> -> memref<5000x128xf32, #tpu.memory_space<hbm>>
    tpu.wait_indirect_dma semaphore(%arg7 : memref<!tpu.dma_semaphore, #tpu.memory_space<semaphore_mem>>) src(%dma_wait3A_88 : memref<5000x128xf32, #tpu.memory_space<hbm>>) dst(%dma_wait3A_82 : memref<128x128xf32, #tpu.memory_space<vmem>>)
    %dma_wait3A_89 = arith.constant 4 : i32
    %dma_wait3A_90 = arith.constant 512 : i32
    %dma_wait3A_91 = arith.constant 0 : i32
    %dma_wait3A_92 = tpu.memref_slice %arg6[%dma_wait3A_90, %dma_wait3A_91] : memref<640x128xf32, #tpu.memory_space<vmem>> -> memref<128x128xf32, #tpu.memory_space<vmem>>
    %dma_wait3A_93 = arith.constant 0 : i32
    %dma_wait3A_94 = tpu.memref_slice %arg5[%dma_wait3A_89, %dma_wait3A_93] : memref<5x128xi32, #tpu.memory_space<vmem>> -> memref<1x128xi32, #tpu.memory_space<vmem>>
    %dma_wait3A_95 = tpu.memref_squeeze %dma_wait3A_94 : memref<1x128xi32, #tpu.memory_space<vmem>> -> memref<128xi32, #tpu.memory_space<vmem>>
    %dma_wait3A_96 = arith.constant 0 : i32
    %dma_wait3A_97 = arith.constant 0 : i32
    %dma_wait3A_98 = tpu.memref_slice %arg2[%dma_wait3A_96, %dma_wait3A_97] : memref<5000x128xf32, #tpu.memory_space<hbm>> -> memref<5000x128xf32, #tpu.memory_space<hbm>>
    tpu.wait_indirect_dma semaphore(%arg7 : memref<!tpu.dma_semaphore, #tpu.memory_space<semaphore_mem>>) src(%dma_wait3A_98 : memref<5000x128xf32, #tpu.memory_space<hbm>>) dst(%dma_wait3A_92 : memref<128x128xf32, #tpu.memory_space<vmem>>)
    %mul3A_99 = arith.constant 640 : i32
    %mul3A_100 = arith.muli %add3A, %mul3A_99 : i32
    %add3A_101 = arith.constant 0 : i32
    %add3A_102 = arith.addi %mul3A_100, %add3A_101 : i32
    "tpu.region"() ({
      %run_scoped3A = tpu.sem_alloc : memref<!tpu.dma_semaphore, #tpu.memory_space<semaphore_mem>>
      %dma_start3A_103 = arith.constant 0 : i32
      %dma_start3A_104 = tpu.memref_slice %arg4[%add3A_102, %dma_start3A_103] : memref<20480x128xf32, #tpu.memory_space<hbm>> -> memref<640x128xf32, #tpu.memory_space<hbm>>
      %dma_start3A_105 = arith.constant 0 : i32
      %dma_start3A_106 = tpu.memref_slice %arg4[%add3A_102, %dma_start3A_105] : memref<20480x128xf32, #tpu.memory_space<hbm>> -> memref<640x128xf32, #tpu.memory_space<hbm>>
      tpu.enqueue_dma source(%arg6 : memref<640x128xf32, #tpu.memory_space<vmem>>) target(%dma_start3A_106 : memref<640x128xf32, #tpu.memory_space<hbm>>) target_semaphore(%run_scoped3A : memref<!tpu.dma_semaphore, #tpu.memory_space<semaphore_mem>>)
      %dma_wait3A_107 = arith.constant 0 : i32
      %dma_wait3A_108 = tpu.memref_slice %arg4[%add3A_102, %dma_wait3A_107] : memref<20480x128xf32, #tpu.memory_space<hbm>> -> memref<640x128xf32, #tpu.memory_space<hbm>>
      %dma_wait3A_109 = arith.constant 0 : i32
      %dma_wait3A_110 = tpu.memref_slice %arg4[%add3A_102, %dma_wait3A_109] : memref<20480x128xf32, #tpu.memory_space<hbm>> -> memref<640x128xf32, #tpu.memory_space<hbm>>
      tpu.wait_dma2 semaphore(%run_scoped3A : memref<!tpu.dma_semaphore, #tpu.memory_space<semaphore_mem>>) src(%arg6 : memref<640x128xf32, #tpu.memory_space<vmem>>) dst(%dma_wait3A_110 : memref<640x128xf32, #tpu.memory_space<hbm>>)
      tpu.yield
    }) : () -> ()
    return
  }
}

#map = affine_map<(d0, d1) -> (0, 0)>
#map1 = affine_map<(d0, d1) -> (0, 0, 0)>
module attributes {stable_mosaic.version = 14 : i64} {
  func.func @body(%arg0: i32, %arg1: i32, %arg2: memref<20480x128xf32, #tpu.memory_space<hbm>>, %arg3: memref<32x5x128xi32, #tpu.memory_space<hbm>>, %arg4: memref<5120x128xf32, #tpu.memory_space<hbm>>, %arg5: memref<10240x128xf32, #tpu.memory_space<hbm>>, %arg6: memref<5x128xi32, #tpu.memory_space<vmem>>, %arg7: memref<640x128xf32, #tpu.memory_space<vmem>>, %arg8: memref<5120x128xf32, #tpu.memory_space<vmem_shared>>) attributes {dimension_semantics = [#tpu.dimension_semantics<core_parallel>, #tpu.dimension_semantics<subcore_parallel>], iteration_bounds = array<i64: 2, 16>, scalar_prefetch = 0 : i64, scratch_operands = 3 : i64, tpu.core_type = #tpu.core_type<sc_vector_subcore>, window_params = [{transform_indices = #map}, {transform_indices = #map1}, {transform_indices = #map}, {transform_indices = #map}]} {
    %mul3A = arith.constant 2 : i32
    %mul3A_0 = arith.muli %arg1, %mul3A : i32
    %add3A = arith.addi %mul3A_0, %arg0 : i32
    %mul3A_1 = arith.constant 320 : i32
    %mul3A_2 = arith.muli %arg1, %mul3A_1 : i32
    %mul3A_3 = arith.constant 320 : i32
    %mul3A_4 = arith.muli %arg1, %mul3A_3 : i32
    "tpu.region"() ({
      %run_scoped3A_21 = tpu.sem_alloc : memref<!tpu.dma_semaphore, #tpu.memory_space<semaphore_mem>>
      %dma_start3A = arith.constant 0 : i32
      %dma_start3A_22 = tpu.memref_slice %arg8[%mul3A_4, %dma_start3A] : memref<5120x128xf32, #tpu.memory_space<vmem_shared>> -> memref<320x128xf32, #tpu.memory_space<vmem_shared>>
      %dma_start3A_23 = arith.constant 0 : i32
      %dma_start3A_24 = tpu.memref_slice %arg4[%mul3A_2, %dma_start3A_23] : memref<5120x128xf32, #tpu.memory_space<hbm>> -> memref<320x128xf32, #tpu.memory_space<hbm>>
      tpu.enqueue_dma source(%dma_start3A_24 : memref<320x128xf32, #tpu.memory_space<hbm>>) target(%dma_start3A_22 : memref<320x128xf32, #tpu.memory_space<vmem_shared>>) target_semaphore(%run_scoped3A_21 : memref<!tpu.dma_semaphore, #tpu.memory_space<semaphore_mem>>)
      %dma_wait3A = arith.constant 0 : i32
      %dma_wait3A_25 = tpu.memref_slice %arg8[%mul3A_4, %dma_wait3A] : memref<5120x128xf32, #tpu.memory_space<vmem_shared>> -> memref<320x128xf32, #tpu.memory_space<vmem_shared>>
      %dma_wait3A_26 = arith.constant 0 : i32
      %dma_wait3A_27 = tpu.memref_slice %arg4[%mul3A_2, %dma_wait3A_26] : memref<5120x128xf32, #tpu.memory_space<hbm>> -> memref<320x128xf32, #tpu.memory_space<hbm>>
      tpu.wait_dma2 semaphore(%run_scoped3A_21 : memref<!tpu.dma_semaphore, #tpu.memory_space<semaphore_mem>>) src(%dma_wait3A_27 : memref<320x128xf32, #tpu.memory_space<hbm>>) dst(%dma_wait3A_25 : memref<320x128xf32, #tpu.memory_space<vmem_shared>>)
      tpu.yield
    }) : () -> ()
    %barrier3A = arith.constant 0 : index
    tpu.barrier barrier_id(%barrier3A)
    "tpu.region"() ({
      %run_scoped3A_21 = tpu.sem_alloc : memref<!tpu.dma_semaphore, #tpu.memory_space<semaphore_mem>>
      %dma_start3A = arith.constant 0 : i32
      %dma_start3A_22 = arith.constant 0 : i32
      %dma_start3A_23 = tpu.memref_slice %arg3[%add3A, %dma_start3A, %dma_start3A_22] : memref<32x5x128xi32, #tpu.memory_space<hbm>> -> memref<1x5x128xi32, #tpu.memory_space<hbm>>
      %dma_start3A_24 = tpu.memref_squeeze %dma_start3A_23 : memref<1x5x128xi32, #tpu.memory_space<hbm>> -> memref<5x128xi32, #tpu.memory_space<hbm>>
      %dma_start3A_25 = arith.constant 0 : i32
      %dma_start3A_26 = arith.constant 0 : i32
      %dma_start3A_27 = tpu.memref_slice %arg3[%add3A, %dma_start3A_25, %dma_start3A_26] : memref<32x5x128xi32, #tpu.memory_space<hbm>> -> memref<1x5x128xi32, #tpu.memory_space<hbm>>
      %dma_start3A_28 = tpu.memref_squeeze %dma_start3A_27 : memref<1x5x128xi32, #tpu.memory_space<hbm>> -> memref<5x128xi32, #tpu.memory_space<hbm>>
      tpu.enqueue_dma source(%dma_start3A_28 : memref<5x128xi32, #tpu.memory_space<hbm>>) target(%arg6 : memref<5x128xi32, #tpu.memory_space<vmem>>) target_semaphore(%run_scoped3A_21 : memref<!tpu.dma_semaphore, #tpu.memory_space<semaphore_mem>>)
      %dma_wait3A = arith.constant 0 : i32
      %dma_wait3A_29 = arith.constant 0 : i32
      %dma_wait3A_30 = tpu.memref_slice %arg3[%add3A, %dma_wait3A, %dma_wait3A_29] : memref<32x5x128xi32, #tpu.memory_space<hbm>> -> memref<1x5x128xi32, #tpu.memory_space<hbm>>
      %dma_wait3A_31 = tpu.memref_squeeze %dma_wait3A_30 : memref<1x5x128xi32, #tpu.memory_space<hbm>> -> memref<5x128xi32, #tpu.memory_space<hbm>>
      %dma_wait3A_32 = arith.constant 0 : i32
      %dma_wait3A_33 = arith.constant 0 : i32
      %dma_wait3A_34 = tpu.memref_slice %arg3[%add3A, %dma_wait3A_32, %dma_wait3A_33] : memref<32x5x128xi32, #tpu.memory_space<hbm>> -> memref<1x5x128xi32, #tpu.memory_space<hbm>>
      %dma_wait3A_35 = tpu.memref_squeeze %dma_wait3A_34 : memref<1x5x128xi32, #tpu.memory_space<hbm>> -> memref<5x128xi32, #tpu.memory_space<hbm>>
      tpu.wait_dma2 semaphore(%run_scoped3A_21 : memref<!tpu.dma_semaphore, #tpu.memory_space<semaphore_mem>>) src(%dma_wait3A_35 : memref<5x128xi32, #tpu.memory_space<hbm>>) dst(%arg6 : memref<5x128xi32, #tpu.memory_space<vmem>>)
      tpu.yield
    }) : () -> ()
    %mul3A_5 = arith.constant 640 : i32
    %mul3A_6 = arith.muli %add3A, %mul3A_5 : i32
    %add3A_7 = arith.constant 0 : i32
    %add3A_8 = arith.addi %mul3A_6, %add3A_7 : i32
    "tpu.region"() ({
      %run_scoped3A_21 = tpu.sem_alloc : memref<!tpu.dma_semaphore, #tpu.memory_space<semaphore_mem>>
      %dma_start3A = arith.constant 0 : i32
      %dma_start3A_22 = tpu.memref_slice %arg2[%add3A_8, %dma_start3A] : memref<20480x128xf32, #tpu.memory_space<hbm>> -> memref<640x128xf32, #tpu.memory_space<hbm>>
      %dma_start3A_23 = arith.constant 0 : i32
      %dma_start3A_24 = tpu.memref_slice %arg2[%add3A_8, %dma_start3A_23] : memref<20480x128xf32, #tpu.memory_space<hbm>> -> memref<640x128xf32, #tpu.memory_space<hbm>>
      tpu.enqueue_dma source(%dma_start3A_24 : memref<640x128xf32, #tpu.memory_space<hbm>>) target(%arg7 : memref<640x128xf32, #tpu.memory_space<vmem>>) target_semaphore(%run_scoped3A_21 : memref<!tpu.dma_semaphore, #tpu.memory_space<semaphore_mem>>)
      %dma_wait3A = arith.constant 0 : i32
      %dma_wait3A_25 = tpu.memref_slice %arg2[%add3A_8, %dma_wait3A] : memref<20480x128xf32, #tpu.memory_space<hbm>> -> memref<640x128xf32, #tpu.memory_space<hbm>>
      %dma_wait3A_26 = arith.constant 0 : i32
      %dma_wait3A_27 = tpu.memref_slice %arg2[%add3A_8, %dma_wait3A_26] : memref<20480x128xf32, #tpu.memory_space<hbm>> -> memref<640x128xf32, #tpu.memory_space<hbm>>
      tpu.wait_dma2 semaphore(%run_scoped3A_21 : memref<!tpu.dma_semaphore, #tpu.memory_space<semaphore_mem>>) src(%dma_wait3A_27 : memref<640x128xf32, #tpu.memory_space<hbm>>) dst(%arg7 : memref<640x128xf32, #tpu.memory_space<vmem>>)
      tpu.yield
    }) : () -> ()
    %run_scoped3A = arith.constant 0 : i32
    "tpu.region"() ({
      %run_scoped3A_21 = tpu.sem_alloc : memref<!tpu.dma_semaphore, #tpu.memory_space<semaphore_mem>>
      %dma_start3A = arith.constant 0 : i32
      %dma_start3A_22 = arith.constant 0 : i32
      %dma_start3A_23 = tpu.memref_slice %arg7[%dma_start3A, %dma_start3A_22] : memref<640x128xf32, #tpu.memory_space<vmem>> -> memref<128x128xf32, #tpu.memory_space<vmem>>
      %dma_start3A_24 = arith.constant 0 : i32
      %dma_start3A_25 = tpu.memref_slice %arg6[%run_scoped3A, %dma_start3A_24] : memref<5x128xi32, #tpu.memory_space<vmem>> -> memref<1x128xi32, #tpu.memory_space<vmem>>
      %dma_start3A_26 = tpu.memref_squeeze %dma_start3A_25 : memref<1x128xi32, #tpu.memory_space<vmem>> -> memref<128xi32, #tpu.memory_space<vmem>>
      %dma_start3A_27 = arith.constant 0 : i32
      %dma_start3A_28 = arith.constant 0 : i32
      %dma_start3A_29 = tpu.memref_slice %arg8[%dma_start3A_27, %dma_start3A_28] : memref<5120x128xf32, #tpu.memory_space<vmem_shared>> -> memref<5120x128xf32, #tpu.memory_space<vmem_shared>>
      tpu.enqueue_indirect_dma source(%dma_start3A_23 : memref<128x128xf32, #tpu.memory_space<vmem>>) target(%dma_start3A_29 : memref<5120x128xf32, #tpu.memory_space<vmem_shared>>) offsets(%dma_start3A_26 : memref<128xi32, #tpu.memory_space<vmem>>) semaphore(%run_scoped3A_21 : memref<!tpu.dma_semaphore, #tpu.memory_space<semaphore_mem>>) {add = true}
      %dma_wait3A = arith.constant 0 : i32
      %dma_wait3A_30 = arith.constant 0 : i32
      %dma_wait3A_31 = tpu.memref_slice %arg7[%dma_wait3A, %dma_wait3A_30] : memref<640x128xf32, #tpu.memory_space<vmem>> -> memref<128x128xf32, #tpu.memory_space<vmem>>
      %dma_wait3A_32 = arith.constant 0 : i32
      %dma_wait3A_33 = tpu.memref_slice %arg6[%run_scoped3A, %dma_wait3A_32] : memref<5x128xi32, #tpu.memory_space<vmem>> -> memref<1x128xi32, #tpu.memory_space<vmem>>
      %dma_wait3A_34 = tpu.memref_squeeze %dma_wait3A_33 : memref<1x128xi32, #tpu.memory_space<vmem>> -> memref<128xi32, #tpu.memory_space<vmem>>
      %dma_wait3A_35 = arith.constant 0 : i32
      %dma_wait3A_36 = arith.constant 0 : i32
      %dma_wait3A_37 = tpu.memref_slice %arg8[%dma_wait3A_35, %dma_wait3A_36] : memref<5120x128xf32, #tpu.memory_space<vmem_shared>> -> memref<5120x128xf32, #tpu.memory_space<vmem_shared>>
      tpu.wait_indirect_dma semaphore(%run_scoped3A_21 : memref<!tpu.dma_semaphore, #tpu.memory_space<semaphore_mem>>) src(%dma_wait3A_31 : memref<128x128xf32, #tpu.memory_space<vmem>>) dst(%dma_wait3A_37 : memref<5120x128xf32, #tpu.memory_space<vmem_shared>>)
      tpu.yield
    }) : () -> ()
    %run_scoped3A_9 = arith.constant 1 : i32
    "tpu.region"() ({
      %run_scoped3A_21 = tpu.sem_alloc : memref<!tpu.dma_semaphore, #tpu.memory_space<semaphore_mem>>
      %dma_start3A = arith.constant 128 : i32
      %dma_start3A_22 = arith.constant 0 : i32
      %dma_start3A_23 = tpu.memref_slice %arg7[%dma_start3A, %dma_start3A_22] : memref<640x128xf32, #tpu.memory_space<vmem>> -> memref<128x128xf32, #tpu.memory_space<vmem>>
      %dma_start3A_24 = arith.constant 0 : i32
      %dma_start3A_25 = tpu.memref_slice %arg6[%run_scoped3A_9, %dma_start3A_24] : memref<5x128xi32, #tpu.memory_space<vmem>> -> memref<1x128xi32, #tpu.memory_space<vmem>>
      %dma_start3A_26 = tpu.memref_squeeze %dma_start3A_25 : memref<1x128xi32, #tpu.memory_space<vmem>> -> memref<128xi32, #tpu.memory_space<vmem>>
      %dma_start3A_27 = arith.constant 0 : i32
      %dma_start3A_28 = arith.constant 0 : i32
      %dma_start3A_29 = tpu.memref_slice %arg8[%dma_start3A_27, %dma_start3A_28] : memref<5120x128xf32, #tpu.memory_space<vmem_shared>> -> memref<5120x128xf32, #tpu.memory_space<vmem_shared>>
      tpu.enqueue_indirect_dma source(%dma_start3A_23 : memref<128x128xf32, #tpu.memory_space<vmem>>) target(%dma_start3A_29 : memref<5120x128xf32, #tpu.memory_space<vmem_shared>>) offsets(%dma_start3A_26 : memref<128xi32, #tpu.memory_space<vmem>>) semaphore(%run_scoped3A_21 : memref<!tpu.dma_semaphore, #tpu.memory_space<semaphore_mem>>) {add = true}
      %dma_wait3A = arith.constant 128 : i32
      %dma_wait3A_30 = arith.constant 0 : i32
      %dma_wait3A_31 = tpu.memref_slice %arg7[%dma_wait3A, %dma_wait3A_30] : memref<640x128xf32, #tpu.memory_space<vmem>> -> memref<128x128xf32, #tpu.memory_space<vmem>>
      %dma_wait3A_32 = arith.constant 0 : i32
      %dma_wait3A_33 = tpu.memref_slice %arg6[%run_scoped3A_9, %dma_wait3A_32] : memref<5x128xi32, #tpu.memory_space<vmem>> -> memref<1x128xi32, #tpu.memory_space<vmem>>
      %dma_wait3A_34 = tpu.memref_squeeze %dma_wait3A_33 : memref<1x128xi32, #tpu.memory_space<vmem>> -> memref<128xi32, #tpu.memory_space<vmem>>
      %dma_wait3A_35 = arith.constant 0 : i32
      %dma_wait3A_36 = arith.constant 0 : i32
      %dma_wait3A_37 = tpu.memref_slice %arg8[%dma_wait3A_35, %dma_wait3A_36] : memref<5120x128xf32, #tpu.memory_space<vmem_shared>> -> memref<5120x128xf32, #tpu.memory_space<vmem_shared>>
      tpu.wait_indirect_dma semaphore(%run_scoped3A_21 : memref<!tpu.dma_semaphore, #tpu.memory_space<semaphore_mem>>) src(%dma_wait3A_31 : memref<128x128xf32, #tpu.memory_space<vmem>>) dst(%dma_wait3A_37 : memref<5120x128xf32, #tpu.memory_space<vmem_shared>>)
      tpu.yield
    }) : () -> ()
    %run_scoped3A_10 = arith.constant 2 : i32
    "tpu.region"() ({
      %run_scoped3A_21 = tpu.sem_alloc : memref<!tpu.dma_semaphore, #tpu.memory_space<semaphore_mem>>
      %dma_start3A = arith.constant 256 : i32
      %dma_start3A_22 = arith.constant 0 : i32
      %dma_start3A_23 = tpu.memref_slice %arg7[%dma_start3A, %dma_start3A_22] : memref<640x128xf32, #tpu.memory_space<vmem>> -> memref<128x128xf32, #tpu.memory_space<vmem>>
      %dma_start3A_24 = arith.constant 0 : i32
      %dma_start3A_25 = tpu.memref_slice %arg6[%run_scoped3A_10, %dma_start3A_24] : memref<5x128xi32, #tpu.memory_space<vmem>> -> memref<1x128xi32, #tpu.memory_space<vmem>>
      %dma_start3A_26 = tpu.memref_squeeze %dma_start3A_25 : memref<1x128xi32, #tpu.memory_space<vmem>> -> memref<128xi32, #tpu.memory_space<vmem>>
      %dma_start3A_27 = arith.constant 0 : i32
      %dma_start3A_28 = arith.constant 0 : i32
      %dma_start3A_29 = tpu.memref_slice %arg8[%dma_start3A_27, %dma_start3A_28] : memref<5120x128xf32, #tpu.memory_space<vmem_shared>> -> memref<5120x128xf32, #tpu.memory_space<vmem_shared>>
      tpu.enqueue_indirect_dma source(%dma_start3A_23 : memref<128x128xf32, #tpu.memory_space<vmem>>) target(%dma_start3A_29 : memref<5120x128xf32, #tpu.memory_space<vmem_shared>>) offsets(%dma_start3A_26 : memref<128xi32, #tpu.memory_space<vmem>>) semaphore(%run_scoped3A_21 : memref<!tpu.dma_semaphore, #tpu.memory_space<semaphore_mem>>) {add = true}
      %dma_wait3A = arith.constant 256 : i32
      %dma_wait3A_30 = arith.constant 0 : i32
      %dma_wait3A_31 = tpu.memref_slice %arg7[%dma_wait3A, %dma_wait3A_30] : memref<640x128xf32, #tpu.memory_space<vmem>> -> memref<128x128xf32, #tpu.memory_space<vmem>>
      %dma_wait3A_32 = arith.constant 0 : i32
      %dma_wait3A_33 = tpu.memref_slice %arg6[%run_scoped3A_10, %dma_wait3A_32] : memref<5x128xi32, #tpu.memory_space<vmem>> -> memref<1x128xi32, #tpu.memory_space<vmem>>
      %dma_wait3A_34 = tpu.memref_squeeze %dma_wait3A_33 : memref<1x128xi32, #tpu.memory_space<vmem>> -> memref<128xi32, #tpu.memory_space<vmem>>
      %dma_wait3A_35 = arith.constant 0 : i32
      %dma_wait3A_36 = arith.constant 0 : i32
      %dma_wait3A_37 = tpu.memref_slice %arg8[%dma_wait3A_35, %dma_wait3A_36] : memref<5120x128xf32, #tpu.memory_space<vmem_shared>> -> memref<5120x128xf32, #tpu.memory_space<vmem_shared>>
      tpu.wait_indirect_dma semaphore(%run_scoped3A_21 : memref<!tpu.dma_semaphore, #tpu.memory_space<semaphore_mem>>) src(%dma_wait3A_31 : memref<128x128xf32, #tpu.memory_space<vmem>>) dst(%dma_wait3A_37 : memref<5120x128xf32, #tpu.memory_space<vmem_shared>>)
      tpu.yield
    }) : () -> ()
    %run_scoped3A_11 = arith.constant 3 : i32
    "tpu.region"() ({
      %run_scoped3A_21 = tpu.sem_alloc : memref<!tpu.dma_semaphore, #tpu.memory_space<semaphore_mem>>
      %dma_start3A = arith.constant 384 : i32
      %dma_start3A_22 = arith.constant 0 : i32
      %dma_start3A_23 = tpu.memref_slice %arg7[%dma_start3A, %dma_start3A_22] : memref<640x128xf32, #tpu.memory_space<vmem>> -> memref<128x128xf32, #tpu.memory_space<vmem>>
      %dma_start3A_24 = arith.constant 0 : i32
      %dma_start3A_25 = tpu.memref_slice %arg6[%run_scoped3A_11, %dma_start3A_24] : memref<5x128xi32, #tpu.memory_space<vmem>> -> memref<1x128xi32, #tpu.memory_space<vmem>>
      %dma_start3A_26 = tpu.memref_squeeze %dma_start3A_25 : memref<1x128xi32, #tpu.memory_space<vmem>> -> memref<128xi32, #tpu.memory_space<vmem>>
      %dma_start3A_27 = arith.constant 0 : i32
      %dma_start3A_28 = arith.constant 0 : i32
      %dma_start3A_29 = tpu.memref_slice %arg8[%dma_start3A_27, %dma_start3A_28] : memref<5120x128xf32, #tpu.memory_space<vmem_shared>> -> memref<5120x128xf32, #tpu.memory_space<vmem_shared>>
      tpu.enqueue_indirect_dma source(%dma_start3A_23 : memref<128x128xf32, #tpu.memory_space<vmem>>) target(%dma_start3A_29 : memref<5120x128xf32, #tpu.memory_space<vmem_shared>>) offsets(%dma_start3A_26 : memref<128xi32, #tpu.memory_space<vmem>>) semaphore(%run_scoped3A_21 : memref<!tpu.dma_semaphore, #tpu.memory_space<semaphore_mem>>) {add = true}
      %dma_wait3A = arith.constant 384 : i32
      %dma_wait3A_30 = arith.constant 0 : i32
      %dma_wait3A_31 = tpu.memref_slice %arg7[%dma_wait3A, %dma_wait3A_30] : memref<640x128xf32, #tpu.memory_space<vmem>> -> memref<128x128xf32, #tpu.memory_space<vmem>>
      %dma_wait3A_32 = arith.constant 0 : i32
      %dma_wait3A_33 = tpu.memref_slice %arg6[%run_scoped3A_11, %dma_wait3A_32] : memref<5x128xi32, #tpu.memory_space<vmem>> -> memref<1x128xi32, #tpu.memory_space<vmem>>
      %dma_wait3A_34 = tpu.memref_squeeze %dma_wait3A_33 : memref<1x128xi32, #tpu.memory_space<vmem>> -> memref<128xi32, #tpu.memory_space<vmem>>
      %dma_wait3A_35 = arith.constant 0 : i32
      %dma_wait3A_36 = arith.constant 0 : i32
      %dma_wait3A_37 = tpu.memref_slice %arg8[%dma_wait3A_35, %dma_wait3A_36] : memref<5120x128xf32, #tpu.memory_space<vmem_shared>> -> memref<5120x128xf32, #tpu.memory_space<vmem_shared>>
      tpu.wait_indirect_dma semaphore(%run_scoped3A_21 : memref<!tpu.dma_semaphore, #tpu.memory_space<semaphore_mem>>) src(%dma_wait3A_31 : memref<128x128xf32, #tpu.memory_space<vmem>>) dst(%dma_wait3A_37 : memref<5120x128xf32, #tpu.memory_space<vmem_shared>>)
      tpu.yield
    }) : () -> ()
    %run_scoped3A_12 = arith.constant 4 : i32
    "tpu.region"() ({
      %run_scoped3A_21 = tpu.sem_alloc : memref<!tpu.dma_semaphore, #tpu.memory_space<semaphore_mem>>
      %dma_start3A = arith.constant 512 : i32
      %dma_start3A_22 = arith.constant 0 : i32
      %dma_start3A_23 = tpu.memref_slice %arg7[%dma_start3A, %dma_start3A_22] : memref<640x128xf32, #tpu.memory_space<vmem>> -> memref<128x128xf32, #tpu.memory_space<vmem>>
      %dma_start3A_24 = arith.constant 0 : i32
      %dma_start3A_25 = tpu.memref_slice %arg6[%run_scoped3A_12, %dma_start3A_24] : memref<5x128xi32, #tpu.memory_space<vmem>> -> memref<1x128xi32, #tpu.memory_space<vmem>>
      %dma_start3A_26 = tpu.memref_squeeze %dma_start3A_25 : memref<1x128xi32, #tpu.memory_space<vmem>> -> memref<128xi32, #tpu.memory_space<vmem>>
      %dma_start3A_27 = arith.constant 0 : i32
      %dma_start3A_28 = arith.constant 0 : i32
      %dma_start3A_29 = tpu.memref_slice %arg8[%dma_start3A_27, %dma_start3A_28] : memref<5120x128xf32, #tpu.memory_space<vmem_shared>> -> memref<5120x128xf32, #tpu.memory_space<vmem_shared>>
      tpu.enqueue_indirect_dma source(%dma_start3A_23 : memref<128x128xf32, #tpu.memory_space<vmem>>) target(%dma_start3A_29 : memref<5120x128xf32, #tpu.memory_space<vmem_shared>>) offsets(%dma_start3A_26 : memref<128xi32, #tpu.memory_space<vmem>>) semaphore(%run_scoped3A_21 : memref<!tpu.dma_semaphore, #tpu.memory_space<semaphore_mem>>) {add = true}
      %dma_wait3A = arith.constant 512 : i32
      %dma_wait3A_30 = arith.constant 0 : i32
      %dma_wait3A_31 = tpu.memref_slice %arg7[%dma_wait3A, %dma_wait3A_30] : memref<640x128xf32, #tpu.memory_space<vmem>> -> memref<128x128xf32, #tpu.memory_space<vmem>>
      %dma_wait3A_32 = arith.constant 0 : i32
      %dma_wait3A_33 = tpu.memref_slice %arg6[%run_scoped3A_12, %dma_wait3A_32] : memref<5x128xi32, #tpu.memory_space<vmem>> -> memref<1x128xi32, #tpu.memory_space<vmem>>
      %dma_wait3A_34 = tpu.memref_squeeze %dma_wait3A_33 : memref<1x128xi32, #tpu.memory_space<vmem>> -> memref<128xi32, #tpu.memory_space<vmem>>
      %dma_wait3A_35 = arith.constant 0 : i32
      %dma_wait3A_36 = arith.constant 0 : i32
      %dma_wait3A_37 = tpu.memref_slice %arg8[%dma_wait3A_35, %dma_wait3A_36] : memref<5120x128xf32, #tpu.memory_space<vmem_shared>> -> memref<5120x128xf32, #tpu.memory_space<vmem_shared>>
      tpu.wait_indirect_dma semaphore(%run_scoped3A_21 : memref<!tpu.dma_semaphore, #tpu.memory_space<semaphore_mem>>) src(%dma_wait3A_31 : memref<128x128xf32, #tpu.memory_space<vmem>>) dst(%dma_wait3A_37 : memref<5120x128xf32, #tpu.memory_space<vmem_shared>>)
      tpu.yield
    }) : () -> ()
    %barrier3A_13 = arith.constant 0 : index
    tpu.barrier barrier_id(%barrier3A_13)
    %mul3A_14 = arith.constant 320 : i32
    %mul3A_15 = arith.muli %arg1, %mul3A_14 : i32
    %mul3A_16 = arith.constant 5120 : i32
    %mul3A_17 = arith.muli %arg0, %mul3A_16 : i32
    %mul3A_18 = arith.constant 320 : i32
    %mul3A_19 = arith.muli %arg1, %mul3A_18 : i32
    %add3A_20 = arith.addi %mul3A_17, %mul3A_19 : i32
    "tpu.region"() ({
      %run_scoped3A_21 = tpu.sem_alloc : memref<!tpu.dma_semaphore, #tpu.memory_space<semaphore_mem>>
      %dma_start3A = arith.constant 0 : i32
      %dma_start3A_22 = tpu.memref_slice %arg5[%add3A_20, %dma_start3A] : memref<10240x128xf32, #tpu.memory_space<hbm>> -> memref<320x128xf32, #tpu.memory_space<hbm>>
      %dma_start3A_23 = arith.constant 0 : i32
      %dma_start3A_24 = tpu.memref_slice %arg8[%mul3A_15, %dma_start3A_23] : memref<5120x128xf32, #tpu.memory_space<vmem_shared>> -> memref<320x128xf32, #tpu.memory_space<vmem_shared>>
      tpu.enqueue_dma source(%dma_start3A_24 : memref<320x128xf32, #tpu.memory_space<vmem_shared>>) target(%dma_start3A_22 : memref<320x128xf32, #tpu.memory_space<hbm>>) target_semaphore(%run_scoped3A_21 : memref<!tpu.dma_semaphore, #tpu.memory_space<semaphore_mem>>)
      %dma_wait3A = arith.constant 0 : i32
      %dma_wait3A_25 = tpu.memref_slice %arg5[%add3A_20, %dma_wait3A] : memref<10240x128xf32, #tpu.memory_space<hbm>> -> memref<320x128xf32, #tpu.memory_space<hbm>>
      %dma_wait3A_26 = arith.constant 0 : i32
      %dma_wait3A_27 = tpu.memref_slice %arg8[%mul3A_15, %dma_wait3A_26] : memref<5120x128xf32, #tpu.memory_space<vmem_shared>> -> memref<320x128xf32, #tpu.memory_space<vmem_shared>>
      tpu.wait_dma2 semaphore(%run_scoped3A_21 : memref<!tpu.dma_semaphore, #tpu.memory_space<semaphore_mem>>) src(%dma_wait3A_27 : memref<320x128xf32, #tpu.memory_space<vmem_shared>>) dst(%dma_wait3A_25 : memref<320x128xf32, #tpu.memory_space<hbm>>)
      tpu.yield
    }) : () -> ()
    return
  }
}

#map = affine_map<(d0, d1) -> (0, 0)>
#map1 = affine_map<(d0, d1) -> (0, 0, 0)>
module attributes {stable_mosaic.version = 14 : i64} {
  func.func @body(%arg0: i32, %arg1: i32, %arg2: memref<20480x128xf32, #tpu.memory_space<hbm>>, %arg3: memref<32x5x128xi32, #tpu.memory_space<hbm>>, %arg4: memref<5120x128xf32, #tpu.memory_space<hbm>>, %arg5: memref<10240x128xf32, #tpu.memory_space<hbm>>, %arg6: memref<5x128xi32, #tpu.memory_space<vmem>>, %arg7: memref<640x128xf32, #tpu.memory_space<vmem>>, %arg8: memref<5120x128xf32, #tpu.memory_space<vmem_shared>>) attributes {dimension_semantics = [#tpu.dimension_semantics<core_parallel>, #tpu.dimension_semantics<subcore_parallel>], iteration_bounds = array<i64: 2, 16>, scalar_prefetch = 0 : i64, scratch_operands = 3 : i64, tpu.core_type = #tpu.core_type<sc_vector_subcore>, window_params = [{transform_indices = #map}, {transform_indices = #map1}, {transform_indices = #map}, {transform_indices = #map}]} {
    %mul3A = arith.constant 2 : i32
    %mul3A_0 = arith.muli %arg1, %mul3A : i32
    %add3A = arith.addi %mul3A_0, %arg0 : i32
    %mul3A_1 = arith.constant 320 : i32
    %mul3A_2 = arith.muli %arg1, %mul3A_1 : i32
    %mul3A_3 = arith.constant 320 : i32
    %mul3A_4 = arith.muli %arg1, %mul3A_3 : i32
    "tpu.region"() ({
      %run_scoped3A_21 = tpu.sem_alloc : memref<!tpu.dma_semaphore, #tpu.memory_space<semaphore_mem>>
      %dma_start3A = arith.constant 0 : i32
      %dma_start3A_22 = tpu.memref_slice %arg8[%mul3A_4, %dma_start3A] : memref<5120x128xf32, #tpu.memory_space<vmem_shared>> -> memref<320x128xf32, #tpu.memory_space<vmem_shared>>
      %dma_start3A_23 = arith.constant 0 : i32
      %dma_start3A_24 = tpu.memref_slice %arg4[%mul3A_2, %dma_start3A_23] : memref<5120x128xf32, #tpu.memory_space<hbm>> -> memref<320x128xf32, #tpu.memory_space<hbm>>
      tpu.enqueue_dma source(%dma_start3A_24 : memref<320x128xf32, #tpu.memory_space<hbm>>) target(%dma_start3A_22 : memref<320x128xf32, #tpu.memory_space<vmem_shared>>) target_semaphore(%run_scoped3A_21 : memref<!tpu.dma_semaphore, #tpu.memory_space<semaphore_mem>>)
      %dma_wait3A = arith.constant 0 : i32
      %dma_wait3A_25 = tpu.memref_slice %arg8[%mul3A_4, %dma_wait3A] : memref<5120x128xf32, #tpu.memory_space<vmem_shared>> -> memref<320x128xf32, #tpu.memory_space<vmem_shared>>
      %dma_wait3A_26 = arith.constant 0 : i32
      %dma_wait3A_27 = tpu.memref_slice %arg4[%mul3A_2, %dma_wait3A_26] : memref<5120x128xf32, #tpu.memory_space<hbm>> -> memref<320x128xf32, #tpu.memory_space<hbm>>
      tpu.wait_dma2 semaphore(%run_scoped3A_21 : memref<!tpu.dma_semaphore, #tpu.memory_space<semaphore_mem>>) src(%dma_wait3A_27 : memref<320x128xf32, #tpu.memory_space<hbm>>) dst(%dma_wait3A_25 : memref<320x128xf32, #tpu.memory_space<vmem_shared>>)
      tpu.yield
    }) : () -> ()
    %barrier3A = arith.constant 0 : index
    tpu.barrier barrier_id(%barrier3A)
    "tpu.region"() ({
      %run_scoped3A_21 = tpu.sem_alloc : memref<!tpu.dma_semaphore, #tpu.memory_space<semaphore_mem>>
      %dma_start3A = arith.constant 0 : i32
      %dma_start3A_22 = arith.constant 0 : i32
      %dma_start3A_23 = tpu.memref_slice %arg3[%add3A, %dma_start3A, %dma_start3A_22] : memref<32x5x128xi32, #tpu.memory_space<hbm>> -> memref<1x5x128xi32, #tpu.memory_space<hbm>>
      %dma_start3A_24 = tpu.memref_squeeze %dma_start3A_23 : memref<1x5x128xi32, #tpu.memory_space<hbm>> -> memref<5x128xi32, #tpu.memory_space<hbm>>
      %dma_start3A_25 = arith.constant 0 : i32
      %dma_start3A_26 = arith.constant 0 : i32
      %dma_start3A_27 = tpu.memref_slice %arg3[%add3A, %dma_start3A_25, %dma_start3A_26] : memref<32x5x128xi32, #tpu.memory_space<hbm>> -> memref<1x5x128xi32, #tpu.memory_space<hbm>>
      %dma_start3A_28 = tpu.memref_squeeze %dma_start3A_27 : memref<1x5x128xi32, #tpu.memory_space<hbm>> -> memref<5x128xi32, #tpu.memory_space<hbm>>
      tpu.enqueue_dma source(%dma_start3A_28 : memref<5x128xi32, #tpu.memory_space<hbm>>) target(%arg6 : memref<5x128xi32, #tpu.memory_space<vmem>>) target_semaphore(%run_scoped3A_21 : memref<!tpu.dma_semaphore, #tpu.memory_space<semaphore_mem>>)
      %dma_wait3A = arith.constant 0 : i32
      %dma_wait3A_29 = arith.constant 0 : i32
      %dma_wait3A_30 = tpu.memref_slice %arg3[%add3A, %dma_wait3A, %dma_wait3A_29] : memref<32x5x128xi32, #tpu.memory_space<hbm>> -> memref<1x5x128xi32, #tpu.memory_space<hbm>>
      %dma_wait3A_31 = tpu.memref_squeeze %dma_wait3A_30 : memref<1x5x128xi32, #tpu.memory_space<hbm>> -> memref<5x128xi32, #tpu.memory_space<hbm>>
      %dma_wait3A_32 = arith.constant 0 : i32
      %dma_wait3A_33 = arith.constant 0 : i32
      %dma_wait3A_34 = tpu.memref_slice %arg3[%add3A, %dma_wait3A_32, %dma_wait3A_33] : memref<32x5x128xi32, #tpu.memory_space<hbm>> -> memref<1x5x128xi32, #tpu.memory_space<hbm>>
      %dma_wait3A_35 = tpu.memref_squeeze %dma_wait3A_34 : memref<1x5x128xi32, #tpu.memory_space<hbm>> -> memref<5x128xi32, #tpu.memory_space<hbm>>
      tpu.wait_dma2 semaphore(%run_scoped3A_21 : memref<!tpu.dma_semaphore, #tpu.memory_space<semaphore_mem>>) src(%dma_wait3A_35 : memref<5x128xi32, #tpu.memory_space<hbm>>) dst(%arg6 : memref<5x128xi32, #tpu.memory_space<vmem>>)
      tpu.yield
    }) : () -> ()
    %mul3A_5 = arith.constant 640 : i32
    %mul3A_6 = arith.muli %add3A, %mul3A_5 : i32
    %add3A_7 = arith.constant 0 : i32
    %add3A_8 = arith.addi %mul3A_6, %add3A_7 : i32
    "tpu.region"() ({
      %run_scoped3A_21 = tpu.sem_alloc : memref<!tpu.dma_semaphore, #tpu.memory_space<semaphore_mem>>
      %dma_start3A = arith.constant 0 : i32
      %dma_start3A_22 = tpu.memref_slice %arg2[%add3A_8, %dma_start3A] : memref<20480x128xf32, #tpu.memory_space<hbm>> -> memref<640x128xf32, #tpu.memory_space<hbm>>
      %dma_start3A_23 = arith.constant 0 : i32
      %dma_start3A_24 = tpu.memref_slice %arg2[%add3A_8, %dma_start3A_23] : memref<20480x128xf32, #tpu.memory_space<hbm>> -> memref<640x128xf32, #tpu.memory_space<hbm>>
      tpu.enqueue_dma source(%dma_start3A_24 : memref<640x128xf32, #tpu.memory_space<hbm>>) target(%arg7 : memref<640x128xf32, #tpu.memory_space<vmem>>) target_semaphore(%run_scoped3A_21 : memref<!tpu.dma_semaphore, #tpu.memory_space<semaphore_mem>>)
      %dma_wait3A = arith.constant 0 : i32
      %dma_wait3A_25 = tpu.memref_slice %arg2[%add3A_8, %dma_wait3A] : memref<20480x128xf32, #tpu.memory_space<hbm>> -> memref<640x128xf32, #tpu.memory_space<hbm>>
      %dma_wait3A_26 = arith.constant 0 : i32
      %dma_wait3A_27 = tpu.memref_slice %arg2[%add3A_8, %dma_wait3A_26] : memref<20480x128xf32, #tpu.memory_space<hbm>> -> memref<640x128xf32, #tpu.memory_space<hbm>>
      tpu.wait_dma2 semaphore(%run_scoped3A_21 : memref<!tpu.dma_semaphore, #tpu.memory_space<semaphore_mem>>) src(%dma_wait3A_27 : memref<640x128xf32, #tpu.memory_space<hbm>>) dst(%arg7 : memref<640x128xf32, #tpu.memory_space<vmem>>)
      tpu.yield
    }) : () -> ()
    %run_scoped3A = arith.constant 0 : i32
    "tpu.region"() ({
      %run_scoped3A_21 = tpu.sem_alloc : memref<!tpu.dma_semaphore, #tpu.memory_space<semaphore_mem>>
      %dma_start3A = arith.constant 0 : i32
      %dma_start3A_22 = arith.constant 0 : i32
      %dma_start3A_23 = tpu.memref_slice %arg7[%dma_start3A, %dma_start3A_22] : memref<640x128xf32, #tpu.memory_space<vmem>> -> memref<128x128xf32, #tpu.memory_space<vmem>>
      %dma_start3A_24 = arith.constant 0 : i32
      %dma_start3A_25 = tpu.memref_slice %arg6[%run_scoped3A, %dma_start3A_24] : memref<5x128xi32, #tpu.memory_space<vmem>> -> memref<1x128xi32, #tpu.memory_space<vmem>>
      %dma_start3A_26 = tpu.memref_squeeze %dma_start3A_25 : memref<1x128xi32, #tpu.memory_space<vmem>> -> memref<128xi32, #tpu.memory_space<vmem>>
      %dma_start3A_27 = arith.constant 0 : i32
      %dma_start3A_28 = arith.constant 0 : i32
      %dma_start3A_29 = tpu.memref_slice %arg8[%dma_start3A_27, %dma_start3A_28] : memref<5120x128xf32, #tpu.memory_space<vmem_shared>> -> memref<5120x128xf32, #tpu.memory_space<vmem_shared>>
      tpu.enqueue_indirect_dma source(%dma_start3A_23 : memref<128x128xf32, #tpu.memory_space<vmem>>) target(%dma_start3A_29 : memref<5120x128xf32, #tpu.memory_space<vmem_shared>>) offsets(%dma_start3A_26 : memref<128xi32, #tpu.memory_space<vmem>>) semaphore(%run_scoped3A_21 : memref<!tpu.dma_semaphore, #tpu.memory_space<semaphore_mem>>) {add = true}
      %dma_wait3A = arith.constant 0 : i32
      %dma_wait3A_30 = arith.constant 0 : i32
      %dma_wait3A_31 = tpu.memref_slice %arg7[%dma_wait3A, %dma_wait3A_30] : memref<640x128xf32, #tpu.memory_space<vmem>> -> memref<128x128xf32, #tpu.memory_space<vmem>>
      %dma_wait3A_32 = arith.constant 0 : i32
      %dma_wait3A_33 = tpu.memref_slice %arg6[%run_scoped3A, %dma_wait3A_32] : memref<5x128xi32, #tpu.memory_space<vmem>> -> memref<1x128xi32, #tpu.memory_space<vmem>>
      %dma_wait3A_34 = tpu.memref_squeeze %dma_wait3A_33 : memref<1x128xi32, #tpu.memory_space<vmem>> -> memref<128xi32, #tpu.memory_space<vmem>>
      %dma_wait3A_35 = arith.constant 0 : i32
      %dma_wait3A_36 = arith.constant 0 : i32
      %dma_wait3A_37 = tpu.memref_slice %arg8[%dma_wait3A_35, %dma_wait3A_36] : memref<5120x128xf32, #tpu.memory_space<vmem_shared>> -> memref<5120x128xf32, #tpu.memory_space<vmem_shared>>
      tpu.wait_indirect_dma semaphore(%run_scoped3A_21 : memref<!tpu.dma_semaphore, #tpu.memory_space<semaphore_mem>>) src(%dma_wait3A_31 : memref<128x128xf32, #tpu.memory_space<vmem>>) dst(%dma_wait3A_37 : memref<5120x128xf32, #tpu.memory_space<vmem_shared>>)
      tpu.yield
    }) : () -> ()
    %run_scoped3A_9 = arith.constant 1 : i32
    "tpu.region"() ({
      %run_scoped3A_21 = tpu.sem_alloc : memref<!tpu.dma_semaphore, #tpu.memory_space<semaphore_mem>>
      %dma_start3A = arith.constant 128 : i32
      %dma_start3A_22 = arith.constant 0 : i32
      %dma_start3A_23 = tpu.memref_slice %arg7[%dma_start3A, %dma_start3A_22] : memref<640x128xf32, #tpu.memory_space<vmem>> -> memref<128x128xf32, #tpu.memory_space<vmem>>
      %dma_start3A_24 = arith.constant 0 : i32
      %dma_start3A_25 = tpu.memref_slice %arg6[%run_scoped3A_9, %dma_start3A_24] : memref<5x128xi32, #tpu.memory_space<vmem>> -> memref<1x128xi32, #tpu.memory_space<vmem>>
      %dma_start3A_26 = tpu.memref_squeeze %dma_start3A_25 : memref<1x128xi32, #tpu.memory_space<vmem>> -> memref<128xi32, #tpu.memory_space<vmem>>
      %dma_start3A_27 = arith.constant 0 : i32
      %dma_start3A_28 = arith.constant 0 : i32
      %dma_start3A_29 = tpu.memref_slice %arg8[%dma_start3A_27, %dma_start3A_28] : memref<5120x128xf32, #tpu.memory_space<vmem_shared>> -> memref<5120x128xf32, #tpu.memory_space<vmem_shared>>
      tpu.enqueue_indirect_dma source(%dma_start3A_23 : memref<128x128xf32, #tpu.memory_space<vmem>>) target(%dma_start3A_29 : memref<5120x128xf32, #tpu.memory_space<vmem_shared>>) offsets(%dma_start3A_26 : memref<128xi32, #tpu.memory_space<vmem>>) semaphore(%run_scoped3A_21 : memref<!tpu.dma_semaphore, #tpu.memory_space<semaphore_mem>>) {add = true}
      %dma_wait3A = arith.constant 128 : i32
      %dma_wait3A_30 = arith.constant 0 : i32
      %dma_wait3A_31 = tpu.memref_slice %arg7[%dma_wait3A, %dma_wait3A_30] : memref<640x128xf32, #tpu.memory_space<vmem>> -> memref<128x128xf32, #tpu.memory_space<vmem>>
      %dma_wait3A_32 = arith.constant 0 : i32
      %dma_wait3A_33 = tpu.memref_slice %arg6[%run_scoped3A_9, %dma_wait3A_32] : memref<5x128xi32, #tpu.memory_space<vmem>> -> memref<1x128xi32, #tpu.memory_space<vmem>>
      %dma_wait3A_34 = tpu.memref_squeeze %dma_wait3A_33 : memref<1x128xi32, #tpu.memory_space<vmem>> -> memref<128xi32, #tpu.memory_space<vmem>>
      %dma_wait3A_35 = arith.constant 0 : i32
      %dma_wait3A_36 = arith.constant 0 : i32
      %dma_wait3A_37 = tpu.memref_slice %arg8[%dma_wait3A_35, %dma_wait3A_36] : memref<5120x128xf32, #tpu.memory_space<vmem_shared>> -> memref<5120x128xf32, #tpu.memory_space<vmem_shared>>
      tpu.wait_indirect_dma semaphore(%run_scoped3A_21 : memref<!tpu.dma_semaphore, #tpu.memory_space<semaphore_mem>>) src(%dma_wait3A_31 : memref<128x128xf32, #tpu.memory_space<vmem>>) dst(%dma_wait3A_37 : memref<5120x128xf32, #tpu.memory_space<vmem_shared>>)
      tpu.yield
    }) : () -> ()
    %run_scoped3A_10 = arith.constant 2 : i32
    "tpu.region"() ({
      %run_scoped3A_21 = tpu.sem_alloc : memref<!tpu.dma_semaphore, #tpu.memory_space<semaphore_mem>>
      %dma_start3A = arith.constant 256 : i32
      %dma_start3A_22 = arith.constant 0 : i32
      %dma_start3A_23 = tpu.memref_slice %arg7[%dma_start3A, %dma_start3A_22] : memref<640x128xf32, #tpu.memory_space<vmem>> -> memref<128x128xf32, #tpu.memory_space<vmem>>
      %dma_start3A_24 = arith.constant 0 : i32
      %dma_start3A_25 = tpu.memref_slice %arg6[%run_scoped3A_10, %dma_start3A_24] : memref<5x128xi32, #tpu.memory_space<vmem>> -> memref<1x128xi32, #tpu.memory_space<vmem>>
      %dma_start3A_26 = tpu.memref_squeeze %dma_start3A_25 : memref<1x128xi32, #tpu.memory_space<vmem>> -> memref<128xi32, #tpu.memory_space<vmem>>
      %dma_start3A_27 = arith.constant 0 : i32
      %dma_start3A_28 = arith.constant 0 : i32
      %dma_start3A_29 = tpu.memref_slice %arg8[%dma_start3A_27, %dma_start3A_28] : memref<5120x128xf32, #tpu.memory_space<vmem_shared>> -> memref<5120x128xf32, #tpu.memory_space<vmem_shared>>
      tpu.enqueue_indirect_dma source(%dma_start3A_23 : memref<128x128xf32, #tpu.memory_space<vmem>>) target(%dma_start3A_29 : memref<5120x128xf32, #tpu.memory_space<vmem_shared>>) offsets(%dma_start3A_26 : memref<128xi32, #tpu.memory_space<vmem>>) semaphore(%run_scoped3A_21 : memref<!tpu.dma_semaphore, #tpu.memory_space<semaphore_mem>>) {add = true}
      %dma_wait3A = arith.constant 256 : i32
      %dma_wait3A_30 = arith.constant 0 : i32
      %dma_wait3A_31 = tpu.memref_slice %arg7[%dma_wait3A, %dma_wait3A_30] : memref<640x128xf32, #tpu.memory_space<vmem>> -> memref<128x128xf32, #tpu.memory_space<vmem>>
      %dma_wait3A_32 = arith.constant 0 : i32
      %dma_wait3A_33 = tpu.memref_slice %arg6[%run_scoped3A_10, %dma_wait3A_32] : memref<5x128xi32, #tpu.memory_space<vmem>> -> memref<1x128xi32, #tpu.memory_space<vmem>>
      %dma_wait3A_34 = tpu.memref_squeeze %dma_wait3A_33 : memref<1x128xi32, #tpu.memory_space<vmem>> -> memref<128xi32, #tpu.memory_space<vmem>>
      %dma_wait3A_35 = arith.constant 0 : i32
      %dma_wait3A_36 = arith.constant 0 : i32
      %dma_wait3A_37 = tpu.memref_slice %arg8[%dma_wait3A_35, %dma_wait3A_36] : memref<5120x128xf32, #tpu.memory_space<vmem_shared>> -> memref<5120x128xf32, #tpu.memory_space<vmem_shared>>
      tpu.wait_indirect_dma semaphore(%run_scoped3A_21 : memref<!tpu.dma_semaphore, #tpu.memory_space<semaphore_mem>>) src(%dma_wait3A_31 : memref<128x128xf32, #tpu.memory_space<vmem>>) dst(%dma_wait3A_37 : memref<5120x128xf32, #tpu.memory_space<vmem_shared>>)
      tpu.yield
    }) : () -> ()
    %run_scoped3A_11 = arith.constant 3 : i32
    "tpu.region"() ({
      %run_scoped3A_21 = tpu.sem_alloc : memref<!tpu.dma_semaphore, #tpu.memory_space<semaphore_mem>>
      %dma_start3A = arith.constant 384 : i32
      %dma_start3A_22 = arith.constant 0 : i32
      %dma_start3A_23 = tpu.memref_slice %arg7[%dma_start3A, %dma_start3A_22] : memref<640x128xf32, #tpu.memory_space<vmem>> -> memref<128x128xf32, #tpu.memory_space<vmem>>
      %dma_start3A_24 = arith.constant 0 : i32
      %dma_start3A_25 = tpu.memref_slice %arg6[%run_scoped3A_11, %dma_start3A_24] : memref<5x128xi32, #tpu.memory_space<vmem>> -> memref<1x128xi32, #tpu.memory_space<vmem>>
      %dma_start3A_26 = tpu.memref_squeeze %dma_start3A_25 : memref<1x128xi32, #tpu.memory_space<vmem>> -> memref<128xi32, #tpu.memory_space<vmem>>
      %dma_start3A_27 = arith.constant 0 : i32
      %dma_start3A_28 = arith.constant 0 : i32
      %dma_start3A_29 = tpu.memref_slice %arg8[%dma_start3A_27, %dma_start3A_28] : memref<5120x128xf32, #tpu.memory_space<vmem_shared>> -> memref<5120x128xf32, #tpu.memory_space<vmem_shared>>
      tpu.enqueue_indirect_dma source(%dma_start3A_23 : memref<128x128xf32, #tpu.memory_space<vmem>>) target(%dma_start3A_29 : memref<5120x128xf32, #tpu.memory_space<vmem_shared>>) offsets(%dma_start3A_26 : memref<128xi32, #tpu.memory_space<vmem>>) semaphore(%run_scoped3A_21 : memref<!tpu.dma_semaphore, #tpu.memory_space<semaphore_mem>>) {add = true}
      %dma_wait3A = arith.constant 384 : i32
      %dma_wait3A_30 = arith.constant 0 : i32
      %dma_wait3A_31 = tpu.memref_slice %arg7[%dma_wait3A, %dma_wait3A_30] : memref<640x128xf32, #tpu.memory_space<vmem>> -> memref<128x128xf32, #tpu.memory_space<vmem>>
      %dma_wait3A_32 = arith.constant 0 : i32
      %dma_wait3A_33 = tpu.memref_slice %arg6[%run_scoped3A_11, %dma_wait3A_32] : memref<5x128xi32, #tpu.memory_space<vmem>> -> memref<1x128xi32, #tpu.memory_space<vmem>>
      %dma_wait3A_34 = tpu.memref_squeeze %dma_wait3A_33 : memref<1x128xi32, #tpu.memory_space<vmem>> -> memref<128xi32, #tpu.memory_space<vmem>>
      %dma_wait3A_35 = arith.constant 0 : i32
      %dma_wait3A_36 = arith.constant 0 : i32
      %dma_wait3A_37 = tpu.memref_slice %arg8[%dma_wait3A_35, %dma_wait3A_36] : memref<5120x128xf32, #tpu.memory_space<vmem_shared>> -> memref<5120x128xf32, #tpu.memory_space<vmem_shared>>
      tpu.wait_indirect_dma semaphore(%run_scoped3A_21 : memref<!tpu.dma_semaphore, #tpu.memory_space<semaphore_mem>>) src(%dma_wait3A_31 : memref<128x128xf32, #tpu.memory_space<vmem>>) dst(%dma_wait3A_37 : memref<5120x128xf32, #tpu.memory_space<vmem_shared>>)
      tpu.yield
    }) : () -> ()
    %run_scoped3A_12 = arith.constant 4 : i32
    "tpu.region"() ({
      %run_scoped3A_21 = tpu.sem_alloc : memref<!tpu.dma_semaphore, #tpu.memory_space<semaphore_mem>>
      %dma_start3A = arith.constant 512 : i32
      %dma_start3A_22 = arith.constant 0 : i32
      %dma_start3A_23 = tpu.memref_slice %arg7[%dma_start3A, %dma_start3A_22] : memref<640x128xf32, #tpu.memory_space<vmem>> -> memref<128x128xf32, #tpu.memory_space<vmem>>
      %dma_start3A_24 = arith.constant 0 : i32
      %dma_start3A_25 = tpu.memref_slice %arg6[%run_scoped3A_12, %dma_start3A_24] : memref<5x128xi32, #tpu.memory_space<vmem>> -> memref<1x128xi32, #tpu.memory_space<vmem>>
      %dma_start3A_26 = tpu.memref_squeeze %dma_start3A_25 : memref<1x128xi32, #tpu.memory_space<vmem>> -> memref<128xi32, #tpu.memory_space<vmem>>
      %dma_start3A_27 = arith.constant 0 : i32
      %dma_start3A_28 = arith.constant 0 : i32
      %dma_start3A_29 = tpu.memref_slice %arg8[%dma_start3A_27, %dma_start3A_28] : memref<5120x128xf32, #tpu.memory_space<vmem_shared>> -> memref<5120x128xf32, #tpu.memory_space<vmem_shared>>
      tpu.enqueue_indirect_dma source(%dma_start3A_23 : memref<128x128xf32, #tpu.memory_space<vmem>>) target(%dma_start3A_29 : memref<5120x128xf32, #tpu.memory_space<vmem_shared>>) offsets(%dma_start3A_26 : memref<128xi32, #tpu.memory_space<vmem>>) semaphore(%run_scoped3A_21 : memref<!tpu.dma_semaphore, #tpu.memory_space<semaphore_mem>>) {add = true}
      %dma_wait3A = arith.constant 512 : i32
      %dma_wait3A_30 = arith.constant 0 : i32
      %dma_wait3A_31 = tpu.memref_slice %arg7[%dma_wait3A, %dma_wait3A_30] : memref<640x128xf32, #tpu.memory_space<vmem>> -> memref<128x128xf32, #tpu.memory_space<vmem>>
      %dma_wait3A_32 = arith.constant 0 : i32
      %dma_wait3A_33 = tpu.memref_slice %arg6[%run_scoped3A_12, %dma_wait3A_32] : memref<5x128xi32, #tpu.memory_space<vmem>> -> memref<1x128xi32, #tpu.memory_space<vmem>>
      %dma_wait3A_34 = tpu.memref_squeeze %dma_wait3A_33 : memref<1x128xi32, #tpu.memory_space<vmem>> -> memref<128xi32, #tpu.memory_space<vmem>>
      %dma_wait3A_35 = arith.constant 0 : i32
      %dma_wait3A_36 = arith.constant 0 : i32
      %dma_wait3A_37 = tpu.memref_slice %arg8[%dma_wait3A_35, %dma_wait3A_36] : memref<5120x128xf32, #tpu.memory_space<vmem_shared>> -> memref<5120x128xf32, #tpu.memory_space<vmem_shared>>
      tpu.wait_indirect_dma semaphore(%run_scoped3A_21 : memref<!tpu.dma_semaphore, #tpu.memory_space<semaphore_mem>>) src(%dma_wait3A_31 : memref<128x128xf32, #tpu.memory_space<vmem>>) dst(%dma_wait3A_37 : memref<5120x128xf32, #tpu.memory_space<vmem_shared>>)
      tpu.yield
    }) : () -> ()
    %barrier3A_13 = arith.constant 0 : index
    tpu.barrier barrier_id(%barrier3A_13)
    %mul3A_14 = arith.constant 320 : i32
    %mul3A_15 = arith.muli %arg1, %mul3A_14 : i32
    %mul3A_16 = arith.constant 5120 : i32
    %mul3A_17 = arith.muli %arg0, %mul3A_16 : i32
    %mul3A_18 = arith.constant 320 : i32
    %mul3A_19 = arith.muli %arg1, %mul3A_18 : i32
    %add3A_20 = arith.addi %mul3A_17, %mul3A_19 : i32
    "tpu.region"() ({
      %run_scoped3A_21 = tpu.sem_alloc : memref<!tpu.dma_semaphore, #tpu.memory_space<semaphore_mem>>
      %dma_start3A = arith.constant 0 : i32
      %dma_start3A_22 = tpu.memref_slice %arg5[%add3A_20, %dma_start3A] : memref<10240x128xf32, #tpu.memory_space<hbm>> -> memref<320x128xf32, #tpu.memory_space<hbm>>
      %dma_start3A_23 = arith.constant 0 : i32
      %dma_start3A_24 = tpu.memref_slice %arg8[%mul3A_15, %dma_start3A_23] : memref<5120x128xf32, #tpu.memory_space<vmem_shared>> -> memref<320x128xf32, #tpu.memory_space<vmem_shared>>
      tpu.enqueue_dma source(%dma_start3A_24 : memref<320x128xf32, #tpu.memory_space<vmem_shared>>) target(%dma_start3A_22 : memref<320x128xf32, #tpu.memory_space<hbm>>) target_semaphore(%run_scoped3A_21 : memref<!tpu.dma_semaphore, #tpu.memory_space<semaphore_mem>>)
      %dma_wait3A = arith.constant 0 : i32
      %dma_wait3A_25 = tpu.memref_slice %arg5[%add3A_20, %dma_wait3A] : memref<10240x128xf32, #tpu.memory_space<hbm>> -> memref<320x128xf32, #tpu.memory_space<hbm>>
      %dma_wait3A_26 = arith.constant 0 : i32
      %dma_wait3A_27 = tpu.memref_slice %arg8[%mul3A_15, %dma_wait3A_26] : memref<5120x128xf32, #tpu.memory_space<vmem_shared>> -> memref<320x128xf32, #tpu.memory_space<vmem_shared>>
      tpu.wait_dma2 semaphore(%run_scoped3A_21 : memref<!tpu.dma_semaphore, #tpu.memory_space<semaphore_mem>>) src(%dma_wait3A_27 : memref<320x128xf32, #tpu.memory_space<vmem_shared>>) dst(%dma_wait3A_25 : memref<320x128xf32, #tpu.memory_space<hbm>>)
      tpu.yield
    }) : () -> ()
    return
  }
}

#map = affine_map<(d0, d1) -> (0, 0)>
#map1 = affine_map<(d0, d1) -> (0, 0, 0)>
module attributes {stable_mosaic.version = 14 : i64} {
  func.func @body(%arg0: i32, %arg1: i32, %arg2: memref<5000x128xf32, #tpu.memory_space<hbm>>, %arg3: memref<32x5x128xi32, #tpu.memory_space<hbm>>, %arg4: memref<20480x128xf32, #tpu.memory_space<hbm>>, %arg5: memref<5x128xi32, #tpu.memory_space<vmem>>, %arg6: memref<640x128xf32, #tpu.memory_space<vmem>>, %arg7: memref<!tpu.dma_semaphore, #tpu.memory_space<semaphore_mem>>) attributes {dimension_semantics = [#tpu.dimension_semantics<core_parallel>, #tpu.dimension_semantics<subcore_parallel>], iteration_bounds = array<i64: 2, 16>, scalar_prefetch = 0 : i64, scratch_operands = 3 : i64, tpu.core_type = #tpu.core_type<sc_vector_subcore>, window_params = [{transform_indices = #map}, {transform_indices = #map1}, {transform_indices = #map}]} {
    %mul3A = arith.constant 2 : i32
    %mul3A_0 = arith.muli %arg1, %mul3A : i32
    %add3A = arith.addi %mul3A_0, %arg0 : i32
    "tpu.region"() ({
      %run_scoped3A = tpu.sem_alloc : memref<!tpu.dma_semaphore, #tpu.memory_space<semaphore_mem>>
      %dma_start3A_103 = arith.constant 0 : i32
      %dma_start3A_104 = arith.constant 0 : i32
      %dma_start3A_105 = tpu.memref_slice %arg3[%add3A, %dma_start3A_103, %dma_start3A_104] : memref<32x5x128xi32, #tpu.memory_space<hbm>> -> memref<1x5x128xi32, #tpu.memory_space<hbm>>
      %dma_start3A_106 = tpu.memref_squeeze %dma_start3A_105 : memref<1x5x128xi32, #tpu.memory_space<hbm>> -> memref<5x128xi32, #tpu.memory_space<hbm>>
      %dma_start3A_107 = arith.constant 0 : i32
      %dma_start3A_108 = arith.constant 0 : i32
      %dma_start3A_109 = tpu.memref_slice %arg3[%add3A, %dma_start3A_107, %dma_start3A_108] : memref<32x5x128xi32, #tpu.memory_space<hbm>> -> memref<1x5x128xi32, #tpu.memory_space<hbm>>
      %dma_start3A_110 = tpu.memref_squeeze %dma_start3A_109 : memref<1x5x128xi32, #tpu.memory_space<hbm>> -> memref<5x128xi32, #tpu.memory_space<hbm>>
      tpu.enqueue_dma source(%dma_start3A_110 : memref<5x128xi32, #tpu.memory_space<hbm>>) target(%arg5 : memref<5x128xi32, #tpu.memory_space<vmem>>) target_semaphore(%run_scoped3A : memref<!tpu.dma_semaphore, #tpu.memory_space<semaphore_mem>>)
      %dma_wait3A_111 = arith.constant 0 : i32
      %dma_wait3A_112 = arith.constant 0 : i32
      %dma_wait3A_113 = tpu.memref_slice %arg3[%add3A, %dma_wait3A_111, %dma_wait3A_112] : memref<32x5x128xi32, #tpu.memory_space<hbm>> -> memref<1x5x128xi32, #tpu.memory_space<hbm>>
      %dma_wait3A_114 = tpu.memref_squeeze %dma_wait3A_113 : memref<1x5x128xi32, #tpu.memory_space<hbm>> -> memref<5x128xi32, #tpu.memory_space<hbm>>
      %dma_wait3A_115 = arith.constant 0 : i32
      %dma_wait3A_116 = arith.constant 0 : i32
      %dma_wait3A_117 = tpu.memref_slice %arg3[%add3A, %dma_wait3A_115, %dma_wait3A_116] : memref<32x5x128xi32, #tpu.memory_space<hbm>> -> memref<1x5x128xi32, #tpu.memory_space<hbm>>
      %dma_wait3A_118 = tpu.memref_squeeze %dma_wait3A_117 : memref<1x5x128xi32, #tpu.memory_space<hbm>> -> memref<5x128xi32, #tpu.memory_space<hbm>>
      tpu.wait_dma2 semaphore(%run_scoped3A : memref<!tpu.dma_semaphore, #tpu.memory_space<semaphore_mem>>) src(%dma_wait3A_118 : memref<5x128xi32, #tpu.memory_space<hbm>>) dst(%arg5 : memref<5x128xi32, #tpu.memory_space<vmem>>)
      tpu.yield
    }) : () -> ()
    %dma_start3A = arith.constant 0 : i32
    %dma_start3A_1 = arith.constant 0 : i32
    %dma_start3A_2 = arith.constant 0 : i32
    %dma_start3A_3 = tpu.memref_slice %arg6[%dma_start3A_1, %dma_start3A_2] : memref<640x128xf32, #tpu.memory_space<vmem>> -> memref<128x128xf32, #tpu.memory_space<vmem>>
    %dma_start3A_4 = arith.constant 0 : i32
    %dma_start3A_5 = tpu.memref_slice %arg5[%dma_start3A, %dma_start3A_4] : memref<5x128xi32, #tpu.memory_space<vmem>> -> memref<1x128xi32, #tpu.memory_space<vmem>>
    %dma_start3A_6 = tpu.memref_squeeze %dma_start3A_5 : memref<1x128xi32, #tpu.memory_space<vmem>> -> memref<128xi32, #tpu.memory_space<vmem>>
    %dma_start3A_7 = arith.constant 0 : i32
    %dma_start3A_8 = arith.constant 0 : i32
    %dma_start3A_9 = tpu.memref_slice %arg2[%dma_start3A_7, %dma_start3A_8] : memref<5000x128xf32, #tpu.memory_space<hbm>> -> memref<5000x128xf32, #tpu.memory_space<hbm>>
    tpu.enqueue_indirect_dma source(%dma_start3A_9 : memref<5000x128xf32, #tpu.memory_space<hbm>>) target(%dma_start3A_3 : memref<128x128xf32, #tpu.memory_space<vmem>>) offsets(%dma_start3A_6 : memref<128xi32, #tpu.memory_space<vmem>>) semaphore(%arg7 : memref<!tpu.dma_semaphore, #tpu.memory_space<semaphore_mem>>)
    %dma_start3A_10 = arith.constant 1 : i32
    %dma_start3A_11 = arith.constant 128 : i32
    %dma_start3A_12 = arith.constant 0 : i32
    %dma_start3A_13 = tpu.memref_slice %arg6[%dma_start3A_11, %dma_start3A_12] : memref<640x128xf32, #tpu.memory_space<vmem>> -> memref<128x128xf32, #tpu.memory_space<vmem>>
    %dma_start3A_14 = arith.constant 0 : i32
    %dma_start3A_15 = tpu.memref_slice %arg5[%dma_start3A_10, %dma_start3A_14] : memref<5x128xi32, #tpu.memory_space<vmem>> -> memref<1x128xi32, #tpu.memory_space<vmem>>
    %dma_start3A_16 = tpu.memref_squeeze %dma_start3A_15 : memref<1x128xi32, #tpu.memory_space<vmem>> -> memref<128xi32, #tpu.memory_space<vmem>>
    %dma_start3A_17 = arith.constant 0 : i32
    %dma_start3A_18 = arith.constant 0 : i32
    %dma_start3A_19 = tpu.memref_slice %arg2[%dma_start3A_17, %dma_start3A_18] : memref<5000x128xf32, #tpu.memory_space<hbm>> -> memref<5000x128xf32, #tpu.memory_space<hbm>>
    tpu.enqueue_indirect_dma source(%dma_start3A_19 : memref<5000x128xf32, #tpu.memory_space<hbm>>) target(%dma_start3A_13 : memref<128x128xf32, #tpu.memory_space<vmem>>) offsets(%dma_start3A_16 : memref<128xi32, #tpu.memory_space<vmem>>) semaphore(%arg7 : memref<!tpu.dma_semaphore, #tpu.memory_space<semaphore_mem>>)
    %dma_start3A_20 = arith.constant 2 : i32
    %dma_start3A_21 = arith.constant 256 : i32
    %dma_start3A_22 = arith.constant 0 : i32
    %dma_start3A_23 = tpu.memref_slice %arg6[%dma_start3A_21, %dma_start3A_22] : memref<640x128xf32, #tpu.memory_space<vmem>> -> memref<128x128xf32, #tpu.memory_space<vmem>>
    %dma_start3A_24 = arith.constant 0 : i32
    %dma_start3A_25 = tpu.memref_slice %arg5[%dma_start3A_20, %dma_start3A_24] : memref<5x128xi32, #tpu.memory_space<vmem>> -> memref<1x128xi32, #tpu.memory_space<vmem>>
    %dma_start3A_26 = tpu.memref_squeeze %dma_start3A_25 : memref<1x128xi32, #tpu.memory_space<vmem>> -> memref<128xi32, #tpu.memory_space<vmem>>
    %dma_start3A_27 = arith.constant 0 : i32
    %dma_start3A_28 = arith.constant 0 : i32
    %dma_start3A_29 = tpu.memref_slice %arg2[%dma_start3A_27, %dma_start3A_28] : memref<5000x128xf32, #tpu.memory_space<hbm>> -> memref<5000x128xf32, #tpu.memory_space<hbm>>
    tpu.enqueue_indirect_dma source(%dma_start3A_29 : memref<5000x128xf32, #tpu.memory_space<hbm>>) target(%dma_start3A_23 : memref<128x128xf32, #tpu.memory_space<vmem>>) offsets(%dma_start3A_26 : memref<128xi32, #tpu.memory_space<vmem>>) semaphore(%arg7 : memref<!tpu.dma_semaphore, #tpu.memory_space<semaphore_mem>>)
    %dma_start3A_30 = arith.constant 3 : i32
    %dma_start3A_31 = arith.constant 384 : i32
    %dma_start3A_32 = arith.constant 0 : i32
    %dma_start3A_33 = tpu.memref_slice %arg6[%dma_start3A_31, %dma_start3A_32] : memref<640x128xf32, #tpu.memory_space<vmem>> -> memref<128x128xf32, #tpu.memory_space<vmem>>
    %dma_start3A_34 = arith.constant 0 : i32
    %dma_start3A_35 = tpu.memref_slice %arg5[%dma_start3A_30, %dma_start3A_34] : memref<5x128xi32, #tpu.memory_space<vmem>> -> memref<1x128xi32, #tpu.memory_space<vmem>>
    %dma_start3A_36 = tpu.memref_squeeze %dma_start3A_35 : memref<1x128xi32, #tpu.memory_space<vmem>> -> memref<128xi32, #tpu.memory_space<vmem>>
    %dma_start3A_37 = arith.constant 0 : i32
    %dma_start3A_38 = arith.constant 0 : i32
    %dma_start3A_39 = tpu.memref_slice %arg2[%dma_start3A_37, %dma_start3A_38] : memref<5000x128xf32, #tpu.memory_space<hbm>> -> memref<5000x128xf32, #tpu.memory_space<hbm>>
    tpu.enqueue_indirect_dma source(%dma_start3A_39 : memref<5000x128xf32, #tpu.memory_space<hbm>>) target(%dma_start3A_33 : memref<128x128xf32, #tpu.memory_space<vmem>>) offsets(%dma_start3A_36 : memref<128xi32, #tpu.memory_space<vmem>>) semaphore(%arg7 : memref<!tpu.dma_semaphore, #tpu.memory_space<semaphore_mem>>)
    %dma_start3A_40 = arith.constant 4 : i32
    %dma_start3A_41 = arith.constant 512 : i32
    %dma_start3A_42 = arith.constant 0 : i32
    %dma_start3A_43 = tpu.memref_slice %arg6[%dma_start3A_41, %dma_start3A_42] : memref<640x128xf32, #tpu.memory_space<vmem>> -> memref<128x128xf32, #tpu.memory_space<vmem>>
    %dma_start3A_44 = arith.constant 0 : i32
    %dma_start3A_45 = tpu.memref_slice %arg5[%dma_start3A_40, %dma_start3A_44] : memref<5x128xi32, #tpu.memory_space<vmem>> -> memref<1x128xi32, #tpu.memory_space<vmem>>
    %dma_start3A_46 = tpu.memref_squeeze %dma_start3A_45 : memref<1x128xi32, #tpu.memory_space<vmem>> -> memref<128xi32, #tpu.memory_space<vmem>>
    %dma_start3A_47 = arith.constant 0 : i32
    %dma_start3A_48 = arith.constant 0 : i32
    %dma_start3A_49 = tpu.memref_slice %arg2[%dma_start3A_47, %dma_start3A_48] : memref<5000x128xf32, #tpu.memory_space<hbm>> -> memref<5000x128xf32, #tpu.memory_space<hbm>>
    tpu.enqueue_indirect_dma source(%dma_start3A_49 : memref<5000x128xf32, #tpu.memory_space<hbm>>) target(%dma_start3A_43 : memref<128x128xf32, #tpu.memory_space<vmem>>) offsets(%dma_start3A_46 : memref<128xi32, #tpu.memory_space<vmem>>) semaphore(%arg7 : memref<!tpu.dma_semaphore, #tpu.memory_space<semaphore_mem>>)
    %dma_wait3A = arith.constant 0 : i32
    %dma_wait3A_50 = arith.constant 0 : i32
    %dma_wait3A_51 = arith.constant 0 : i32
    %dma_wait3A_52 = tpu.memref_slice %arg6[%dma_wait3A_50, %dma_wait3A_51] : memref<640x128xf32, #tpu.memory_space<vmem>> -> memref<128x128xf32, #tpu.memory_space<vmem>>
    %dma_wait3A_53 = arith.constant 0 : i32
    %dma_wait3A_54 = tpu.memref_slice %arg5[%dma_wait3A, %dma_wait3A_53] : memref<5x128xi32, #tpu.memory_space<vmem>> -> memref<1x128xi32, #tpu.memory_space<vmem>>
    %dma_wait3A_55 = tpu.memref_squeeze %dma_wait3A_54 : memref<1x128xi32, #tpu.memory_space<vmem>> -> memref<128xi32, #tpu.memory_space<vmem>>
    %dma_wait3A_56 = arith.constant 0 : i32
    %dma_wait3A_57 = arith.constant 0 : i32
    %dma_wait3A_58 = tpu.memref_slice %arg2[%dma_wait3A_56, %dma_wait3A_57] : memref<5000x128xf32, #tpu.memory_space<hbm>> -> memref<5000x128xf32, #tpu.memory_space<hbm>>
    tpu.wait_indirect_dma semaphore(%arg7 : memref<!tpu.dma_semaphore, #tpu.memory_space<semaphore_mem>>) src(%dma_wait3A_58 : memref<5000x128xf32, #tpu.memory_space<hbm>>) dst(%dma_wait3A_52 : memref<128x128xf32, #tpu.memory_space<vmem>>)
    %dma_wait3A_59 = arith.constant 1 : i32
    %dma_wait3A_60 = arith.constant 128 : i32
    %dma_wait3A_61 = arith.constant 0 : i32
    %dma_wait3A_62 = tpu.memref_slice %arg6[%dma_wait3A_60, %dma_wait3A_61] : memref<640x128xf32, #tpu.memory_space<vmem>> -> memref<128x128xf32, #tpu.memory_space<vmem>>
    %dma_wait3A_63 = arith.constant 0 : i32
    %dma_wait3A_64 = tpu.memref_slice %arg5[%dma_wait3A_59, %dma_wait3A_63] : memref<5x128xi32, #tpu.memory_space<vmem>> -> memref<1x128xi32, #tpu.memory_space<vmem>>
    %dma_wait3A_65 = tpu.memref_squeeze %dma_wait3A_64 : memref<1x128xi32, #tpu.memory_space<vmem>> -> memref<128xi32, #tpu.memory_space<vmem>>
    %dma_wait3A_66 = arith.constant 0 : i32
    %dma_wait3A_67 = arith.constant 0 : i32
    %dma_wait3A_68 = tpu.memref_slice %arg2[%dma_wait3A_66, %dma_wait3A_67] : memref<5000x128xf32, #tpu.memory_space<hbm>> -> memref<5000x128xf32, #tpu.memory_space<hbm>>
    tpu.wait_indirect_dma semaphore(%arg7 : memref<!tpu.dma_semaphore, #tpu.memory_space<semaphore_mem>>) src(%dma_wait3A_68 : memref<5000x128xf32, #tpu.memory_space<hbm>>) dst(%dma_wait3A_62 : memref<128x128xf32, #tpu.memory_space<vmem>>)
    %dma_wait3A_69 = arith.constant 2 : i32
    %dma_wait3A_70 = arith.constant 256 : i32
    %dma_wait3A_71 = arith.constant 0 : i32
    %dma_wait3A_72 = tpu.memref_slice %arg6[%dma_wait3A_70, %dma_wait3A_71] : memref<640x128xf32, #tpu.memory_space<vmem>> -> memref<128x128xf32, #tpu.memory_space<vmem>>
    %dma_wait3A_73 = arith.constant 0 : i32
    %dma_wait3A_74 = tpu.memref_slice %arg5[%dma_wait3A_69, %dma_wait3A_73] : memref<5x128xi32, #tpu.memory_space<vmem>> -> memref<1x128xi32, #tpu.memory_space<vmem>>
    %dma_wait3A_75 = tpu.memref_squeeze %dma_wait3A_74 : memref<1x128xi32, #tpu.memory_space<vmem>> -> memref<128xi32, #tpu.memory_space<vmem>>
    %dma_wait3A_76 = arith.constant 0 : i32
    %dma_wait3A_77 = arith.constant 0 : i32
    %dma_wait3A_78 = tpu.memref_slice %arg2[%dma_wait3A_76, %dma_wait3A_77] : memref<5000x128xf32, #tpu.memory_space<hbm>> -> memref<5000x128xf32, #tpu.memory_space<hbm>>
    tpu.wait_indirect_dma semaphore(%arg7 : memref<!tpu.dma_semaphore, #tpu.memory_space<semaphore_mem>>) src(%dma_wait3A_78 : memref<5000x128xf32, #tpu.memory_space<hbm>>) dst(%dma_wait3A_72 : memref<128x128xf32, #tpu.memory_space<vmem>>)
    %dma_wait3A_79 = arith.constant 3 : i32
    %dma_wait3A_80 = arith.constant 384 : i32
    %dma_wait3A_81 = arith.constant 0 : i32
    %dma_wait3A_82 = tpu.memref_slice %arg6[%dma_wait3A_80, %dma_wait3A_81] : memref<640x128xf32, #tpu.memory_space<vmem>> -> memref<128x128xf32, #tpu.memory_space<vmem>>
    %dma_wait3A_83 = arith.constant 0 : i32
    %dma_wait3A_84 = tpu.memref_slice %arg5[%dma_wait3A_79, %dma_wait3A_83] : memref<5x128xi32, #tpu.memory_space<vmem>> -> memref<1x128xi32, #tpu.memory_space<vmem>>
    %dma_wait3A_85 = tpu.memref_squeeze %dma_wait3A_84 : memref<1x128xi32, #tpu.memory_space<vmem>> -> memref<128xi32, #tpu.memory_space<vmem>>
    %dma_wait3A_86 = arith.constant 0 : i32
    %dma_wait3A_87 = arith.constant 0 : i32
    %dma_wait3A_88 = tpu.memref_slice %arg2[%dma_wait3A_86, %dma_wait3A_87] : memref<5000x128xf32, #tpu.memory_space<hbm>> -> memref<5000x128xf32, #tpu.memory_space<hbm>>
    tpu.wait_indirect_dma semaphore(%arg7 : memref<!tpu.dma_semaphore, #tpu.memory_space<semaphore_mem>>) src(%dma_wait3A_88 : memref<5000x128xf32, #tpu.memory_space<hbm>>) dst(%dma_wait3A_82 : memref<128x128xf32, #tpu.memory_space<vmem>>)
    %dma_wait3A_89 = arith.constant 4 : i32
    %dma_wait3A_90 = arith.constant 512 : i32
    %dma_wait3A_91 = arith.constant 0 : i32
    %dma_wait3A_92 = tpu.memref_slice %arg6[%dma_wait3A_90, %dma_wait3A_91] : memref<640x128xf32, #tpu.memory_space<vmem>> -> memref<128x128xf32, #tpu.memory_space<vmem>>
    %dma_wait3A_93 = arith.constant 0 : i32
    %dma_wait3A_94 = tpu.memref_slice %arg5[%dma_wait3A_89, %dma_wait3A_93] : memref<5x128xi32, #tpu.memory_space<vmem>> -> memref<1x128xi32, #tpu.memory_space<vmem>>
    %dma_wait3A_95 = tpu.memref_squeeze %dma_wait3A_94 : memref<1x128xi32, #tpu.memory_space<vmem>> -> memref<128xi32, #tpu.memory_space<vmem>>
    %dma_wait3A_96 = arith.constant 0 : i32
    %dma_wait3A_97 = arith.constant 0 : i32
    %dma_wait3A_98 = tpu.memref_slice %arg2[%dma_wait3A_96, %dma_wait3A_97] : memref<5000x128xf32, #tpu.memory_space<hbm>> -> memref<5000x128xf32, #tpu.memory_space<hbm>>
    tpu.wait_indirect_dma semaphore(%arg7 : memref<!tpu.dma_semaphore, #tpu.memory_space<semaphore_mem>>) src(%dma_wait3A_98 : memref<5000x128xf32, #tpu.memory_space<hbm>>) dst(%dma_wait3A_92 : memref<128x128xf32, #tpu.memory_space<vmem>>)
    %mul3A_99 = arith.constant 640 : i32
    %mul3A_100 = arith.muli %add3A, %mul3A_99 : i32
    %add3A_101 = arith.constant 0 : i32
    %add3A_102 = arith.addi %mul3A_100, %add3A_101 : i32
    "tpu.region"() ({
      %run_scoped3A = tpu.sem_alloc : memref<!tpu.dma_semaphore, #tpu.memory_space<semaphore_mem>>
      %dma_start3A_103 = arith.constant 0 : i32
      %dma_start3A_104 = tpu.memref_slice %arg4[%add3A_102, %dma_start3A_103] : memref<20480x128xf32, #tpu.memory_space<hbm>> -> memref<640x128xf32, #tpu.memory_space<hbm>>
      %dma_start3A_105 = arith.constant 0 : i32
      %dma_start3A_106 = tpu.memref_slice %arg4[%add3A_102, %dma_start3A_105] : memref<20480x128xf32, #tpu.memory_space<hbm>> -> memref<640x128xf32, #tpu.memory_space<hbm>>
      tpu.enqueue_dma source(%arg6 : memref<640x128xf32, #tpu.memory_space<vmem>>) target(%dma_start3A_106 : memref<640x128xf32, #tpu.memory_space<hbm>>) target_semaphore(%run_scoped3A : memref<!tpu.dma_semaphore, #tpu.memory_space<semaphore_mem>>)
      %dma_wait3A_107 = arith.constant 0 : i32
      %dma_wait3A_108 = tpu.memref_slice %arg4[%add3A_102, %dma_wait3A_107] : memref<20480x128xf32, #tpu.memory_space<hbm>> -> memref<640x128xf32, #tpu.memory_space<hbm>>
      %dma_wait3A_109 = arith.constant 0 : i32
      %dma_wait3A_110 = tpu.memref_slice %arg4[%add3A_102, %dma_wait3A_109] : memref<20480x128xf32, #tpu.memory_space<hbm>> -> memref<640x128xf32, #tpu.memory_space<hbm>>
      tpu.wait_dma2 semaphore(%run_scoped3A : memref<!tpu.dma_semaphore, #tpu.memory_space<semaphore_mem>>) src(%arg6 : memref<640x128xf32, #tpu.memory_space<vmem>>) dst(%dma_wait3A_110 : memref<640x128xf32, #tpu.memory_space<hbm>>)
      tpu.yield
    }) : () -> ()
    return
  }
}

#map = affine_map<(d0, d1) -> (0, 0)>
#map1 = affine_map<(d0, d1) -> (0, 0, 0)>
module attributes {stable_mosaic.version = 14 : i64} {
  func.func @body(%arg0: i32, %arg1: i32, %arg2: memref<5000x128xf32, #tpu.memory_space<hbm>>, %arg3: memref<32x5x128xi32, #tpu.memory_space<hbm>>, %arg4: memref<20480x128xf32, #tpu.memory_space<hbm>>, %arg5: memref<5x128xi32, #tpu.memory_space<vmem>>, %arg6: memref<640x128xf32, #tpu.memory_space<vmem>>, %arg7: memref<!tpu.dma_semaphore, #tpu.memory_space<semaphore_mem>>) attributes {dimension_semantics = [#tpu.dimension_semantics<core_parallel>, #tpu.dimension_semantics<subcore_parallel>], iteration_bounds = array<i64: 2, 16>, scalar_prefetch = 0 : i64, scratch_operands = 3 : i64, tpu.core_type = #tpu.core_type<sc_vector_subcore>, window_params = [{transform_indices = #map}, {transform_indices = #map1}, {transform_indices = #map}]} {
    %mul3A = arith.constant 2 : i32
    %mul3A_0 = arith.muli %arg1, %mul3A : i32
    %add3A = arith.addi %mul3A_0, %arg0 : i32
    "tpu.region"() ({
      %run_scoped3A = tpu.sem_alloc : memref<!tpu.dma_semaphore, #tpu.memory_space<semaphore_mem>>
      %dma_start3A_103 = arith.constant 0 : i32
      %dma_start3A_104 = arith.constant 0 : i32
      %dma_start3A_105 = tpu.memref_slice %arg3[%add3A, %dma_start3A_103, %dma_start3A_104] : memref<32x5x128xi32, #tpu.memory_space<hbm>> -> memref<1x5x128xi32, #tpu.memory_space<hbm>>
      %dma_start3A_106 = tpu.memref_squeeze %dma_start3A_105 : memref<1x5x128xi32, #tpu.memory_space<hbm>> -> memref<5x128xi32, #tpu.memory_space<hbm>>
      %dma_start3A_107 = arith.constant 0 : i32
      %dma_start3A_108 = arith.constant 0 : i32
      %dma_start3A_109 = tpu.memref_slice %arg3[%add3A, %dma_start3A_107, %dma_start3A_108] : memref<32x5x128xi32, #tpu.memory_space<hbm>> -> memref<1x5x128xi32, #tpu.memory_space<hbm>>
      %dma_start3A_110 = tpu.memref_squeeze %dma_start3A_109 : memref<1x5x128xi32, #tpu.memory_space<hbm>> -> memref<5x128xi32, #tpu.memory_space<hbm>>
      tpu.enqueue_dma source(%dma_start3A_110 : memref<5x128xi32, #tpu.memory_space<hbm>>) target(%arg5 : memref<5x128xi32, #tpu.memory_space<vmem>>) target_semaphore(%run_scoped3A : memref<!tpu.dma_semaphore, #tpu.memory_space<semaphore_mem>>)
      %dma_wait3A_111 = arith.constant 0 : i32
      %dma_wait3A_112 = arith.constant 0 : i32
      %dma_wait3A_113 = tpu.memref_slice %arg3[%add3A, %dma_wait3A_111, %dma_wait3A_112] : memref<32x5x128xi32, #tpu.memory_space<hbm>> -> memref<1x5x128xi32, #tpu.memory_space<hbm>>
      %dma_wait3A_114 = tpu.memref_squeeze %dma_wait3A_113 : memref<1x5x128xi32, #tpu.memory_space<hbm>> -> memref<5x128xi32, #tpu.memory_space<hbm>>
      %dma_wait3A_115 = arith.constant 0 : i32
      %dma_wait3A_116 = arith.constant 0 : i32
      %dma_wait3A_117 = tpu.memref_slice %arg3[%add3A, %dma_wait3A_115, %dma_wait3A_116] : memref<32x5x128xi32, #tpu.memory_space<hbm>> -> memref<1x5x128xi32, #tpu.memory_space<hbm>>
      %dma_wait3A_118 = tpu.memref_squeeze %dma_wait3A_117 : memref<1x5x128xi32, #tpu.memory_space<hbm>> -> memref<5x128xi32, #tpu.memory_space<hbm>>
      tpu.wait_dma2 semaphore(%run_scoped3A : memref<!tpu.dma_semaphore, #tpu.memory_space<semaphore_mem>>) src(%dma_wait3A_118 : memref<5x128xi32, #tpu.memory_space<hbm>>) dst(%arg5 : memref<5x128xi32, #tpu.memory_space<vmem>>)
      tpu.yield
    }) : () -> ()
    %dma_start3A = arith.constant 0 : i32
    %dma_start3A_1 = arith.constant 0 : i32
    %dma_start3A_2 = arith.constant 0 : i32
    %dma_start3A_3 = tpu.memref_slice %arg6[%dma_start3A_1, %dma_start3A_2] : memref<640x128xf32, #tpu.memory_space<vmem>> -> memref<128x128xf32, #tpu.memory_space<vmem>>
    %dma_start3A_4 = arith.constant 0 : i32
    %dma_start3A_5 = tpu.memref_slice %arg5[%dma_start3A, %dma_start3A_4] : memref<5x128xi32, #tpu.memory_space<vmem>> -> memref<1x128xi32, #tpu.memory_space<vmem>>
    %dma_start3A_6 = tpu.memref_squeeze %dma_start3A_5 : memref<1x128xi32, #tpu.memory_space<vmem>> -> memref<128xi32, #tpu.memory_space<vmem>>
    %dma_start3A_7 = arith.constant 0 : i32
    %dma_start3A_8 = arith.constant 0 : i32
    %dma_start3A_9 = tpu.memref_slice %arg2[%dma_start3A_7, %dma_start3A_8] : memref<5000x128xf32, #tpu.memory_space<hbm>> -> memref<5000x128xf32, #tpu.memory_space<hbm>>
    tpu.enqueue_indirect_dma source(%dma_start3A_9 : memref<5000x128xf32, #tpu.memory_space<hbm>>) target(%dma_start3A_3 : memref<128x128xf32, #tpu.memory_space<vmem>>) offsets(%dma_start3A_6 : memref<128xi32, #tpu.memory_space<vmem>>) semaphore(%arg7 : memref<!tpu.dma_semaphore, #tpu.memory_space<semaphore_mem>>)
    %dma_start3A_10 = arith.constant 1 : i32
    %dma_start3A_11 = arith.constant 128 : i32
    %dma_start3A_12 = arith.constant 0 : i32
    %dma_start3A_13 = tpu.memref_slice %arg6[%dma_start3A_11, %dma_start3A_12] : memref<640x128xf32, #tpu.memory_space<vmem>> -> memref<128x128xf32, #tpu.memory_space<vmem>>
    %dma_start3A_14 = arith.constant 0 : i32
    %dma_start3A_15 = tpu.memref_slice %arg5[%dma_start3A_10, %dma_start3A_14] : memref<5x128xi32, #tpu.memory_space<vmem>> -> memref<1x128xi32, #tpu.memory_space<vmem>>
    %dma_start3A_16 = tpu.memref_squeeze %dma_start3A_15 : memref<1x128xi32, #tpu.memory_space<vmem>> -> memref<128xi32, #tpu.memory_space<vmem>>
    %dma_start3A_17 = arith.constant 0 : i32
    %dma_start3A_18 = arith.constant 0 : i32
    %dma_start3A_19 = tpu.memref_slice %arg2[%dma_start3A_17, %dma_start3A_18] : memref<5000x128xf32, #tpu.memory_space<hbm>> -> memref<5000x128xf32, #tpu.memory_space<hbm>>
    tpu.enqueue_indirect_dma source(%dma_start3A_19 : memref<5000x128xf32, #tpu.memory_space<hbm>>) target(%dma_start3A_13 : memref<128x128xf32, #tpu.memory_space<vmem>>) offsets(%dma_start3A_16 : memref<128xi32, #tpu.memory_space<vmem>>) semaphore(%arg7 : memref<!tpu.dma_semaphore, #tpu.memory_space<semaphore_mem>>)
    %dma_start3A_20 = arith.constant 2 : i32
    %dma_start3A_21 = arith.constant 256 : i32
    %dma_start3A_22 = arith.constant 0 : i32
    %dma_start3A_23 = tpu.memref_slice %arg6[%dma_start3A_21, %dma_start3A_22] : memref<640x128xf32, #tpu.memory_space<vmem>> -> memref<128x128xf32, #tpu.memory_space<vmem>>
    %dma_start3A_24 = arith.constant 0 : i32
    %dma_start3A_25 = tpu.memref_slice %arg5[%dma_start3A_20, %dma_start3A_24] : memref<5x128xi32, #tpu.memory_space<vmem>> -> memref<1x128xi32, #tpu.memory_space<vmem>>
    %dma_start3A_26 = tpu.memref_squeeze %dma_start3A_25 : memref<1x128xi32, #tpu.memory_space<vmem>> -> memref<128xi32, #tpu.memory_space<vmem>>
    %dma_start3A_27 = arith.constant 0 : i32
    %dma_start3A_28 = arith.constant 0 : i32
    %dma_start3A_29 = tpu.memref_slice %arg2[%dma_start3A_27, %dma_start3A_28] : memref<5000x128xf32, #tpu.memory_space<hbm>> -> memref<5000x128xf32, #tpu.memory_space<hbm>>
    tpu.enqueue_indirect_dma source(%dma_start3A_29 : memref<5000x128xf32, #tpu.memory_space<hbm>>) target(%dma_start3A_23 : memref<128x128xf32, #tpu.memory_space<vmem>>) offsets(%dma_start3A_26 : memref<128xi32, #tpu.memory_space<vmem>>) semaphore(%arg7 : memref<!tpu.dma_semaphore, #tpu.memory_space<semaphore_mem>>)
    %dma_start3A_30 = arith.constant 3 : i32
    %dma_start3A_31 = arith.constant 384 : i32
    %dma_start3A_32 = arith.constant 0 : i32
    %dma_start3A_33 = tpu.memref_slice %arg6[%dma_start3A_31, %dma_start3A_32] : memref<640x128xf32, #tpu.memory_space<vmem>> -> memref<128x128xf32, #tpu.memory_space<vmem>>
    %dma_start3A_34 = arith.constant 0 : i32
    %dma_start3A_35 = tpu.memref_slice %arg5[%dma_start3A_30, %dma_start3A_34] : memref<5x128xi32, #tpu.memory_space<vmem>> -> memref<1x128xi32, #tpu.memory_space<vmem>>
    %dma_start3A_36 = tpu.memref_squeeze %dma_start3A_35 : memref<1x128xi32, #tpu.memory_space<vmem>> -> memref<128xi32, #tpu.memory_space<vmem>>
    %dma_start3A_37 = arith.constant 0 : i32
    %dma_start3A_38 = arith.constant 0 : i32
    %dma_start3A_39 = tpu.memref_slice %arg2[%dma_start3A_37, %dma_start3A_38] : memref<5000x128xf32, #tpu.memory_space<hbm>> -> memref<5000x128xf32, #tpu.memory_space<hbm>>
    tpu.enqueue_indirect_dma source(%dma_start3A_39 : memref<5000x128xf32, #tpu.memory_space<hbm>>) target(%dma_start3A_33 : memref<128x128xf32, #tpu.memory_space<vmem>>) offsets(%dma_start3A_36 : memref<128xi32, #tpu.memory_space<vmem>>) semaphore(%arg7 : memref<!tpu.dma_semaphore, #tpu.memory_space<semaphore_mem>>)
    %dma_start3A_40 = arith.constant 4 : i32
    %dma_start3A_41 = arith.constant 512 : i32
    %dma_start3A_42 = arith.constant 0 : i32
    %dma_start3A_43 = tpu.memref_slice %arg6[%dma_start3A_41, %dma_start3A_42] : memref<640x128xf32, #tpu.memory_space<vmem>> -> memref<128x128xf32, #tpu.memory_space<vmem>>
    %dma_start3A_44 = arith.constant 0 : i32
    %dma_start3A_45 = tpu.memref_slice %arg5[%dma_start3A_40, %dma_start3A_44] : memref<5x128xi32, #tpu.memory_space<vmem>> -> memref<1x128xi32, #tpu.memory_space<vmem>>
    %dma_start3A_46 = tpu.memref_squeeze %dma_start3A_45 : memref<1x128xi32, #tpu.memory_space<vmem>> -> memref<128xi32, #tpu.memory_space<vmem>>
    %dma_start3A_47 = arith.constant 0 : i32
    %dma_start3A_48 = arith.constant 0 : i32
    %dma_start3A_49 = tpu.memref_slice %arg2[%dma_start3A_47, %dma_start3A_48] : memref<5000x128xf32, #tpu.memory_space<hbm>> -> memref<5000x128xf32, #tpu.memory_space<hbm>>
    tpu.enqueue_indirect_dma source(%dma_start3A_49 : memref<5000x128xf32, #tpu.memory_space<hbm>>) target(%dma_start3A_43 : memref<128x128xf32, #tpu.memory_space<vmem>>) offsets(%dma_start3A_46 : memref<128xi32, #tpu.memory_space<vmem>>) semaphore(%arg7 : memref<!tpu.dma_semaphore, #tpu.memory_space<semaphore_mem>>)
    %dma_wait3A = arith.constant 0 : i32
    %dma_wait3A_50 = arith.constant 0 : i32
    %dma_wait3A_51 = arith.constant 0 : i32
    %dma_wait3A_52 = tpu.memref_slice %arg6[%dma_wait3A_50, %dma_wait3A_51] : memref<640x128xf32, #tpu.memory_space<vmem>> -> memref<128x128xf32, #tpu.memory_space<vmem>>
    %dma_wait3A_53 = arith.constant 0 : i32
    %dma_wait3A_54 = tpu.memref_slice %arg5[%dma_wait3A, %dma_wait3A_53] : memref<5x128xi32, #tpu.memory_space<vmem>> -> memref<1x128xi32, #tpu.memory_space<vmem>>
    %dma_wait3A_55 = tpu.memref_squeeze %dma_wait3A_54 : memref<1x128xi32, #tpu.memory_space<vmem>> -> memref<128xi32, #tpu.memory_space<vmem>>
    %dma_wait3A_56 = arith.constant 0 : i32
    %dma_wait3A_57 = arith.constant 0 : i32
    %dma_wait3A_58 = tpu.memref_slice %arg2[%dma_wait3A_56, %dma_wait3A_57] : memref<5000x128xf32, #tpu.memory_space<hbm>> -> memref<5000x128xf32, #tpu.memory_space<hbm>>
    tpu.wait_indirect_dma semaphore(%arg7 : memref<!tpu.dma_semaphore, #tpu.memory_space<semaphore_mem>>) src(%dma_wait3A_58 : memref<5000x128xf32, #tpu.memory_space<hbm>>) dst(%dma_wait3A_52 : memref<128x128xf32, #tpu.memory_space<vmem>>)
    %dma_wait3A_59 = arith.constant 1 : i32
    %dma_wait3A_60 = arith.constant 128 : i32
    %dma_wait3A_61 = arith.constant 0 : i32
    %dma_wait3A_62 = tpu.memref_slice %arg6[%dma_wait3A_60, %dma_wait3A_61] : memref<640x128xf32, #tpu.memory_space<vmem>> -> memref<128x128xf32, #tpu.memory_space<vmem>>
    %dma_wait3A_63 = arith.constant 0 : i32
    %dma_wait3A_64 = tpu.memref_slice %arg5[%dma_wait3A_59, %dma_wait3A_63] : memref<5x128xi32, #tpu.memory_space<vmem>> -> memref<1x128xi32, #tpu.memory_space<vmem>>
    %dma_wait3A_65 = tpu.memref_squeeze %dma_wait3A_64 : memref<1x128xi32, #tpu.memory_space<vmem>> -> memref<128xi32, #tpu.memory_space<vmem>>
    %dma_wait3A_66 = arith.constant 0 : i32
    %dma_wait3A_67 = arith.constant 0 : i32
    %dma_wait3A_68 = tpu.memref_slice %arg2[%dma_wait3A_66, %dma_wait3A_67] : memref<5000x128xf32, #tpu.memory_space<hbm>> -> memref<5000x128xf32, #tpu.memory_space<hbm>>
    tpu.wait_indirect_dma semaphore(%arg7 : memref<!tpu.dma_semaphore, #tpu.memory_space<semaphore_mem>>) src(%dma_wait3A_68 : memref<5000x128xf32, #tpu.memory_space<hbm>>) dst(%dma_wait3A_62 : memref<128x128xf32, #tpu.memory_space<vmem>>)
    %dma_wait3A_69 = arith.constant 2 : i32
    %dma_wait3A_70 = arith.constant 256 : i32
    %dma_wait3A_71 = arith.constant 0 : i32
    %dma_wait3A_72 = tpu.memref_slice %arg6[%dma_wait3A_70, %dma_wait3A_71] : memref<640x128xf32, #tpu.memory_space<vmem>> -> memref<128x128xf32, #tpu.memory_space<vmem>>
    %dma_wait3A_73 = arith.constant 0 : i32
    %dma_wait3A_74 = tpu.memref_slice %arg5[%dma_wait3A_69, %dma_wait3A_73] : memref<5x128xi32, #tpu.memory_space<vmem>> -> memref<1x128xi32, #tpu.memory_space<vmem>>
    %dma_wait3A_75 = tpu.memref_squeeze %dma_wait3A_74 : memref<1x128xi32, #tpu.memory_space<vmem>> -> memref<128xi32, #tpu.memory_space<vmem>>
    %dma_wait3A_76 = arith.constant 0 : i32
    %dma_wait3A_77 = arith.constant 0 : i32
    %dma_wait3A_78 = tpu.memref_slice %arg2[%dma_wait3A_76, %dma_wait3A_77] : memref<5000x128xf32, #tpu.memory_space<hbm>> -> memref<5000x128xf32, #tpu.memory_space<hbm>>
    tpu.wait_indirect_dma semaphore(%arg7 : memref<!tpu.dma_semaphore, #tpu.memory_space<semaphore_mem>>) src(%dma_wait3A_78 : memref<5000x128xf32, #tpu.memory_space<hbm>>) dst(%dma_wait3A_72 : memref<128x128xf32, #tpu.memory_space<vmem>>)
    %dma_wait3A_79 = arith.constant 3 : i32
    %dma_wait3A_80 = arith.constant 384 : i32
    %dma_wait3A_81 = arith.constant 0 : i32
    %dma_wait3A_82 = tpu.memref_slice %arg6[%dma_wait3A_80, %dma_wait3A_81] : memref<640x128xf32, #tpu.memory_space<vmem>> -> memref<128x128xf32, #tpu.memory_space<vmem>>
    %dma_wait3A_83 = arith.constant 0 : i32
    %dma_wait3A_84 = tpu.memref_slice %arg5[%dma_wait3A_79, %dma_wait3A_83] : memref<5x128xi32, #tpu.memory_space<vmem>> -> memref<1x128xi32, #tpu.memory_space<vmem>>
    %dma_wait3A_85 = tpu.memref_squeeze %dma_wait3A_84 : memref<1x128xi32, #tpu.memory_space<vmem>> -> memref<128xi32, #tpu.memory_space<vmem>>
    %dma_wait3A_86 = arith.constant 0 : i32
    %dma_wait3A_87 = arith.constant 0 : i32
    %dma_wait3A_88 = tpu.memref_slice %arg2[%dma_wait3A_86, %dma_wait3A_87] : memref<5000x128xf32, #tpu.memory_space<hbm>> -> memref<5000x128xf32, #tpu.memory_space<hbm>>
    tpu.wait_indirect_dma semaphore(%arg7 : memref<!tpu.dma_semaphore, #tpu.memory_space<semaphore_mem>>) src(%dma_wait3A_88 : memref<5000x128xf32, #tpu.memory_space<hbm>>) dst(%dma_wait3A_82 : memref<128x128xf32, #tpu.memory_space<vmem>>)
    %dma_wait3A_89 = arith.constant 4 : i32
    %dma_wait3A_90 = arith.constant 512 : i32
    %dma_wait3A_91 = arith.constant 0 : i32
    %dma_wait3A_92 = tpu.memref_slice %arg6[%dma_wait3A_90, %dma_wait3A_91] : memref<640x128xf32, #tpu.memory_space<vmem>> -> memref<128x128xf32, #tpu.memory_space<vmem>>
    %dma_wait3A_93 = arith.constant 0 : i32
    %dma_wait3A_94 = tpu.memref_slice %arg5[%dma_wait3A_89, %dma_wait3A_93] : memref<5x128xi32, #tpu.memory_space<vmem>> -> memref<1x128xi32, #tpu.memory_space<vmem>>
    %dma_wait3A_95 = tpu.memref_squeeze %dma_wait3A_94 : memref<1x128xi32, #tpu.memory_space<vmem>> -> memref<128xi32, #tpu.memory_space<vmem>>
    %dma_wait3A_96 = arith.constant 0 : i32
    %dma_wait3A_97 = arith.constant 0 : i32
    %dma_wait3A_98 = tpu.memref_slice %arg2[%dma_wait3A_96, %dma_wait3A_97] : memref<5000x128xf32, #tpu.memory_space<hbm>> -> memref<5000x128xf32, #tpu.memory_space<hbm>>
    tpu.wait_indirect_dma semaphore(%arg7 : memref<!tpu.dma_semaphore, #tpu.memory_space<semaphore_mem>>) src(%dma_wait3A_98 : memref<5000x128xf32, #tpu.memory_space<hbm>>) dst(%dma_wait3A_92 : memref<128x128xf32, #tpu.memory_space<vmem>>)
    %mul3A_99 = arith.constant 640 : i32
    %mul3A_100 = arith.muli %add3A, %mul3A_99 : i32
    %add3A_101 = arith.constant 0 : i32
    %add3A_102 = arith.addi %mul3A_100, %add3A_101 : i32
    "tpu.region"() ({
      %run_scoped3A = tpu.sem_alloc : memref<!tpu.dma_semaphore, #tpu.memory_space<semaphore_mem>>
      %dma_start3A_103 = arith.constant 0 : i32
      %dma_start3A_104 = tpu.memref_slice %arg4[%add3A_102, %dma_start3A_103] : memref<20480x128xf32, #tpu.memory_space<hbm>> -> memref<640x128xf32, #tpu.memory_space<hbm>>
      %dma_start3A_105 = arith.constant 0 : i32
      %dma_start3A_106 = tpu.memref_slice %arg4[%add3A_102, %dma_start3A_105] : memref<20480x128xf32, #tpu.memory_space<hbm>> -> memref<640x128xf32, #tpu.memory_space<hbm>>
      tpu.enqueue_dma source(%arg6 : memref<640x128xf32, #tpu.memory_space<vmem>>) target(%dma_start3A_106 : memref<640x128xf32, #tpu.memory_space<hbm>>) target_semaphore(%run_scoped3A : memref<!tpu.dma_semaphore, #tpu.memory_space<semaphore_mem>>)
      %dma_wait3A_107 = arith.constant 0 : i32
      %dma_wait3A_108 = tpu.memref_slice %arg4[%add3A_102, %dma_wait3A_107] : memref<20480x128xf32, #tpu.memory_space<hbm>> -> memref<640x128xf32, #tpu.memory_space<hbm>>
      %dma_wait3A_109 = arith.constant 0 : i32
      %dma_wait3A_110 = tpu.memref_slice %arg4[%add3A_102, %dma_wait3A_109] : memref<20480x128xf32, #tpu.memory_space<hbm>> -> memref<640x128xf32, #tpu.memory_space<hbm>>
      tpu.wait_dma2 semaphore(%run_scoped3A : memref<!tpu.dma_semaphore, #tpu.memory_space<semaphore_mem>>) src(%arg6 : memref<640x128xf32, #tpu.memory_space<vmem>>) dst(%dma_wait3A_110 : memref<640x128xf32, #tpu.memory_space<hbm>>)
      tpu.yield
    }) : () -> ()
    return
  }
}

#map = affine_map<(d0, d1) -> (0, 0)>
#map1 = affine_map<(d0, d1) -> (0, 0, 0)>
module attributes {stable_mosaic.version = 14 : i64} {
  func.func @body(%arg0: i32, %arg1: i32, %arg2: memref<5000x128xf32, #tpu.memory_space<hbm>>, %arg3: memref<32x5x128xi32, #tpu.memory_space<hbm>>, %arg4: memref<20480x128xf32, #tpu.memory_space<hbm>>, %arg5: memref<5x128xi32, #tpu.memory_space<vmem>>, %arg6: memref<640x128xf32, #tpu.memory_space<vmem>>, %arg7: memref<!tpu.dma_semaphore, #tpu.memory_space<semaphore_mem>>) attributes {dimension_semantics = [#tpu.dimension_semantics<core_parallel>, #tpu.dimension_semantics<subcore_parallel>], iteration_bounds = array<i64: 2, 16>, scalar_prefetch = 0 : i64, scratch_operands = 3 : i64, tpu.core_type = #tpu.core_type<sc_vector_subcore>, window_params = [{transform_indices = #map}, {transform_indices = #map1}, {transform_indices = #map}]} {
    %mul3A = arith.constant 2 : i32
    %mul3A_0 = arith.muli %arg1, %mul3A : i32
    %add3A = arith.addi %mul3A_0, %arg0 : i32
    "tpu.region"() ({
      %run_scoped3A = tpu.sem_alloc : memref<!tpu.dma_semaphore, #tpu.memory_space<semaphore_mem>>
      %dma_start3A_103 = arith.constant 0 : i32
      %dma_start3A_104 = arith.constant 0 : i32
      %dma_start3A_105 = tpu.memref_slice %arg3[%add3A, %dma_start3A_103, %dma_start3A_104] : memref<32x5x128xi32, #tpu.memory_space<hbm>> -> memref<1x5x128xi32, #tpu.memory_space<hbm>>
      %dma_start3A_106 = tpu.memref_squeeze %dma_start3A_105 : memref<1x5x128xi32, #tpu.memory_space<hbm>> -> memref<5x128xi32, #tpu.memory_space<hbm>>
      %dma_start3A_107 = arith.constant 0 : i32
      %dma_start3A_108 = arith.constant 0 : i32
      %dma_start3A_109 = tpu.memref_slice %arg3[%add3A, %dma_start3A_107, %dma_start3A_108] : memref<32x5x128xi32, #tpu.memory_space<hbm>> -> memref<1x5x128xi32, #tpu.memory_space<hbm>>
      %dma_start3A_110 = tpu.memref_squeeze %dma_start3A_109 : memref<1x5x128xi32, #tpu.memory_space<hbm>> -> memref<5x128xi32, #tpu.memory_space<hbm>>
      tpu.enqueue_dma source(%dma_start3A_110 : memref<5x128xi32, #tpu.memory_space<hbm>>) target(%arg5 : memref<5x128xi32, #tpu.memory_space<vmem>>) target_semaphore(%run_scoped3A : memref<!tpu.dma_semaphore, #tpu.memory_space<semaphore_mem>>)
      %dma_wait3A_111 = arith.constant 0 : i32
      %dma_wait3A_112 = arith.constant 0 : i32
      %dma_wait3A_113 = tpu.memref_slice %arg3[%add3A, %dma_wait3A_111, %dma_wait3A_112] : memref<32x5x128xi32, #tpu.memory_space<hbm>> -> memref<1x5x128xi32, #tpu.memory_space<hbm>>
      %dma_wait3A_114 = tpu.memref_squeeze %dma_wait3A_113 : memref<1x5x128xi32, #tpu.memory_space<hbm>> -> memref<5x128xi32, #tpu.memory_space<hbm>>
      %dma_wait3A_115 = arith.constant 0 : i32
      %dma_wait3A_116 = arith.constant 0 : i32
      %dma_wait3A_117 = tpu.memref_slice %arg3[%add3A, %dma_wait3A_115, %dma_wait3A_116] : memref<32x5x128xi32, #tpu.memory_space<hbm>> -> memref<1x5x128xi32, #tpu.memory_space<hbm>>
      %dma_wait3A_118 = tpu.memref_squeeze %dma_wait3A_117 : memref<1x5x128xi32, #tpu.memory_space<hbm>> -> memref<5x128xi32, #tpu.memory_space<hbm>>
      tpu.wait_dma2 semaphore(%run_scoped3A : memref<!tpu.dma_semaphore, #tpu.memory_space<semaphore_mem>>) src(%dma_wait3A_118 : memref<5x128xi32, #tpu.memory_space<hbm>>) dst(%arg5 : memref<5x128xi32, #tpu.memory_space<vmem>>)
      tpu.yield
    }) : () -> ()
    %dma_start3A = arith.constant 0 : i32
    %dma_start3A_1 = arith.constant 0 : i32
    %dma_start3A_2 = arith.constant 0 : i32
    %dma_start3A_3 = tpu.memref_slice %arg6[%dma_start3A_1, %dma_start3A_2] : memref<640x128xf32, #tpu.memory_space<vmem>> -> memref<128x128xf32, #tpu.memory_space<vmem>>
    %dma_start3A_4 = arith.constant 0 : i32
    %dma_start3A_5 = tpu.memref_slice %arg5[%dma_start3A, %dma_start3A_4] : memref<5x128xi32, #tpu.memory_space<vmem>> -> memref<1x128xi32, #tpu.memory_space<vmem>>
    %dma_start3A_6 = tpu.memref_squeeze %dma_start3A_5 : memref<1x128xi32, #tpu.memory_space<vmem>> -> memref<128xi32, #tpu.memory_space<vmem>>
    %dma_start3A_7 = arith.constant 0 : i32
    %dma_start3A_8 = arith.constant 0 : i32
    %dma_start3A_9 = tpu.memref_slice %arg2[%dma_start3A_7, %dma_start3A_8] : memref<5000x128xf32, #tpu.memory_space<hbm>> -> memref<5000x128xf32, #tpu.memory_space<hbm>>
    tpu.enqueue_indirect_dma source(%dma_start3A_9 : memref<5000x128xf32, #tpu.memory_space<hbm>>) target(%dma_start3A_3 : memref<128x128xf32, #tpu.memory_space<vmem>>) offsets(%dma_start3A_6 : memref<128xi32, #tpu.memory_space<vmem>>) semaphore(%arg7 : memref<!tpu.dma_semaphore, #tpu.memory_space<semaphore_mem>>)
    %dma_start3A_10 = arith.constant 1 : i32
    %dma_start3A_11 = arith.constant 128 : i32
    %dma_start3A_12 = arith.constant 0 : i32
    %dma_start3A_13 = tpu.memref_slice %arg6[%dma_start3A_11, %dma_start3A_12] : memref<640x128xf32, #tpu.memory_space<vmem>> -> memref<128x128xf32, #tpu.memory_space<vmem>>
    %dma_start3A_14 = arith.constant 0 : i32
    %dma_start3A_15 = tpu.memref_slice %arg5[%dma_start3A_10, %dma_start3A_14] : memref<5x128xi32, #tpu.memory_space<vmem>> -> memref<1x128xi32, #tpu.memory_space<vmem>>
    %dma_start3A_16 = tpu.memref_squeeze %dma_start3A_15 : memref<1x128xi32, #tpu.memory_space<vmem>> -> memref<128xi32, #tpu.memory_space<vmem>>
    %dma_start3A_17 = arith.constant 0 : i32
    %dma_start3A_18 = arith.constant 0 : i32
    %dma_start3A_19 = tpu.memref_slice %arg2[%dma_start3A_17, %dma_start3A_18] : memref<5000x128xf32, #tpu.memory_space<hbm>> -> memref<5000x128xf32, #tpu.memory_space<hbm>>
    tpu.enqueue_indirect_dma source(%dma_start3A_19 : memref<5000x128xf32, #tpu.memory_space<hbm>>) target(%dma_start3A_13 : memref<128x128xf32, #tpu.memory_space<vmem>>) offsets(%dma_start3A_16 : memref<128xi32, #tpu.memory_space<vmem>>) semaphore(%arg7 : memref<!tpu.dma_semaphore, #tpu.memory_space<semaphore_mem>>)
    %dma_start3A_20 = arith.constant 2 : i32
    %dma_start3A_21 = arith.constant 256 : i32
    %dma_start3A_22 = arith.constant 0 : i32
    %dma_start3A_23 = tpu.memref_slice %arg6[%dma_start3A_21, %dma_start3A_22] : memref<640x128xf32, #tpu.memory_space<vmem>> -> memref<128x128xf32, #tpu.memory_space<vmem>>
    %dma_start3A_24 = arith.constant 0 : i32
    %dma_start3A_25 = tpu.memref_slice %arg5[%dma_start3A_20, %dma_start3A_24] : memref<5x128xi32, #tpu.memory_space<vmem>> -> memref<1x128xi32, #tpu.memory_space<vmem>>
    %dma_start3A_26 = tpu.memref_squeeze %dma_start3A_25 : memref<1x128xi32, #tpu.memory_space<vmem>> -> memref<128xi32, #tpu.memory_space<vmem>>
    %dma_start3A_27 = arith.constant 0 : i32
    %dma_start3A_28 = arith.constant 0 : i32
    %dma_start3A_29 = tpu.memref_slice %arg2[%dma_start3A_27, %dma_start3A_28] : memref<5000x128xf32, #tpu.memory_space<hbm>> -> memref<5000x128xf32, #tpu.memory_space<hbm>>
    tpu.enqueue_indirect_dma source(%dma_start3A_29 : memref<5000x128xf32, #tpu.memory_space<hbm>>) target(%dma_start3A_23 : memref<128x128xf32, #tpu.memory_space<vmem>>) offsets(%dma_start3A_26 : memref<128xi32, #tpu.memory_space<vmem>>) semaphore(%arg7 : memref<!tpu.dma_semaphore, #tpu.memory_space<semaphore_mem>>)
    %dma_start3A_30 = arith.constant 3 : i32
    %dma_start3A_31 = arith.constant 384 : i32
    %dma_start3A_32 = arith.constant 0 : i32
    %dma_start3A_33 = tpu.memref_slice %arg6[%dma_start3A_31, %dma_start3A_32] : memref<640x128xf32, #tpu.memory_space<vmem>> -> memref<128x128xf32, #tpu.memory_space<vmem>>
    %dma_start3A_34 = arith.constant 0 : i32
    %dma_start3A_35 = tpu.memref_slice %arg5[%dma_start3A_30, %dma_start3A_34] : memref<5x128xi32, #tpu.memory_space<vmem>> -> memref<1x128xi32, #tpu.memory_space<vmem>>
    %dma_start3A_36 = tpu.memref_squeeze %dma_start3A_35 : memref<1x128xi32, #tpu.memory_space<vmem>> -> memref<128xi32, #tpu.memory_space<vmem>>
    %dma_start3A_37 = arith.constant 0 : i32
    %dma_start3A_38 = arith.constant 0 : i32
    %dma_start3A_39 = tpu.memref_slice %arg2[%dma_start3A_37, %dma_start3A_38] : memref<5000x128xf32, #tpu.memory_space<hbm>> -> memref<5000x128xf32, #tpu.memory_space<hbm>>
    tpu.enqueue_indirect_dma source(%dma_start3A_39 : memref<5000x128xf32, #tpu.memory_space<hbm>>) target(%dma_start3A_33 : memref<128x128xf32, #tpu.memory_space<vmem>>) offsets(%dma_start3A_36 : memref<128xi32, #tpu.memory_space<vmem>>) semaphore(%arg7 : memref<!tpu.dma_semaphore, #tpu.memory_space<semaphore_mem>>)
    %dma_start3A_40 = arith.constant 4 : i32
    %dma_start3A_41 = arith.constant 512 : i32
    %dma_start3A_42 = arith.constant 0 : i32
    %dma_start3A_43 = tpu.memref_slice %arg6[%dma_start3A_41, %dma_start3A_42] : memref<640x128xf32, #tpu.memory_space<vmem>> -> memref<128x128xf32, #tpu.memory_space<vmem>>
    %dma_start3A_44 = arith.constant 0 : i32
    %dma_start3A_45 = tpu.memref_slice %arg5[%dma_start3A_40, %dma_start3A_44] : memref<5x128xi32, #tpu.memory_space<vmem>> -> memref<1x128xi32, #tpu.memory_space<vmem>>
    %dma_start3A_46 = tpu.memref_squeeze %dma_start3A_45 : memref<1x128xi32, #tpu.memory_space<vmem>> -> memref<128xi32, #tpu.memory_space<vmem>>
    %dma_start3A_47 = arith.constant 0 : i32
    %dma_start3A_48 = arith.constant 0 : i32
    %dma_start3A_49 = tpu.memref_slice %arg2[%dma_start3A_47, %dma_start3A_48] : memref<5000x128xf32, #tpu.memory_space<hbm>> -> memref<5000x128xf32, #tpu.memory_space<hbm>>
    tpu.enqueue_indirect_dma source(%dma_start3A_49 : memref<5000x128xf32, #tpu.memory_space<hbm>>) target(%dma_start3A_43 : memref<128x128xf32, #tpu.memory_space<vmem>>) offsets(%dma_start3A_46 : memref<128xi32, #tpu.memory_space<vmem>>) semaphore(%arg7 : memref<!tpu.dma_semaphore, #tpu.memory_space<semaphore_mem>>)
    %dma_wait3A = arith.constant 0 : i32
    %dma_wait3A_50 = arith.constant 0 : i32
    %dma_wait3A_51 = arith.constant 0 : i32
    %dma_wait3A_52 = tpu.memref_slice %arg6[%dma_wait3A_50, %dma_wait3A_51] : memref<640x128xf32, #tpu.memory_space<vmem>> -> memref<128x128xf32, #tpu.memory_space<vmem>>
    %dma_wait3A_53 = arith.constant 0 : i32
    %dma_wait3A_54 = tpu.memref_slice %arg5[%dma_wait3A, %dma_wait3A_53] : memref<5x128xi32, #tpu.memory_space<vmem>> -> memref<1x128xi32, #tpu.memory_space<vmem>>
    %dma_wait3A_55 = tpu.memref_squeeze %dma_wait3A_54 : memref<1x128xi32, #tpu.memory_space<vmem>> -> memref<128xi32, #tpu.memory_space<vmem>>
    %dma_wait3A_56 = arith.constant 0 : i32
    %dma_wait3A_57 = arith.constant 0 : i32
    %dma_wait3A_58 = tpu.memref_slice %arg2[%dma_wait3A_56, %dma_wait3A_57] : memref<5000x128xf32, #tpu.memory_space<hbm>> -> memref<5000x128xf32, #tpu.memory_space<hbm>>
    tpu.wait_indirect_dma semaphore(%arg7 : memref<!tpu.dma_semaphore, #tpu.memory_space<semaphore_mem>>) src(%dma_wait3A_58 : memref<5000x128xf32, #tpu.memory_space<hbm>>) dst(%dma_wait3A_52 : memref<128x128xf32, #tpu.memory_space<vmem>>)
    %dma_wait3A_59 = arith.constant 1 : i32
    %dma_wait3A_60 = arith.constant 128 : i32
    %dma_wait3A_61 = arith.constant 0 : i32
    %dma_wait3A_62 = tpu.memref_slice %arg6[%dma_wait3A_60, %dma_wait3A_61] : memref<640x128xf32, #tpu.memory_space<vmem>> -> memref<128x128xf32, #tpu.memory_space<vmem>>
    %dma_wait3A_63 = arith.constant 0 : i32
    %dma_wait3A_64 = tpu.memref_slice %arg5[%dma_wait3A_59, %dma_wait3A_63] : memref<5x128xi32, #tpu.memory_space<vmem>> -> memref<1x128xi32, #tpu.memory_space<vmem>>
    %dma_wait3A_65 = tpu.memref_squeeze %dma_wait3A_64 : memref<1x128xi32, #tpu.memory_space<vmem>> -> memref<128xi32, #tpu.memory_space<vmem>>
    %dma_wait3A_66 = arith.constant 0 : i32
    %dma_wait3A_67 = arith.constant 0 : i32
    %dma_wait3A_68 = tpu.memref_slice %arg2[%dma_wait3A_66, %dma_wait3A_67] : memref<5000x128xf32, #tpu.memory_space<hbm>> -> memref<5000x128xf32, #tpu.memory_space<hbm>>
    tpu.wait_indirect_dma semaphore(%arg7 : memref<!tpu.dma_semaphore, #tpu.memory_space<semaphore_mem>>) src(%dma_wait3A_68 : memref<5000x128xf32, #tpu.memory_space<hbm>>) dst(%dma_wait3A_62 : memref<128x128xf32, #tpu.memory_space<vmem>>)
    %dma_wait3A_69 = arith.constant 2 : i32
    %dma_wait3A_70 = arith.constant 256 : i32
    %dma_wait3A_71 = arith.constant 0 : i32
    %dma_wait3A_72 = tpu.memref_slice %arg6[%dma_wait3A_70, %dma_wait3A_71] : memref<640x128xf32, #tpu.memory_space<vmem>> -> memref<128x128xf32, #tpu.memory_space<vmem>>
    %dma_wait3A_73 = arith.constant 0 : i32
    %dma_wait3A_74 = tpu.memref_slice %arg5[%dma_wait3A_69, %dma_wait3A_73] : memref<5x128xi32, #tpu.memory_space<vmem>> -> memref<1x128xi32, #tpu.memory_space<vmem>>
    %dma_wait3A_75 = tpu.memref_squeeze %dma_wait3A_74 : memref<1x128xi32, #tpu.memory_space<vmem>> -> memref<128xi32, #tpu.memory_space<vmem>>
    %dma_wait3A_76 = arith.constant 0 : i32
    %dma_wait3A_77 = arith.constant 0 : i32
    %dma_wait3A_78 = tpu.memref_slice %arg2[%dma_wait3A_76, %dma_wait3A_77] : memref<5000x128xf32, #tpu.memory_space<hbm>> -> memref<5000x128xf32, #tpu.memory_space<hbm>>
    tpu.wait_indirect_dma semaphore(%arg7 : memref<!tpu.dma_semaphore, #tpu.memory_space<semaphore_mem>>) src(%dma_wait3A_78 : memref<5000x128xf32, #tpu.memory_space<hbm>>) dst(%dma_wait3A_72 : memref<128x128xf32, #tpu.memory_space<vmem>>)
    %dma_wait3A_79 = arith.constant 3 : i32
    %dma_wait3A_80 = arith.constant 384 : i32
    %dma_wait3A_81 = arith.constant 0 : i32
    %dma_wait3A_82 = tpu.memref_slice %arg6[%dma_wait3A_80, %dma_wait3A_81] : memref<640x128xf32, #tpu.memory_space<vmem>> -> memref<128x128xf32, #tpu.memory_space<vmem>>
    %dma_wait3A_83 = arith.constant 0 : i32
    %dma_wait3A_84 = tpu.memref_slice %arg5[%dma_wait3A_79, %dma_wait3A_83] : memref<5x128xi32, #tpu.memory_space<vmem>> -> memref<1x128xi32, #tpu.memory_space<vmem>>
    %dma_wait3A_85 = tpu.memref_squeeze %dma_wait3A_84 : memref<1x128xi32, #tpu.memory_space<vmem>> -> memref<128xi32, #tpu.memory_space<vmem>>
    %dma_wait3A_86 = arith.constant 0 : i32
    %dma_wait3A_87 = arith.constant 0 : i32
    %dma_wait3A_88 = tpu.memref_slice %arg2[%dma_wait3A_86, %dma_wait3A_87] : memref<5000x128xf32, #tpu.memory_space<hbm>> -> memref<5000x128xf32, #tpu.memory_space<hbm>>
    tpu.wait_indirect_dma semaphore(%arg7 : memref<!tpu.dma_semaphore, #tpu.memory_space<semaphore_mem>>) src(%dma_wait3A_88 : memref<5000x128xf32, #tpu.memory_space<hbm>>) dst(%dma_wait3A_82 : memref<128x128xf32, #tpu.memory_space<vmem>>)
    %dma_wait3A_89 = arith.constant 4 : i32
    %dma_wait3A_90 = arith.constant 512 : i32
    %dma_wait3A_91 = arith.constant 0 : i32
    %dma_wait3A_92 = tpu.memref_slice %arg6[%dma_wait3A_90, %dma_wait3A_91] : memref<640x128xf32, #tpu.memory_space<vmem>> -> memref<128x128xf32, #tpu.memory_space<vmem>>
    %dma_wait3A_93 = arith.constant 0 : i32
    %dma_wait3A_94 = tpu.memref_slice %arg5[%dma_wait3A_89, %dma_wait3A_93] : memref<5x128xi32, #tpu.memory_space<vmem>> -> memref<1x128xi32, #tpu.memory_space<vmem>>
    %dma_wait3A_95 = tpu.memref_squeeze %dma_wait3A_94 : memref<1x128xi32, #tpu.memory_space<vmem>> -> memref<128xi32, #tpu.memory_space<vmem>>
    %dma_wait3A_96 = arith.constant 0 : i32
    %dma_wait3A_97 = arith.constant 0 : i32
    %dma_wait3A_98 = tpu.memref_slice %arg2[%dma_wait3A_96, %dma_wait3A_97] : memref<5000x128xf32, #tpu.memory_space<hbm>> -> memref<5000x128xf32, #tpu.memory_space<hbm>>
    tpu.wait_indirect_dma semaphore(%arg7 : memref<!tpu.dma_semaphore, #tpu.memory_space<semaphore_mem>>) src(%dma_wait3A_98 : memref<5000x128xf32, #tpu.memory_space<hbm>>) dst(%dma_wait3A_92 : memref<128x128xf32, #tpu.memory_space<vmem>>)
    %mul3A_99 = arith.constant 640 : i32
    %mul3A_100 = arith.muli %add3A, %mul3A_99 : i32
    %add3A_101 = arith.constant 0 : i32
    %add3A_102 = arith.addi %mul3A_100, %add3A_101 : i32
    "tpu.region"() ({
      %run_scoped3A = tpu.sem_alloc : memref<!tpu.dma_semaphore, #tpu.memory_space<semaphore_mem>>
      %dma_start3A_103 = arith.constant 0 : i32
      %dma_start3A_104 = tpu.memref_slice %arg4[%add3A_102, %dma_start3A_103] : memref<20480x128xf32, #tpu.memory_space<hbm>> -> memref<640x128xf32, #tpu.memory_space<hbm>>
      %dma_start3A_105 = arith.constant 0 : i32
      %dma_start3A_106 = tpu.memref_slice %arg4[%add3A_102, %dma_start3A_105] : memref<20480x128xf32, #tpu.memory_space<hbm>> -> memref<640x128xf32, #tpu.memory_space<hbm>>
      tpu.enqueue_dma source(%arg6 : memref<640x128xf32, #tpu.memory_space<vmem>>) target(%dma_start3A_106 : memref<640x128xf32, #tpu.memory_space<hbm>>) target_semaphore(%run_scoped3A : memref<!tpu.dma_semaphore, #tpu.memory_space<semaphore_mem>>)
      %dma_wait3A_107 = arith.constant 0 : i32
      %dma_wait3A_108 = tpu.memref_slice %arg4[%add3A_102, %dma_wait3A_107] : memref<20480x128xf32, #tpu.memory_space<hbm>> -> memref<640x128xf32, #tpu.memory_space<hbm>>
      %dma_wait3A_109 = arith.constant 0 : i32
      %dma_wait3A_110 = tpu.memref_slice %arg4[%add3A_102, %dma_wait3A_109] : memref<20480x128xf32, #tpu.memory_space<hbm>> -> memref<640x128xf32, #tpu.memory_space<hbm>>
      tpu.wait_dma2 semaphore(%run_scoped3A : memref<!tpu.dma_semaphore, #tpu.memory_space<semaphore_mem>>) src(%arg6 : memref<640x128xf32, #tpu.memory_space<vmem>>) dst(%dma_wait3A_110 : memref<640x128xf32, #tpu.memory_space<hbm>>)
      tpu.yield
    }) : () -> ()
    return
  }
}

#map = affine_map<(d0, d1) -> (0, 0)>
#map1 = affine_map<(d0, d1) -> (0, 0, 0)>
module attributes {stable_mosaic.version = 14 : i64} {
  func.func @body(%arg0: i32, %arg1: i32, %arg2: memref<20480x128xf32, #tpu.memory_space<hbm>>, %arg3: memref<32x5x128xi32, #tpu.memory_space<hbm>>, %arg4: memref<5120x128xf32, #tpu.memory_space<hbm>>, %arg5: memref<10240x128xf32, #tpu.memory_space<hbm>>, %arg6: memref<5x128xi32, #tpu.memory_space<vmem>>, %arg7: memref<640x128xf32, #tpu.memory_space<vmem>>, %arg8: memref<5120x128xf32, #tpu.memory_space<vmem_shared>>) attributes {dimension_semantics = [#tpu.dimension_semantics<core_parallel>, #tpu.dimension_semantics<subcore_parallel>], iteration_bounds = array<i64: 2, 16>, scalar_prefetch = 0 : i64, scratch_operands = 3 : i64, tpu.core_type = #tpu.core_type<sc_vector_subcore>, window_params = [{transform_indices = #map}, {transform_indices = #map1}, {transform_indices = #map}, {transform_indices = #map}]} {
    %mul3A = arith.constant 2 : i32
    %mul3A_0 = arith.muli %arg1, %mul3A : i32
    %add3A = arith.addi %mul3A_0, %arg0 : i32
    %mul3A_1 = arith.constant 320 : i32
    %mul3A_2 = arith.muli %arg1, %mul3A_1 : i32
    %mul3A_3 = arith.constant 320 : i32
    %mul3A_4 = arith.muli %arg1, %mul3A_3 : i32
    "tpu.region"() ({
      %run_scoped3A_21 = tpu.sem_alloc : memref<!tpu.dma_semaphore, #tpu.memory_space<semaphore_mem>>
      %dma_start3A = arith.constant 0 : i32
      %dma_start3A_22 = tpu.memref_slice %arg8[%mul3A_4, %dma_start3A] : memref<5120x128xf32, #tpu.memory_space<vmem_shared>> -> memref<320x128xf32, #tpu.memory_space<vmem_shared>>
      %dma_start3A_23 = arith.constant 0 : i32
      %dma_start3A_24 = tpu.memref_slice %arg4[%mul3A_2, %dma_start3A_23] : memref<5120x128xf32, #tpu.memory_space<hbm>> -> memref<320x128xf32, #tpu.memory_space<hbm>>
      tpu.enqueue_dma source(%dma_start3A_24 : memref<320x128xf32, #tpu.memory_space<hbm>>) target(%dma_start3A_22 : memref<320x128xf32, #tpu.memory_space<vmem_shared>>) target_semaphore(%run_scoped3A_21 : memref<!tpu.dma_semaphore, #tpu.memory_space<semaphore_mem>>)
      %dma_wait3A = arith.constant 0 : i32
      %dma_wait3A_25 = tpu.memref_slice %arg8[%mul3A_4, %dma_wait3A] : memref<5120x128xf32, #tpu.memory_space<vmem_shared>> -> memref<320x128xf32, #tpu.memory_space<vmem_shared>>
      %dma_wait3A_26 = arith.constant 0 : i32
      %dma_wait3A_27 = tpu.memref_slice %arg4[%mul3A_2, %dma_wait3A_26] : memref<5120x128xf32, #tpu.memory_space<hbm>> -> memref<320x128xf32, #tpu.memory_space<hbm>>
      tpu.wait_dma2 semaphore(%run_scoped3A_21 : memref<!tpu.dma_semaphore, #tpu.memory_space<semaphore_mem>>) src(%dma_wait3A_27 : memref<320x128xf32, #tpu.memory_space<hbm>>) dst(%dma_wait3A_25 : memref<320x128xf32, #tpu.memory_space<vmem_shared>>)
      tpu.yield
    }) : () -> ()
    %barrier3A = arith.constant 0 : index
    tpu.barrier barrier_id(%barrier3A)
    "tpu.region"() ({
      %run_scoped3A_21 = tpu.sem_alloc : memref<!tpu.dma_semaphore, #tpu.memory_space<semaphore_mem>>
      %dma_start3A = arith.constant 0 : i32
      %dma_start3A_22 = arith.constant 0 : i32
      %dma_start3A_23 = tpu.memref_slice %arg3[%add3A, %dma_start3A, %dma_start3A_22] : memref<32x5x128xi32, #tpu.memory_space<hbm>> -> memref<1x5x128xi32, #tpu.memory_space<hbm>>
      %dma_start3A_24 = tpu.memref_squeeze %dma_start3A_23 : memref<1x5x128xi32, #tpu.memory_space<hbm>> -> memref<5x128xi32, #tpu.memory_space<hbm>>
      %dma_start3A_25 = arith.constant 0 : i32
      %dma_start3A_26 = arith.constant 0 : i32
      %dma_start3A_27 = tpu.memref_slice %arg3[%add3A, %dma_start3A_25, %dma_start3A_26] : memref<32x5x128xi32, #tpu.memory_space<hbm>> -> memref<1x5x128xi32, #tpu.memory_space<hbm>>
      %dma_start3A_28 = tpu.memref_squeeze %dma_start3A_27 : memref<1x5x128xi32, #tpu.memory_space<hbm>> -> memref<5x128xi32, #tpu.memory_space<hbm>>
      tpu.enqueue_dma source(%dma_start3A_28 : memref<5x128xi32, #tpu.memory_space<hbm>>) target(%arg6 : memref<5x128xi32, #tpu.memory_space<vmem>>) target_semaphore(%run_scoped3A_21 : memref<!tpu.dma_semaphore, #tpu.memory_space<semaphore_mem>>)
      %dma_wait3A = arith.constant 0 : i32
      %dma_wait3A_29 = arith.constant 0 : i32
      %dma_wait3A_30 = tpu.memref_slice %arg3[%add3A, %dma_wait3A, %dma_wait3A_29] : memref<32x5x128xi32, #tpu.memory_space<hbm>> -> memref<1x5x128xi32, #tpu.memory_space<hbm>>
      %dma_wait3A_31 = tpu.memref_squeeze %dma_wait3A_30 : memref<1x5x128xi32, #tpu.memory_space<hbm>> -> memref<5x128xi32, #tpu.memory_space<hbm>>
      %dma_wait3A_32 = arith.constant 0 : i32
      %dma_wait3A_33 = arith.constant 0 : i32
      %dma_wait3A_34 = tpu.memref_slice %arg3[%add3A, %dma_wait3A_32, %dma_wait3A_33] : memref<32x5x128xi32, #tpu.memory_space<hbm>> -> memref<1x5x128xi32, #tpu.memory_space<hbm>>
      %dma_wait3A_35 = tpu.memref_squeeze %dma_wait3A_34 : memref<1x5x128xi32, #tpu.memory_space<hbm>> -> memref<5x128xi32, #tpu.memory_space<hbm>>
      tpu.wait_dma2 semaphore(%run_scoped3A_21 : memref<!tpu.dma_semaphore, #tpu.memory_space<semaphore_mem>>) src(%dma_wait3A_35 : memref<5x128xi32, #tpu.memory_space<hbm>>) dst(%arg6 : memref<5x128xi32, #tpu.memory_space<vmem>>)
      tpu.yield
    }) : () -> ()
    %mul3A_5 = arith.constant 640 : i32
    %mul3A_6 = arith.muli %add3A, %mul3A_5 : i32
    %add3A_7 = arith.constant 0 : i32
    %add3A_8 = arith.addi %mul3A_6, %add3A_7 : i32
    "tpu.region"() ({
      %run_scoped3A_21 = tpu.sem_alloc : memref<!tpu.dma_semaphore, #tpu.memory_space<semaphore_mem>>
      %dma_start3A = arith.constant 0 : i32
      %dma_start3A_22 = tpu.memref_slice %arg2[%add3A_8, %dma_start3A] : memref<20480x128xf32, #tpu.memory_space<hbm>> -> memref<640x128xf32, #tpu.memory_space<hbm>>
      %dma_start3A_23 = arith.constant 0 : i32
      %dma_start3A_24 = tpu.memref_slice %arg2[%add3A_8, %dma_start3A_23] : memref<20480x128xf32, #tpu.memory_space<hbm>> -> memref<640x128xf32, #tpu.memory_space<hbm>>
      tpu.enqueue_dma source(%dma_start3A_24 : memref<640x128xf32, #tpu.memory_space<hbm>>) target(%arg7 : memref<640x128xf32, #tpu.memory_space<vmem>>) target_semaphore(%run_scoped3A_21 : memref<!tpu.dma_semaphore, #tpu.memory_space<semaphore_mem>>)
      %dma_wait3A = arith.constant 0 : i32
      %dma_wait3A_25 = tpu.memref_slice %arg2[%add3A_8, %dma_wait3A] : memref<20480x128xf32, #tpu.memory_space<hbm>> -> memref<640x128xf32, #tpu.memory_space<hbm>>
      %dma_wait3A_26 = arith.constant 0 : i32
      %dma_wait3A_27 = tpu.memref_slice %arg2[%add3A_8, %dma_wait3A_26] : memref<20480x128xf32, #tpu.memory_space<hbm>> -> memref<640x128xf32, #tpu.memory_space<hbm>>
      tpu.wait_dma2 semaphore(%run_scoped3A_21 : memref<!tpu.dma_semaphore, #tpu.memory_space<semaphore_mem>>) src(%dma_wait3A_27 : memref<640x128xf32, #tpu.memory_space<hbm>>) dst(%arg7 : memref<640x128xf32, #tpu.memory_space<vmem>>)
      tpu.yield
    }) : () -> ()
    %run_scoped3A = arith.constant 0 : i32
    "tpu.region"() ({
      %run_scoped3A_21 = tpu.sem_alloc : memref<!tpu.dma_semaphore, #tpu.memory_space<semaphore_mem>>
      %dma_start3A = arith.constant 0 : i32
      %dma_start3A_22 = arith.constant 0 : i32
      %dma_start3A_23 = tpu.memref_slice %arg7[%dma_start3A, %dma_start3A_22] : memref<640x128xf32, #tpu.memory_space<vmem>> -> memref<128x128xf32, #tpu.memory_space<vmem>>
      %dma_start3A_24 = arith.constant 0 : i32
      %dma_start3A_25 = tpu.memref_slice %arg6[%run_scoped3A, %dma_start3A_24] : memref<5x128xi32, #tpu.memory_space<vmem>> -> memref<1x128xi32, #tpu.memory_space<vmem>>
      %dma_start3A_26 = tpu.memref_squeeze %dma_start3A_25 : memref<1x128xi32, #tpu.memory_space<vmem>> -> memref<128xi32, #tpu.memory_space<vmem>>
      %dma_start3A_27 = arith.constant 0 : i32
      %dma_start3A_28 = arith.constant 0 : i32
      %dma_start3A_29 = tpu.memref_slice %arg8[%dma_start3A_27, %dma_start3A_28] : memref<5120x128xf32, #tpu.memory_space<vmem_shared>> -> memref<5120x128xf32, #tpu.memory_space<vmem_shared>>
      tpu.enqueue_indirect_dma source(%dma_start3A_23 : memref<128x128xf32, #tpu.memory_space<vmem>>) target(%dma_start3A_29 : memref<5120x128xf32, #tpu.memory_space<vmem_shared>>) offsets(%dma_start3A_26 : memref<128xi32, #tpu.memory_space<vmem>>) semaphore(%run_scoped3A_21 : memref<!tpu.dma_semaphore, #tpu.memory_space<semaphore_mem>>) {add = true}
      %dma_wait3A = arith.constant 0 : i32
      %dma_wait3A_30 = arith.constant 0 : i32
      %dma_wait3A_31 = tpu.memref_slice %arg7[%dma_wait3A, %dma_wait3A_30] : memref<640x128xf32, #tpu.memory_space<vmem>> -> memref<128x128xf32, #tpu.memory_space<vmem>>
      %dma_wait3A_32 = arith.constant 0 : i32
      %dma_wait3A_33 = tpu.memref_slice %arg6[%run_scoped3A, %dma_wait3A_32] : memref<5x128xi32, #tpu.memory_space<vmem>> -> memref<1x128xi32, #tpu.memory_space<vmem>>
      %dma_wait3A_34 = tpu.memref_squeeze %dma_wait3A_33 : memref<1x128xi32, #tpu.memory_space<vmem>> -> memref<128xi32, #tpu.memory_space<vmem>>
      %dma_wait3A_35 = arith.constant 0 : i32
      %dma_wait3A_36 = arith.constant 0 : i32
      %dma_wait3A_37 = tpu.memref_slice %arg8[%dma_wait3A_35, %dma_wait3A_36] : memref<5120x128xf32, #tpu.memory_space<vmem_shared>> -> memref<5120x128xf32, #tpu.memory_space<vmem_shared>>
      tpu.wait_indirect_dma semaphore(%run_scoped3A_21 : memref<!tpu.dma_semaphore, #tpu.memory_space<semaphore_mem>>) src(%dma_wait3A_31 : memref<128x128xf32, #tpu.memory_space<vmem>>) dst(%dma_wait3A_37 : memref<5120x128xf32, #tpu.memory_space<vmem_shared>>)
      tpu.yield
    }) : () -> ()
    %run_scoped3A_9 = arith.constant 1 : i32
    "tpu.region"() ({
      %run_scoped3A_21 = tpu.sem_alloc : memref<!tpu.dma_semaphore, #tpu.memory_space<semaphore_mem>>
      %dma_start3A = arith.constant 128 : i32
      %dma_start3A_22 = arith.constant 0 : i32
      %dma_start3A_23 = tpu.memref_slice %arg7[%dma_start3A, %dma_start3A_22] : memref<640x128xf32, #tpu.memory_space<vmem>> -> memref<128x128xf32, #tpu.memory_space<vmem>>
      %dma_start3A_24 = arith.constant 0 : i32
      %dma_start3A_25 = tpu.memref_slice %arg6[%run_scoped3A_9, %dma_start3A_24] : memref<5x128xi32, #tpu.memory_space<vmem>> -> memref<1x128xi32, #tpu.memory_space<vmem>>
      %dma_start3A_26 = tpu.memref_squeeze %dma_start3A_25 : memref<1x128xi32, #tpu.memory_space<vmem>> -> memref<128xi32, #tpu.memory_space<vmem>>
      %dma_start3A_27 = arith.constant 0 : i32
      %dma_start3A_28 = arith.constant 0 : i32
      %dma_start3A_29 = tpu.memref_slice %arg8[%dma_start3A_27, %dma_start3A_28] : memref<5120x128xf32, #tpu.memory_space<vmem_shared>> -> memref<5120x128xf32, #tpu.memory_space<vmem_shared>>
      tpu.enqueue_indirect_dma source(%dma_start3A_23 : memref<128x128xf32, #tpu.memory_space<vmem>>) target(%dma_start3A_29 : memref<5120x128xf32, #tpu.memory_space<vmem_shared>>) offsets(%dma_start3A_26 : memref<128xi32, #tpu.memory_space<vmem>>) semaphore(%run_scoped3A_21 : memref<!tpu.dma_semaphore, #tpu.memory_space<semaphore_mem>>) {add = true}
      %dma_wait3A = arith.constant 128 : i32
      %dma_wait3A_30 = arith.constant 0 : i32
      %dma_wait3A_31 = tpu.memref_slice %arg7[%dma_wait3A, %dma_wait3A_30] : memref<640x128xf32, #tpu.memory_space<vmem>> -> memref<128x128xf32, #tpu.memory_space<vmem>>
      %dma_wait3A_32 = arith.constant 0 : i32
      %dma_wait3A_33 = tpu.memref_slice %arg6[%run_scoped3A_9, %dma_wait3A_32] : memref<5x128xi32, #tpu.memory_space<vmem>> -> memref<1x128xi32, #tpu.memory_space<vmem>>
      %dma_wait3A_34 = tpu.memref_squeeze %dma_wait3A_33 : memref<1x128xi32, #tpu.memory_space<vmem>> -> memref<128xi32, #tpu.memory_space<vmem>>
      %dma_wait3A_35 = arith.constant 0 : i32
      %dma_wait3A_36 = arith.constant 0 : i32
      %dma_wait3A_37 = tpu.memref_slice %arg8[%dma_wait3A_35, %dma_wait3A_36] : memref<5120x128xf32, #tpu.memory_space<vmem_shared>> -> memref<5120x128xf32, #tpu.memory_space<vmem_shared>>
      tpu.wait_indirect_dma semaphore(%run_scoped3A_21 : memref<!tpu.dma_semaphore, #tpu.memory_space<semaphore_mem>>) src(%dma_wait3A_31 : memref<128x128xf32, #tpu.memory_space<vmem>>) dst(%dma_wait3A_37 : memref<5120x128xf32, #tpu.memory_space<vmem_shared>>)
      tpu.yield
    }) : () -> ()
    %run_scoped3A_10 = arith.constant 2 : i32
    "tpu.region"() ({
      %run_scoped3A_21 = tpu.sem_alloc : memref<!tpu.dma_semaphore, #tpu.memory_space<semaphore_mem>>
      %dma_start3A = arith.constant 256 : i32
      %dma_start3A_22 = arith.constant 0 : i32
      %dma_start3A_23 = tpu.memref_slice %arg7[%dma_start3A, %dma_start3A_22] : memref<640x128xf32, #tpu.memory_space<vmem>> -> memref<128x128xf32, #tpu.memory_space<vmem>>
      %dma_start3A_24 = arith.constant 0 : i32
      %dma_start3A_25 = tpu.memref_slice %arg6[%run_scoped3A_10, %dma_start3A_24] : memref<5x128xi32, #tpu.memory_space<vmem>> -> memref<1x128xi32, #tpu.memory_space<vmem>>
      %dma_start3A_26 = tpu.memref_squeeze %dma_start3A_25 : memref<1x128xi32, #tpu.memory_space<vmem>> -> memref<128xi32, #tpu.memory_space<vmem>>
      %dma_start3A_27 = arith.constant 0 : i32
      %dma_start3A_28 = arith.constant 0 : i32
      %dma_start3A_29 = tpu.memref_slice %arg8[%dma_start3A_27, %dma_start3A_28] : memref<5120x128xf32, #tpu.memory_space<vmem_shared>> -> memref<5120x128xf32, #tpu.memory_space<vmem_shared>>
      tpu.enqueue_indirect_dma source(%dma_start3A_23 : memref<128x128xf32, #tpu.memory_space<vmem>>) target(%dma_start3A_29 : memref<5120x128xf32, #tpu.memory_space<vmem_shared>>) offsets(%dma_start3A_26 : memref<128xi32, #tpu.memory_space<vmem>>) semaphore(%run_scoped3A_21 : memref<!tpu.dma_semaphore, #tpu.memory_space<semaphore_mem>>) {add = true}
      %dma_wait3A = arith.constant 256 : i32
      %dma_wait3A_30 = arith.constant 0 : i32
      %dma_wait3A_31 = tpu.memref_slice %arg7[%dma_wait3A, %dma_wait3A_30] : memref<640x128xf32, #tpu.memory_space<vmem>> -> memref<128x128xf32, #tpu.memory_space<vmem>>
      %dma_wait3A_32 = arith.constant 0 : i32
      %dma_wait3A_33 = tpu.memref_slice %arg6[%run_scoped3A_10, %dma_wait3A_32] : memref<5x128xi32, #tpu.memory_space<vmem>> -> memref<1x128xi32, #tpu.memory_space<vmem>>
      %dma_wait3A_34 = tpu.memref_squeeze %dma_wait3A_33 : memref<1x128xi32, #tpu.memory_space<vmem>> -> memref<128xi32, #tpu.memory_space<vmem>>
      %dma_wait3A_35 = arith.constant 0 : i32
      %dma_wait3A_36 = arith.constant 0 : i32
      %dma_wait3A_37 = tpu.memref_slice %arg8[%dma_wait3A_35, %dma_wait3A_36] : memref<5120x128xf32, #tpu.memory_space<vmem_shared>> -> memref<5120x128xf32, #tpu.memory_space<vmem_shared>>
      tpu.wait_indirect_dma semaphore(%run_scoped3A_21 : memref<!tpu.dma_semaphore, #tpu.memory_space<semaphore_mem>>) src(%dma_wait3A_31 : memref<128x128xf32, #tpu.memory_space<vmem>>) dst(%dma_wait3A_37 : memref<5120x128xf32, #tpu.memory_space<vmem_shared>>)
      tpu.yield
    }) : () -> ()
    %run_scoped3A_11 = arith.constant 3 : i32
    "tpu.region"() ({
      %run_scoped3A_21 = tpu.sem_alloc : memref<!tpu.dma_semaphore, #tpu.memory_space<semaphore_mem>>
      %dma_start3A = arith.constant 384 : i32
      %dma_start3A_22 = arith.constant 0 : i32
      %dma_start3A_23 = tpu.memref_slice %arg7[%dma_start3A, %dma_start3A_22] : memref<640x128xf32, #tpu.memory_space<vmem>> -> memref<128x128xf32, #tpu.memory_space<vmem>>
      %dma_start3A_24 = arith.constant 0 : i32
      %dma_start3A_25 = tpu.memref_slice %arg6[%run_scoped3A_11, %dma_start3A_24] : memref<5x128xi32, #tpu.memory_space<vmem>> -> memref<1x128xi32, #tpu.memory_space<vmem>>
      %dma_start3A_26 = tpu.memref_squeeze %dma_start3A_25 : memref<1x128xi32, #tpu.memory_space<vmem>> -> memref<128xi32, #tpu.memory_space<vmem>>
      %dma_start3A_27 = arith.constant 0 : i32
      %dma_start3A_28 = arith.constant 0 : i32
      %dma_start3A_29 = tpu.memref_slice %arg8[%dma_start3A_27, %dma_start3A_28] : memref<5120x128xf32, #tpu.memory_space<vmem_shared>> -> memref<5120x128xf32, #tpu.memory_space<vmem_shared>>
      tpu.enqueue_indirect_dma source(%dma_start3A_23 : memref<128x128xf32, #tpu.memory_space<vmem>>) target(%dma_start3A_29 : memref<5120x128xf32, #tpu.memory_space<vmem_shared>>) offsets(%dma_start3A_26 : memref<128xi32, #tpu.memory_space<vmem>>) semaphore(%run_scoped3A_21 : memref<!tpu.dma_semaphore, #tpu.memory_space<semaphore_mem>>) {add = true}
      %dma_wait3A = arith.constant 384 : i32
      %dma_wait3A_30 = arith.constant 0 : i32
      %dma_wait3A_31 = tpu.memref_slice %arg7[%dma_wait3A, %dma_wait3A_30] : memref<640x128xf32, #tpu.memory_space<vmem>> -> memref<128x128xf32, #tpu.memory_space<vmem>>
      %dma_wait3A_32 = arith.constant 0 : i32
      %dma_wait3A_33 = tpu.memref_slice %arg6[%run_scoped3A_11, %dma_wait3A_32] : memref<5x128xi32, #tpu.memory_space<vmem>> -> memref<1x128xi32, #tpu.memory_space<vmem>>
      %dma_wait3A_34 = tpu.memref_squeeze %dma_wait3A_33 : memref<1x128xi32, #tpu.memory_space<vmem>> -> memref<128xi32, #tpu.memory_space<vmem>>
      %dma_wait3A_35 = arith.constant 0 : i32
      %dma_wait3A_36 = arith.constant 0 : i32
      %dma_wait3A_37 = tpu.memref_slice %arg8[%dma_wait3A_35, %dma_wait3A_36] : memref<5120x128xf32, #tpu.memory_space<vmem_shared>> -> memref<5120x128xf32, #tpu.memory_space<vmem_shared>>
      tpu.wait_indirect_dma semaphore(%run_scoped3A_21 : memref<!tpu.dma_semaphore, #tpu.memory_space<semaphore_mem>>) src(%dma_wait3A_31 : memref<128x128xf32, #tpu.memory_space<vmem>>) dst(%dma_wait3A_37 : memref<5120x128xf32, #tpu.memory_space<vmem_shared>>)
      tpu.yield
    }) : () -> ()
    %run_scoped3A_12 = arith.constant 4 : i32
    "tpu.region"() ({
      %run_scoped3A_21 = tpu.sem_alloc : memref<!tpu.dma_semaphore, #tpu.memory_space<semaphore_mem>>
      %dma_start3A = arith.constant 512 : i32
      %dma_start3A_22 = arith.constant 0 : i32
      %dma_start3A_23 = tpu.memref_slice %arg7[%dma_start3A, %dma_start3A_22] : memref<640x128xf32, #tpu.memory_space<vmem>> -> memref<128x128xf32, #tpu.memory_space<vmem>>
      %dma_start3A_24 = arith.constant 0 : i32
      %dma_start3A_25 = tpu.memref_slice %arg6[%run_scoped3A_12, %dma_start3A_24] : memref<5x128xi32, #tpu.memory_space<vmem>> -> memref<1x128xi32, #tpu.memory_space<vmem>>
      %dma_start3A_26 = tpu.memref_squeeze %dma_start3A_25 : memref<1x128xi32, #tpu.memory_space<vmem>> -> memref<128xi32, #tpu.memory_space<vmem>>
      %dma_start3A_27 = arith.constant 0 : i32
      %dma_start3A_28 = arith.constant 0 : i32
      %dma_start3A_29 = tpu.memref_slice %arg8[%dma_start3A_27, %dma_start3A_28] : memref<5120x128xf32, #tpu.memory_space<vmem_shared>> -> memref<5120x128xf32, #tpu.memory_space<vmem_shared>>
      tpu.enqueue_indirect_dma source(%dma_start3A_23 : memref<128x128xf32, #tpu.memory_space<vmem>>) target(%dma_start3A_29 : memref<5120x128xf32, #tpu.memory_space<vmem_shared>>) offsets(%dma_start3A_26 : memref<128xi32, #tpu.memory_space<vmem>>) semaphore(%run_scoped3A_21 : memref<!tpu.dma_semaphore, #tpu.memory_space<semaphore_mem>>) {add = true}
      %dma_wait3A = arith.constant 512 : i32
      %dma_wait3A_30 = arith.constant 0 : i32
      %dma_wait3A_31 = tpu.memref_slice %arg7[%dma_wait3A, %dma_wait3A_30] : memref<640x128xf32, #tpu.memory_space<vmem>> -> memref<128x128xf32, #tpu.memory_space<vmem>>
      %dma_wait3A_32 = arith.constant 0 : i32
      %dma_wait3A_33 = tpu.memref_slice %arg6[%run_scoped3A_12, %dma_wait3A_32] : memref<5x128xi32, #tpu.memory_space<vmem>> -> memref<1x128xi32, #tpu.memory_space<vmem>>
      %dma_wait3A_34 = tpu.memref_squeeze %dma_wait3A_33 : memref<1x128xi32, #tpu.memory_space<vmem>> -> memref<128xi32, #tpu.memory_space<vmem>>
      %dma_wait3A_35 = arith.constant 0 : i32
      %dma_wait3A_36 = arith.constant 0 : i32
      %dma_wait3A_37 = tpu.memref_slice %arg8[%dma_wait3A_35, %dma_wait3A_36] : memref<5120x128xf32, #tpu.memory_space<vmem_shared>> -> memref<5120x128xf32, #tpu.memory_space<vmem_shared>>
      tpu.wait_indirect_dma semaphore(%run_scoped3A_21 : memref<!tpu.dma_semaphore, #tpu.memory_space<semaphore_mem>>) src(%dma_wait3A_31 : memref<128x128xf32, #tpu.memory_space<vmem>>) dst(%dma_wait3A_37 : memref<5120x128xf32, #tpu.memory_space<vmem_shared>>)
      tpu.yield
    }) : () -> ()
    %barrier3A_13 = arith.constant 0 : index
    tpu.barrier barrier_id(%barrier3A_13)
    %mul3A_14 = arith.constant 320 : i32
    %mul3A_15 = arith.muli %arg1, %mul3A_14 : i32
    %mul3A_16 = arith.constant 5120 : i32
    %mul3A_17 = arith.muli %arg0, %mul3A_16 : i32
    %mul3A_18 = arith.constant 320 : i32
    %mul3A_19 = arith.muli %arg1, %mul3A_18 : i32
    %add3A_20 = arith.addi %mul3A_17, %mul3A_19 : i32
    "tpu.region"() ({
      %run_scoped3A_21 = tpu.sem_alloc : memref<!tpu.dma_semaphore, #tpu.memory_space<semaphore_mem>>
      %dma_start3A = arith.constant 0 : i32
      %dma_start3A_22 = tpu.memref_slice %arg5[%add3A_20, %dma_start3A] : memref<10240x128xf32, #tpu.memory_space<hbm>> -> memref<320x128xf32, #tpu.memory_space<hbm>>
      %dma_start3A_23 = arith.constant 0 : i32
      %dma_start3A_24 = tpu.memref_slice %arg8[%mul3A_15, %dma_start3A_23] : memref<5120x128xf32, #tpu.memory_space<vmem_shared>> -> memref<320x128xf32, #tpu.memory_space<vmem_shared>>
      tpu.enqueue_dma source(%dma_start3A_24 : memref<320x128xf32, #tpu.memory_space<vmem_shared>>) target(%dma_start3A_22 : memref<320x128xf32, #tpu.memory_space<hbm>>) target_semaphore(%run_scoped3A_21 : memref<!tpu.dma_semaphore, #tpu.memory_space<semaphore_mem>>)
      %dma_wait3A = arith.constant 0 : i32
      %dma_wait3A_25 = tpu.memref_slice %arg5[%add3A_20, %dma_wait3A] : memref<10240x128xf32, #tpu.memory_space<hbm>> -> memref<320x128xf32, #tpu.memory_space<hbm>>
      %dma_wait3A_26 = arith.constant 0 : i32
      %dma_wait3A_27 = tpu.memref_slice %arg8[%mul3A_15, %dma_wait3A_26] : memref<5120x128xf32, #tpu.memory_space<vmem_shared>> -> memref<320x128xf32, #tpu.memory_space<vmem_shared>>
      tpu.wait_dma2 semaphore(%run_scoped3A_21 : memref<!tpu.dma_semaphore, #tpu.memory_space<semaphore_mem>>) src(%dma_wait3A_27 : memref<320x128xf32, #tpu.memory_space<vmem_shared>>) dst(%dma_wait3A_25 : memref<320x128xf32, #tpu.memory_space<hbm>>)
      tpu.yield
    }) : () -> ()
    return
  }
}

#map = affine_map<(d0, d1) -> (0, 0)>
#map1 = affine_map<(d0, d1) -> (0, 0, 0)>
module attributes {stable_mosaic.version = 14 : i64} {
  func.func @body(%arg0: i32, %arg1: i32, %arg2: memref<20480x128xf32, #tpu.memory_space<hbm>>, %arg3: memref<32x5x128xi32, #tpu.memory_space<hbm>>, %arg4: memref<5120x128xf32, #tpu.memory_space<hbm>>, %arg5: memref<10240x128xf32, #tpu.memory_space<hbm>>, %arg6: memref<5x128xi32, #tpu.memory_space<vmem>>, %arg7: memref<640x128xf32, #tpu.memory_space<vmem>>, %arg8: memref<5120x128xf32, #tpu.memory_space<vmem_shared>>) attributes {dimension_semantics = [#tpu.dimension_semantics<core_parallel>, #tpu.dimension_semantics<subcore_parallel>], iteration_bounds = array<i64: 2, 16>, scalar_prefetch = 0 : i64, scratch_operands = 3 : i64, tpu.core_type = #tpu.core_type<sc_vector_subcore>, window_params = [{transform_indices = #map}, {transform_indices = #map1}, {transform_indices = #map}, {transform_indices = #map}]} {
    %mul3A = arith.constant 2 : i32
    %mul3A_0 = arith.muli %arg1, %mul3A : i32
    %add3A = arith.addi %mul3A_0, %arg0 : i32
    %mul3A_1 = arith.constant 320 : i32
    %mul3A_2 = arith.muli %arg1, %mul3A_1 : i32
    %mul3A_3 = arith.constant 320 : i32
    %mul3A_4 = arith.muli %arg1, %mul3A_3 : i32
    "tpu.region"() ({
      %run_scoped3A_21 = tpu.sem_alloc : memref<!tpu.dma_semaphore, #tpu.memory_space<semaphore_mem>>
      %dma_start3A = arith.constant 0 : i32
      %dma_start3A_22 = tpu.memref_slice %arg8[%mul3A_4, %dma_start3A] : memref<5120x128xf32, #tpu.memory_space<vmem_shared>> -> memref<320x128xf32, #tpu.memory_space<vmem_shared>>
      %dma_start3A_23 = arith.constant 0 : i32
      %dma_start3A_24 = tpu.memref_slice %arg4[%mul3A_2, %dma_start3A_23] : memref<5120x128xf32, #tpu.memory_space<hbm>> -> memref<320x128xf32, #tpu.memory_space<hbm>>
      tpu.enqueue_dma source(%dma_start3A_24 : memref<320x128xf32, #tpu.memory_space<hbm>>) target(%dma_start3A_22 : memref<320x128xf32, #tpu.memory_space<vmem_shared>>) target_semaphore(%run_scoped3A_21 : memref<!tpu.dma_semaphore, #tpu.memory_space<semaphore_mem>>)
      %dma_wait3A = arith.constant 0 : i32
      %dma_wait3A_25 = tpu.memref_slice %arg8[%mul3A_4, %dma_wait3A] : memref<5120x128xf32, #tpu.memory_space<vmem_shared>> -> memref<320x128xf32, #tpu.memory_space<vmem_shared>>
      %dma_wait3A_26 = arith.constant 0 : i32
      %dma_wait3A_27 = tpu.memref_slice %arg4[%mul3A_2, %dma_wait3A_26] : memref<5120x128xf32, #tpu.memory_space<hbm>> -> memref<320x128xf32, #tpu.memory_space<hbm>>
      tpu.wait_dma2 semaphore(%run_scoped3A_21 : memref<!tpu.dma_semaphore, #tpu.memory_space<semaphore_mem>>) src(%dma_wait3A_27 : memref<320x128xf32, #tpu.memory_space<hbm>>) dst(%dma_wait3A_25 : memref<320x128xf32, #tpu.memory_space<vmem_shared>>)
      tpu.yield
    }) : () -> ()
    %barrier3A = arith.constant 0 : index
    tpu.barrier barrier_id(%barrier3A)
    "tpu.region"() ({
      %run_scoped3A_21 = tpu.sem_alloc : memref<!tpu.dma_semaphore, #tpu.memory_space<semaphore_mem>>
      %dma_start3A = arith.constant 0 : i32
      %dma_start3A_22 = arith.constant 0 : i32
      %dma_start3A_23 = tpu.memref_slice %arg3[%add3A, %dma_start3A, %dma_start3A_22] : memref<32x5x128xi32, #tpu.memory_space<hbm>> -> memref<1x5x128xi32, #tpu.memory_space<hbm>>
      %dma_start3A_24 = tpu.memref_squeeze %dma_start3A_23 : memref<1x5x128xi32, #tpu.memory_space<hbm>> -> memref<5x128xi32, #tpu.memory_space<hbm>>
      %dma_start3A_25 = arith.constant 0 : i32
      %dma_start3A_26 = arith.constant 0 : i32
      %dma_start3A_27 = tpu.memref_slice %arg3[%add3A, %dma_start3A_25, %dma_start3A_26] : memref<32x5x128xi32, #tpu.memory_space<hbm>> -> memref<1x5x128xi32, #tpu.memory_space<hbm>>
      %dma_start3A_28 = tpu.memref_squeeze %dma_start3A_27 : memref<1x5x128xi32, #tpu.memory_space<hbm>> -> memref<5x128xi32, #tpu.memory_space<hbm>>
      tpu.enqueue_dma source(%dma_start3A_28 : memref<5x128xi32, #tpu.memory_space<hbm>>) target(%arg6 : memref<5x128xi32, #tpu.memory_space<vmem>>) target_semaphore(%run_scoped3A_21 : memref<!tpu.dma_semaphore, #tpu.memory_space<semaphore_mem>>)
      %dma_wait3A = arith.constant 0 : i32
      %dma_wait3A_29 = arith.constant 0 : i32
      %dma_wait3A_30 = tpu.memref_slice %arg3[%add3A, %dma_wait3A, %dma_wait3A_29] : memref<32x5x128xi32, #tpu.memory_space<hbm>> -> memref<1x5x128xi32, #tpu.memory_space<hbm>>
      %dma_wait3A_31 = tpu.memref_squeeze %dma_wait3A_30 : memref<1x5x128xi32, #tpu.memory_space<hbm>> -> memref<5x128xi32, #tpu.memory_space<hbm>>
      %dma_wait3A_32 = arith.constant 0 : i32
      %dma_wait3A_33 = arith.constant 0 : i32
      %dma_wait3A_34 = tpu.memref_slice %arg3[%add3A, %dma_wait3A_32, %dma_wait3A_33] : memref<32x5x128xi32, #tpu.memory_space<hbm>> -> memref<1x5x128xi32, #tpu.memory_space<hbm>>
      %dma_wait3A_35 = tpu.memref_squeeze %dma_wait3A_34 : memref<1x5x128xi32, #tpu.memory_space<hbm>> -> memref<5x128xi32, #tpu.memory_space<hbm>>
      tpu.wait_dma2 semaphore(%run_scoped3A_21 : memref<!tpu.dma_semaphore, #tpu.memory_space<semaphore_mem>>) src(%dma_wait3A_35 : memref<5x128xi32, #tpu.memory_space<hbm>>) dst(%arg6 : memref<5x128xi32, #tpu.memory_space<vmem>>)
      tpu.yield
    }) : () -> ()
    %mul3A_5 = arith.constant 640 : i32
    %mul3A_6 = arith.muli %add3A, %mul3A_5 : i32
    %add3A_7 = arith.constant 0 : i32
    %add3A_8 = arith.addi %mul3A_6, %add3A_7 : i32
    "tpu.region"() ({
      %run_scoped3A_21 = tpu.sem_alloc : memref<!tpu.dma_semaphore, #tpu.memory_space<semaphore_mem>>
      %dma_start3A = arith.constant 0 : i32
      %dma_start3A_22 = tpu.memref_slice %arg2[%add3A_8, %dma_start3A] : memref<20480x128xf32, #tpu.memory_space<hbm>> -> memref<640x128xf32, #tpu.memory_space<hbm>>
      %dma_start3A_23 = arith.constant 0 : i32
      %dma_start3A_24 = tpu.memref_slice %arg2[%add3A_8, %dma_start3A_23] : memref<20480x128xf32, #tpu.memory_space<hbm>> -> memref<640x128xf32, #tpu.memory_space<hbm>>
      tpu.enqueue_dma source(%dma_start3A_24 : memref<640x128xf32, #tpu.memory_space<hbm>>) target(%arg7 : memref<640x128xf32, #tpu.memory_space<vmem>>) target_semaphore(%run_scoped3A_21 : memref<!tpu.dma_semaphore, #tpu.memory_space<semaphore_mem>>)
      %dma_wait3A = arith.constant 0 : i32
      %dma_wait3A_25 = tpu.memref_slice %arg2[%add3A_8, %dma_wait3A] : memref<20480x128xf32, #tpu.memory_space<hbm>> -> memref<640x128xf32, #tpu.memory_space<hbm>>
      %dma_wait3A_26 = arith.constant 0 : i32
      %dma_wait3A_27 = tpu.memref_slice %arg2[%add3A_8, %dma_wait3A_26] : memref<20480x128xf32, #tpu.memory_space<hbm>> -> memref<640x128xf32, #tpu.memory_space<hbm>>
      tpu.wait_dma2 semaphore(%run_scoped3A_21 : memref<!tpu.dma_semaphore, #tpu.memory_space<semaphore_mem>>) src(%dma_wait3A_27 : memref<640x128xf32, #tpu.memory_space<hbm>>) dst(%arg7 : memref<640x128xf32, #tpu.memory_space<vmem>>)
      tpu.yield
    }) : () -> ()
    %run_scoped3A = arith.constant 0 : i32
    "tpu.region"() ({
      %run_scoped3A_21 = tpu.sem_alloc : memref<!tpu.dma_semaphore, #tpu.memory_space<semaphore_mem>>
      %dma_start3A = arith.constant 0 : i32
      %dma_start3A_22 = arith.constant 0 : i32
      %dma_start3A_23 = tpu.memref_slice %arg7[%dma_start3A, %dma_start3A_22] : memref<640x128xf32, #tpu.memory_space<vmem>> -> memref<128x128xf32, #tpu.memory_space<vmem>>
      %dma_start3A_24 = arith.constant 0 : i32
      %dma_start3A_25 = tpu.memref_slice %arg6[%run_scoped3A, %dma_start3A_24] : memref<5x128xi32, #tpu.memory_space<vmem>> -> memref<1x128xi32, #tpu.memory_space<vmem>>
      %dma_start3A_26 = tpu.memref_squeeze %dma_start3A_25 : memref<1x128xi32, #tpu.memory_space<vmem>> -> memref<128xi32, #tpu.memory_space<vmem>>
      %dma_start3A_27 = arith.constant 0 : i32
      %dma_start3A_28 = arith.constant 0 : i32
      %dma_start3A_29 = tpu.memref_slice %arg8[%dma_start3A_27, %dma_start3A_28] : memref<5120x128xf32, #tpu.memory_space<vmem_shared>> -> memref<5120x128xf32, #tpu.memory_space<vmem_shared>>
      tpu.enqueue_indirect_dma source(%dma_start3A_23 : memref<128x128xf32, #tpu.memory_space<vmem>>) target(%dma_start3A_29 : memref<5120x128xf32, #tpu.memory_space<vmem_shared>>) offsets(%dma_start3A_26 : memref<128xi32, #tpu.memory_space<vmem>>) semaphore(%run_scoped3A_21 : memref<!tpu.dma_semaphore, #tpu.memory_space<semaphore_mem>>) {add = true}
      %dma_wait3A = arith.constant 0 : i32
      %dma_wait3A_30 = arith.constant 0 : i32
      %dma_wait3A_31 = tpu.memref_slice %arg7[%dma_wait3A, %dma_wait3A_30] : memref<640x128xf32, #tpu.memory_space<vmem>> -> memref<128x128xf32, #tpu.memory_space<vmem>>
      %dma_wait3A_32 = arith.constant 0 : i32
      %dma_wait3A_33 = tpu.memref_slice %arg6[%run_scoped3A, %dma_wait3A_32] : memref<5x128xi32, #tpu.memory_space<vmem>> -> memref<1x128xi32, #tpu.memory_space<vmem>>
      %dma_wait3A_34 = tpu.memref_squeeze %dma_wait3A_33 : memref<1x128xi32, #tpu.memory_space<vmem>> -> memref<128xi32, #tpu.memory_space<vmem>>
      %dma_wait3A_35 = arith.constant 0 : i32
      %dma_wait3A_36 = arith.constant 0 : i32
      %dma_wait3A_37 = tpu.memref_slice %arg8[%dma_wait3A_35, %dma_wait3A_36] : memref<5120x128xf32, #tpu.memory_space<vmem_shared>> -> memref<5120x128xf32, #tpu.memory_space<vmem_shared>>
      tpu.wait_indirect_dma semaphore(%run_scoped3A_21 : memref<!tpu.dma_semaphore, #tpu.memory_space<semaphore_mem>>) src(%dma_wait3A_31 : memref<128x128xf32, #tpu.memory_space<vmem>>) dst(%dma_wait3A_37 : memref<5120x128xf32, #tpu.memory_space<vmem_shared>>)
      tpu.yield
    }) : () -> ()
    %run_scoped3A_9 = arith.constant 1 : i32
    "tpu.region"() ({
      %run_scoped3A_21 = tpu.sem_alloc : memref<!tpu.dma_semaphore, #tpu.memory_space<semaphore_mem>>
      %dma_start3A = arith.constant 128 : i32
      %dma_start3A_22 = arith.constant 0 : i32
      %dma_start3A_23 = tpu.memref_slice %arg7[%dma_start3A, %dma_start3A_22] : memref<640x128xf32, #tpu.memory_space<vmem>> -> memref<128x128xf32, #tpu.memory_space<vmem>>
      %dma_start3A_24 = arith.constant 0 : i32
      %dma_start3A_25 = tpu.memref_slice %arg6[%run_scoped3A_9, %dma_start3A_24] : memref<5x128xi32, #tpu.memory_space<vmem>> -> memref<1x128xi32, #tpu.memory_space<vmem>>
      %dma_start3A_26 = tpu.memref_squeeze %dma_start3A_25 : memref<1x128xi32, #tpu.memory_space<vmem>> -> memref<128xi32, #tpu.memory_space<vmem>>
      %dma_start3A_27 = arith.constant 0 : i32
      %dma_start3A_28 = arith.constant 0 : i32
      %dma_start3A_29 = tpu.memref_slice %arg8[%dma_start3A_27, %dma_start3A_28] : memref<5120x128xf32, #tpu.memory_space<vmem_shared>> -> memref<5120x128xf32, #tpu.memory_space<vmem_shared>>
      tpu.enqueue_indirect_dma source(%dma_start3A_23 : memref<128x128xf32, #tpu.memory_space<vmem>>) target(%dma_start3A_29 : memref<5120x128xf32, #tpu.memory_space<vmem_shared>>) offsets(%dma_start3A_26 : memref<128xi32, #tpu.memory_space<vmem>>) semaphore(%run_scoped3A_21 : memref<!tpu.dma_semaphore, #tpu.memory_space<semaphore_mem>>) {add = true}
      %dma_wait3A = arith.constant 128 : i32
      %dma_wait3A_30 = arith.constant 0 : i32
      %dma_wait3A_31 = tpu.memref_slice %arg7[%dma_wait3A, %dma_wait3A_30] : memref<640x128xf32, #tpu.memory_space<vmem>> -> memref<128x128xf32, #tpu.memory_space<vmem>>
      %dma_wait3A_32 = arith.constant 0 : i32
      %dma_wait3A_33 = tpu.memref_slice %arg6[%run_scoped3A_9, %dma_wait3A_32] : memref<5x128xi32, #tpu.memory_space<vmem>> -> memref<1x128xi32, #tpu.memory_space<vmem>>
      %dma_wait3A_34 = tpu.memref_squeeze %dma_wait3A_33 : memref<1x128xi32, #tpu.memory_space<vmem>> -> memref<128xi32, #tpu.memory_space<vmem>>
      %dma_wait3A_35 = arith.constant 0 : i32
      %dma_wait3A_36 = arith.constant 0 : i32
      %dma_wait3A_37 = tpu.memref_slice %arg8[%dma_wait3A_35, %dma_wait3A_36] : memref<5120x128xf32, #tpu.memory_space<vmem_shared>> -> memref<5120x128xf32, #tpu.memory_space<vmem_shared>>
      tpu.wait_indirect_dma semaphore(%run_scoped3A_21 : memref<!tpu.dma_semaphore, #tpu.memory_space<semaphore_mem>>) src(%dma_wait3A_31 : memref<128x128xf32, #tpu.memory_space<vmem>>) dst(%dma_wait3A_37 : memref<5120x128xf32, #tpu.memory_space<vmem_shared>>)
      tpu.yield
    }) : () -> ()
    %run_scoped3A_10 = arith.constant 2 : i32
    "tpu.region"() ({
      %run_scoped3A_21 = tpu.sem_alloc : memref<!tpu.dma_semaphore, #tpu.memory_space<semaphore_mem>>
      %dma_start3A = arith.constant 256 : i32
      %dma_start3A_22 = arith.constant 0 : i32
      %dma_start3A_23 = tpu.memref_slice %arg7[%dma_start3A, %dma_start3A_22] : memref<640x128xf32, #tpu.memory_space<vmem>> -> memref<128x128xf32, #tpu.memory_space<vmem>>
      %dma_start3A_24 = arith.constant 0 : i32
      %dma_start3A_25 = tpu.memref_slice %arg6[%run_scoped3A_10, %dma_start3A_24] : memref<5x128xi32, #tpu.memory_space<vmem>> -> memref<1x128xi32, #tpu.memory_space<vmem>>
      %dma_start3A_26 = tpu.memref_squeeze %dma_start3A_25 : memref<1x128xi32, #tpu.memory_space<vmem>> -> memref<128xi32, #tpu.memory_space<vmem>>
      %dma_start3A_27 = arith.constant 0 : i32
      %dma_start3A_28 = arith.constant 0 : i32
      %dma_start3A_29 = tpu.memref_slice %arg8[%dma_start3A_27, %dma_start3A_28] : memref<5120x128xf32, #tpu.memory_space<vmem_shared>> -> memref<5120x128xf32, #tpu.memory_space<vmem_shared>>
      tpu.enqueue_indirect_dma source(%dma_start3A_23 : memref<128x128xf32, #tpu.memory_space<vmem>>) target(%dma_start3A_29 : memref<5120x128xf32, #tpu.memory_space<vmem_shared>>) offsets(%dma_start3A_26 : memref<128xi32, #tpu.memory_space<vmem>>) semaphore(%run_scoped3A_21 : memref<!tpu.dma_semaphore, #tpu.memory_space<semaphore_mem>>) {add = true}
      %dma_wait3A = arith.constant 256 : i32
      %dma_wait3A_30 = arith.constant 0 : i32
      %dma_wait3A_31 = tpu.memref_slice %arg7[%dma_wait3A, %dma_wait3A_30] : memref<640x128xf32, #tpu.memory_space<vmem>> -> memref<128x128xf32, #tpu.memory_space<vmem>>
      %dma_wait3A_32 = arith.constant 0 : i32
      %dma_wait3A_33 = tpu.memref_slice %arg6[%run_scoped3A_10, %dma_wait3A_32] : memref<5x128xi32, #tpu.memory_space<vmem>> -> memref<1x128xi32, #tpu.memory_space<vmem>>
      %dma_wait3A_34 = tpu.memref_squeeze %dma_wait3A_33 : memref<1x128xi32, #tpu.memory_space<vmem>> -> memref<128xi32, #tpu.memory_space<vmem>>
      %dma_wait3A_35 = arith.constant 0 : i32
      %dma_wait3A_36 = arith.constant 0 : i32
      %dma_wait3A_37 = tpu.memref_slice %arg8[%dma_wait3A_35, %dma_wait3A_36] : memref<5120x128xf32, #tpu.memory_space<vmem_shared>> -> memref<5120x128xf32, #tpu.memory_space<vmem_shared>>
      tpu.wait_indirect_dma semaphore(%run_scoped3A_21 : memref<!tpu.dma_semaphore, #tpu.memory_space<semaphore_mem>>) src(%dma_wait3A_31 : memref<128x128xf32, #tpu.memory_space<vmem>>) dst(%dma_wait3A_37 : memref<5120x128xf32, #tpu.memory_space<vmem_shared>>)
      tpu.yield
    }) : () -> ()
    %run_scoped3A_11 = arith.constant 3 : i32
    "tpu.region"() ({
      %run_scoped3A_21 = tpu.sem_alloc : memref<!tpu.dma_semaphore, #tpu.memory_space<semaphore_mem>>
      %dma_start3A = arith.constant 384 : i32
      %dma_start3A_22 = arith.constant 0 : i32
      %dma_start3A_23 = tpu.memref_slice %arg7[%dma_start3A, %dma_start3A_22] : memref<640x128xf32, #tpu.memory_space<vmem>> -> memref<128x128xf32, #tpu.memory_space<vmem>>
      %dma_start3A_24 = arith.constant 0 : i32
      %dma_start3A_25 = tpu.memref_slice %arg6[%run_scoped3A_11, %dma_start3A_24] : memref<5x128xi32, #tpu.memory_space<vmem>> -> memref<1x128xi32, #tpu.memory_space<vmem>>
      %dma_start3A_26 = tpu.memref_squeeze %dma_start3A_25 : memref<1x128xi32, #tpu.memory_space<vmem>> -> memref<128xi32, #tpu.memory_space<vmem>>
      %dma_start3A_27 = arith.constant 0 : i32
      %dma_start3A_28 = arith.constant 0 : i32
      %dma_start3A_29 = tpu.memref_slice %arg8[%dma_start3A_27, %dma_start3A_28] : memref<5120x128xf32, #tpu.memory_space<vmem_shared>> -> memref<5120x128xf32, #tpu.memory_space<vmem_shared>>
      tpu.enqueue_indirect_dma source(%dma_start3A_23 : memref<128x128xf32, #tpu.memory_space<vmem>>) target(%dma_start3A_29 : memref<5120x128xf32, #tpu.memory_space<vmem_shared>>) offsets(%dma_start3A_26 : memref<128xi32, #tpu.memory_space<vmem>>) semaphore(%run_scoped3A_21 : memref<!tpu.dma_semaphore, #tpu.memory_space<semaphore_mem>>) {add = true}
      %dma_wait3A = arith.constant 384 : i32
      %dma_wait3A_30 = arith.constant 0 : i32
      %dma_wait3A_31 = tpu.memref_slice %arg7[%dma_wait3A, %dma_wait3A_30] : memref<640x128xf32, #tpu.memory_space<vmem>> -> memref<128x128xf32, #tpu.memory_space<vmem>>
      %dma_wait3A_32 = arith.constant 0 : i32
      %dma_wait3A_33 = tpu.memref_slice %arg6[%run_scoped3A_11, %dma_wait3A_32] : memref<5x128xi32, #tpu.memory_space<vmem>> -> memref<1x128xi32, #tpu.memory_space<vmem>>
      %dma_wait3A_34 = tpu.memref_squeeze %dma_wait3A_33 : memref<1x128xi32, #tpu.memory_space<vmem>> -> memref<128xi32, #tpu.memory_space<vmem>>
      %dma_wait3A_35 = arith.constant 0 : i32
      %dma_wait3A_36 = arith.constant 0 : i32
      %dma_wait3A_37 = tpu.memref_slice %arg8[%dma_wait3A_35, %dma_wait3A_36] : memref<5120x128xf32, #tpu.memory_space<vmem_shared>> -> memref<5120x128xf32, #tpu.memory_space<vmem_shared>>
      tpu.wait_indirect_dma semaphore(%run_scoped3A_21 : memref<!tpu.dma_semaphore, #tpu.memory_space<semaphore_mem>>) src(%dma_wait3A_31 : memref<128x128xf32, #tpu.memory_space<vmem>>) dst(%dma_wait3A_37 : memref<5120x128xf32, #tpu.memory_space<vmem_shared>>)
      tpu.yield
    }) : () -> ()
    %run_scoped3A_12 = arith.constant 4 : i32
    "tpu.region"() ({
      %run_scoped3A_21 = tpu.sem_alloc : memref<!tpu.dma_semaphore, #tpu.memory_space<semaphore_mem>>
      %dma_start3A = arith.constant 512 : i32
      %dma_start3A_22 = arith.constant 0 : i32
      %dma_start3A_23 = tpu.memref_slice %arg7[%dma_start3A, %dma_start3A_22] : memref<640x128xf32, #tpu.memory_space<vmem>> -> memref<128x128xf32, #tpu.memory_space<vmem>>
      %dma_start3A_24 = arith.constant 0 : i32
      %dma_start3A_25 = tpu.memref_slice %arg6[%run_scoped3A_12, %dma_start3A_24] : memref<5x128xi32, #tpu.memory_space<vmem>> -> memref<1x128xi32, #tpu.memory_space<vmem>>
      %dma_start3A_26 = tpu.memref_squeeze %dma_start3A_25 : memref<1x128xi32, #tpu.memory_space<vmem>> -> memref<128xi32, #tpu.memory_space<vmem>>
      %dma_start3A_27 = arith.constant 0 : i32
      %dma_start3A_28 = arith.constant 0 : i32
      %dma_start3A_29 = tpu.memref_slice %arg8[%dma_start3A_27, %dma_start3A_28] : memref<5120x128xf32, #tpu.memory_space<vmem_shared>> -> memref<5120x128xf32, #tpu.memory_space<vmem_shared>>
      tpu.enqueue_indirect_dma source(%dma_start3A_23 : memref<128x128xf32, #tpu.memory_space<vmem>>) target(%dma_start3A_29 : memref<5120x128xf32, #tpu.memory_space<vmem_shared>>) offsets(%dma_start3A_26 : memref<128xi32, #tpu.memory_space<vmem>>) semaphore(%run_scoped3A_21 : memref<!tpu.dma_semaphore, #tpu.memory_space<semaphore_mem>>) {add = true}
      %dma_wait3A = arith.constant 512 : i32
      %dma_wait3A_30 = arith.constant 0 : i32
      %dma_wait3A_31 = tpu.memref_slice %arg7[%dma_wait3A, %dma_wait3A_30] : memref<640x128xf32, #tpu.memory_space<vmem>> -> memref<128x128xf32, #tpu.memory_space<vmem>>
      %dma_wait3A_32 = arith.constant 0 : i32
      %dma_wait3A_33 = tpu.memref_slice %arg6[%run_scoped3A_12, %dma_wait3A_32] : memref<5x128xi32, #tpu.memory_space<vmem>> -> memref<1x128xi32, #tpu.memory_space<vmem>>
      %dma_wait3A_34 = tpu.memref_squeeze %dma_wait3A_33 : memref<1x128xi32, #tpu.memory_space<vmem>> -> memref<128xi32, #tpu.memory_space<vmem>>
      %dma_wait3A_35 = arith.constant 0 : i32
      %dma_wait3A_36 = arith.constant 0 : i32
      %dma_wait3A_37 = tpu.memref_slice %arg8[%dma_wait3A_35, %dma_wait3A_36] : memref<5120x128xf32, #tpu.memory_space<vmem_shared>> -> memref<5120x128xf32, #tpu.memory_space<vmem_shared>>
      tpu.wait_indirect_dma semaphore(%run_scoped3A_21 : memref<!tpu.dma_semaphore, #tpu.memory_space<semaphore_mem>>) src(%dma_wait3A_31 : memref<128x128xf32, #tpu.memory_space<vmem>>) dst(%dma_wait3A_37 : memref<5120x128xf32, #tpu.memory_space<vmem_shared>>)
      tpu.yield
    }) : () -> ()
    %barrier3A_13 = arith.constant 0 : index
    tpu.barrier barrier_id(%barrier3A_13)
    %mul3A_14 = arith.constant 320 : i32
    %mul3A_15 = arith.muli %arg1, %mul3A_14 : i32
    %mul3A_16 = arith.constant 5120 : i32
    %mul3A_17 = arith.muli %arg0, %mul3A_16 : i32
    %mul3A_18 = arith.constant 320 : i32
    %mul3A_19 = arith.muli %arg1, %mul3A_18 : i32
    %add3A_20 = arith.addi %mul3A_17, %mul3A_19 : i32
    "tpu.region"() ({
      %run_scoped3A_21 = tpu.sem_alloc : memref<!tpu.dma_semaphore, #tpu.memory_space<semaphore_mem>>
      %dma_start3A = arith.constant 0 : i32
      %dma_start3A_22 = tpu.memref_slice %arg5[%add3A_20, %dma_start3A] : memref<10240x128xf32, #tpu.memory_space<hbm>> -> memref<320x128xf32, #tpu.memory_space<hbm>>
      %dma_start3A_23 = arith.constant 0 : i32
      %dma_start3A_24 = tpu.memref_slice %arg8[%mul3A_15, %dma_start3A_23] : memref<5120x128xf32, #tpu.memory_space<vmem_shared>> -> memref<320x128xf32, #tpu.memory_space<vmem_shared>>
      tpu.enqueue_dma source(%dma_start3A_24 : memref<320x128xf32, #tpu.memory_space<vmem_shared>>) target(%dma_start3A_22 : memref<320x128xf32, #tpu.memory_space<hbm>>) target_semaphore(%run_scoped3A_21 : memref<!tpu.dma_semaphore, #tpu.memory_space<semaphore_mem>>)
      %dma_wait3A = arith.constant 0 : i32
      %dma_wait3A_25 = tpu.memref_slice %arg5[%add3A_20, %dma_wait3A] : memref<10240x128xf32, #tpu.memory_space<hbm>> -> memref<320x128xf32, #tpu.memory_space<hbm>>
      %dma_wait3A_26 = arith.constant 0 : i32
      %dma_wait3A_27 = tpu.memref_slice %arg8[%mul3A_15, %dma_wait3A_26] : memref<5120x128xf32, #tpu.memory_space<vmem_shared>> -> memref<320x128xf32, #tpu.memory_space<vmem_shared>>
      tpu.wait_dma2 semaphore(%run_scoped3A_21 : memref<!tpu.dma_semaphore, #tpu.memory_space<semaphore_mem>>) src(%dma_wait3A_27 : memref<320x128xf32, #tpu.memory_space<vmem_shared>>) dst(%dma_wait3A_25 : memref<320x128xf32, #tpu.memory_space<hbm>>)
      tpu.yield
    }) : () -> ()
    return
  }
}

#map = affine_map<(d0, d1) -> (0, 0)>
#map1 = affine_map<(d0, d1) -> (0, 0, 0)>
module attributes {stable_mosaic.version = 14 : i64} {
  func.func @body(%arg0: i32, %arg1: i32, %arg2: memref<5000x128xf32, #tpu.memory_space<hbm>>, %arg3: memref<32x5x128xi32, #tpu.memory_space<hbm>>, %arg4: memref<20480x128xf32, #tpu.memory_space<hbm>>, %arg5: memref<5x128xi32, #tpu.memory_space<vmem>>, %arg6: memref<640x128xf32, #tpu.memory_space<vmem>>, %arg7: memref<!tpu.dma_semaphore, #tpu.memory_space<semaphore_mem>>) attributes {dimension_semantics = [#tpu.dimension_semantics<core_parallel>, #tpu.dimension_semantics<subcore_parallel>], iteration_bounds = array<i64: 2, 16>, scalar_prefetch = 0 : i64, scratch_operands = 3 : i64, tpu.core_type = #tpu.core_type<sc_vector_subcore>, window_params = [{transform_indices = #map}, {transform_indices = #map1}, {transform_indices = #map}]} {
    %mul3A = arith.constant 2 : i32
    %mul3A_0 = arith.muli %arg1, %mul3A : i32
    %add3A = arith.addi %mul3A_0, %arg0 : i32
    "tpu.region"() ({
      %run_scoped3A = tpu.sem_alloc : memref<!tpu.dma_semaphore, #tpu.memory_space<semaphore_mem>>
      %dma_start3A_103 = arith.constant 0 : i32
      %dma_start3A_104 = arith.constant 0 : i32
      %dma_start3A_105 = tpu.memref_slice %arg3[%add3A, %dma_start3A_103, %dma_start3A_104] : memref<32x5x128xi32, #tpu.memory_space<hbm>> -> memref<1x5x128xi32, #tpu.memory_space<hbm>>
      %dma_start3A_106 = tpu.memref_squeeze %dma_start3A_105 : memref<1x5x128xi32, #tpu.memory_space<hbm>> -> memref<5x128xi32, #tpu.memory_space<hbm>>
      %dma_start3A_107 = arith.constant 0 : i32
      %dma_start3A_108 = arith.constant 0 : i32
      %dma_start3A_109 = tpu.memref_slice %arg3[%add3A, %dma_start3A_107, %dma_start3A_108] : memref<32x5x128xi32, #tpu.memory_space<hbm>> -> memref<1x5x128xi32, #tpu.memory_space<hbm>>
      %dma_start3A_110 = tpu.memref_squeeze %dma_start3A_109 : memref<1x5x128xi32, #tpu.memory_space<hbm>> -> memref<5x128xi32, #tpu.memory_space<hbm>>
      tpu.enqueue_dma source(%dma_start3A_110 : memref<5x128xi32, #tpu.memory_space<hbm>>) target(%arg5 : memref<5x128xi32, #tpu.memory_space<vmem>>) target_semaphore(%run_scoped3A : memref<!tpu.dma_semaphore, #tpu.memory_space<semaphore_mem>>)
      %dma_wait3A_111 = arith.constant 0 : i32
      %dma_wait3A_112 = arith.constant 0 : i32
      %dma_wait3A_113 = tpu.memref_slice %arg3[%add3A, %dma_wait3A_111, %dma_wait3A_112] : memref<32x5x128xi32, #tpu.memory_space<hbm>> -> memref<1x5x128xi32, #tpu.memory_space<hbm>>
      %dma_wait3A_114 = tpu.memref_squeeze %dma_wait3A_113 : memref<1x5x128xi32, #tpu.memory_space<hbm>> -> memref<5x128xi32, #tpu.memory_space<hbm>>
      %dma_wait3A_115 = arith.constant 0 : i32
      %dma_wait3A_116 = arith.constant 0 : i32
      %dma_wait3A_117 = tpu.memref_slice %arg3[%add3A, %dma_wait3A_115, %dma_wait3A_116] : memref<32x5x128xi32, #tpu.memory_space<hbm>> -> memref<1x5x128xi32, #tpu.memory_space<hbm>>
      %dma_wait3A_118 = tpu.memref_squeeze %dma_wait3A_117 : memref<1x5x128xi32, #tpu.memory_space<hbm>> -> memref<5x128xi32, #tpu.memory_space<hbm>>
      tpu.wait_dma2 semaphore(%run_scoped3A : memref<!tpu.dma_semaphore, #tpu.memory_space<semaphore_mem>>) src(%dma_wait3A_118 : memref<5x128xi32, #tpu.memory_space<hbm>>) dst(%arg5 : memref<5x128xi32, #tpu.memory_space<vmem>>)
      tpu.yield
    }) : () -> ()
    %dma_start3A = arith.constant 0 : i32
    %dma_start3A_1 = arith.constant 0 : i32
    %dma_start3A_2 = arith.constant 0 : i32
    %dma_start3A_3 = tpu.memref_slice %arg6[%dma_start3A_1, %dma_start3A_2] : memref<640x128xf32, #tpu.memory_space<vmem>> -> memref<128x128xf32, #tpu.memory_space<vmem>>
    %dma_start3A_4 = arith.constant 0 : i32
    %dma_start3A_5 = tpu.memref_slice %arg5[%dma_start3A, %dma_start3A_4] : memref<5x128xi32, #tpu.memory_space<vmem>> -> memref<1x128xi32, #tpu.memory_space<vmem>>
    %dma_start3A_6 = tpu.memref_squeeze %dma_start3A_5 : memref<1x128xi32, #tpu.memory_space<vmem>> -> memref<128xi32, #tpu.memory_space<vmem>>
    %dma_start3A_7 = arith.constant 0 : i32
    %dma_start3A_8 = arith.constant 0 : i32
    %dma_start3A_9 = tpu.memref_slice %arg2[%dma_start3A_7, %dma_start3A_8] : memref<5000x128xf32, #tpu.memory_space<hbm>> -> memref<5000x128xf32, #tpu.memory_space<hbm>>
    tpu.enqueue_indirect_dma source(%dma_start3A_9 : memref<5000x128xf32, #tpu.memory_space<hbm>>) target(%dma_start3A_3 : memref<128x128xf32, #tpu.memory_space<vmem>>) offsets(%dma_start3A_6 : memref<128xi32, #tpu.memory_space<vmem>>) semaphore(%arg7 : memref<!tpu.dma_semaphore, #tpu.memory_space<semaphore_mem>>)
    %dma_start3A_10 = arith.constant 1 : i32
    %dma_start3A_11 = arith.constant 128 : i32
    %dma_start3A_12 = arith.constant 0 : i32
    %dma_start3A_13 = tpu.memref_slice %arg6[%dma_start3A_11, %dma_start3A_12] : memref<640x128xf32, #tpu.memory_space<vmem>> -> memref<128x128xf32, #tpu.memory_space<vmem>>
    %dma_start3A_14 = arith.constant 0 : i32
    %dma_start3A_15 = tpu.memref_slice %arg5[%dma_start3A_10, %dma_start3A_14] : memref<5x128xi32, #tpu.memory_space<vmem>> -> memref<1x128xi32, #tpu.memory_space<vmem>>
    %dma_start3A_16 = tpu.memref_squeeze %dma_start3A_15 : memref<1x128xi32, #tpu.memory_space<vmem>> -> memref<128xi32, #tpu.memory_space<vmem>>
    %dma_start3A_17 = arith.constant 0 : i32
    %dma_start3A_18 = arith.constant 0 : i32
    %dma_start3A_19 = tpu.memref_slice %arg2[%dma_start3A_17, %dma_start3A_18] : memref<5000x128xf32, #tpu.memory_space<hbm>> -> memref<5000x128xf32, #tpu.memory_space<hbm>>
    tpu.enqueue_indirect_dma source(%dma_start3A_19 : memref<5000x128xf32, #tpu.memory_space<hbm>>) target(%dma_start3A_13 : memref<128x128xf32, #tpu.memory_space<vmem>>) offsets(%dma_start3A_16 : memref<128xi32, #tpu.memory_space<vmem>>) semaphore(%arg7 : memref<!tpu.dma_semaphore, #tpu.memory_space<semaphore_mem>>)
    %dma_start3A_20 = arith.constant 2 : i32
    %dma_start3A_21 = arith.constant 256 : i32
    %dma_start3A_22 = arith.constant 0 : i32
    %dma_start3A_23 = tpu.memref_slice %arg6[%dma_start3A_21, %dma_start3A_22] : memref<640x128xf32, #tpu.memory_space<vmem>> -> memref<128x128xf32, #tpu.memory_space<vmem>>
    %dma_start3A_24 = arith.constant 0 : i32
    %dma_start3A_25 = tpu.memref_slice %arg5[%dma_start3A_20, %dma_start3A_24] : memref<5x128xi32, #tpu.memory_space<vmem>> -> memref<1x128xi32, #tpu.memory_space<vmem>>
    %dma_start3A_26 = tpu.memref_squeeze %dma_start3A_25 : memref<1x128xi32, #tpu.memory_space<vmem>> -> memref<128xi32, #tpu.memory_space<vmem>>
    %dma_start3A_27 = arith.constant 0 : i32
    %dma_start3A_28 = arith.constant 0 : i32
    %dma_start3A_29 = tpu.memref_slice %arg2[%dma_start3A_27, %dma_start3A_28] : memref<5000x128xf32, #tpu.memory_space<hbm>> -> memref<5000x128xf32, #tpu.memory_space<hbm>>
    tpu.enqueue_indirect_dma source(%dma_start3A_29 : memref<5000x128xf32, #tpu.memory_space<hbm>>) target(%dma_start3A_23 : memref<128x128xf32, #tpu.memory_space<vmem>>) offsets(%dma_start3A_26 : memref<128xi32, #tpu.memory_space<vmem>>) semaphore(%arg7 : memref<!tpu.dma_semaphore, #tpu.memory_space<semaphore_mem>>)
    %dma_start3A_30 = arith.constant 3 : i32
    %dma_start3A_31 = arith.constant 384 : i32
    %dma_start3A_32 = arith.constant 0 : i32
    %dma_start3A_33 = tpu.memref_slice %arg6[%dma_start3A_31, %dma_start3A_32] : memref<640x128xf32, #tpu.memory_space<vmem>> -> memref<128x128xf32, #tpu.memory_space<vmem>>
    %dma_start3A_34 = arith.constant 0 : i32
    %dma_start3A_35 = tpu.memref_slice %arg5[%dma_start3A_30, %dma_start3A_34] : memref<5x128xi32, #tpu.memory_space<vmem>> -> memref<1x128xi32, #tpu.memory_space<vmem>>
    %dma_start3A_36 = tpu.memref_squeeze %dma_start3A_35 : memref<1x128xi32, #tpu.memory_space<vmem>> -> memref<128xi32, #tpu.memory_space<vmem>>
    %dma_start3A_37 = arith.constant 0 : i32
    %dma_start3A_38 = arith.constant 0 : i32
    %dma_start3A_39 = tpu.memref_slice %arg2[%dma_start3A_37, %dma_start3A_38] : memref<5000x128xf32, #tpu.memory_space<hbm>> -> memref<5000x128xf32, #tpu.memory_space<hbm>>
    tpu.enqueue_indirect_dma source(%dma_start3A_39 : memref<5000x128xf32, #tpu.memory_space<hbm>>) target(%dma_start3A_33 : memref<128x128xf32, #tpu.memory_space<vmem>>) offsets(%dma_start3A_36 : memref<128xi32, #tpu.memory_space<vmem>>) semaphore(%arg7 : memref<!tpu.dma_semaphore, #tpu.memory_space<semaphore_mem>>)
    %dma_start3A_40 = arith.constant 4 : i32
    %dma_start3A_41 = arith.constant 512 : i32
    %dma_start3A_42 = arith.constant 0 : i32
    %dma_start3A_43 = tpu.memref_slice %arg6[%dma_start3A_41, %dma_start3A_42] : memref<640x128xf32, #tpu.memory_space<vmem>> -> memref<128x128xf32, #tpu.memory_space<vmem>>
    %dma_start3A_44 = arith.constant 0 : i32
    %dma_start3A_45 = tpu.memref_slice %arg5[%dma_start3A_40, %dma_start3A_44] : memref<5x128xi32, #tpu.memory_space<vmem>> -> memref<1x128xi32, #tpu.memory_space<vmem>>
    %dma_start3A_46 = tpu.memref_squeeze %dma_start3A_45 : memref<1x128xi32, #tpu.memory_space<vmem>> -> memref<128xi32, #tpu.memory_space<vmem>>
    %dma_start3A_47 = arith.constant 0 : i32
    %dma_start3A_48 = arith.constant 0 : i32
    %dma_start3A_49 = tpu.memref_slice %arg2[%dma_start3A_47, %dma_start3A_48] : memref<5000x128xf32, #tpu.memory_space<hbm>> -> memref<5000x128xf32, #tpu.memory_space<hbm>>
    tpu.enqueue_indirect_dma source(%dma_start3A_49 : memref<5000x128xf32, #tpu.memory_space<hbm>>) target(%dma_start3A_43 : memref<128x128xf32, #tpu.memory_space<vmem>>) offsets(%dma_start3A_46 : memref<128xi32, #tpu.memory_space<vmem>>) semaphore(%arg7 : memref<!tpu.dma_semaphore, #tpu.memory_space<semaphore_mem>>)
    %dma_wait3A = arith.constant 0 : i32
    %dma_wait3A_50 = arith.constant 0 : i32
    %dma_wait3A_51 = arith.constant 0 : i32
    %dma_wait3A_52 = tpu.memref_slice %arg6[%dma_wait3A_50, %dma_wait3A_51] : memref<640x128xf32, #tpu.memory_space<vmem>> -> memref<128x128xf32, #tpu.memory_space<vmem>>
    %dma_wait3A_53 = arith.constant 0 : i32
    %dma_wait3A_54 = tpu.memref_slice %arg5[%dma_wait3A, %dma_wait3A_53] : memref<5x128xi32, #tpu.memory_space<vmem>> -> memref<1x128xi32, #tpu.memory_space<vmem>>
    %dma_wait3A_55 = tpu.memref_squeeze %dma_wait3A_54 : memref<1x128xi32, #tpu.memory_space<vmem>> -> memref<128xi32, #tpu.memory_space<vmem>>
    %dma_wait3A_56 = arith.constant 0 : i32
    %dma_wait3A_57 = arith.constant 0 : i32
    %dma_wait3A_58 = tpu.memref_slice %arg2[%dma_wait3A_56, %dma_wait3A_57] : memref<5000x128xf32, #tpu.memory_space<hbm>> -> memref<5000x128xf32, #tpu.memory_space<hbm>>
    tpu.wait_indirect_dma semaphore(%arg7 : memref<!tpu.dma_semaphore, #tpu.memory_space<semaphore_mem>>) src(%dma_wait3A_58 : memref<5000x128xf32, #tpu.memory_space<hbm>>) dst(%dma_wait3A_52 : memref<128x128xf32, #tpu.memory_space<vmem>>)
    %dma_wait3A_59 = arith.constant 1 : i32
    %dma_wait3A_60 = arith.constant 128 : i32
    %dma_wait3A_61 = arith.constant 0 : i32
    %dma_wait3A_62 = tpu.memref_slice %arg6[%dma_wait3A_60, %dma_wait3A_61] : memref<640x128xf32, #tpu.memory_space<vmem>> -> memref<128x128xf32, #tpu.memory_space<vmem>>
    %dma_wait3A_63 = arith.constant 0 : i32
    %dma_wait3A_64 = tpu.memref_slice %arg5[%dma_wait3A_59, %dma_wait3A_63] : memref<5x128xi32, #tpu.memory_space<vmem>> -> memref<1x128xi32, #tpu.memory_space<vmem>>
    %dma_wait3A_65 = tpu.memref_squeeze %dma_wait3A_64 : memref<1x128xi32, #tpu.memory_space<vmem>> -> memref<128xi32, #tpu.memory_space<vmem>>
    %dma_wait3A_66 = arith.constant 0 : i32
    %dma_wait3A_67 = arith.constant 0 : i32
    %dma_wait3A_68 = tpu.memref_slice %arg2[%dma_wait3A_66, %dma_wait3A_67] : memref<5000x128xf32, #tpu.memory_space<hbm>> -> memref<5000x128xf32, #tpu.memory_space<hbm>>
    tpu.wait_indirect_dma semaphore(%arg7 : memref<!tpu.dma_semaphore, #tpu.memory_space<semaphore_mem>>) src(%dma_wait3A_68 : memref<5000x128xf32, #tpu.memory_space<hbm>>) dst(%dma_wait3A_62 : memref<128x128xf32, #tpu.memory_space<vmem>>)
    %dma_wait3A_69 = arith.constant 2 : i32
    %dma_wait3A_70 = arith.constant 256 : i32
    %dma_wait3A_71 = arith.constant 0 : i32
    %dma_wait3A_72 = tpu.memref_slice %arg6[%dma_wait3A_70, %dma_wait3A_71] : memref<640x128xf32, #tpu.memory_space<vmem>> -> memref<128x128xf32, #tpu.memory_space<vmem>>
    %dma_wait3A_73 = arith.constant 0 : i32
    %dma_wait3A_74 = tpu.memref_slice %arg5[%dma_wait3A_69, %dma_wait3A_73] : memref<5x128xi32, #tpu.memory_space<vmem>> -> memref<1x128xi32, #tpu.memory_space<vmem>>
    %dma_wait3A_75 = tpu.memref_squeeze %dma_wait3A_74 : memref<1x128xi32, #tpu.memory_space<vmem>> -> memref<128xi32, #tpu.memory_space<vmem>>
    %dma_wait3A_76 = arith.constant 0 : i32
    %dma_wait3A_77 = arith.constant 0 : i32
    %dma_wait3A_78 = tpu.memref_slice %arg2[%dma_wait3A_76, %dma_wait3A_77] : memref<5000x128xf32, #tpu.memory_space<hbm>> -> memref<5000x128xf32, #tpu.memory_space<hbm>>
    tpu.wait_indirect_dma semaphore(%arg7 : memref<!tpu.dma_semaphore, #tpu.memory_space<semaphore_mem>>) src(%dma_wait3A_78 : memref<5000x128xf32, #tpu.memory_space<hbm>>) dst(%dma_wait3A_72 : memref<128x128xf32, #tpu.memory_space<vmem>>)
    %dma_wait3A_79 = arith.constant 3 : i32
    %dma_wait3A_80 = arith.constant 384 : i32
    %dma_wait3A_81 = arith.constant 0 : i32
    %dma_wait3A_82 = tpu.memref_slice %arg6[%dma_wait3A_80, %dma_wait3A_81] : memref<640x128xf32, #tpu.memory_space<vmem>> -> memref<128x128xf32, #tpu.memory_space<vmem>>
    %dma_wait3A_83 = arith.constant 0 : i32
    %dma_wait3A_84 = tpu.memref_slice %arg5[%dma_wait3A_79, %dma_wait3A_83] : memref<5x128xi32, #tpu.memory_space<vmem>> -> memref<1x128xi32, #tpu.memory_space<vmem>>
    %dma_wait3A_85 = tpu.memref_squeeze %dma_wait3A_84 : memref<1x128xi32, #tpu.memory_space<vmem>> -> memref<128xi32, #tpu.memory_space<vmem>>
    %dma_wait3A_86 = arith.constant 0 : i32
    %dma_wait3A_87 = arith.constant 0 : i32
    %dma_wait3A_88 = tpu.memref_slice %arg2[%dma_wait3A_86, %dma_wait3A_87] : memref<5000x128xf32, #tpu.memory_space<hbm>> -> memref<5000x128xf32, #tpu.memory_space<hbm>>
    tpu.wait_indirect_dma semaphore(%arg7 : memref<!tpu.dma_semaphore, #tpu.memory_space<semaphore_mem>>) src(%dma_wait3A_88 : memref<5000x128xf32, #tpu.memory_space<hbm>>) dst(%dma_wait3A_82 : memref<128x128xf32, #tpu.memory_space<vmem>>)
    %dma_wait3A_89 = arith.constant 4 : i32
    %dma_wait3A_90 = arith.constant 512 : i32
    %dma_wait3A_91 = arith.constant 0 : i32
    %dma_wait3A_92 = tpu.memref_slice %arg6[%dma_wait3A_90, %dma_wait3A_91] : memref<640x128xf32, #tpu.memory_space<vmem>> -> memref<128x128xf32, #tpu.memory_space<vmem>>
    %dma_wait3A_93 = arith.constant 0 : i32
    %dma_wait3A_94 = tpu.memref_slice %arg5[%dma_wait3A_89, %dma_wait3A_93] : memref<5x128xi32, #tpu.memory_space<vmem>> -> memref<1x128xi32, #tpu.memory_space<vmem>>
    %dma_wait3A_95 = tpu.memref_squeeze %dma_wait3A_94 : memref<1x128xi32, #tpu.memory_space<vmem>> -> memref<128xi32, #tpu.memory_space<vmem>>
    %dma_wait3A_96 = arith.constant 0 : i32
    %dma_wait3A_97 = arith.constant 0 : i32
    %dma_wait3A_98 = tpu.memref_slice %arg2[%dma_wait3A_96, %dma_wait3A_97] : memref<5000x128xf32, #tpu.memory_space<hbm>> -> memref<5000x128xf32, #tpu.memory_space<hbm>>
    tpu.wait_indirect_dma semaphore(%arg7 : memref<!tpu.dma_semaphore, #tpu.memory_space<semaphore_mem>>) src(%dma_wait3A_98 : memref<5000x128xf32, #tpu.memory_space<hbm>>) dst(%dma_wait3A_92 : memref<128x128xf32, #tpu.memory_space<vmem>>)
    %mul3A_99 = arith.constant 640 : i32
    %mul3A_100 = arith.muli %add3A, %mul3A_99 : i32
    %add3A_101 = arith.constant 0 : i32
    %add3A_102 = arith.addi %mul3A_100, %add3A_101 : i32
    "tpu.region"() ({
      %run_scoped3A = tpu.sem_alloc : memref<!tpu.dma_semaphore, #tpu.memory_space<semaphore_mem>>
      %dma_start3A_103 = arith.constant 0 : i32
      %dma_start3A_104 = tpu.memref_slice %arg4[%add3A_102, %dma_start3A_103] : memref<20480x128xf32, #tpu.memory_space<hbm>> -> memref<640x128xf32, #tpu.memory_space<hbm>>
      %dma_start3A_105 = arith.constant 0 : i32
      %dma_start3A_106 = tpu.memref_slice %arg4[%add3A_102, %dma_start3A_105] : memref<20480x128xf32, #tpu.memory_space<hbm>> -> memref<640x128xf32, #tpu.memory_space<hbm>>
      tpu.enqueue_dma source(%arg6 : memref<640x128xf32, #tpu.memory_space<vmem>>) target(%dma_start3A_106 : memref<640x128xf32, #tpu.memory_space<hbm>>) target_semaphore(%run_scoped3A : memref<!tpu.dma_semaphore, #tpu.memory_space<semaphore_mem>>)
      %dma_wait3A_107 = arith.constant 0 : i32
      %dma_wait3A_108 = tpu.memref_slice %arg4[%add3A_102, %dma_wait3A_107] : memref<20480x128xf32, #tpu.memory_space<hbm>> -> memref<640x128xf32, #tpu.memory_space<hbm>>
      %dma_wait3A_109 = arith.constant 0 : i32
      %dma_wait3A_110 = tpu.memref_slice %arg4[%add3A_102, %dma_wait3A_109] : memref<20480x128xf32, #tpu.memory_space<hbm>> -> memref<640x128xf32, #tpu.memory_space<hbm>>
      tpu.wait_dma2 semaphore(%run_scoped3A : memref<!tpu.dma_semaphore, #tpu.memory_space<semaphore_mem>>) src(%arg6 : memref<640x128xf32, #tpu.memory_space<vmem>>) dst(%dma_wait3A_110 : memref<640x128xf32, #tpu.memory_space<hbm>>)
      tpu.yield
    }) : () -> ()
    return
  }
}

#map = affine_map<(d0, d1) -> (0, 0)>
#map1 = affine_map<(d0, d1) -> (0, 0, 0)>
module attributes {stable_mosaic.version = 14 : i64} {
  func.func @body(%arg0: i32, %arg1: i32, %arg2: memref<5000x128xf32, #tpu.memory_space<hbm>>, %arg3: memref<32x5x128xi32, #tpu.memory_space<hbm>>, %arg4: memref<20480x128xf32, #tpu.memory_space<hbm>>, %arg5: memref<5x128xi32, #tpu.memory_space<vmem>>, %arg6: memref<640x128xf32, #tpu.memory_space<vmem>>, %arg7: memref<!tpu.dma_semaphore, #tpu.memory_space<semaphore_mem>>) attributes {dimension_semantics = [#tpu.dimension_semantics<core_parallel>, #tpu.dimension_semantics<subcore_parallel>], iteration_bounds = array<i64: 2, 16>, scalar_prefetch = 0 : i64, scratch_operands = 3 : i64, tpu.core_type = #tpu.core_type<sc_vector_subcore>, window_params = [{transform_indices = #map}, {transform_indices = #map1}, {transform_indices = #map}]} {
    %mul3A = arith.constant 2 : i32
    %mul3A_0 = arith.muli %arg1, %mul3A : i32
    %add3A = arith.addi %mul3A_0, %arg0 : i32
    "tpu.region"() ({
      %run_scoped3A = tpu.sem_alloc : memref<!tpu.dma_semaphore, #tpu.memory_space<semaphore_mem>>
      %dma_start3A_103 = arith.constant 0 : i32
      %dma_start3A_104 = arith.constant 0 : i32
      %dma_start3A_105 = tpu.memref_slice %arg3[%add3A, %dma_start3A_103, %dma_start3A_104] : memref<32x5x128xi32, #tpu.memory_space<hbm>> -> memref<1x5x128xi32, #tpu.memory_space<hbm>>
      %dma_start3A_106 = tpu.memref_squeeze %dma_start3A_105 : memref<1x5x128xi32, #tpu.memory_space<hbm>> -> memref<5x128xi32, #tpu.memory_space<hbm>>
      %dma_start3A_107 = arith.constant 0 : i32
      %dma_start3A_108 = arith.constant 0 : i32
      %dma_start3A_109 = tpu.memref_slice %arg3[%add3A, %dma_start3A_107, %dma_start3A_108] : memref<32x5x128xi32, #tpu.memory_space<hbm>> -> memref<1x5x128xi32, #tpu.memory_space<hbm>>
      %dma_start3A_110 = tpu.memref_squeeze %dma_start3A_109 : memref<1x5x128xi32, #tpu.memory_space<hbm>> -> memref<5x128xi32, #tpu.memory_space<hbm>>
      tpu.enqueue_dma source(%dma_start3A_110 : memref<5x128xi32, #tpu.memory_space<hbm>>) target(%arg5 : memref<5x128xi32, #tpu.memory_space<vmem>>) target_semaphore(%run_scoped3A : memref<!tpu.dma_semaphore, #tpu.memory_space<semaphore_mem>>)
      %dma_wait3A_111 = arith.constant 0 : i32
      %dma_wait3A_112 = arith.constant 0 : i32
      %dma_wait3A_113 = tpu.memref_slice %arg3[%add3A, %dma_wait3A_111, %dma_wait3A_112] : memref<32x5x128xi32, #tpu.memory_space<hbm>> -> memref<1x5x128xi32, #tpu.memory_space<hbm>>
      %dma_wait3A_114 = tpu.memref_squeeze %dma_wait3A_113 : memref<1x5x128xi32, #tpu.memory_space<hbm>> -> memref<5x128xi32, #tpu.memory_space<hbm>>
      %dma_wait3A_115 = arith.constant 0 : i32
      %dma_wait3A_116 = arith.constant 0 : i32
      %dma_wait3A_117 = tpu.memref_slice %arg3[%add3A, %dma_wait3A_115, %dma_wait3A_116] : memref<32x5x128xi32, #tpu.memory_space<hbm>> -> memref<1x5x128xi32, #tpu.memory_space<hbm>>
      %dma_wait3A_118 = tpu.memref_squeeze %dma_wait3A_117 : memref<1x5x128xi32, #tpu.memory_space<hbm>> -> memref<5x128xi32, #tpu.memory_space<hbm>>
      tpu.wait_dma2 semaphore(%run_scoped3A : memref<!tpu.dma_semaphore, #tpu.memory_space<semaphore_mem>>) src(%dma_wait3A_118 : memref<5x128xi32, #tpu.memory_space<hbm>>) dst(%arg5 : memref<5x128xi32, #tpu.memory_space<vmem>>)
      tpu.yield
    }) : () -> ()
    %dma_start3A = arith.constant 0 : i32
    %dma_start3A_1 = arith.constant 0 : i32
    %dma_start3A_2 = arith.constant 0 : i32
    %dma_start3A_3 = tpu.memref_slice %arg6[%dma_start3A_1, %dma_start3A_2] : memref<640x128xf32, #tpu.memory_space<vmem>> -> memref<128x128xf32, #tpu.memory_space<vmem>>
    %dma_start3A_4 = arith.constant 0 : i32
    %dma_start3A_5 = tpu.memref_slice %arg5[%dma_start3A, %dma_start3A_4] : memref<5x128xi32, #tpu.memory_space<vmem>> -> memref<1x128xi32, #tpu.memory_space<vmem>>
    %dma_start3A_6 = tpu.memref_squeeze %dma_start3A_5 : memref<1x128xi32, #tpu.memory_space<vmem>> -> memref<128xi32, #tpu.memory_space<vmem>>
    %dma_start3A_7 = arith.constant 0 : i32
    %dma_start3A_8 = arith.constant 0 : i32
    %dma_start3A_9 = tpu.memref_slice %arg2[%dma_start3A_7, %dma_start3A_8] : memref<5000x128xf32, #tpu.memory_space<hbm>> -> memref<5000x128xf32, #tpu.memory_space<hbm>>
    tpu.enqueue_indirect_dma source(%dma_start3A_9 : memref<5000x128xf32, #tpu.memory_space<hbm>>) target(%dma_start3A_3 : memref<128x128xf32, #tpu.memory_space<vmem>>) offsets(%dma_start3A_6 : memref<128xi32, #tpu.memory_space<vmem>>) semaphore(%arg7 : memref<!tpu.dma_semaphore, #tpu.memory_space<semaphore_mem>>)
    %dma_start3A_10 = arith.constant 1 : i32
    %dma_start3A_11 = arith.constant 128 : i32
    %dma_start3A_12 = arith.constant 0 : i32
    %dma_start3A_13 = tpu.memref_slice %arg6[%dma_start3A_11, %dma_start3A_12] : memref<640x128xf32, #tpu.memory_space<vmem>> -> memref<128x128xf32, #tpu.memory_space<vmem>>
    %dma_start3A_14 = arith.constant 0 : i32
    %dma_start3A_15 = tpu.memref_slice %arg5[%dma_start3A_10, %dma_start3A_14] : memref<5x128xi32, #tpu.memory_space<vmem>> -> memref<1x128xi32, #tpu.memory_space<vmem>>
    %dma_start3A_16 = tpu.memref_squeeze %dma_start3A_15 : memref<1x128xi32, #tpu.memory_space<vmem>> -> memref<128xi32, #tpu.memory_space<vmem>>
    %dma_start3A_17 = arith.constant 0 : i32
    %dma_start3A_18 = arith.constant 0 : i32
    %dma_start3A_19 = tpu.memref_slice %arg2[%dma_start3A_17, %dma_start3A_18] : memref<5000x128xf32, #tpu.memory_space<hbm>> -> memref<5000x128xf32, #tpu.memory_space<hbm>>
    tpu.enqueue_indirect_dma source(%dma_start3A_19 : memref<5000x128xf32, #tpu.memory_space<hbm>>) target(%dma_start3A_13 : memref<128x128xf32, #tpu.memory_space<vmem>>) offsets(%dma_start3A_16 : memref<128xi32, #tpu.memory_space<vmem>>) semaphore(%arg7 : memref<!tpu.dma_semaphore, #tpu.memory_space<semaphore_mem>>)
    %dma_start3A_20 = arith.constant 2 : i32
    %dma_start3A_21 = arith.constant 256 : i32
    %dma_start3A_22 = arith.constant 0 : i32
    %dma_start3A_23 = tpu.memref_slice %arg6[%dma_start3A_21, %dma_start3A_22] : memref<640x128xf32, #tpu.memory_space<vmem>> -> memref<128x128xf32, #tpu.memory_space<vmem>>
    %dma_start3A_24 = arith.constant 0 : i32
    %dma_start3A_25 = tpu.memref_slice %arg5[%dma_start3A_20, %dma_start3A_24] : memref<5x128xi32, #tpu.memory_space<vmem>> -> memref<1x128xi32, #tpu.memory_space<vmem>>
    %dma_start3A_26 = tpu.memref_squeeze %dma_start3A_25 : memref<1x128xi32, #tpu.memory_space<vmem>> -> memref<128xi32, #tpu.memory_space<vmem>>
    %dma_start3A_27 = arith.constant 0 : i32
    %dma_start3A_28 = arith.constant 0 : i32
    %dma_start3A_29 = tpu.memref_slice %arg2[%dma_start3A_27, %dma_start3A_28] : memref<5000x128xf32, #tpu.memory_space<hbm>> -> memref<5000x128xf32, #tpu.memory_space<hbm>>
    tpu.enqueue_indirect_dma source(%dma_start3A_29 : memref<5000x128xf32, #tpu.memory_space<hbm>>) target(%dma_start3A_23 : memref<128x128xf32, #tpu.memory_space<vmem>>) offsets(%dma_start3A_26 : memref<128xi32, #tpu.memory_space<vmem>>) semaphore(%arg7 : memref<!tpu.dma_semaphore, #tpu.memory_space<semaphore_mem>>)
    %dma_start3A_30 = arith.constant 3 : i32
    %dma_start3A_31 = arith.constant 384 : i32
    %dma_start3A_32 = arith.constant 0 : i32
    %dma_start3A_33 = tpu.memref_slice %arg6[%dma_start3A_31, %dma_start3A_32] : memref<640x128xf32, #tpu.memory_space<vmem>> -> memref<128x128xf32, #tpu.memory_space<vmem>>
    %dma_start3A_34 = arith.constant 0 : i32
    %dma_start3A_35 = tpu.memref_slice %arg5[%dma_start3A_30, %dma_start3A_34] : memref<5x128xi32, #tpu.memory_space<vmem>> -> memref<1x128xi32, #tpu.memory_space<vmem>>
    %dma_start3A_36 = tpu.memref_squeeze %dma_start3A_35 : memref<1x128xi32, #tpu.memory_space<vmem>> -> memref<128xi32, #tpu.memory_space<vmem>>
    %dma_start3A_37 = arith.constant 0 : i32
    %dma_start3A_38 = arith.constant 0 : i32
    %dma_start3A_39 = tpu.memref_slice %arg2[%dma_start3A_37, %dma_start3A_38] : memref<5000x128xf32, #tpu.memory_space<hbm>> -> memref<5000x128xf32, #tpu.memory_space<hbm>>
    tpu.enqueue_indirect_dma source(%dma_start3A_39 : memref<5000x128xf32, #tpu.memory_space<hbm>>) target(%dma_start3A_33 : memref<128x128xf32, #tpu.memory_space<vmem>>) offsets(%dma_start3A_36 : memref<128xi32, #tpu.memory_space<vmem>>) semaphore(%arg7 : memref<!tpu.dma_semaphore, #tpu.memory_space<semaphore_mem>>)
    %dma_start3A_40 = arith.constant 4 : i32
    %dma_start3A_41 = arith.constant 512 : i32
    %dma_start3A_42 = arith.constant 0 : i32
    %dma_start3A_43 = tpu.memref_slice %arg6[%dma_start3A_41, %dma_start3A_42] : memref<640x128xf32, #tpu.memory_space<vmem>> -> memref<128x128xf32, #tpu.memory_space<vmem>>
    %dma_start3A_44 = arith.constant 0 : i32
    %dma_start3A_45 = tpu.memref_slice %arg5[%dma_start3A_40, %dma_start3A_44] : memref<5x128xi32, #tpu.memory_space<vmem>> -> memref<1x128xi32, #tpu.memory_space<vmem>>
    %dma_start3A_46 = tpu.memref_squeeze %dma_start3A_45 : memref<1x128xi32, #tpu.memory_space<vmem>> -> memref<128xi32, #tpu.memory_space<vmem>>
    %dma_start3A_47 = arith.constant 0 : i32
    %dma_start3A_48 = arith.constant 0 : i32
    %dma_start3A_49 = tpu.memref_slice %arg2[%dma_start3A_47, %dma_start3A_48] : memref<5000x128xf32, #tpu.memory_space<hbm>> -> memref<5000x128xf32, #tpu.memory_space<hbm>>
    tpu.enqueue_indirect_dma source(%dma_start3A_49 : memref<5000x128xf32, #tpu.memory_space<hbm>>) target(%dma_start3A_43 : memref<128x128xf32, #tpu.memory_space<vmem>>) offsets(%dma_start3A_46 : memref<128xi32, #tpu.memory_space<vmem>>) semaphore(%arg7 : memref<!tpu.dma_semaphore, #tpu.memory_space<semaphore_mem>>)
    %dma_wait3A = arith.constant 0 : i32
    %dma_wait3A_50 = arith.constant 0 : i32
    %dma_wait3A_51 = arith.constant 0 : i32
    %dma_wait3A_52 = tpu.memref_slice %arg6[%dma_wait3A_50, %dma_wait3A_51] : memref<640x128xf32, #tpu.memory_space<vmem>> -> memref<128x128xf32, #tpu.memory_space<vmem>>
    %dma_wait3A_53 = arith.constant 0 : i32
    %dma_wait3A_54 = tpu.memref_slice %arg5[%dma_wait3A, %dma_wait3A_53] : memref<5x128xi32, #tpu.memory_space<vmem>> -> memref<1x128xi32, #tpu.memory_space<vmem>>
    %dma_wait3A_55 = tpu.memref_squeeze %dma_wait3A_54 : memref<1x128xi32, #tpu.memory_space<vmem>> -> memref<128xi32, #tpu.memory_space<vmem>>
    %dma_wait3A_56 = arith.constant 0 : i32
    %dma_wait3A_57 = arith.constant 0 : i32
    %dma_wait3A_58 = tpu.memref_slice %arg2[%dma_wait3A_56, %dma_wait3A_57] : memref<5000x128xf32, #tpu.memory_space<hbm>> -> memref<5000x128xf32, #tpu.memory_space<hbm>>
    tpu.wait_indirect_dma semaphore(%arg7 : memref<!tpu.dma_semaphore, #tpu.memory_space<semaphore_mem>>) src(%dma_wait3A_58 : memref<5000x128xf32, #tpu.memory_space<hbm>>) dst(%dma_wait3A_52 : memref<128x128xf32, #tpu.memory_space<vmem>>)
    %dma_wait3A_59 = arith.constant 1 : i32
    %dma_wait3A_60 = arith.constant 128 : i32
    %dma_wait3A_61 = arith.constant 0 : i32
    %dma_wait3A_62 = tpu.memref_slice %arg6[%dma_wait3A_60, %dma_wait3A_61] : memref<640x128xf32, #tpu.memory_space<vmem>> -> memref<128x128xf32, #tpu.memory_space<vmem>>
    %dma_wait3A_63 = arith.constant 0 : i32
    %dma_wait3A_64 = tpu.memref_slice %arg5[%dma_wait3A_59, %dma_wait3A_63] : memref<5x128xi32, #tpu.memory_space<vmem>> -> memref<1x128xi32, #tpu.memory_space<vmem>>
    %dma_wait3A_65 = tpu.memref_squeeze %dma_wait3A_64 : memref<1x128xi32, #tpu.memory_space<vmem>> -> memref<128xi32, #tpu.memory_space<vmem>>
    %dma_wait3A_66 = arith.constant 0 : i32
    %dma_wait3A_67 = arith.constant 0 : i32
    %dma_wait3A_68 = tpu.memref_slice %arg2[%dma_wait3A_66, %dma_wait3A_67] : memref<5000x128xf32, #tpu.memory_space<hbm>> -> memref<5000x128xf32, #tpu.memory_space<hbm>>
    tpu.wait_indirect_dma semaphore(%arg7 : memref<!tpu.dma_semaphore, #tpu.memory_space<semaphore_mem>>) src(%dma_wait3A_68 : memref<5000x128xf32, #tpu.memory_space<hbm>>) dst(%dma_wait3A_62 : memref<128x128xf32, #tpu.memory_space<vmem>>)
    %dma_wait3A_69 = arith.constant 2 : i32
    %dma_wait3A_70 = arith.constant 256 : i32
    %dma_wait3A_71 = arith.constant 0 : i32
    %dma_wait3A_72 = tpu.memref_slice %arg6[%dma_wait3A_70, %dma_wait3A_71] : memref<640x128xf32, #tpu.memory_space<vmem>> -> memref<128x128xf32, #tpu.memory_space<vmem>>
    %dma_wait3A_73 = arith.constant 0 : i32
    %dma_wait3A_74 = tpu.memref_slice %arg5[%dma_wait3A_69, %dma_wait3A_73] : memref<5x128xi32, #tpu.memory_space<vmem>> -> memref<1x128xi32, #tpu.memory_space<vmem>>
    %dma_wait3A_75 = tpu.memref_squeeze %dma_wait3A_74 : memref<1x128xi32, #tpu.memory_space<vmem>> -> memref<128xi32, #tpu.memory_space<vmem>>
    %dma_wait3A_76 = arith.constant 0 : i32
    %dma_wait3A_77 = arith.constant 0 : i32
    %dma_wait3A_78 = tpu.memref_slice %arg2[%dma_wait3A_76, %dma_wait3A_77] : memref<5000x128xf32, #tpu.memory_space<hbm>> -> memref<5000x128xf32, #tpu.memory_space<hbm>>
    tpu.wait_indirect_dma semaphore(%arg7 : memref<!tpu.dma_semaphore, #tpu.memory_space<semaphore_mem>>) src(%dma_wait3A_78 : memref<5000x128xf32, #tpu.memory_space<hbm>>) dst(%dma_wait3A_72 : memref<128x128xf32, #tpu.memory_space<vmem>>)
    %dma_wait3A_79 = arith.constant 3 : i32
    %dma_wait3A_80 = arith.constant 384 : i32
    %dma_wait3A_81 = arith.constant 0 : i32
    %dma_wait3A_82 = tpu.memref_slice %arg6[%dma_wait3A_80, %dma_wait3A_81] : memref<640x128xf32, #tpu.memory_space<vmem>> -> memref<128x128xf32, #tpu.memory_space<vmem>>
    %dma_wait3A_83 = arith.constant 0 : i32
    %dma_wait3A_84 = tpu.memref_slice %arg5[%dma_wait3A_79, %dma_wait3A_83] : memref<5x128xi32, #tpu.memory_space<vmem>> -> memref<1x128xi32, #tpu.memory_space<vmem>>
    %dma_wait3A_85 = tpu.memref_squeeze %dma_wait3A_84 : memref<1x128xi32, #tpu.memory_space<vmem>> -> memref<128xi32, #tpu.memory_space<vmem>>
    %dma_wait3A_86 = arith.constant 0 : i32
    %dma_wait3A_87 = arith.constant 0 : i32
    %dma_wait3A_88 = tpu.memref_slice %arg2[%dma_wait3A_86, %dma_wait3A_87] : memref<5000x128xf32, #tpu.memory_space<hbm>> -> memref<5000x128xf32, #tpu.memory_space<hbm>>
    tpu.wait_indirect_dma semaphore(%arg7 : memref<!tpu.dma_semaphore, #tpu.memory_space<semaphore_mem>>) src(%dma_wait3A_88 : memref<5000x128xf32, #tpu.memory_space<hbm>>) dst(%dma_wait3A_82 : memref<128x128xf32, #tpu.memory_space<vmem>>)
    %dma_wait3A_89 = arith.constant 4 : i32
    %dma_wait3A_90 = arith.constant 512 : i32
    %dma_wait3A_91 = arith.constant 0 : i32
    %dma_wait3A_92 = tpu.memref_slice %arg6[%dma_wait3A_90, %dma_wait3A_91] : memref<640x128xf32, #tpu.memory_space<vmem>> -> memref<128x128xf32, #tpu.memory_space<vmem>>
    %dma_wait3A_93 = arith.constant 0 : i32
    %dma_wait3A_94 = tpu.memref_slice %arg5[%dma_wait3A_89, %dma_wait3A_93] : memref<5x128xi32, #tpu.memory_space<vmem>> -> memref<1x128xi32, #tpu.memory_space<vmem>>
    %dma_wait3A_95 = tpu.memref_squeeze %dma_wait3A_94 : memref<1x128xi32, #tpu.memory_space<vmem>> -> memref<128xi32, #tpu.memory_space<vmem>>
    %dma_wait3A_96 = arith.constant 0 : i32
    %dma_wait3A_97 = arith.constant 0 : i32
    %dma_wait3A_98 = tpu.memref_slice %arg2[%dma_wait3A_96, %dma_wait3A_97] : memref<5000x128xf32, #tpu.memory_space<hbm>> -> memref<5000x128xf32, #tpu.memory_space<hbm>>
    tpu.wait_indirect_dma semaphore(%arg7 : memref<!tpu.dma_semaphore, #tpu.memory_space<semaphore_mem>>) src(%dma_wait3A_98 : memref<5000x128xf32, #tpu.memory_space<hbm>>) dst(%dma_wait3A_92 : memref<128x128xf32, #tpu.memory_space<vmem>>)
    %mul3A_99 = arith.constant 640 : i32
    %mul3A_100 = arith.muli %add3A, %mul3A_99 : i32
    %add3A_101 = arith.constant 0 : i32
    %add3A_102 = arith.addi %mul3A_100, %add3A_101 : i32
    "tpu.region"() ({
      %run_scoped3A = tpu.sem_alloc : memref<!tpu.dma_semaphore, #tpu.memory_space<semaphore_mem>>
      %dma_start3A_103 = arith.constant 0 : i32
      %dma_start3A_104 = tpu.memref_slice %arg4[%add3A_102, %dma_start3A_103] : memref<20480x128xf32, #tpu.memory_space<hbm>> -> memref<640x128xf32, #tpu.memory_space<hbm>>
      %dma_start3A_105 = arith.constant 0 : i32
      %dma_start3A_106 = tpu.memref_slice %arg4[%add3A_102, %dma_start3A_105] : memref<20480x128xf32, #tpu.memory_space<hbm>> -> memref<640x128xf32, #tpu.memory_space<hbm>>
      tpu.enqueue_dma source(%arg6 : memref<640x128xf32, #tpu.memory_space<vmem>>) target(%dma_start3A_106 : memref<640x128xf32, #tpu.memory_space<hbm>>) target_semaphore(%run_scoped3A : memref<!tpu.dma_semaphore, #tpu.memory_space<semaphore_mem>>)
      %dma_wait3A_107 = arith.constant 0 : i32
      %dma_wait3A_108 = tpu.memref_slice %arg4[%add3A_102, %dma_wait3A_107] : memref<20480x128xf32, #tpu.memory_space<hbm>> -> memref<640x128xf32, #tpu.memory_space<hbm>>
      %dma_wait3A_109 = arith.constant 0 : i32
      %dma_wait3A_110 = tpu.memref_slice %arg4[%add3A_102, %dma_wait3A_109] : memref<20480x128xf32, #tpu.memory_space<hbm>> -> memref<640x128xf32, #tpu.memory_space<hbm>>
      tpu.wait_dma2 semaphore(%run_scoped3A : memref<!tpu.dma_semaphore, #tpu.memory_space<semaphore_mem>>) src(%arg6 : memref<640x128xf32, #tpu.memory_space<vmem>>) dst(%dma_wait3A_110 : memref<640x128xf32, #tpu.memory_space<hbm>>)
      tpu.yield
    }) : () -> ()
    return
  }
}

#map = affine_map<(d0, d1) -> (0, 0)>
#map1 = affine_map<(d0, d1) -> (0, 0, 0)>
module attributes {stable_mosaic.version = 14 : i64} {
  func.func @body(%arg0: i32, %arg1: i32, %arg2: memref<20480x128xf32, #tpu.memory_space<hbm>>, %arg3: memref<32x5x128xi32, #tpu.memory_space<hbm>>, %arg4: memref<5120x128xf32, #tpu.memory_space<hbm>>, %arg5: memref<10240x128xf32, #tpu.memory_space<hbm>>, %arg6: memref<5x128xi32, #tpu.memory_space<vmem>>, %arg7: memref<640x128xf32, #tpu.memory_space<vmem>>, %arg8: memref<5120x128xf32, #tpu.memory_space<vmem_shared>>) attributes {dimension_semantics = [#tpu.dimension_semantics<core_parallel>, #tpu.dimension_semantics<subcore_parallel>], iteration_bounds = array<i64: 2, 16>, scalar_prefetch = 0 : i64, scratch_operands = 3 : i64, tpu.core_type = #tpu.core_type<sc_vector_subcore>, window_params = [{transform_indices = #map}, {transform_indices = #map1}, {transform_indices = #map}, {transform_indices = #map}]} {
    %mul3A = arith.constant 2 : i32
    %mul3A_0 = arith.muli %arg1, %mul3A : i32
    %add3A = arith.addi %mul3A_0, %arg0 : i32
    %mul3A_1 = arith.constant 320 : i32
    %mul3A_2 = arith.muli %arg1, %mul3A_1 : i32
    %mul3A_3 = arith.constant 320 : i32
    %mul3A_4 = arith.muli %arg1, %mul3A_3 : i32
    "tpu.region"() ({
      %run_scoped3A_21 = tpu.sem_alloc : memref<!tpu.dma_semaphore, #tpu.memory_space<semaphore_mem>>
      %dma_start3A = arith.constant 0 : i32
      %dma_start3A_22 = tpu.memref_slice %arg8[%mul3A_4, %dma_start3A] : memref<5120x128xf32, #tpu.memory_space<vmem_shared>> -> memref<320x128xf32, #tpu.memory_space<vmem_shared>>
      %dma_start3A_23 = arith.constant 0 : i32
      %dma_start3A_24 = tpu.memref_slice %arg4[%mul3A_2, %dma_start3A_23] : memref<5120x128xf32, #tpu.memory_space<hbm>> -> memref<320x128xf32, #tpu.memory_space<hbm>>
      tpu.enqueue_dma source(%dma_start3A_24 : memref<320x128xf32, #tpu.memory_space<hbm>>) target(%dma_start3A_22 : memref<320x128xf32, #tpu.memory_space<vmem_shared>>) target_semaphore(%run_scoped3A_21 : memref<!tpu.dma_semaphore, #tpu.memory_space<semaphore_mem>>)
      %dma_wait3A = arith.constant 0 : i32
      %dma_wait3A_25 = tpu.memref_slice %arg8[%mul3A_4, %dma_wait3A] : memref<5120x128xf32, #tpu.memory_space<vmem_shared>> -> memref<320x128xf32, #tpu.memory_space<vmem_shared>>
      %dma_wait3A_26 = arith.constant 0 : i32
      %dma_wait3A_27 = tpu.memref_slice %arg4[%mul3A_2, %dma_wait3A_26] : memref<5120x128xf32, #tpu.memory_space<hbm>> -> memref<320x128xf32, #tpu.memory_space<hbm>>
      tpu.wait_dma2 semaphore(%run_scoped3A_21 : memref<!tpu.dma_semaphore, #tpu.memory_space<semaphore_mem>>) src(%dma_wait3A_27 : memref<320x128xf32, #tpu.memory_space<hbm>>) dst(%dma_wait3A_25 : memref<320x128xf32, #tpu.memory_space<vmem_shared>>)
      tpu.yield
    }) : () -> ()
    %barrier3A = arith.constant 0 : index
    tpu.barrier barrier_id(%barrier3A)
    "tpu.region"() ({
      %run_scoped3A_21 = tpu.sem_alloc : memref<!tpu.dma_semaphore, #tpu.memory_space<semaphore_mem>>
      %dma_start3A = arith.constant 0 : i32
      %dma_start3A_22 = arith.constant 0 : i32
      %dma_start3A_23 = tpu.memref_slice %arg3[%add3A, %dma_start3A, %dma_start3A_22] : memref<32x5x128xi32, #tpu.memory_space<hbm>> -> memref<1x5x128xi32, #tpu.memory_space<hbm>>
      %dma_start3A_24 = tpu.memref_squeeze %dma_start3A_23 : memref<1x5x128xi32, #tpu.memory_space<hbm>> -> memref<5x128xi32, #tpu.memory_space<hbm>>
      %dma_start3A_25 = arith.constant 0 : i32
      %dma_start3A_26 = arith.constant 0 : i32
      %dma_start3A_27 = tpu.memref_slice %arg3[%add3A, %dma_start3A_25, %dma_start3A_26] : memref<32x5x128xi32, #tpu.memory_space<hbm>> -> memref<1x5x128xi32, #tpu.memory_space<hbm>>
      %dma_start3A_28 = tpu.memref_squeeze %dma_start3A_27 : memref<1x5x128xi32, #tpu.memory_space<hbm>> -> memref<5x128xi32, #tpu.memory_space<hbm>>
      tpu.enqueue_dma source(%dma_start3A_28 : memref<5x128xi32, #tpu.memory_space<hbm>>) target(%arg6 : memref<5x128xi32, #tpu.memory_space<vmem>>) target_semaphore(%run_scoped3A_21 : memref<!tpu.dma_semaphore, #tpu.memory_space<semaphore_mem>>)
      %dma_wait3A = arith.constant 0 : i32
      %dma_wait3A_29 = arith.constant 0 : i32
      %dma_wait3A_30 = tpu.memref_slice %arg3[%add3A, %dma_wait3A, %dma_wait3A_29] : memref<32x5x128xi32, #tpu.memory_space<hbm>> -> memref<1x5x128xi32, #tpu.memory_space<hbm>>
      %dma_wait3A_31 = tpu.memref_squeeze %dma_wait3A_30 : memref<1x5x128xi32, #tpu.memory_space<hbm>> -> memref<5x128xi32, #tpu.memory_space<hbm>>
      %dma_wait3A_32 = arith.constant 0 : i32
      %dma_wait3A_33 = arith.constant 0 : i32
      %dma_wait3A_34 = tpu.memref_slice %arg3[%add3A, %dma_wait3A_32, %dma_wait3A_33] : memref<32x5x128xi32, #tpu.memory_space<hbm>> -> memref<1x5x128xi32, #tpu.memory_space<hbm>>
      %dma_wait3A_35 = tpu.memref_squeeze %dma_wait3A_34 : memref<1x5x128xi32, #tpu.memory_space<hbm>> -> memref<5x128xi32, #tpu.memory_space<hbm>>
      tpu.wait_dma2 semaphore(%run_scoped3A_21 : memref<!tpu.dma_semaphore, #tpu.memory_space<semaphore_mem>>) src(%dma_wait3A_35 : memref<5x128xi32, #tpu.memory_space<hbm>>) dst(%arg6 : memref<5x128xi32, #tpu.memory_space<vmem>>)
      tpu.yield
    }) : () -> ()
    %mul3A_5 = arith.constant 640 : i32
    %mul3A_6 = arith.muli %add3A, %mul3A_5 : i32
    %add3A_7 = arith.constant 0 : i32
    %add3A_8 = arith.addi %mul3A_6, %add3A_7 : i32
    "tpu.region"() ({
      %run_scoped3A_21 = tpu.sem_alloc : memref<!tpu.dma_semaphore, #tpu.memory_space<semaphore_mem>>
      %dma_start3A = arith.constant 0 : i32
      %dma_start3A_22 = tpu.memref_slice %arg2[%add3A_8, %dma_start3A] : memref<20480x128xf32, #tpu.memory_space<hbm>> -> memref<640x128xf32, #tpu.memory_space<hbm>>
      %dma_start3A_23 = arith.constant 0 : i32
      %dma_start3A_24 = tpu.memref_slice %arg2[%add3A_8, %dma_start3A_23] : memref<20480x128xf32, #tpu.memory_space<hbm>> -> memref<640x128xf32, #tpu.memory_space<hbm>>
      tpu.enqueue_dma source(%dma_start3A_24 : memref<640x128xf32, #tpu.memory_space<hbm>>) target(%arg7 : memref<640x128xf32, #tpu.memory_space<vmem>>) target_semaphore(%run_scoped3A_21 : memref<!tpu.dma_semaphore, #tpu.memory_space<semaphore_mem>>)
      %dma_wait3A = arith.constant 0 : i32
      %dma_wait3A_25 = tpu.memref_slice %arg2[%add3A_8, %dma_wait3A] : memref<20480x128xf32, #tpu.memory_space<hbm>> -> memref<640x128xf32, #tpu.memory_space<hbm>>
      %dma_wait3A_26 = arith.constant 0 : i32
      %dma_wait3A_27 = tpu.memref_slice %arg2[%add3A_8, %dma_wait3A_26] : memref<20480x128xf32, #tpu.memory_space<hbm>> -> memref<640x128xf32, #tpu.memory_space<hbm>>
      tpu.wait_dma2 semaphore(%run_scoped3A_21 : memref<!tpu.dma_semaphore, #tpu.memory_space<semaphore_mem>>) src(%dma_wait3A_27 : memref<640x128xf32, #tpu.memory_space<hbm>>) dst(%arg7 : memref<640x128xf32, #tpu.memory_space<vmem>>)
      tpu.yield
    }) : () -> ()
    %run_scoped3A = arith.constant 0 : i32
    "tpu.region"() ({
      %run_scoped3A_21 = tpu.sem_alloc : memref<!tpu.dma_semaphore, #tpu.memory_space<semaphore_mem>>
      %dma_start3A = arith.constant 0 : i32
      %dma_start3A_22 = arith.constant 0 : i32
      %dma_start3A_23 = tpu.memref_slice %arg7[%dma_start3A, %dma_start3A_22] : memref<640x128xf32, #tpu.memory_space<vmem>> -> memref<128x128xf32, #tpu.memory_space<vmem>>
      %dma_start3A_24 = arith.constant 0 : i32
      %dma_start3A_25 = tpu.memref_slice %arg6[%run_scoped3A, %dma_start3A_24] : memref<5x128xi32, #tpu.memory_space<vmem>> -> memref<1x128xi32, #tpu.memory_space<vmem>>
      %dma_start3A_26 = tpu.memref_squeeze %dma_start3A_25 : memref<1x128xi32, #tpu.memory_space<vmem>> -> memref<128xi32, #tpu.memory_space<vmem>>
      %dma_start3A_27 = arith.constant 0 : i32
      %dma_start3A_28 = arith.constant 0 : i32
      %dma_start3A_29 = tpu.memref_slice %arg8[%dma_start3A_27, %dma_start3A_28] : memref<5120x128xf32, #tpu.memory_space<vmem_shared>> -> memref<5120x128xf32, #tpu.memory_space<vmem_shared>>
      tpu.enqueue_indirect_dma source(%dma_start3A_23 : memref<128x128xf32, #tpu.memory_space<vmem>>) target(%dma_start3A_29 : memref<5120x128xf32, #tpu.memory_space<vmem_shared>>) offsets(%dma_start3A_26 : memref<128xi32, #tpu.memory_space<vmem>>) semaphore(%run_scoped3A_21 : memref<!tpu.dma_semaphore, #tpu.memory_space<semaphore_mem>>) {add = true}
      %dma_wait3A = arith.constant 0 : i32
      %dma_wait3A_30 = arith.constant 0 : i32
      %dma_wait3A_31 = tpu.memref_slice %arg7[%dma_wait3A, %dma_wait3A_30] : memref<640x128xf32, #tpu.memory_space<vmem>> -> memref<128x128xf32, #tpu.memory_space<vmem>>
      %dma_wait3A_32 = arith.constant 0 : i32
      %dma_wait3A_33 = tpu.memref_slice %arg6[%run_scoped3A, %dma_wait3A_32] : memref<5x128xi32, #tpu.memory_space<vmem>> -> memref<1x128xi32, #tpu.memory_space<vmem>>
      %dma_wait3A_34 = tpu.memref_squeeze %dma_wait3A_33 : memref<1x128xi32, #tpu.memory_space<vmem>> -> memref<128xi32, #tpu.memory_space<vmem>>
      %dma_wait3A_35 = arith.constant 0 : i32
      %dma_wait3A_36 = arith.constant 0 : i32
      %dma_wait3A_37 = tpu.memref_slice %arg8[%dma_wait3A_35, %dma_wait3A_36] : memref<5120x128xf32, #tpu.memory_space<vmem_shared>> -> memref<5120x128xf32, #tpu.memory_space<vmem_shared>>
      tpu.wait_indirect_dma semaphore(%run_scoped3A_21 : memref<!tpu.dma_semaphore, #tpu.memory_space<semaphore_mem>>) src(%dma_wait3A_31 : memref<128x128xf32, #tpu.memory_space<vmem>>) dst(%dma_wait3A_37 : memref<5120x128xf32, #tpu.memory_space<vmem_shared>>)
      tpu.yield
    }) : () -> ()
    %run_scoped3A_9 = arith.constant 1 : i32
    "tpu.region"() ({
      %run_scoped3A_21 = tpu.sem_alloc : memref<!tpu.dma_semaphore, #tpu.memory_space<semaphore_mem>>
      %dma_start3A = arith.constant 128 : i32
      %dma_start3A_22 = arith.constant 0 : i32
      %dma_start3A_23 = tpu.memref_slice %arg7[%dma_start3A, %dma_start3A_22] : memref<640x128xf32, #tpu.memory_space<vmem>> -> memref<128x128xf32, #tpu.memory_space<vmem>>
      %dma_start3A_24 = arith.constant 0 : i32
      %dma_start3A_25 = tpu.memref_slice %arg6[%run_scoped3A_9, %dma_start3A_24] : memref<5x128xi32, #tpu.memory_space<vmem>> -> memref<1x128xi32, #tpu.memory_space<vmem>>
      %dma_start3A_26 = tpu.memref_squeeze %dma_start3A_25 : memref<1x128xi32, #tpu.memory_space<vmem>> -> memref<128xi32, #tpu.memory_space<vmem>>
      %dma_start3A_27 = arith.constant 0 : i32
      %dma_start3A_28 = arith.constant 0 : i32
      %dma_start3A_29 = tpu.memref_slice %arg8[%dma_start3A_27, %dma_start3A_28] : memref<5120x128xf32, #tpu.memory_space<vmem_shared>> -> memref<5120x128xf32, #tpu.memory_space<vmem_shared>>
      tpu.enqueue_indirect_dma source(%dma_start3A_23 : memref<128x128xf32, #tpu.memory_space<vmem>>) target(%dma_start3A_29 : memref<5120x128xf32, #tpu.memory_space<vmem_shared>>) offsets(%dma_start3A_26 : memref<128xi32, #tpu.memory_space<vmem>>) semaphore(%run_scoped3A_21 : memref<!tpu.dma_semaphore, #tpu.memory_space<semaphore_mem>>) {add = true}
      %dma_wait3A = arith.constant 128 : i32
      %dma_wait3A_30 = arith.constant 0 : i32
      %dma_wait3A_31 = tpu.memref_slice %arg7[%dma_wait3A, %dma_wait3A_30] : memref<640x128xf32, #tpu.memory_space<vmem>> -> memref<128x128xf32, #tpu.memory_space<vmem>>
      %dma_wait3A_32 = arith.constant 0 : i32
      %dma_wait3A_33 = tpu.memref_slice %arg6[%run_scoped3A_9, %dma_wait3A_32] : memref<5x128xi32, #tpu.memory_space<vmem>> -> memref<1x128xi32, #tpu.memory_space<vmem>>
      %dma_wait3A_34 = tpu.memref_squeeze %dma_wait3A_33 : memref<1x128xi32, #tpu.memory_space<vmem>> -> memref<128xi32, #tpu.memory_space<vmem>>
      %dma_wait3A_35 = arith.constant 0 : i32
      %dma_wait3A_36 = arith.constant 0 : i32
      %dma_wait3A_37 = tpu.memref_slice %arg8[%dma_wait3A_35, %dma_wait3A_36] : memref<5120x128xf32, #tpu.memory_space<vmem_shared>> -> memref<5120x128xf32, #tpu.memory_space<vmem_shared>>
      tpu.wait_indirect_dma semaphore(%run_scoped3A_21 : memref<!tpu.dma_semaphore, #tpu.memory_space<semaphore_mem>>) src(%dma_wait3A_31 : memref<128x128xf32, #tpu.memory_space<vmem>>) dst(%dma_wait3A_37 : memref<5120x128xf32, #tpu.memory_space<vmem_shared>>)
      tpu.yield
    }) : () -> ()
    %run_scoped3A_10 = arith.constant 2 : i32
    "tpu.region"() ({
      %run_scoped3A_21 = tpu.sem_alloc : memref<!tpu.dma_semaphore, #tpu.memory_space<semaphore_mem>>
      %dma_start3A = arith.constant 256 : i32
      %dma_start3A_22 = arith.constant 0 : i32
      %dma_start3A_23 = tpu.memref_slice %arg7[%dma_start3A, %dma_start3A_22] : memref<640x128xf32, #tpu.memory_space<vmem>> -> memref<128x128xf32, #tpu.memory_space<vmem>>
      %dma_start3A_24 = arith.constant 0 : i32
      %dma_start3A_25 = tpu.memref_slice %arg6[%run_scoped3A_10, %dma_start3A_24] : memref<5x128xi32, #tpu.memory_space<vmem>> -> memref<1x128xi32, #tpu.memory_space<vmem>>
      %dma_start3A_26 = tpu.memref_squeeze %dma_start3A_25 : memref<1x128xi32, #tpu.memory_space<vmem>> -> memref<128xi32, #tpu.memory_space<vmem>>
      %dma_start3A_27 = arith.constant 0 : i32
      %dma_start3A_28 = arith.constant 0 : i32
      %dma_start3A_29 = tpu.memref_slice %arg8[%dma_start3A_27, %dma_start3A_28] : memref<5120x128xf32, #tpu.memory_space<vmem_shared>> -> memref<5120x128xf32, #tpu.memory_space<vmem_shared>>
      tpu.enqueue_indirect_dma source(%dma_start3A_23 : memref<128x128xf32, #tpu.memory_space<vmem>>) target(%dma_start3A_29 : memref<5120x128xf32, #tpu.memory_space<vmem_shared>>) offsets(%dma_start3A_26 : memref<128xi32, #tpu.memory_space<vmem>>) semaphore(%run_scoped3A_21 : memref<!tpu.dma_semaphore, #tpu.memory_space<semaphore_mem>>) {add = true}
      %dma_wait3A = arith.constant 256 : i32
      %dma_wait3A_30 = arith.constant 0 : i32
      %dma_wait3A_31 = tpu.memref_slice %arg7[%dma_wait3A, %dma_wait3A_30] : memref<640x128xf32, #tpu.memory_space<vmem>> -> memref<128x128xf32, #tpu.memory_space<vmem>>
      %dma_wait3A_32 = arith.constant 0 : i32
      %dma_wait3A_33 = tpu.memref_slice %arg6[%run_scoped3A_10, %dma_wait3A_32] : memref<5x128xi32, #tpu.memory_space<vmem>> -> memref<1x128xi32, #tpu.memory_space<vmem>>
      %dma_wait3A_34 = tpu.memref_squeeze %dma_wait3A_33 : memref<1x128xi32, #tpu.memory_space<vmem>> -> memref<128xi32, #tpu.memory_space<vmem>>
      %dma_wait3A_35 = arith.constant 0 : i32
      %dma_wait3A_36 = arith.constant 0 : i32
      %dma_wait3A_37 = tpu.memref_slice %arg8[%dma_wait3A_35, %dma_wait3A_36] : memref<5120x128xf32, #tpu.memory_space<vmem_shared>> -> memref<5120x128xf32, #tpu.memory_space<vmem_shared>>
      tpu.wait_indirect_dma semaphore(%run_scoped3A_21 : memref<!tpu.dma_semaphore, #tpu.memory_space<semaphore_mem>>) src(%dma_wait3A_31 : memref<128x128xf32, #tpu.memory_space<vmem>>) dst(%dma_wait3A_37 : memref<5120x128xf32, #tpu.memory_space<vmem_shared>>)
      tpu.yield
    }) : () -> ()
    %run_scoped3A_11 = arith.constant 3 : i32
    "tpu.region"() ({
      %run_scoped3A_21 = tpu.sem_alloc : memref<!tpu.dma_semaphore, #tpu.memory_space<semaphore_mem>>
      %dma_start3A = arith.constant 384 : i32
      %dma_start3A_22 = arith.constant 0 : i32
      %dma_start3A_23 = tpu.memref_slice %arg7[%dma_start3A, %dma_start3A_22] : memref<640x128xf32, #tpu.memory_space<vmem>> -> memref<128x128xf32, #tpu.memory_space<vmem>>
      %dma_start3A_24 = arith.constant 0 : i32
      %dma_start3A_25 = tpu.memref_slice %arg6[%run_scoped3A_11, %dma_start3A_24] : memref<5x128xi32, #tpu.memory_space<vmem>> -> memref<1x128xi32, #tpu.memory_space<vmem>>
      %dma_start3A_26 = tpu.memref_squeeze %dma_start3A_25 : memref<1x128xi32, #tpu.memory_space<vmem>> -> memref<128xi32, #tpu.memory_space<vmem>>
      %dma_start3A_27 = arith.constant 0 : i32
      %dma_start3A_28 = arith.constant 0 : i32
      %dma_start3A_29 = tpu.memref_slice %arg8[%dma_start3A_27, %dma_start3A_28] : memref<5120x128xf32, #tpu.memory_space<vmem_shared>> -> memref<5120x128xf32, #tpu.memory_space<vmem_shared>>
      tpu.enqueue_indirect_dma source(%dma_start3A_23 : memref<128x128xf32, #tpu.memory_space<vmem>>) target(%dma_start3A_29 : memref<5120x128xf32, #tpu.memory_space<vmem_shared>>) offsets(%dma_start3A_26 : memref<128xi32, #tpu.memory_space<vmem>>) semaphore(%run_scoped3A_21 : memref<!tpu.dma_semaphore, #tpu.memory_space<semaphore_mem>>) {add = true}
      %dma_wait3A = arith.constant 384 : i32
      %dma_wait3A_30 = arith.constant 0 : i32
      %dma_wait3A_31 = tpu.memref_slice %arg7[%dma_wait3A, %dma_wait3A_30] : memref<640x128xf32, #tpu.memory_space<vmem>> -> memref<128x128xf32, #tpu.memory_space<vmem>>
      %dma_wait3A_32 = arith.constant 0 : i32
      %dma_wait3A_33 = tpu.memref_slice %arg6[%run_scoped3A_11, %dma_wait3A_32] : memref<5x128xi32, #tpu.memory_space<vmem>> -> memref<1x128xi32, #tpu.memory_space<vmem>>
      %dma_wait3A_34 = tpu.memref_squeeze %dma_wait3A_33 : memref<1x128xi32, #tpu.memory_space<vmem>> -> memref<128xi32, #tpu.memory_space<vmem>>
      %dma_wait3A_35 = arith.constant 0 : i32
      %dma_wait3A_36 = arith.constant 0 : i32
      %dma_wait3A_37 = tpu.memref_slice %arg8[%dma_wait3A_35, %dma_wait3A_36] : memref<5120x128xf32, #tpu.memory_space<vmem_shared>> -> memref<5120x128xf32, #tpu.memory_space<vmem_shared>>
      tpu.wait_indirect_dma semaphore(%run_scoped3A_21 : memref<!tpu.dma_semaphore, #tpu.memory_space<semaphore_mem>>) src(%dma_wait3A_31 : memref<128x128xf32, #tpu.memory_space<vmem>>) dst(%dma_wait3A_37 : memref<5120x128xf32, #tpu.memory_space<vmem_shared>>)
      tpu.yield
    }) : () -> ()
    %run_scoped3A_12 = arith.constant 4 : i32
    "tpu.region"() ({
      %run_scoped3A_21 = tpu.sem_alloc : memref<!tpu.dma_semaphore, #tpu.memory_space<semaphore_mem>>
      %dma_start3A = arith.constant 512 : i32
      %dma_start3A_22 = arith.constant 0 : i32
      %dma_start3A_23 = tpu.memref_slice %arg7[%dma_start3A, %dma_start3A_22] : memref<640x128xf32, #tpu.memory_space<vmem>> -> memref<128x128xf32, #tpu.memory_space<vmem>>
      %dma_start3A_24 = arith.constant 0 : i32
      %dma_start3A_25 = tpu.memref_slice %arg6[%run_scoped3A_12, %dma_start3A_24] : memref<5x128xi32, #tpu.memory_space<vmem>> -> memref<1x128xi32, #tpu.memory_space<vmem>>
      %dma_start3A_26 = tpu.memref_squeeze %dma_start3A_25 : memref<1x128xi32, #tpu.memory_space<vmem>> -> memref<128xi32, #tpu.memory_space<vmem>>
      %dma_start3A_27 = arith.constant 0 : i32
      %dma_start3A_28 = arith.constant 0 : i32
      %dma_start3A_29 = tpu.memref_slice %arg8[%dma_start3A_27, %dma_start3A_28] : memref<5120x128xf32, #tpu.memory_space<vmem_shared>> -> memref<5120x128xf32, #tpu.memory_space<vmem_shared>>
      tpu.enqueue_indirect_dma source(%dma_start3A_23 : memref<128x128xf32, #tpu.memory_space<vmem>>) target(%dma_start3A_29 : memref<5120x128xf32, #tpu.memory_space<vmem_shared>>) offsets(%dma_start3A_26 : memref<128xi32, #tpu.memory_space<vmem>>) semaphore(%run_scoped3A_21 : memref<!tpu.dma_semaphore, #tpu.memory_space<semaphore_mem>>) {add = true}
      %dma_wait3A = arith.constant 512 : i32
      %dma_wait3A_30 = arith.constant 0 : i32
      %dma_wait3A_31 = tpu.memref_slice %arg7[%dma_wait3A, %dma_wait3A_30] : memref<640x128xf32, #tpu.memory_space<vmem>> -> memref<128x128xf32, #tpu.memory_space<vmem>>
      %dma_wait3A_32 = arith.constant 0 : i32
      %dma_wait3A_33 = tpu.memref_slice %arg6[%run_scoped3A_12, %dma_wait3A_32] : memref<5x128xi32, #tpu.memory_space<vmem>> -> memref<1x128xi32, #tpu.memory_space<vmem>>
      %dma_wait3A_34 = tpu.memref_squeeze %dma_wait3A_33 : memref<1x128xi32, #tpu.memory_space<vmem>> -> memref<128xi32, #tpu.memory_space<vmem>>
      %dma_wait3A_35 = arith.constant 0 : i32
      %dma_wait3A_36 = arith.constant 0 : i32
      %dma_wait3A_37 = tpu.memref_slice %arg8[%dma_wait3A_35, %dma_wait3A_36] : memref<5120x128xf32, #tpu.memory_space<vmem_shared>> -> memref<5120x128xf32, #tpu.memory_space<vmem_shared>>
      tpu.wait_indirect_dma semaphore(%run_scoped3A_21 : memref<!tpu.dma_semaphore, #tpu.memory_space<semaphore_mem>>) src(%dma_wait3A_31 : memref<128x128xf32, #tpu.memory_space<vmem>>) dst(%dma_wait3A_37 : memref<5120x128xf32, #tpu.memory_space<vmem_shared>>)
      tpu.yield
    }) : () -> ()
    %barrier3A_13 = arith.constant 0 : index
    tpu.barrier barrier_id(%barrier3A_13)
    %mul3A_14 = arith.constant 320 : i32
    %mul3A_15 = arith.muli %arg1, %mul3A_14 : i32
    %mul3A_16 = arith.constant 5120 : i32
    %mul3A_17 = arith.muli %arg0, %mul3A_16 : i32
    %mul3A_18 = arith.constant 320 : i32
    %mul3A_19 = arith.muli %arg1, %mul3A_18 : i32
    %add3A_20 = arith.addi %mul3A_17, %mul3A_19 : i32
    "tpu.region"() ({
      %run_scoped3A_21 = tpu.sem_alloc : memref<!tpu.dma_semaphore, #tpu.memory_space<semaphore_mem>>
      %dma_start3A = arith.constant 0 : i32
      %dma_start3A_22 = tpu.memref_slice %arg5[%add3A_20, %dma_start3A] : memref<10240x128xf32, #tpu.memory_space<hbm>> -> memref<320x128xf32, #tpu.memory_space<hbm>>
      %dma_start3A_23 = arith.constant 0 : i32
      %dma_start3A_24 = tpu.memref_slice %arg8[%mul3A_15, %dma_start3A_23] : memref<5120x128xf32, #tpu.memory_space<vmem_shared>> -> memref<320x128xf32, #tpu.memory_space<vmem_shared>>
      tpu.enqueue_dma source(%dma_start3A_24 : memref<320x128xf32, #tpu.memory_space<vmem_shared>>) target(%dma_start3A_22 : memref<320x128xf32, #tpu.memory_space<hbm>>) target_semaphore(%run_scoped3A_21 : memref<!tpu.dma_semaphore, #tpu.memory_space<semaphore_mem>>)
      %dma_wait3A = arith.constant 0 : i32
      %dma_wait3A_25 = tpu.memref_slice %arg5[%add3A_20, %dma_wait3A] : memref<10240x128xf32, #tpu.memory_space<hbm>> -> memref<320x128xf32, #tpu.memory_space<hbm>>
      %dma_wait3A_26 = arith.constant 0 : i32
      %dma_wait3A_27 = tpu.memref_slice %arg8[%mul3A_15, %dma_wait3A_26] : memref<5120x128xf32, #tpu.memory_space<vmem_shared>> -> memref<320x128xf32, #tpu.memory_space<vmem_shared>>
      tpu.wait_dma2 semaphore(%run_scoped3A_21 : memref<!tpu.dma_semaphore, #tpu.memory_space<semaphore_mem>>) src(%dma_wait3A_27 : memref<320x128xf32, #tpu.memory_space<vmem_shared>>) dst(%dma_wait3A_25 : memref<320x128xf32, #tpu.memory_space<hbm>>)
      tpu.yield
    }) : () -> ()
    return
  }
}

#map = affine_map<(d0, d1) -> (0, 0)>
#map1 = affine_map<(d0, d1) -> (0, 0, 0)>
module attributes {stable_mosaic.version = 14 : i64} {
  func.func @body(%arg0: i32, %arg1: i32, %arg2: memref<20480x128xf32, #tpu.memory_space<hbm>>, %arg3: memref<32x5x128xi32, #tpu.memory_space<hbm>>, %arg4: memref<5120x128xf32, #tpu.memory_space<hbm>>, %arg5: memref<10240x128xf32, #tpu.memory_space<hbm>>, %arg6: memref<5x128xi32, #tpu.memory_space<vmem>>, %arg7: memref<640x128xf32, #tpu.memory_space<vmem>>, %arg8: memref<5120x128xf32, #tpu.memory_space<vmem_shared>>) attributes {dimension_semantics = [#tpu.dimension_semantics<core_parallel>, #tpu.dimension_semantics<subcore_parallel>], iteration_bounds = array<i64: 2, 16>, scalar_prefetch = 0 : i64, scratch_operands = 3 : i64, tpu.core_type = #tpu.core_type<sc_vector_subcore>, window_params = [{transform_indices = #map}, {transform_indices = #map1}, {transform_indices = #map}, {transform_indices = #map}]} {
    %mul3A = arith.constant 2 : i32
    %mul3A_0 = arith.muli %arg1, %mul3A : i32
    %add3A = arith.addi %mul3A_0, %arg0 : i32
    %mul3A_1 = arith.constant 320 : i32
    %mul3A_2 = arith.muli %arg1, %mul3A_1 : i32
    %mul3A_3 = arith.constant 320 : i32
    %mul3A_4 = arith.muli %arg1, %mul3A_3 : i32
    "tpu.region"() ({
      %run_scoped3A_21 = tpu.sem_alloc : memref<!tpu.dma_semaphore, #tpu.memory_space<semaphore_mem>>
      %dma_start3A = arith.constant 0 : i32
      %dma_start3A_22 = tpu.memref_slice %arg8[%mul3A_4, %dma_start3A] : memref<5120x128xf32, #tpu.memory_space<vmem_shared>> -> memref<320x128xf32, #tpu.memory_space<vmem_shared>>
      %dma_start3A_23 = arith.constant 0 : i32
      %dma_start3A_24 = tpu.memref_slice %arg4[%mul3A_2, %dma_start3A_23] : memref<5120x128xf32, #tpu.memory_space<hbm>> -> memref<320x128xf32, #tpu.memory_space<hbm>>
      tpu.enqueue_dma source(%dma_start3A_24 : memref<320x128xf32, #tpu.memory_space<hbm>>) target(%dma_start3A_22 : memref<320x128xf32, #tpu.memory_space<vmem_shared>>) target_semaphore(%run_scoped3A_21 : memref<!tpu.dma_semaphore, #tpu.memory_space<semaphore_mem>>)
      %dma_wait3A = arith.constant 0 : i32
      %dma_wait3A_25 = tpu.memref_slice %arg8[%mul3A_4, %dma_wait3A] : memref<5120x128xf32, #tpu.memory_space<vmem_shared>> -> memref<320x128xf32, #tpu.memory_space<vmem_shared>>
      %dma_wait3A_26 = arith.constant 0 : i32
      %dma_wait3A_27 = tpu.memref_slice %arg4[%mul3A_2, %dma_wait3A_26] : memref<5120x128xf32, #tpu.memory_space<hbm>> -> memref<320x128xf32, #tpu.memory_space<hbm>>
      tpu.wait_dma2 semaphore(%run_scoped3A_21 : memref<!tpu.dma_semaphore, #tpu.memory_space<semaphore_mem>>) src(%dma_wait3A_27 : memref<320x128xf32, #tpu.memory_space<hbm>>) dst(%dma_wait3A_25 : memref<320x128xf32, #tpu.memory_space<vmem_shared>>)
      tpu.yield
    }) : () -> ()
    %barrier3A = arith.constant 0 : index
    tpu.barrier barrier_id(%barrier3A)
    "tpu.region"() ({
      %run_scoped3A_21 = tpu.sem_alloc : memref<!tpu.dma_semaphore, #tpu.memory_space<semaphore_mem>>
      %dma_start3A = arith.constant 0 : i32
      %dma_start3A_22 = arith.constant 0 : i32
      %dma_start3A_23 = tpu.memref_slice %arg3[%add3A, %dma_start3A, %dma_start3A_22] : memref<32x5x128xi32, #tpu.memory_space<hbm>> -> memref<1x5x128xi32, #tpu.memory_space<hbm>>
      %dma_start3A_24 = tpu.memref_squeeze %dma_start3A_23 : memref<1x5x128xi32, #tpu.memory_space<hbm>> -> memref<5x128xi32, #tpu.memory_space<hbm>>
      %dma_start3A_25 = arith.constant 0 : i32
      %dma_start3A_26 = arith.constant 0 : i32
      %dma_start3A_27 = tpu.memref_slice %arg3[%add3A, %dma_start3A_25, %dma_start3A_26] : memref<32x5x128xi32, #tpu.memory_space<hbm>> -> memref<1x5x128xi32, #tpu.memory_space<hbm>>
      %dma_start3A_28 = tpu.memref_squeeze %dma_start3A_27 : memref<1x5x128xi32, #tpu.memory_space<hbm>> -> memref<5x128xi32, #tpu.memory_space<hbm>>
      tpu.enqueue_dma source(%dma_start3A_28 : memref<5x128xi32, #tpu.memory_space<hbm>>) target(%arg6 : memref<5x128xi32, #tpu.memory_space<vmem>>) target_semaphore(%run_scoped3A_21 : memref<!tpu.dma_semaphore, #tpu.memory_space<semaphore_mem>>)
      %dma_wait3A = arith.constant 0 : i32
      %dma_wait3A_29 = arith.constant 0 : i32
      %dma_wait3A_30 = tpu.memref_slice %arg3[%add3A, %dma_wait3A, %dma_wait3A_29] : memref<32x5x128xi32, #tpu.memory_space<hbm>> -> memref<1x5x128xi32, #tpu.memory_space<hbm>>
      %dma_wait3A_31 = tpu.memref_squeeze %dma_wait3A_30 : memref<1x5x128xi32, #tpu.memory_space<hbm>> -> memref<5x128xi32, #tpu.memory_space<hbm>>
      %dma_wait3A_32 = arith.constant 0 : i32
      %dma_wait3A_33 = arith.constant 0 : i32
      %dma_wait3A_34 = tpu.memref_slice %arg3[%add3A, %dma_wait3A_32, %dma_wait3A_33] : memref<32x5x128xi32, #tpu.memory_space<hbm>> -> memref<1x5x128xi32, #tpu.memory_space<hbm>>
      %dma_wait3A_35 = tpu.memref_squeeze %dma_wait3A_34 : memref<1x5x128xi32, #tpu.memory_space<hbm>> -> memref<5x128xi32, #tpu.memory_space<hbm>>
      tpu.wait_dma2 semaphore(%run_scoped3A_21 : memref<!tpu.dma_semaphore, #tpu.memory_space<semaphore_mem>>) src(%dma_wait3A_35 : memref<5x128xi32, #tpu.memory_space<hbm>>) dst(%arg6 : memref<5x128xi32, #tpu.memory_space<vmem>>)
      tpu.yield
    }) : () -> ()
    %mul3A_5 = arith.constant 640 : i32
    %mul3A_6 = arith.muli %add3A, %mul3A_5 : i32
    %add3A_7 = arith.constant 0 : i32
    %add3A_8 = arith.addi %mul3A_6, %add3A_7 : i32
    "tpu.region"() ({
      %run_scoped3A_21 = tpu.sem_alloc : memref<!tpu.dma_semaphore, #tpu.memory_space<semaphore_mem>>
      %dma_start3A = arith.constant 0 : i32
      %dma_start3A_22 = tpu.memref_slice %arg2[%add3A_8, %dma_start3A] : memref<20480x128xf32, #tpu.memory_space<hbm>> -> memref<640x128xf32, #tpu.memory_space<hbm>>
      %dma_start3A_23 = arith.constant 0 : i32
      %dma_start3A_24 = tpu.memref_slice %arg2[%add3A_8, %dma_start3A_23] : memref<20480x128xf32, #tpu.memory_space<hbm>> -> memref<640x128xf32, #tpu.memory_space<hbm>>
      tpu.enqueue_dma source(%dma_start3A_24 : memref<640x128xf32, #tpu.memory_space<hbm>>) target(%arg7 : memref<640x128xf32, #tpu.memory_space<vmem>>) target_semaphore(%run_scoped3A_21 : memref<!tpu.dma_semaphore, #tpu.memory_space<semaphore_mem>>)
      %dma_wait3A = arith.constant 0 : i32
      %dma_wait3A_25 = tpu.memref_slice %arg2[%add3A_8, %dma_wait3A] : memref<20480x128xf32, #tpu.memory_space<hbm>> -> memref<640x128xf32, #tpu.memory_space<hbm>>
      %dma_wait3A_26 = arith.constant 0 : i32
      %dma_wait3A_27 = tpu.memref_slice %arg2[%add3A_8, %dma_wait3A_26] : memref<20480x128xf32, #tpu.memory_space<hbm>> -> memref<640x128xf32, #tpu.memory_space<hbm>>
      tpu.wait_dma2 semaphore(%run_scoped3A_21 : memref<!tpu.dma_semaphore, #tpu.memory_space<semaphore_mem>>) src(%dma_wait3A_27 : memref<640x128xf32, #tpu.memory_space<hbm>>) dst(%arg7 : memref<640x128xf32, #tpu.memory_space<vmem>>)
      tpu.yield
    }) : () -> ()
    %run_scoped3A = arith.constant 0 : i32
    "tpu.region"() ({
      %run_scoped3A_21 = tpu.sem_alloc : memref<!tpu.dma_semaphore, #tpu.memory_space<semaphore_mem>>
      %dma_start3A = arith.constant 0 : i32
      %dma_start3A_22 = arith.constant 0 : i32
      %dma_start3A_23 = tpu.memref_slice %arg7[%dma_start3A, %dma_start3A_22] : memref<640x128xf32, #tpu.memory_space<vmem>> -> memref<128x128xf32, #tpu.memory_space<vmem>>
      %dma_start3A_24 = arith.constant 0 : i32
      %dma_start3A_25 = tpu.memref_slice %arg6[%run_scoped3A, %dma_start3A_24] : memref<5x128xi32, #tpu.memory_space<vmem>> -> memref<1x128xi32, #tpu.memory_space<vmem>>
      %dma_start3A_26 = tpu.memref_squeeze %dma_start3A_25 : memref<1x128xi32, #tpu.memory_space<vmem>> -> memref<128xi32, #tpu.memory_space<vmem>>
      %dma_start3A_27 = arith.constant 0 : i32
      %dma_start3A_28 = arith.constant 0 : i32
      %dma_start3A_29 = tpu.memref_slice %arg8[%dma_start3A_27, %dma_start3A_28] : memref<5120x128xf32, #tpu.memory_space<vmem_shared>> -> memref<5120x128xf32, #tpu.memory_space<vmem_shared>>
      tpu.enqueue_indirect_dma source(%dma_start3A_23 : memref<128x128xf32, #tpu.memory_space<vmem>>) target(%dma_start3A_29 : memref<5120x128xf32, #tpu.memory_space<vmem_shared>>) offsets(%dma_start3A_26 : memref<128xi32, #tpu.memory_space<vmem>>) semaphore(%run_scoped3A_21 : memref<!tpu.dma_semaphore, #tpu.memory_space<semaphore_mem>>) {add = true}
      %dma_wait3A = arith.constant 0 : i32
      %dma_wait3A_30 = arith.constant 0 : i32
      %dma_wait3A_31 = tpu.memref_slice %arg7[%dma_wait3A, %dma_wait3A_30] : memref<640x128xf32, #tpu.memory_space<vmem>> -> memref<128x128xf32, #tpu.memory_space<vmem>>
      %dma_wait3A_32 = arith.constant 0 : i32
      %dma_wait3A_33 = tpu.memref_slice %arg6[%run_scoped3A, %dma_wait3A_32] : memref<5x128xi32, #tpu.memory_space<vmem>> -> memref<1x128xi32, #tpu.memory_space<vmem>>
      %dma_wait3A_34 = tpu.memref_squeeze %dma_wait3A_33 : memref<1x128xi32, #tpu.memory_space<vmem>> -> memref<128xi32, #tpu.memory_space<vmem>>
      %dma_wait3A_35 = arith.constant 0 : i32
      %dma_wait3A_36 = arith.constant 0 : i32
      %dma_wait3A_37 = tpu.memref_slice %arg8[%dma_wait3A_35, %dma_wait3A_36] : memref<5120x128xf32, #tpu.memory_space<vmem_shared>> -> memref<5120x128xf32, #tpu.memory_space<vmem_shared>>
      tpu.wait_indirect_dma semaphore(%run_scoped3A_21 : memref<!tpu.dma_semaphore, #tpu.memory_space<semaphore_mem>>) src(%dma_wait3A_31 : memref<128x128xf32, #tpu.memory_space<vmem>>) dst(%dma_wait3A_37 : memref<5120x128xf32, #tpu.memory_space<vmem_shared>>)
      tpu.yield
    }) : () -> ()
    %run_scoped3A_9 = arith.constant 1 : i32
    "tpu.region"() ({
      %run_scoped3A_21 = tpu.sem_alloc : memref<!tpu.dma_semaphore, #tpu.memory_space<semaphore_mem>>
      %dma_start3A = arith.constant 128 : i32
      %dma_start3A_22 = arith.constant 0 : i32
      %dma_start3A_23 = tpu.memref_slice %arg7[%dma_start3A, %dma_start3A_22] : memref<640x128xf32, #tpu.memory_space<vmem>> -> memref<128x128xf32, #tpu.memory_space<vmem>>
      %dma_start3A_24 = arith.constant 0 : i32
      %dma_start3A_25 = tpu.memref_slice %arg6[%run_scoped3A_9, %dma_start3A_24] : memref<5x128xi32, #tpu.memory_space<vmem>> -> memref<1x128xi32, #tpu.memory_space<vmem>>
      %dma_start3A_26 = tpu.memref_squeeze %dma_start3A_25 : memref<1x128xi32, #tpu.memory_space<vmem>> -> memref<128xi32, #tpu.memory_space<vmem>>
      %dma_start3A_27 = arith.constant 0 : i32
      %dma_start3A_28 = arith.constant 0 : i32
      %dma_start3A_29 = tpu.memref_slice %arg8[%dma_start3A_27, %dma_start3A_28] : memref<5120x128xf32, #tpu.memory_space<vmem_shared>> -> memref<5120x128xf32, #tpu.memory_space<vmem_shared>>
      tpu.enqueue_indirect_dma source(%dma_start3A_23 : memref<128x128xf32, #tpu.memory_space<vmem>>) target(%dma_start3A_29 : memref<5120x128xf32, #tpu.memory_space<vmem_shared>>) offsets(%dma_start3A_26 : memref<128xi32, #tpu.memory_space<vmem>>) semaphore(%run_scoped3A_21 : memref<!tpu.dma_semaphore, #tpu.memory_space<semaphore_mem>>) {add = true}
      %dma_wait3A = arith.constant 128 : i32
      %dma_wait3A_30 = arith.constant 0 : i32
      %dma_wait3A_31 = tpu.memref_slice %arg7[%dma_wait3A, %dma_wait3A_30] : memref<640x128xf32, #tpu.memory_space<vmem>> -> memref<128x128xf32, #tpu.memory_space<vmem>>
      %dma_wait3A_32 = arith.constant 0 : i32
      %dma_wait3A_33 = tpu.memref_slice %arg6[%run_scoped3A_9, %dma_wait3A_32] : memref<5x128xi32, #tpu.memory_space<vmem>> -> memref<1x128xi32, #tpu.memory_space<vmem>>
      %dma_wait3A_34 = tpu.memref_squeeze %dma_wait3A_33 : memref<1x128xi32, #tpu.memory_space<vmem>> -> memref<128xi32, #tpu.memory_space<vmem>>
      %dma_wait3A_35 = arith.constant 0 : i32
      %dma_wait3A_36 = arith.constant 0 : i32
      %dma_wait3A_37 = tpu.memref_slice %arg8[%dma_wait3A_35, %dma_wait3A_36] : memref<5120x128xf32, #tpu.memory_space<vmem_shared>> -> memref<5120x128xf32, #tpu.memory_space<vmem_shared>>
      tpu.wait_indirect_dma semaphore(%run_scoped3A_21 : memref<!tpu.dma_semaphore, #tpu.memory_space<semaphore_mem>>) src(%dma_wait3A_31 : memref<128x128xf32, #tpu.memory_space<vmem>>) dst(%dma_wait3A_37 : memref<5120x128xf32, #tpu.memory_space<vmem_shared>>)
      tpu.yield
    }) : () -> ()
    %run_scoped3A_10 = arith.constant 2 : i32
    "tpu.region"() ({
      %run_scoped3A_21 = tpu.sem_alloc : memref<!tpu.dma_semaphore, #tpu.memory_space<semaphore_mem>>
      %dma_start3A = arith.constant 256 : i32
      %dma_start3A_22 = arith.constant 0 : i32
      %dma_start3A_23 = tpu.memref_slice %arg7[%dma_start3A, %dma_start3A_22] : memref<640x128xf32, #tpu.memory_space<vmem>> -> memref<128x128xf32, #tpu.memory_space<vmem>>
      %dma_start3A_24 = arith.constant 0 : i32
      %dma_start3A_25 = tpu.memref_slice %arg6[%run_scoped3A_10, %dma_start3A_24] : memref<5x128xi32, #tpu.memory_space<vmem>> -> memref<1x128xi32, #tpu.memory_space<vmem>>
      %dma_start3A_26 = tpu.memref_squeeze %dma_start3A_25 : memref<1x128xi32, #tpu.memory_space<vmem>> -> memref<128xi32, #tpu.memory_space<vmem>>
      %dma_start3A_27 = arith.constant 0 : i32
      %dma_start3A_28 = arith.constant 0 : i32
      %dma_start3A_29 = tpu.memref_slice %arg8[%dma_start3A_27, %dma_start3A_28] : memref<5120x128xf32, #tpu.memory_space<vmem_shared>> -> memref<5120x128xf32, #tpu.memory_space<vmem_shared>>
      tpu.enqueue_indirect_dma source(%dma_start3A_23 : memref<128x128xf32, #tpu.memory_space<vmem>>) target(%dma_start3A_29 : memref<5120x128xf32, #tpu.memory_space<vmem_shared>>) offsets(%dma_start3A_26 : memref<128xi32, #tpu.memory_space<vmem>>) semaphore(%run_scoped3A_21 : memref<!tpu.dma_semaphore, #tpu.memory_space<semaphore_mem>>) {add = true}
      %dma_wait3A = arith.constant 256 : i32
      %dma_wait3A_30 = arith.constant 0 : i32
      %dma_wait3A_31 = tpu.memref_slice %arg7[%dma_wait3A, %dma_wait3A_30] : memref<640x128xf32, #tpu.memory_space<vmem>> -> memref<128x128xf32, #tpu.memory_space<vmem>>
      %dma_wait3A_32 = arith.constant 0 : i32
      %dma_wait3A_33 = tpu.memref_slice %arg6[%run_scoped3A_10, %dma_wait3A_32] : memref<5x128xi32, #tpu.memory_space<vmem>> -> memref<1x128xi32, #tpu.memory_space<vmem>>
      %dma_wait3A_34 = tpu.memref_squeeze %dma_wait3A_33 : memref<1x128xi32, #tpu.memory_space<vmem>> -> memref<128xi32, #tpu.memory_space<vmem>>
      %dma_wait3A_35 = arith.constant 0 : i32
      %dma_wait3A_36 = arith.constant 0 : i32
      %dma_wait3A_37 = tpu.memref_slice %arg8[%dma_wait3A_35, %dma_wait3A_36] : memref<5120x128xf32, #tpu.memory_space<vmem_shared>> -> memref<5120x128xf32, #tpu.memory_space<vmem_shared>>
      tpu.wait_indirect_dma semaphore(%run_scoped3A_21 : memref<!tpu.dma_semaphore, #tpu.memory_space<semaphore_mem>>) src(%dma_wait3A_31 : memref<128x128xf32, #tpu.memory_space<vmem>>) dst(%dma_wait3A_37 : memref<5120x128xf32, #tpu.memory_space<vmem_shared>>)
      tpu.yield
    }) : () -> ()
    %run_scoped3A_11 = arith.constant 3 : i32
    "tpu.region"() ({
      %run_scoped3A_21 = tpu.sem_alloc : memref<!tpu.dma_semaphore, #tpu.memory_space<semaphore_mem>>
      %dma_start3A = arith.constant 384 : i32
      %dma_start3A_22 = arith.constant 0 : i32
      %dma_start3A_23 = tpu.memref_slice %arg7[%dma_start3A, %dma_start3A_22] : memref<640x128xf32, #tpu.memory_space<vmem>> -> memref<128x128xf32, #tpu.memory_space<vmem>>
      %dma_start3A_24 = arith.constant 0 : i32
      %dma_start3A_25 = tpu.memref_slice %arg6[%run_scoped3A_11, %dma_start3A_24] : memref<5x128xi32, #tpu.memory_space<vmem>> -> memref<1x128xi32, #tpu.memory_space<vmem>>
      %dma_start3A_26 = tpu.memref_squeeze %dma_start3A_25 : memref<1x128xi32, #tpu.memory_space<vmem>> -> memref<128xi32, #tpu.memory_space<vmem>>
      %dma_start3A_27 = arith.constant 0 : i32
      %dma_start3A_28 = arith.constant 0 : i32
      %dma_start3A_29 = tpu.memref_slice %arg8[%dma_start3A_27, %dma_start3A_28] : memref<5120x128xf32, #tpu.memory_space<vmem_shared>> -> memref<5120x128xf32, #tpu.memory_space<vmem_shared>>
      tpu.enqueue_indirect_dma source(%dma_start3A_23 : memref<128x128xf32, #tpu.memory_space<vmem>>) target(%dma_start3A_29 : memref<5120x128xf32, #tpu.memory_space<vmem_shared>>) offsets(%dma_start3A_26 : memref<128xi32, #tpu.memory_space<vmem>>) semaphore(%run_scoped3A_21 : memref<!tpu.dma_semaphore, #tpu.memory_space<semaphore_mem>>) {add = true}
      %dma_wait3A = arith.constant 384 : i32
      %dma_wait3A_30 = arith.constant 0 : i32
      %dma_wait3A_31 = tpu.memref_slice %arg7[%dma_wait3A, %dma_wait3A_30] : memref<640x128xf32, #tpu.memory_space<vmem>> -> memref<128x128xf32, #tpu.memory_space<vmem>>
      %dma_wait3A_32 = arith.constant 0 : i32
      %dma_wait3A_33 = tpu.memref_slice %arg6[%run_scoped3A_11, %dma_wait3A_32] : memref<5x128xi32, #tpu.memory_space<vmem>> -> memref<1x128xi32, #tpu.memory_space<vmem>>
      %dma_wait3A_34 = tpu.memref_squeeze %dma_wait3A_33 : memref<1x128xi32, #tpu.memory_space<vmem>> -> memref<128xi32, #tpu.memory_space<vmem>>
      %dma_wait3A_35 = arith.constant 0 : i32
      %dma_wait3A_36 = arith.constant 0 : i32
      %dma_wait3A_37 = tpu.memref_slice %arg8[%dma_wait3A_35, %dma_wait3A_36] : memref<5120x128xf32, #tpu.memory_space<vmem_shared>> -> memref<5120x128xf32, #tpu.memory_space<vmem_shared>>
      tpu.wait_indirect_dma semaphore(%run_scoped3A_21 : memref<!tpu.dma_semaphore, #tpu.memory_space<semaphore_mem>>) src(%dma_wait3A_31 : memref<128x128xf32, #tpu.memory_space<vmem>>) dst(%dma_wait3A_37 : memref<5120x128xf32, #tpu.memory_space<vmem_shared>>)
      tpu.yield
    }) : () -> ()
    %run_scoped3A_12 = arith.constant 4 : i32
    "tpu.region"() ({
      %run_scoped3A_21 = tpu.sem_alloc : memref<!tpu.dma_semaphore, #tpu.memory_space<semaphore_mem>>
      %dma_start3A = arith.constant 512 : i32
      %dma_start3A_22 = arith.constant 0 : i32
      %dma_start3A_23 = tpu.memref_slice %arg7[%dma_start3A, %dma_start3A_22] : memref<640x128xf32, #tpu.memory_space<vmem>> -> memref<128x128xf32, #tpu.memory_space<vmem>>
      %dma_start3A_24 = arith.constant 0 : i32
      %dma_start3A_25 = tpu.memref_slice %arg6[%run_scoped3A_12, %dma_start3A_24] : memref<5x128xi32, #tpu.memory_space<vmem>> -> memref<1x128xi32, #tpu.memory_space<vmem>>
      %dma_start3A_26 = tpu.memref_squeeze %dma_start3A_25 : memref<1x128xi32, #tpu.memory_space<vmem>> -> memref<128xi32, #tpu.memory_space<vmem>>
      %dma_start3A_27 = arith.constant 0 : i32
      %dma_start3A_28 = arith.constant 0 : i32
      %dma_start3A_29 = tpu.memref_slice %arg8[%dma_start3A_27, %dma_start3A_28] : memref<5120x128xf32, #tpu.memory_space<vmem_shared>> -> memref<5120x128xf32, #tpu.memory_space<vmem_shared>>
      tpu.enqueue_indirect_dma source(%dma_start3A_23 : memref<128x128xf32, #tpu.memory_space<vmem>>) target(%dma_start3A_29 : memref<5120x128xf32, #tpu.memory_space<vmem_shared>>) offsets(%dma_start3A_26 : memref<128xi32, #tpu.memory_space<vmem>>) semaphore(%run_scoped3A_21 : memref<!tpu.dma_semaphore, #tpu.memory_space<semaphore_mem>>) {add = true}
      %dma_wait3A = arith.constant 512 : i32
      %dma_wait3A_30 = arith.constant 0 : i32
      %dma_wait3A_31 = tpu.memref_slice %arg7[%dma_wait3A, %dma_wait3A_30] : memref<640x128xf32, #tpu.memory_space<vmem>> -> memref<128x128xf32, #tpu.memory_space<vmem>>
      %dma_wait3A_32 = arith.constant 0 : i32
      %dma_wait3A_33 = tpu.memref_slice %arg6[%run_scoped3A_12, %dma_wait3A_32] : memref<5x128xi32, #tpu.memory_space<vmem>> -> memref<1x128xi32, #tpu.memory_space<vmem>>
      %dma_wait3A_34 = tpu.memref_squeeze %dma_wait3A_33 : memref<1x128xi32, #tpu.memory_space<vmem>> -> memref<128xi32, #tpu.memory_space<vmem>>
      %dma_wait3A_35 = arith.constant 0 : i32
      %dma_wait3A_36 = arith.constant 0 : i32
      %dma_wait3A_37 = tpu.memref_slice %arg8[%dma_wait3A_35, %dma_wait3A_36] : memref<5120x128xf32, #tpu.memory_space<vmem_shared>> -> memref<5120x128xf32, #tpu.memory_space<vmem_shared>>
      tpu.wait_indirect_dma semaphore(%run_scoped3A_21 : memref<!tpu.dma_semaphore, #tpu.memory_space<semaphore_mem>>) src(%dma_wait3A_31 : memref<128x128xf32, #tpu.memory_space<vmem>>) dst(%dma_wait3A_37 : memref<5120x128xf32, #tpu.memory_space<vmem_shared>>)
      tpu.yield
    }) : () -> ()
    %barrier3A_13 = arith.constant 0 : index
    tpu.barrier barrier_id(%barrier3A_13)
    %mul3A_14 = arith.constant 320 : i32
    %mul3A_15 = arith.muli %arg1, %mul3A_14 : i32
    %mul3A_16 = arith.constant 5120 : i32
    %mul3A_17 = arith.muli %arg0, %mul3A_16 : i32
    %mul3A_18 = arith.constant 320 : i32
    %mul3A_19 = arith.muli %arg1, %mul3A_18 : i32
    %add3A_20 = arith.addi %mul3A_17, %mul3A_19 : i32
    "tpu.region"() ({
      %run_scoped3A_21 = tpu.sem_alloc : memref<!tpu.dma_semaphore, #tpu.memory_space<semaphore_mem>>
      %dma_start3A = arith.constant 0 : i32
      %dma_start3A_22 = tpu.memref_slice %arg5[%add3A_20, %dma_start3A] : memref<10240x128xf32, #tpu.memory_space<hbm>> -> memref<320x128xf32, #tpu.memory_space<hbm>>
      %dma_start3A_23 = arith.constant 0 : i32
      %dma_start3A_24 = tpu.memref_slice %arg8[%mul3A_15, %dma_start3A_23] : memref<5120x128xf32, #tpu.memory_space<vmem_shared>> -> memref<320x128xf32, #tpu.memory_space<vmem_shared>>
      tpu.enqueue_dma source(%dma_start3A_24 : memref<320x128xf32, #tpu.memory_space<vmem_shared>>) target(%dma_start3A_22 : memref<320x128xf32, #tpu.memory_space<hbm>>) target_semaphore(%run_scoped3A_21 : memref<!tpu.dma_semaphore, #tpu.memory_space<semaphore_mem>>)
      %dma_wait3A = arith.constant 0 : i32
      %dma_wait3A_25 = tpu.memref_slice %arg5[%add3A_20, %dma_wait3A] : memref<10240x128xf32, #tpu.memory_space<hbm>> -> memref<320x128xf32, #tpu.memory_space<hbm>>
      %dma_wait3A_26 = arith.constant 0 : i32
      %dma_wait3A_27 = tpu.memref_slice %arg8[%mul3A_15, %dma_wait3A_26] : memref<5120x128xf32, #tpu.memory_space<vmem_shared>> -> memref<320x128xf32, #tpu.memory_space<vmem_shared>>
      tpu.wait_dma2 semaphore(%run_scoped3A_21 : memref<!tpu.dma_semaphore, #tpu.memory_space<semaphore_mem>>) src(%dma_wait3A_27 : memref<320x128xf32, #tpu.memory_space<vmem_shared>>) dst(%dma_wait3A_25 : memref<320x128xf32, #tpu.memory_space<hbm>>)
      tpu.yield
    }) : () -> ()
    return
  }
}

module attributes {stable_mosaic.version = 14 : i64} {
  func.func @body(%arg0: memref<40000x16xf32, #tpu.memory_space<vmem>>, %arg1: memref<5000x64xf32, #tpu.memory_space<vmem>>, %arg2: memref<20480x17xf32, #tpu.memory_space<vmem>>, %arg3: memref<20480x17xf32, #tpu.memory_space<vmem>>, %arg4: memref<5000x128xf32, #tpu.memory_space<vmem>>) attributes {dimension_semantics = [], scalar_prefetch = 0 : i64, scratch_operands = 0 : i64, tpu.core_type = #tpu.core_type<tc>} {
    %broadcast_in_dim3A = arith.constant 1.000000e+00 : f32
    %broadcast_in_dim3A_0 = vector.broadcast %broadcast_in_dim3A : f32 to vector<20480x1xf32>
    %get3A = arith.constant 0 : index
    %get3A_1 = arith.constant 0 : index
    %get3A_2 = vector.load %arg0[%get3A, %get3A_1] : memref<40000x16xf32, #tpu.memory_space<vmem>>, vector<20480x16xf32>
    %swap3A = arith.constant 0 : index
    %swap3A_3 = arith.constant 0 : index
    %swap3A_4 = vector.load %arg2[%swap3A, %swap3A_3] : memref<20480x17xf32, #tpu.memory_space<vmem>>, vector<20480x16xf32>
    tpu.vector_store %arg2[%swap3A, %swap3A_3], %get3A_2 {strides = array<i32>} : memref<20480x17xf32, #tpu.memory_space<vmem>>, vector<20480x16xf32>,
    %swap3A_5 = arith.constant 0 : index
    %swap3A_6 = arith.constant 16 : index
    %swap3A_7 = vector.load %arg2[%swap3A_5, %swap3A_6] : memref<20480x17xf32, #tpu.memory_space<vmem>>, vector<20480x1xf32>
    tpu.vector_store %arg2[%swap3A_5, %swap3A_6], %broadcast_in_dim3A_0 {strides = array<i32>} : memref<20480x17xf32, #tpu.memory_space<vmem>>, vector<20480x1xf32>,
    %get3A_8 = arith.constant 20480 : index
    %get3A_9 = arith.constant 0 : index
    %get3A_10 = vector.load %arg0[%get3A_8, %get3A_9] : memref<40000x16xf32, #tpu.memory_space<vmem>>, vector<19520x16xf32>
    %swap3A_11 = arith.constant 0 : index
    %swap3A_12 = arith.constant 0 : index
    %swap3A_13 = vector.load %arg3[%swap3A_11, %swap3A_12] : memref<20480x17xf32, #tpu.memory_space<vmem>>, vector<19520x16xf32>
    tpu.vector_store %arg3[%swap3A_11, %swap3A_12], %get3A_10 {strides = array<i32>} : memref<20480x17xf32, #tpu.memory_space<vmem>>, vector<19520x16xf32>,
    %broadcast_in_dim3A_14 = arith.constant 0.000000e+00 : f32
    %broadcast_in_dim3A_15 = vector.broadcast %broadcast_in_dim3A_14 : f32 to vector<960x16xf32>
    %swap3A_16 = arith.constant 19520 : index
    %swap3A_17 = arith.constant 0 : index
    %swap3A_18 = vector.load %arg3[%swap3A_16, %swap3A_17] : memref<20480x17xf32, #tpu.memory_space<vmem>>, vector<960x16xf32>
    tpu.vector_store %arg3[%swap3A_16, %swap3A_17], %broadcast_in_dim3A_15 {strides = array<i32>} : memref<20480x17xf32, #tpu.memory_space<vmem>>, vector<960x16xf32>,
    %swap3A_19 = arith.constant 0 : index
    %swap3A_20 = arith.constant 16 : index
    %swap3A_21 = vector.load %arg3[%swap3A_19, %swap3A_20] : memref<20480x17xf32, #tpu.memory_space<vmem>>, vector<20480x1xf32>
    tpu.vector_store %arg3[%swap3A_19, %swap3A_20], %broadcast_in_dim3A_0 {strides = array<i32>} : memref<20480x17xf32, #tpu.memory_space<vmem>>, vector<20480x1xf32>,
    %get3A_22 = arith.constant 0 : index
    %get3A_23 = arith.constant 0 : index
    %get3A_24 = vector.load %arg1[%get3A_22, %get3A_23] : memref<5000x64xf32, #tpu.memory_space<vmem>>, vector<5000x64xf32>
    %swap3A_25 = arith.constant 0 : index
    %swap3A_26 = arith.constant 0 : index
    %swap3A_27 = vector.load %arg4[%swap3A_25, %swap3A_26] : memref<5000x128xf32, #tpu.memory_space<vmem>>, vector<5000x64xf32>
    tpu.vector_store %arg4[%swap3A_25, %swap3A_26], %get3A_24 {strides = array<i32>} : memref<5000x128xf32, #tpu.memory_space<vmem>>, vector<5000x64xf32>,
    %broadcast_in_dim3A_28 = arith.constant 0.000000e+00 : f32
    %broadcast_in_dim3A_29 = vector.broadcast %broadcast_in_dim3A_28 : f32 to vector<5000x64xf32>
    %swap3A_30 = arith.constant 0 : index
    %swap3A_31 = arith.constant 64 : index
    %swap3A_32 = vector.load %arg4[%swap3A_30, %swap3A_31] : memref<5000x128xf32, #tpu.memory_space<vmem>>, vector<5000x64xf32>
    tpu.vector_store %arg4[%swap3A_30, %swap3A_31], %broadcast_in_dim3A_29 {strides = array<i32>} : memref<5000x128xf32, #tpu.memory_space<vmem>>, vector<5000x64xf32>,
    return
  }
}

module attributes {stable_mosaic.version = 14 : i64} {
  func.func @body(%arg0: i32, %arg1: memref<2048x17xf32, #tpu.memory_space<vmem>>, %arg2: memref<2048x128xf32, #tpu.memory_space<vmem>>, %arg3: memref<17x65xf32, #tpu.memory_space<vmem>>, %arg4: memref<65x4096xbf16, #tpu.memory_space<vmem>>, %arg5: memref<128x4096xbf16, #tpu.memory_space<vmem>>, %arg6: memref<2048x128xf32, #tpu.memory_space<vmem>>) attributes {dimension_semantics = [#tpu.dimension_semantics<arbitrary>], iteration_bounds = array<i64: 10>, scalar_prefetch = 0 : i64, scratch_operands = 0 : i64, tpu.core_type = #tpu.core_type<tc>, window_params = [{transform_indices = @transform_0, window_bounds = array<i64: 2048, 17>}, {transform_indices = @transform_1, window_bounds = array<i64: 2048, 128>}, {pipeline_mode = #tpu.pipeline_mode<synchronous>, transform_indices = @transform_2, window_bounds = array<i64: 17, 65>}, {pipeline_mode = #tpu.pipeline_mode<synchronous>, transform_indices = @transform_3, window_bounds = array<i64: 65, 4096>}, {pipeline_mode = #tpu.pipeline_mode<synchronous>, transform_indices = @transform_4, window_bounds = array<i64: 128, 4096>}, {transform_indices = @transform_5, window_bounds = array<i64: 2048, 128>}]} {
    %get3A = arith.constant 0 : index
    %get3A_0 = arith.constant 0 : index
    %get3A_1 = vector.load %arg1[%get3A, %get3A_0] : memref<2048x17xf32, #tpu.memory_space<vmem>>, vector<2048x17xf32>
    %get3A_2 = arith.constant 0 : index
    %get3A_3 = arith.constant 0 : index
    %get3A_4 = vector.load %arg3[%get3A_2, %get3A_3] : memref<17x65xf32, #tpu.memory_space<vmem>>, vector<17x65xf32>
    %dot_general3A = arith.constant dense<0.000000e+00> : vector<2048x65xf32>
    %dot_general3A_5 = tpu.matmul %get3A_1, %get3A_4, %dot_general3A {dimension_numbers = #tpu.dot_dimension_numbers<[1], [0], [0], [1], [0, 0, 1, 1], [], []>, transpose_lhs_hint = false} : vector<2048x17xf32>, vector<17x65xf32>, vector<2048x65xf32> -> vector<2048x65xf32>
    %max3A = arith.constant 0.000000e+00 : f32
    %max3A_6 = vector.broadcast %max3A : f32 to vector<2048x65xf32>
    %max3A_7 = arith.maximumf %dot_general3A_5, %max3A_6 : vector<2048x65xf32>
    %convert_element_type3A = arith.truncf %max3A_7 : vector<2048x65xf32> to vector<2048x65xbf16>
    %get3A_8 = arith.constant 0 : index
    %get3A_9 = arith.constant 0 : index
    %get3A_10 = vector.load %arg2[%get3A_8, %get3A_9] : memref<2048x128xf32, #tpu.memory_space<vmem>>, vector<2048x128xf32>
    %convert_element_type3A_11 = arith.truncf %get3A_10 : vector<2048x128xf32> to vector<2048x128xbf16>
    %get3A_12 = arith.constant 0 : index
    %get3A_13 = arith.constant 0 : index
    %get3A_14 = vector.load %arg4[%get3A_12, %get3A_13] : memref<65x4096xbf16, #tpu.memory_space<vmem>>, vector<65x1024xbf16>
    %dot_general3A_15 = arith.constant dense<0.000000e+00> : vector<2048x1024xf32>
    %dot_general3A_16 = tpu.matmul %convert_element_type3A, %get3A_14, %dot_general3A_15 {dimension_numbers = #tpu.dot_dimension_numbers<[1], [0], [0], [1], [0, 0, 1, 1], [], []>, transpose_lhs_hint = false} : vector<2048x65xbf16>, vector<65x1024xbf16>, vector<2048x1024xf32> -> vector<2048x1024xf32>
    %get3A_17 = arith.constant 0 : index
    %get3A_18 = arith.constant 0 : index
    %get3A_19 = vector.load %arg5[%get3A_17, %get3A_18] : memref<128x4096xbf16, #tpu.memory_space<vmem>>, vector<128x1024xbf16>
    %dot_general3A_20 = arith.constant dense<0.000000e+00> : vector<2048x1024xf32>
    %dot_general3A_21 = tpu.matmul %convert_element_type3A_11, %get3A_19, %dot_general3A_20 {dimension_numbers = #tpu.dot_dimension_numbers<[1], [0], [0], [1], [0, 0, 1, 1], [], []>, transpose_lhs_hint = false} : vector<2048x128xbf16>, vector<128x1024xbf16>, vector<2048x1024xf32> -> vector<2048x1024xf32>
    %slice3A = vector.extract_strided_slice %dot_general3A_16 {offsets = [0, 0], sizes = [2048, 128], strides = [1, 1]} : vector<2048x1024xf32> to vector<2048x128xf32>
    %slice3A_22 = vector.extract_strided_slice %dot_general3A_21 {offsets = [0, 0], sizes = [2048, 128], strides = [1, 1]} : vector<2048x1024xf32> to vector<2048x128xf32>
    %mul3A = arith.mulf %slice3A, %slice3A_22 : vector<2048x128xf32>
    %slice3A_23 = vector.extract_strided_slice %dot_general3A_16 {offsets = [0, 128], sizes = [2048, 128], strides = [1, 1]} : vector<2048x1024xf32> to vector<2048x128xf32>
    %slice3A_24 = vector.extract_strided_slice %dot_general3A_21 {offsets = [0, 128], sizes = [2048, 128], strides = [1, 1]} : vector<2048x1024xf32> to vector<2048x128xf32>
    %mul3A_25 = arith.mulf %slice3A_23, %slice3A_24 : vector<2048x128xf32>
    %add3A = arith.addf %mul3A, %mul3A_25 : vector<2048x128xf32>
    %slice3A_26 = vector.extract_strided_slice %dot_general3A_16 {offsets = [0, 256], sizes = [2048, 128], strides = [1, 1]} : vector<2048x1024xf32> to vector<2048x128xf32>
    %slice3A_27 = vector.extract_strided_slice %dot_general3A_21 {offsets = [0, 256], sizes = [2048, 128], strides = [1, 1]} : vector<2048x1024xf32> to vector<2048x128xf32>
    %mul3A_28 = arith.mulf %slice3A_26, %slice3A_27 : vector<2048x128xf32>
    %add3A_29 = arith.addf %add3A, %mul3A_28 : vector<2048x128xf32>
    %slice3A_30 = vector.extract_strided_slice %dot_general3A_16 {offsets = [0, 384], sizes = [2048, 128], strides = [1, 1]} : vector<2048x1024xf32> to vector<2048x128xf32>
    %slice3A_31 = vector.extract_strided_slice %dot_general3A_21 {offsets = [0, 384], sizes = [2048, 128], strides = [1, 1]} : vector<2048x1024xf32> to vector<2048x128xf32>
    %mul3A_32 = arith.mulf %slice3A_30, %slice3A_31 : vector<2048x128xf32>
    %add3A_33 = arith.addf %add3A_29, %mul3A_32 : vector<2048x128xf32>
    %slice3A_34 = vector.extract_strided_slice %dot_general3A_16 {offsets = [0, 512], sizes = [2048, 128], strides = [1, 1]} : vector<2048x1024xf32> to vector<2048x128xf32>
    %slice3A_35 = vector.extract_strided_slice %dot_general3A_21 {offsets = [0, 512], sizes = [2048, 128], strides = [1, 1]} : vector<2048x1024xf32> to vector<2048x128xf32>
    %mul3A_36 = arith.mulf %slice3A_34, %slice3A_35 : vector<2048x128xf32>
    %add3A_37 = arith.addf %add3A_33, %mul3A_36 : vector<2048x128xf32>
    %slice3A_38 = vector.extract_strided_slice %dot_general3A_16 {offsets = [0, 640], sizes = [2048, 128], strides = [1, 1]} : vector<2048x1024xf32> to vector<2048x128xf32>
    %slice3A_39 = vector.extract_strided_slice %dot_general3A_21 {offsets = [0, 640], sizes = [2048, 128], strides = [1, 1]} : vector<2048x1024xf32> to vector<2048x128xf32>
    %mul3A_40 = arith.mulf %slice3A_38, %slice3A_39 : vector<2048x128xf32>
    %add3A_41 = arith.addf %add3A_37, %mul3A_40 : vector<2048x128xf32>
    %slice3A_42 = vector.extract_strided_slice %dot_general3A_16 {offsets = [0, 768], sizes = [2048, 128], strides = [1, 1]} : vector<2048x1024xf32> to vector<2048x128xf32>
    %slice3A_43 = vector.extract_strided_slice %dot_general3A_21 {offsets = [0, 768], sizes = [2048, 128], strides = [1, 1]} : vector<2048x1024xf32> to vector<2048x128xf32>
    %mul3A_44 = arith.mulf %slice3A_42, %slice3A_43 : vector<2048x128xf32>
    %add3A_45 = arith.addf %add3A_41, %mul3A_44 : vector<2048x128xf32>
    %slice3A_46 = vector.extract_strided_slice %dot_general3A_16 {offsets = [0, 896], sizes = [2048, 128], strides = [1, 1]} : vector<2048x1024xf32> to vector<2048x128xf32>
    %slice3A_47 = vector.extract_strided_slice %dot_general3A_21 {offsets = [0, 896], sizes = [2048, 128], strides = [1, 1]} : vector<2048x1024xf32> to vector<2048x128xf32>
    %mul3A_48 = arith.mulf %slice3A_46, %slice3A_47 : vector<2048x128xf32>
    %add3A_49 = arith.addf %add3A_45, %mul3A_48 : vector<2048x128xf32>
    %get3A_50 = arith.constant 0 : index
    %get3A_51 = arith.constant 1024 : index
    %get3A_52 = vector.load %arg4[%get3A_50, %get3A_51] : memref<65x4096xbf16, #tpu.memory_space<vmem>>, vector<65x1024xbf16>
    %dot_general3A_53 = arith.constant dense<0.000000e+00> : vector<2048x1024xf32>
    %dot_general3A_54 = tpu.matmul %convert_element_type3A, %get3A_52, %dot_general3A_53 {dimension_numbers = #tpu.dot_dimension_numbers<[1], [0], [0], [1], [0, 0, 1, 1], [], []>, transpose_lhs_hint = false} : vector<2048x65xbf16>, vector<65x1024xbf16>, vector<2048x1024xf32> -> vector<2048x1024xf32>
    %get3A_55 = arith.constant 0 : index
    %get3A_56 = arith.constant 1024 : index
    %get3A_57 = vector.load %arg5[%get3A_55, %get3A_56] : memref<128x4096xbf16, #tpu.memory_space<vmem>>, vector<128x1024xbf16>
    %dot_general3A_58 = arith.constant dense<0.000000e+00> : vector<2048x1024xf32>
    %dot_general3A_59 = tpu.matmul %convert_element_type3A_11, %get3A_57, %dot_general3A_58 {dimension_numbers = #tpu.dot_dimension_numbers<[1], [0], [0], [1], [0, 0, 1, 1], [], []>, transpose_lhs_hint = false} : vector<2048x128xbf16>, vector<128x1024xbf16>, vector<2048x1024xf32> -> vector<2048x1024xf32>
    %slice3A_60 = vector.extract_strided_slice %dot_general3A_54 {offsets = [0, 0], sizes = [2048, 128], strides = [1, 1]} : vector<2048x1024xf32> to vector<2048x128xf32>
    %slice3A_61 = vector.extract_strided_slice %dot_general3A_59 {offsets = [0, 0], sizes = [2048, 128], strides = [1, 1]} : vector<2048x1024xf32> to vector<2048x128xf32>
    %mul3A_62 = arith.mulf %slice3A_60, %slice3A_61 : vector<2048x128xf32>
    %add3A_63 = arith.addf %add3A_49, %mul3A_62 : vector<2048x128xf32>
    %slice3A_64 = vector.extract_strided_slice %dot_general3A_54 {offsets = [0, 128], sizes = [2048, 128], strides = [1, 1]} : vector<2048x1024xf32> to vector<2048x128xf32>
    %slice3A_65 = vector.extract_strided_slice %dot_general3A_59 {offsets = [0, 128], sizes = [2048, 128], strides = [1, 1]} : vector<2048x1024xf32> to vector<2048x128xf32>
    %mul3A_66 = arith.mulf %slice3A_64, %slice3A_65 : vector<2048x128xf32>
    %add3A_67 = arith.addf %add3A_63, %mul3A_66 : vector<2048x128xf32>
    %slice3A_68 = vector.extract_strided_slice %dot_general3A_54 {offsets = [0, 256], sizes = [2048, 128], strides = [1, 1]} : vector<2048x1024xf32> to vector<2048x128xf32>
    %slice3A_69 = vector.extract_strided_slice %dot_general3A_59 {offsets = [0, 256], sizes = [2048, 128], strides = [1, 1]} : vector<2048x1024xf32> to vector<2048x128xf32>
    %mul3A_70 = arith.mulf %slice3A_68, %slice3A_69 : vector<2048x128xf32>
    %add3A_71 = arith.addf %add3A_67, %mul3A_70 : vector<2048x128xf32>
    %slice3A_72 = vector.extract_strided_slice %dot_general3A_54 {offsets = [0, 384], sizes = [2048, 128], strides = [1, 1]} : vector<2048x1024xf32> to vector<2048x128xf32>
    %slice3A_73 = vector.extract_strided_slice %dot_general3A_59 {offsets = [0, 384], sizes = [2048, 128], strides = [1, 1]} : vector<2048x1024xf32> to vector<2048x128xf32>
    %mul3A_74 = arith.mulf %slice3A_72, %slice3A_73 : vector<2048x128xf32>
    %add3A_75 = arith.addf %add3A_71, %mul3A_74 : vector<2048x128xf32>
    %slice3A_76 = vector.extract_strided_slice %dot_general3A_54 {offsets = [0, 512], sizes = [2048, 128], strides = [1, 1]} : vector<2048x1024xf32> to vector<2048x128xf32>
    %slice3A_77 = vector.extract_strided_slice %dot_general3A_59 {offsets = [0, 512], sizes = [2048, 128], strides = [1, 1]} : vector<2048x1024xf32> to vector<2048x128xf32>
    %mul3A_78 = arith.mulf %slice3A_76, %slice3A_77 : vector<2048x128xf32>
    %add3A_79 = arith.addf %add3A_75, %mul3A_78 : vector<2048x128xf32>
    %slice3A_80 = vector.extract_strided_slice %dot_general3A_54 {offsets = [0, 640], sizes = [2048, 128], strides = [1, 1]} : vector<2048x1024xf32> to vector<2048x128xf32>
    %slice3A_81 = vector.extract_strided_slice %dot_general3A_59 {offsets = [0, 640], sizes = [2048, 128], strides = [1, 1]} : vector<2048x1024xf32> to vector<2048x128xf32>
    %mul3A_82 = arith.mulf %slice3A_80, %slice3A_81 : vector<2048x128xf32>
    %add3A_83 = arith.addf %add3A_79, %mul3A_82 : vector<2048x128xf32>
    %slice3A_84 = vector.extract_strided_slice %dot_general3A_54 {offsets = [0, 768], sizes = [2048, 128], strides = [1, 1]} : vector<2048x1024xf32> to vector<2048x128xf32>
    %slice3A_85 = vector.extract_strided_slice %dot_general3A_59 {offsets = [0, 768], sizes = [2048, 128], strides = [1, 1]} : vector<2048x1024xf32> to vector<2048x128xf32>
    %mul3A_86 = arith.mulf %slice3A_84, %slice3A_85 : vector<2048x128xf32>
    %add3A_87 = arith.addf %add3A_83, %mul3A_86 : vector<2048x128xf32>
    %slice3A_88 = vector.extract_strided_slice %dot_general3A_54 {offsets = [0, 896], sizes = [2048, 128], strides = [1, 1]} : vector<2048x1024xf32> to vector<2048x128xf32>
    %slice3A_89 = vector.extract_strided_slice %dot_general3A_59 {offsets = [0, 896], sizes = [2048, 128], strides = [1, 1]} : vector<2048x1024xf32> to vector<2048x128xf32>
    %mul3A_90 = arith.mulf %slice3A_88, %slice3A_89 : vector<2048x128xf32>
    %add3A_91 = arith.addf %add3A_87, %mul3A_90 : vector<2048x128xf32>
    %get3A_92 = arith.constant 0 : index
    %get3A_93 = arith.constant 2048 : index
    %get3A_94 = vector.load %arg4[%get3A_92, %get3A_93] : memref<65x4096xbf16, #tpu.memory_space<vmem>>, vector<65x1024xbf16>
    %dot_general3A_95 = arith.constant dense<0.000000e+00> : vector<2048x1024xf32>
    %dot_general3A_96 = tpu.matmul %convert_element_type3A, %get3A_94, %dot_general3A_95 {dimension_numbers = #tpu.dot_dimension_numbers<[1], [0], [0], [1], [0, 0, 1, 1], [], []>, transpose_lhs_hint = false} : vector<2048x65xbf16>, vector<65x1024xbf16>, vector<2048x1024xf32> -> vector<2048x1024xf32>
    %get3A_97 = arith.constant 0 : index
    %get3A_98 = arith.constant 2048 : index
    %get3A_99 = vector.load %arg5[%get3A_97, %get3A_98] : memref<128x4096xbf16, #tpu.memory_space<vmem>>, vector<128x1024xbf16>
    %dot_general3A_100 = arith.constant dense<0.000000e+00> : vector<2048x1024xf32>
    %dot_general3A_101 = tpu.matmul %convert_element_type3A_11, %get3A_99, %dot_general3A_100 {dimension_numbers = #tpu.dot_dimension_numbers<[1], [0], [0], [1], [0, 0, 1, 1], [], []>, transpose_lhs_hint = false} : vector<2048x128xbf16>, vector<128x1024xbf16>, vector<2048x1024xf32> -> vector<2048x1024xf32>
    %slice3A_102 = vector.extract_strided_slice %dot_general3A_96 {offsets = [0, 0], sizes = [2048, 128], strides = [1, 1]} : vector<2048x1024xf32> to vector<2048x128xf32>
    %slice3A_103 = vector.extract_strided_slice %dot_general3A_101 {offsets = [0, 0], sizes = [2048, 128], strides = [1, 1]} : vector<2048x1024xf32> to vector<2048x128xf32>
    %mul3A_104 = arith.mulf %slice3A_102, %slice3A_103 : vector<2048x128xf32>
    %add3A_105 = arith.addf %add3A_91, %mul3A_104 : vector<2048x128xf32>
    %slice3A_106 = vector.extract_strided_slice %dot_general3A_96 {offsets = [0, 128], sizes = [2048, 128], strides = [1, 1]} : vector<2048x1024xf32> to vector<2048x128xf32>
    %slice3A_107 = vector.extract_strided_slice %dot_general3A_101 {offsets = [0, 128], sizes = [2048, 128], strides = [1, 1]} : vector<2048x1024xf32> to vector<2048x128xf32>
    %mul3A_108 = arith.mulf %slice3A_106, %slice3A_107 : vector<2048x128xf32>
    %add3A_109 = arith.addf %add3A_105, %mul3A_108 : vector<2048x128xf32>
    %slice3A_110 = vector.extract_strided_slice %dot_general3A_96 {offsets = [0, 256], sizes = [2048, 128], strides = [1, 1]} : vector<2048x1024xf32> to vector<2048x128xf32>
    %slice3A_111 = vector.extract_strided_slice %dot_general3A_101 {offsets = [0, 256], sizes = [2048, 128], strides = [1, 1]} : vector<2048x1024xf32> to vector<2048x128xf32>
    %mul3A_112 = arith.mulf %slice3A_110, %slice3A_111 : vector<2048x128xf32>
    %add3A_113 = arith.addf %add3A_109, %mul3A_112 : vector<2048x128xf32>
    %slice3A_114 = vector.extract_strided_slice %dot_general3A_96 {offsets = [0, 384], sizes = [2048, 128], strides = [1, 1]} : vector<2048x1024xf32> to vector<2048x128xf32>
    %slice3A_115 = vector.extract_strided_slice %dot_general3A_101 {offsets = [0, 384], sizes = [2048, 128], strides = [1, 1]} : vector<2048x1024xf32> to vector<2048x128xf32>
    %mul3A_116 = arith.mulf %slice3A_114, %slice3A_115 : vector<2048x128xf32>
    %add3A_117 = arith.addf %add3A_113, %mul3A_116 : vector<2048x128xf32>
    %slice3A_118 = vector.extract_strided_slice %dot_general3A_96 {offsets = [0, 512], sizes = [2048, 128], strides = [1, 1]} : vector<2048x1024xf32> to vector<2048x128xf32>
    %slice3A_119 = vector.extract_strided_slice %dot_general3A_101 {offsets = [0, 512], sizes = [2048, 128], strides = [1, 1]} : vector<2048x1024xf32> to vector<2048x128xf32>
    %mul3A_120 = arith.mulf %slice3A_118, %slice3A_119 : vector<2048x128xf32>
    %add3A_121 = arith.addf %add3A_117, %mul3A_120 : vector<2048x128xf32>
    %slice3A_122 = vector.extract_strided_slice %dot_general3A_96 {offsets = [0, 640], sizes = [2048, 128], strides = [1, 1]} : vector<2048x1024xf32> to vector<2048x128xf32>
    %slice3A_123 = vector.extract_strided_slice %dot_general3A_101 {offsets = [0, 640], sizes = [2048, 128], strides = [1, 1]} : vector<2048x1024xf32> to vector<2048x128xf32>
    %mul3A_124 = arith.mulf %slice3A_122, %slice3A_123 : vector<2048x128xf32>
    %add3A_125 = arith.addf %add3A_121, %mul3A_124 : vector<2048x128xf32>
    %slice3A_126 = vector.extract_strided_slice %dot_general3A_96 {offsets = [0, 768], sizes = [2048, 128], strides = [1, 1]} : vector<2048x1024xf32> to vector<2048x128xf32>
    %slice3A_127 = vector.extract_strided_slice %dot_general3A_101 {offsets = [0, 768], sizes = [2048, 128], strides = [1, 1]} : vector<2048x1024xf32> to vector<2048x128xf32>
    %mul3A_128 = arith.mulf %slice3A_126, %slice3A_127 : vector<2048x128xf32>
    %add3A_129 = arith.addf %add3A_125, %mul3A_128 : vector<2048x128xf32>
    %slice3A_130 = vector.extract_strided_slice %dot_general3A_96 {offsets = [0, 896], sizes = [2048, 128], strides = [1, 1]} : vector<2048x1024xf32> to vector<2048x128xf32>
    %slice3A_131 = vector.extract_strided_slice %dot_general3A_101 {offsets = [0, 896], sizes = [2048, 128], strides = [1, 1]} : vector<2048x1024xf32> to vector<2048x128xf32>
    %mul3A_132 = arith.mulf %slice3A_130, %slice3A_131 : vector<2048x128xf32>
    %add3A_133 = arith.addf %add3A_129, %mul3A_132 : vector<2048x128xf32>
    %get3A_134 = arith.constant 0 : index
    %get3A_135 = arith.constant 3072 : index
    %get3A_136 = vector.load %arg4[%get3A_134, %get3A_135] : memref<65x4096xbf16, #tpu.memory_space<vmem>>, vector<65x1024xbf16>
    %dot_general3A_137 = arith.constant dense<0.000000e+00> : vector<2048x1024xf32>
    %dot_general3A_138 = tpu.matmul %convert_element_type3A, %get3A_136, %dot_general3A_137 {dimension_numbers = #tpu.dot_dimension_numbers<[1], [0], [0], [1], [0, 0, 1, 1], [], []>, transpose_lhs_hint = false} : vector<2048x65xbf16>, vector<65x1024xbf16>, vector<2048x1024xf32> -> vector<2048x1024xf32>
    %get3A_139 = arith.constant 0 : index
    %get3A_140 = arith.constant 3072 : index
    %get3A_141 = vector.load %arg5[%get3A_139, %get3A_140] : memref<128x4096xbf16, #tpu.memory_space<vmem>>, vector<128x1024xbf16>
    %dot_general3A_142 = arith.constant dense<0.000000e+00> : vector<2048x1024xf32>
    %dot_general3A_143 = tpu.matmul %convert_element_type3A_11, %get3A_141, %dot_general3A_142 {dimension_numbers = #tpu.dot_dimension_numbers<[1], [0], [0], [1], [0, 0, 1, 1], [], []>, transpose_lhs_hint = false} : vector<2048x128xbf16>, vector<128x1024xbf16>, vector<2048x1024xf32> -> vector<2048x1024xf32>
    %slice3A_144 = vector.extract_strided_slice %dot_general3A_138 {offsets = [0, 0], sizes = [2048, 128], strides = [1, 1]} : vector<2048x1024xf32> to vector<2048x128xf32>
    %slice3A_145 = vector.extract_strided_slice %dot_general3A_143 {offsets = [0, 0], sizes = [2048, 128], strides = [1, 1]} : vector<2048x1024xf32> to vector<2048x128xf32>
    %mul3A_146 = arith.mulf %slice3A_144, %slice3A_145 : vector<2048x128xf32>
    %add3A_147 = arith.addf %add3A_133, %mul3A_146 : vector<2048x128xf32>
    %slice3A_148 = vector.extract_strided_slice %dot_general3A_138 {offsets = [0, 128], sizes = [2048, 128], strides = [1, 1]} : vector<2048x1024xf32> to vector<2048x128xf32>
    %slice3A_149 = vector.extract_strided_slice %dot_general3A_143 {offsets = [0, 128], sizes = [2048, 128], strides = [1, 1]} : vector<2048x1024xf32> to vector<2048x128xf32>
    %mul3A_150 = arith.mulf %slice3A_148, %slice3A_149 : vector<2048x128xf32>
    %add3A_151 = arith.addf %add3A_147, %mul3A_150 : vector<2048x128xf32>
    %slice3A_152 = vector.extract_strided_slice %dot_general3A_138 {offsets = [0, 256], sizes = [2048, 128], strides = [1, 1]} : vector<2048x1024xf32> to vector<2048x128xf32>
    %slice3A_153 = vector.extract_strided_slice %dot_general3A_143 {offsets = [0, 256], sizes = [2048, 128], strides = [1, 1]} : vector<2048x1024xf32> to vector<2048x128xf32>
    %mul3A_154 = arith.mulf %slice3A_152, %slice3A_153 : vector<2048x128xf32>
    %add3A_155 = arith.addf %add3A_151, %mul3A_154 : vector<2048x128xf32>
    %slice3A_156 = vector.extract_strided_slice %dot_general3A_138 {offsets = [0, 384], sizes = [2048, 128], strides = [1, 1]} : vector<2048x1024xf32> to vector<2048x128xf32>
    %slice3A_157 = vector.extract_strided_slice %dot_general3A_143 {offsets = [0, 384], sizes = [2048, 128], strides = [1, 1]} : vector<2048x1024xf32> to vector<2048x128xf32>
    %mul3A_158 = arith.mulf %slice3A_156, %slice3A_157 : vector<2048x128xf32>
    %add3A_159 = arith.addf %add3A_155, %mul3A_158 : vector<2048x128xf32>
    %slice3A_160 = vector.extract_strided_slice %dot_general3A_138 {offsets = [0, 512], sizes = [2048, 128], strides = [1, 1]} : vector<2048x1024xf32> to vector<2048x128xf32>
    %slice3A_161 = vector.extract_strided_slice %dot_general3A_143 {offsets = [0, 512], sizes = [2048, 128], strides = [1, 1]} : vector<2048x1024xf32> to vector<2048x128xf32>
    %mul3A_162 = arith.mulf %slice3A_160, %slice3A_161 : vector<2048x128xf32>
    %add3A_163 = arith.addf %add3A_159, %mul3A_162 : vector<2048x128xf32>
    %slice3A_164 = vector.extract_strided_slice %dot_general3A_138 {offsets = [0, 640], sizes = [2048, 128], strides = [1, 1]} : vector<2048x1024xf32> to vector<2048x128xf32>
    %slice3A_165 = vector.extract_strided_slice %dot_general3A_143 {offsets = [0, 640], sizes = [2048, 128], strides = [1, 1]} : vector<2048x1024xf32> to vector<2048x128xf32>
    %mul3A_166 = arith.mulf %slice3A_164, %slice3A_165 : vector<2048x128xf32>
    %add3A_167 = arith.addf %add3A_163, %mul3A_166 : vector<2048x128xf32>
    %slice3A_168 = vector.extract_strided_slice %dot_general3A_138 {offsets = [0, 768], sizes = [2048, 128], strides = [1, 1]} : vector<2048x1024xf32> to vector<2048x128xf32>
    %slice3A_169 = vector.extract_strided_slice %dot_general3A_143 {offsets = [0, 768], sizes = [2048, 128], strides = [1, 1]} : vector<2048x1024xf32> to vector<2048x128xf32>
    %mul3A_170 = arith.mulf %slice3A_168, %slice3A_169 : vector<2048x128xf32>
    %add3A_171 = arith.addf %add3A_167, %mul3A_170 : vector<2048x128xf32>
    %slice3A_172 = vector.extract_strided_slice %dot_general3A_138 {offsets = [0, 896], sizes = [2048, 128], strides = [1, 1]} : vector<2048x1024xf32> to vector<2048x128xf32>
    %slice3A_173 = vector.extract_strided_slice %dot_general3A_143 {offsets = [0, 896], sizes = [2048, 128], strides = [1, 1]} : vector<2048x1024xf32> to vector<2048x128xf32>
    %mul3A_174 = arith.mulf %slice3A_172, %slice3A_173 : vector<2048x128xf32>
    %add3A_175 = arith.addf %add3A_171, %mul3A_174 : vector<2048x128xf32>
    %swap3A = arith.constant 0 : index
    %swap3A_176 = arith.constant 0 : index
    %swap3A_177 = vector.load %arg6[%swap3A, %swap3A_176] : memref<2048x128xf32, #tpu.memory_space<vmem>>, vector<2048x128xf32>
    tpu.vector_store %arg6[%swap3A, %swap3A_176], %add3A_175 {strides = array<i32>} : memref<2048x128xf32, #tpu.memory_space<vmem>>, vector<2048x128xf32>,
    return
  }
  func.func @transform_0(%arg0: i32) -> (i32, i32) {
    %c0_i32 = arith.constant 0 : i32
    %c0_i32_0 = arith.constant 0 : i32
    return %arg0, %c0_i32 : i32, i32
  }
  func.func @transform_1(%arg0: i32) -> (i32, i32) {
    %c0_i32 = arith.constant 0 : i32
    %c0_i32_0 = arith.constant 0 : i32
    return %arg0, %c0_i32 : i32, i32
  }
  func.func @transform_2(%arg0: i32) -> (i32, i32) {
    %c0_i32 = arith.constant 0 : i32
    %c0_i32_0 = arith.constant 0 : i32
    %c0_i32_1 = arith.constant 0 : i32
    return %c0_i32, %c0_i32_0 : i32, i32
  }
  func.func @transform_3(%arg0: i32) -> (i32, i32) {
    %c0_i32 = arith.constant 0 : i32
    %c0_i32_0 = arith.constant 0 : i32
    %c0_i32_1 = arith.constant 0 : i32
    return %c0_i32, %c0_i32_0 : i32, i32
  }
  func.func @transform_4(%arg0: i32) -> (i32, i32) {
    %c0_i32 = arith.constant 0 : i32
    %c0_i32_0 = arith.constant 0 : i32
    %c0_i32_1 = arith.constant 0 : i32
    return %c0_i32, %c0_i32_0 : i32, i32
  }
  func.func @transform_5(%arg0: i32) -> (i32, i32) {
    %c0_i32 = arith.constant 0 : i32
    %c0_i32_0 = arith.constant 0 : i32
    return %arg0, %c0_i32 : i32, i32
  }
}

module attributes {stable_mosaic.version = 14 : i64} {
  func.func @body(%arg0: memref<10240x128xf32, #tpu.memory_space<vmem>>, %arg1: memref<10240x128xf32, #tpu.memory_space<vmem>>, %arg2: memref<5000x128xf32, #tpu.memory_space<vmem>>, %arg3: memref<64x64xf32, #tpu.memory_space<vmem>>, %arg4: memref<1x64xf32, #tpu.memory_space<vmem>>, %arg5: memref<1x64xf32, #tpu.memory_space<vmem>>, %arg6: memref<1x64xf32, #tpu.memory_space<vmem>>, %arg7: memref<5000x128xf32, #tpu.memory_space<vmem>>) attributes {dimension_semantics = [], scalar_prefetch = 0 : i64, scratch_operands = 0 : i64, tpu.core_type = #tpu.core_type<tc>} {
    %get3A = arith.constant 0 : index
    %get3A_0 = arith.constant 0 : index
    %get3A_1 = vector.load %arg0[%get3A, %get3A_0] : memref<10240x128xf32, #tpu.memory_space<vmem>>, vector<5000x128xf32>
    %get3A_2 = arith.constant 5120 : index
    %get3A_3 = arith.constant 0 : index
    %get3A_4 = vector.load %arg0[%get3A_2, %get3A_3] : memref<10240x128xf32, #tpu.memory_space<vmem>>, vector<5000x128xf32>
    %add3A = arith.addf %get3A_1, %get3A_4 : vector<5000x128xf32>
    %get3A_5 = arith.constant 0 : index
    %get3A_6 = arith.constant 0 : index
    %get3A_7 = vector.load %arg1[%get3A_5, %get3A_6] : memref<10240x128xf32, #tpu.memory_space<vmem>>, vector<5000x128xf32>
    %add3A_8 = arith.addf %add3A, %get3A_7 : vector<5000x128xf32>
    %get3A_9 = arith.constant 5120 : index
    %get3A_10 = arith.constant 0 : index
    %get3A_11 = vector.load %arg1[%get3A_9, %get3A_10] : memref<10240x128xf32, #tpu.memory_space<vmem>>, vector<5000x128xf32>
    %add3A_12 = arith.addf %add3A_8, %get3A_11 : vector<5000x128xf32>
    %slice3A = vector.extract_strided_slice %add3A_12 {offsets = [0, 0], sizes = [5000, 64], strides = [1, 1]} : vector<5000x128xf32> to vector<5000x64xf32>
    %slice3A_13 = vector.extract_strided_slice %add3A_12 {offsets = [0, 64], sizes = [5000, 64], strides = [1, 1]} : vector<5000x128xf32> to vector<5000x64xf32>
    %add3A_14 = arith.addf %slice3A, %slice3A_13 : vector<5000x64xf32>
    %get3A_15 = arith.constant 0 : index
    %get3A_16 = arith.constant 0 : index
    %get3A_17 = vector.load %arg2[%get3A_15, %get3A_16] : memref<5000x128xf32, #tpu.memory_space<vmem>>, vector<5000x64xf32>
    %get3A_18 = arith.constant 0 : index
    %get3A_19 = arith.constant 0 : index
    %get3A_20 = vector.load %arg3[%get3A_18, %get3A_19] : memref<64x64xf32, #tpu.memory_space<vmem>>, vector<64x64xf32>
    %dot_general3A = arith.constant dense<0.000000e+00> : vector<5000x64xf32>
    %dot_general3A_21 = tpu.matmul %get3A_17, %get3A_20, %dot_general3A {dimension_numbers = #tpu.dot_dimension_numbers<[1], [0], [0], [1], [0, 0, 1, 1], [], []>, transpose_lhs_hint = false} : vector<5000x64xf32>, vector<64x64xf32>, vector<5000x64xf32> -> vector<5000x64xf32>
    %add3A_22 = arith.addf %add3A_14, %dot_general3A_21 : vector<5000x64xf32>
    %get3A_23 = arith.constant 0 : index
    %get3A_24 = arith.constant 0 : index
    %get3A_25 = vector.load %arg4[%get3A_23, %get3A_24] : memref<1x64xf32, #tpu.memory_space<vmem>>, vector<1x64xf32>
    %add3A_26 = vector.broadcast %get3A_25 : vector<1x64xf32> to vector<5000x64xf32>
    %add3A_27 = arith.addf %add3A_22, %add3A_26 : vector<5000x64xf32>
    %reduce_sum3A = arith.constant dense<0.000000e+00> : vector<5000xf32>
    %reduce_sum3A_28 = vector.multi_reduction <add>, %add3A_27, %reduce_sum3A [1] : vector<5000x64xf32> to vector<5000xf32>
    %broadcast_in_dim3A = vector.shape_cast %reduce_sum3A_28 : vector<5000xf32> to vector<5000x1xf32>
    %div3A = arith.constant 6.400000e+01 : f32
    %div3A_29 = vector.broadcast %div3A : f32 to vector<5000x1xf32>
    %div3A_30 = arith.divf %broadcast_in_dim3A, %div3A_29 : vector<5000x1xf32>
    %sub3A = vector.broadcast %div3A_30 : vector<5000x1xf32> to vector<5000x64xf32>
    %sub3A_31 = arith.subf %add3A_27, %sub3A : vector<5000x64xf32>
    %mul3A = arith.mulf %sub3A_31, %sub3A_31 : vector<5000x64xf32>
    %reduce_sum3A_32 = arith.constant dense<0.000000e+00> : vector<5000xf32>
    %reduce_sum3A_33 = vector.multi_reduction <add>, %mul3A, %reduce_sum3A_32 [1] : vector<5000x64xf32> to vector<5000xf32>
    %broadcast_in_dim3A_34 = vector.shape_cast %reduce_sum3A_33 : vector<5000xf32> to vector<5000x1xf32>
    %div3A_35 = arith.constant 6.400000e+01 : f32
    %div3A_36 = vector.broadcast %div3A_35 : f32 to vector<5000x1xf32>
    %div3A_37 = arith.divf %broadcast_in_dim3A_34, %div3A_36 : vector<5000x1xf32>
    %add3A_38 = arith.constant 9.99999974E-6 : f32
    %add3A_39 = vector.broadcast %add3A_38 : f32 to vector<5000x1xf32>
    %add3A_40 = arith.addf %div3A_37, %add3A_39 : vector<5000x1xf32>
    %rsqrt3A = math.rsqrt %add3A_40 : vector<5000x1xf32>
    %mul3A_41 = vector.broadcast %rsqrt3A : vector<5000x1xf32> to vector<5000x64xf32>
    %mul3A_42 = arith.mulf %sub3A_31, %mul3A_41 : vector<5000x64xf32>
    %get3A_43 = arith.constant 0 : index
    %get3A_44 = arith.constant 0 : index
    %get3A_45 = vector.load %arg5[%get3A_43, %get3A_44] : memref<1x64xf32, #tpu.memory_space<vmem>>, vector<1x64xf32>
    %mul3A_46 = vector.broadcast %get3A_45 : vector<1x64xf32> to vector<5000x64xf32>
    %mul3A_47 = arith.mulf %mul3A_42, %mul3A_46 : vector<5000x64xf32>
    %get3A_48 = arith.constant 0 : index
    %get3A_49 = arith.constant 0 : index
    %get3A_50 = vector.load %arg6[%get3A_48, %get3A_49] : memref<1x64xf32, #tpu.memory_space<vmem>>, vector<1x64xf32>
    %add3A_51 = vector.broadcast %get3A_50 : vector<1x64xf32> to vector<5000x64xf32>
    %add3A_52 = arith.addf %mul3A_47, %add3A_51 : vector<5000x64xf32>
    %max3A = arith.constant 0.000000e+00 : f32
    %max3A_53 = vector.broadcast %max3A : f32 to vector<5000x64xf32>
    %max3A_54 = arith.maximumf %add3A_52, %max3A_53 : vector<5000x64xf32>
    %broadcast_in_dim3A_55 = arith.constant 0.000000e+00 : f32
    %broadcast_in_dim3A_56 = vector.broadcast %broadcast_in_dim3A_55 : f32 to vector<5000x64xf32>
    %concatenate3A = tpu.concatenate %max3A_54, %broadcast_in_dim3A_56 in 1 : vector<5000x64xf32>, vector<5000x64xf32> -> vector<5000x128xf32>
    %swap3A = arith.constant 0 : index
    %swap3A_57 = arith.constant 0 : index
    %swap3A_58 = vector.load %arg7[%swap3A, %swap3A_57] : memref<5000x128xf32, #tpu.memory_space<vmem>>, vector<5000x128xf32>
    tpu.vector_store %arg7[%swap3A, %swap3A_57], %concatenate3A {strides = array<i32>} : memref<5000x128xf32, #tpu.memory_space<vmem>>, vector<5000x128xf32>,
    return
  }
}

module attributes {stable_mosaic.version = 14 : i64} {
  func.func @body(%arg0: memref<5000x128xf32, #tpu.memory_space<vmem>>, %arg1: memref<5000x1xi32, #tpu.memory_space<vmem>>, %arg2: memref<64x32xf32, #tpu.memory_space<vmem>>, %arg3: memref<1x32xf32, #tpu.memory_space<vmem>>, %arg4: memref<32x32xf32, #tpu.memory_space<vmem>>, %arg5: memref<1x32xf32, #tpu.memory_space<vmem>>, %arg6: memref<64x32xf32, #tpu.memory_space<vmem>>) attributes {dimension_semantics = [], scalar_prefetch = 0 : i64, scratch_operands = 0 : i64, tpu.core_type = #tpu.core_type<tc>} {
    %iota3A = tpu.iota {dimensions = array<i32: 1>} : vector<1x64xi32>
    %get3A = arith.constant 0 : index
    %get3A_0 = arith.constant 0 : index
    %get3A_1 = vector.load %arg1[%get3A, %get3A_0] : memref<5000x1xi32, #tpu.memory_space<vmem>>, vector<5000x1xi32>
    %eq3A = vector.broadcast %get3A_1 : vector<5000x1xi32> to vector<5000x64xi32>
    %eq3A_2 = vector.broadcast %iota3A : vector<1x64xi32> to vector<5000x64xi32>
    %eq3A_3 = arith.cmpi eq, %eq3A, %eq3A_2 : vector<5000x64xi32>
    %convert_element_type3A = arith.extui %eq3A_3 : vector<5000x64xi1> to vector<5000x64xi32>
    %convert_element_type3A_4 = arith.sitofp %convert_element_type3A : vector<5000x64xi32> to vector<5000x64xf32>
    %get3A_5 = arith.constant 0 : index
    %get3A_6 = arith.constant 0 : index
    %get3A_7 = vector.load %arg0[%get3A_5, %get3A_6] : memref<5000x128xf32, #tpu.memory_space<vmem>>, vector<5000x64xf32>
    %dot_general3A = arith.constant dense<0.000000e+00> : vector<64x64xf32>
    %dot_general3A_8 = tpu.matmul %convert_element_type3A_4, %get3A_7, %dot_general3A {dimension_numbers = #tpu.dot_dimension_numbers<[0], [0], [1], [1], [0, 1, 1, 1], [], []>, transpose_lhs_hint = false} : vector<5000x64xf32>, vector<5000x64xf32>, vector<64x64xf32> -> vector<64x64xf32>
    %broadcast_in_dim3A = arith.constant 1.000000e+00 : f32
    %broadcast_in_dim3A_9 = vector.broadcast %broadcast_in_dim3A : f32 to vector<5000x1xf32>
    %dot_general3A_10 = arith.constant dense<0.000000e+00> : vector<64x1xf32>
    %dot_general3A_11 = tpu.matmul %convert_element_type3A_4, %broadcast_in_dim3A_9, %dot_general3A_10 {dimension_numbers = #tpu.dot_dimension_numbers<[0], [0], [1], [1], [0, 1, 1, 1], [], []>, transpose_lhs_hint = false} : vector<5000x64xf32>, vector<5000x1xf32>, vector<64x1xf32> -> vector<64x1xf32>
    %max3A = arith.constant 1.000000e+00 : f32
    %max3A_12 = vector.broadcast %max3A : f32 to vector<64x1xf32>
    %max3A_13 = arith.maximumf %dot_general3A_11, %max3A_12 : vector<64x1xf32>
    %div3A = vector.broadcast %max3A_13 : vector<64x1xf32> to vector<64x64xf32>
    %div3A_14 = arith.divf %dot_general3A_8, %div3A : vector<64x64xf32>
    %get3A_15 = arith.constant 0 : index
    %get3A_16 = arith.constant 0 : index
    %get3A_17 = vector.load %arg2[%get3A_15, %get3A_16] : memref<64x32xf32, #tpu.memory_space<vmem>>, vector<64x32xf32>
    %dot_general3A_18 = arith.constant dense<0.000000e+00> : vector<64x32xf32>
    %dot_general3A_19 = tpu.matmul %div3A_14, %get3A_17, %dot_general3A_18 {dimension_numbers = #tpu.dot_dimension_numbers<[1], [0], [0], [1], [0, 0, 1, 1], [], []>, transpose_lhs_hint = false} : vector<64x64xf32>, vector<64x32xf32>, vector<64x32xf32> -> vector<64x32xf32>
    %get3A_20 = arith.constant 0 : index
    %get3A_21 = arith.constant 0 : index
    %get3A_22 = vector.load %arg3[%get3A_20, %get3A_21] : memref<1x32xf32, #tpu.memory_space<vmem>>, vector<1x32xf32>
    %add3A = vector.broadcast %get3A_22 : vector<1x32xf32> to vector<64x32xf32>
    %add3A_23 = arith.addf %dot_general3A_19, %add3A : vector<64x32xf32>
    %max3A_24 = arith.constant 0.000000e+00 : f32
    %max3A_25 = vector.broadcast %max3A_24 : f32 to vector<64x32xf32>
    %max3A_26 = arith.maximumf %add3A_23, %max3A_25 : vector<64x32xf32>
    %get3A_27 = arith.constant 0 : index
    %get3A_28 = arith.constant 0 : index
    %get3A_29 = vector.load %arg4[%get3A_27, %get3A_28] : memref<32x32xf32, #tpu.memory_space<vmem>>, vector<32x32xf32>
    %dot_general3A_30 = arith.constant dense<0.000000e+00> : vector<64x32xf32>
    %dot_general3A_31 = tpu.matmul %max3A_26, %get3A_29, %dot_general3A_30 {dimension_numbers = #tpu.dot_dimension_numbers<[1], [0], [0], [1], [0, 0, 1, 1], [], []>, transpose_lhs_hint = false} : vector<64x32xf32>, vector<32x32xf32>, vector<64x32xf32> -> vector<64x32xf32>
    %get3A_32 = arith.constant 0 : index
    %get3A_33 = arith.constant 0 : index
    %get3A_34 = vector.load %arg5[%get3A_32, %get3A_33] : memref<1x32xf32, #tpu.memory_space<vmem>>, vector<1x32xf32>
    %add3A_35 = vector.broadcast %get3A_34 : vector<1x32xf32> to vector<64x32xf32>
    %add3A_36 = arith.addf %dot_general3A_31, %add3A_35 : vector<64x32xf32>
    %swap3A = arith.constant 0 : index
    %swap3A_37 = arith.constant 0 : index
    %swap3A_38 = vector.load %arg6[%swap3A, %swap3A_37] : memref<64x32xf32, #tpu.memory_space<vmem>>, vector<64x32xf32>
    tpu.vector_store %arg6[%swap3A, %swap3A_37], %add3A_36 {strides = array<i32>} : memref<64x32xf32, #tpu.memory_space<vmem>>, vector<64x32xf32>,
    return
  }
}

</mosaic_0001>

<sc_bundles>
// kernel: kernel.25.cloned.1.call-start
scs
__scs_entry_jumppad:
0x0: {  	(pc) =	sbr.rel $0x88, $3  }
0x1: {  	(tag) =	ssettag $0x0;
	lr =	simm.s32 $0x1  }
0x2: {  	[smem:$0x3F81] =	sst lr;
	_ =	strace $0xD0000000  }
0x3: {  	_ = 	snop  }
0x4: {  	_ = 	snop  }
0x5: {  	_ = 	snop  }
0x6: {  	_ = 	snop  }
0x7: {  	_ = 	snop  }
__scs_overlays_trampoline_lowered:
0x8: {  	[smem:$0x3F90] =	sst s0  }
0x9: {  	[smem:$0x3F91] =	sst s1  }
0xa: {  	[smem:$0x3F92] =	sst s2  }
0xb: {  	[smem:$0x3F93] =	sst s3  }
0xc: {  	[smem:$0x3F94] =	sst s4  }
0xd: {  	[smem:$0x3F95] =	sst s5  }
0xe: {  	[smem:$0x3F96] =	sst s6  }
0xf: {  	[smem:$0x3F97] =	sst s7  }
0x10: {  	[smem:$0x3F98] =	sst s8  }
0x11: {  	[smem:$0x3F99] =	sst s9;
	s0 =	simm.s32 @!p0 $0x0  }
0x12: {  	s1 =	sld [smem:$0x3F7F];
	s0 =	simm.s32 @p0 $0x1  }
0x13: {  	[smem:$0x3F9A] =	sst s0;
	s0 =	simm.s32 @!p1 $0x0  }
0x14: {  	s2 =	sld [smem:$0x3F7E];
	s0 =	simm.s32 @p1 $0x1  }
0x15: {  	[smem:$0x3F9B] =	sst s0;
	s0 =	simm.s32 @!p2 $0x0  }
0x16: {  	s3 =	sld [smem:$0x3FDB];
	s0 =	simm.s32 @p2 $0x1  }
0x17: {  	s4 =	simm.s32 $0x1BF5;
	[smem:$0x3F9D] =	sst s0  }
0x18: {  	s0 =	sld [smem:$0x3F80];
	_ =	swait.ge [sflag:s4], $0x0  }
0x19: {  	s7 =	sld [smem:$0x3F81]  }
0x1a: {  	s8 =	sadd.s32 $0xFFFFE003, lr  }
0x1b: {  	s9 =	sadd.s32 $0xFFFFFEF7, lr;
	s5 =	simm.s32 $0xFFFFFFFF;
	p2 =	slt.u32 s8, $0xFFFFF086  }
0x1c: {  	p1 =	slt.u32 s9, $0xF7A;
	s5 =	simm.s32 @!p2 $0x0  }
0x1d: {  	s5 =	simm.s32 @p1 $0x1;
	p0 =	seq.s32 s7, s2  }
0x1e: {  	s7 =	smul.u32 @!p0 $0xF7A, s2;
	p2 =	seq.s32 @!p0 s5, $0x0  }
0x1f: {  	s9 =	smul.u32 $0xF7A, s1;
	s8 =	simm.s32 @!p0 $0x1BF5;
	p2 =	por !p2, p0  }
0x20: {  	[sflag:s8] =	ssyncset.s32 @!p0 $0xFFFFF086;
	s6 =	sadd.s32 @!p0 s3, s7;
	s7 =	simm.s32 @!p0 $0x108  }
0x21: {  	s3 =	sadd.s32 s3, s9;
	s6 =	sadd.s32 @!p0 $0x88, s6;
	s7 =	simm.s32 @p2 $0x1082  }
0x22: {  	[simem:s7], [sflag:s8] =	dma.local @!p0 [hbm:s6], $0xF7A  }
0x23: {  	s9 =	sor.u32 $0xD0000000, s2;
	s6 =	simm.s32 $0x108;
	_ =	swait.ge @!p0 [sflag:s8], $0x0  }
0x24: {  	s3 =	sadd.s32 $0x88, s3;
	s6 =	simm.s32 @!p1 $0x1082;
	[sflag:s4] =	ssyncset.s32 $0xFFFFF086  }
0x25: {  	[simem:s6], [sflag:s4] =	dma.local [hbm:s3], $0xF7A  }
0x26: {  	[smem:$0x3F81] =	sst s1;
	(tag) =	ssettag s2;
	_ =	strace s9  }
0x27: {  	s1 =	sld [smem:$0x3F91]  }
0x28: {  	s2 =	sld [smem:$0x3F92]  }
0x29: {  	s4 =	sld [smem:$0x3F94]  }
0x2a: {  	p0 =	seq.s32 s5, $0x0;
	s5 =	sld [smem:$0x3F95]  }
0x2b: {  	s6 =	sld [smem:$0x3F96]  }
0x2c: {  	s7 =	sld [smem:$0x3F97]  }
0x2d: {  	s3 =	simm.s32 $0x108;
	s8 =	sld [smem:$0x3F98]  }
0x2e: {  	s3 =	simm.s32 @!p0 $0x1082;
	s9 =	sld [smem:$0x3F99]  }
0x2f: {  	lr =	sadd.s32 s0, s3;
	s0 =	sld [smem:$0x3F90]  }
0x30: {  	s3 =	sld [smem:$0x3F93]  }
0x31: {  	[smem:$0x3F9C] =	sst s10  }
0x32: {  	s10 =	sld [smem:$0x3F9A];
	_ =	sdelay $0x3  }
0x33: {  	p0 =	seq.s32 s10, $0x1;
	s10 =	sld [smem:$0x3F9C];
	_ =	sdelay $0x3  }
0x34: {  	[smem:$0x3F9C] =	sst s10  }
0x35: {  	s10 =	sld [smem:$0x3F9B];
	_ =	sdelay $0x3  }
0x36: {  	p1 =	seq.s32 s10, $0x1;
	s10 =	sld [smem:$0x3F9C];
	_ =	sdelay $0x3  }
0x37: {  	[smem:$0x3F9C] =	sst s10  }
0x38: {  	s10 =	sld [smem:$0x3F9D]  }
0x39: {  	_ = 	snop;
	(pc) =	sbr.ind lr, $3  }
0x3a: {  	_ = 	snop  }
0x3b: {  	_ = 	snop  }
0x3c: {  	p2 =	seq.s32 s10, $0x1;
	s10 =	sld [smem:$0x3F9C]  }
0x3d: {  	_ =	shalt  }
0x3e: {  	_ =	shalt  }
0x3f: {  	_ =	shalt  }
0x40: {  	_ =	shalt  }
0x41: {  	_ =	shalt  }
0x42: {  	_ =	shalt  }
0x43: {  	_ =	shalt  }
0x44: {  	_ =	shalt  }
0x45: {  	_ =	shalt  }
0x46: {  	_ =	shalt  }
0x47: {  	_ =	shalt  }
0x48: {  	_ =	shalt  }
0x49: {  	_ =	shalt  }
0x4a: {  	_ =	shalt  }
0x4b: {  	_ =	shalt  }
0x4c: {  	_ =	shalt  }
0x4d: {  	_ =	shalt  }
0x4e: {  	_ =	shalt  }
0x4f: {  	_ =	shalt  }
0x50: {  	_ =	shalt  }
0x51: {  	_ =	shalt  }
0x52: {  	_ =	shalt  }
0x53: {  	_ =	shalt  }
0x54: {  	_ =	shalt  }
0x55: {  	_ =	shalt  }
0x56: {  	_ =	shalt  }
0x57: {  	_ =	shalt  }
0x58: {  	_ =	shalt  }
0x59: {  	_ =	shalt  }
0x5a: {  	_ =	shalt  }
0x5b: {  	_ =	shalt  }
0x5c: {  	_ =	shalt  }
0x5d: {  	_ =	shalt  }
0x5e: {  	_ =	shalt  }
0x5f: {  	_ =	shalt  }
0x60: {  	_ =	shalt  }
0x61: {  	_ =	shalt  }
0x62: {  	_ =	shalt  }
0x63: {  	_ =	shalt  }
0x64: {  	_ =	shalt  }
0x65: {  	_ =	shalt  }
0x66: {  	_ =	shalt  }
0x67: {  	_ =	shalt  }
0x68: {  	_ =	shalt  }
0x69: {  	_ =	shalt  }
0x6a: {  	_ =	shalt  }
0x6b: {  	_ =	shalt  }
0x6c: {  	_ =	shalt  }
0x6d: {  	_ =	shalt  }
0x6e: {  	_ =	shalt  }
0x6f: {  	_ =	shalt  }
0x70: {  	_ =	shalt  }
0x71: {  	_ =	shalt  }
0x72: {  	_ =	shalt  }
0x73: {  	_ =	shalt  }
0x74: {  	_ =	shalt  }
0x75: {  	_ =	shalt  }
0x76: {  	_ =	shalt  }
0x77: {  	_ =	shalt  }
0x78: {  	_ =	shalt  }
0x79: {  	_ =	shalt  }
0x7a: {  	_ =	shalt  }
0x7b: {  	_ =	shalt  }
0x7c: {  	_ =	shalt  }
0x7d: {  	_ =	shalt  }
0x7e: {  	_ =	shalt  }
0x7f: {  	_ =	shalt  }
0x80: {  	_ =	shalt  }
0x81: {  	_ =	shalt  }
0x82: {  	_ =	shalt  }
0x83: {  	_ =	shalt  }
0x84: {  	_ =	shalt  }
0x85: {  	_ =	shalt  }
0x86: {  	_ =	shalt  }
0x87: {  	_ =	shalt  }
.Lfunc_end0:
.L_simem_size_0:
called_computation_lowered:
.L_overlay_start_0:
0x88: {  	s2 =	sld [smem:$0x3FD9]  }
0x89: {  	s3 =	sld [smem:$0x3FFE];
	_ =	sdelay $0x1  }
0x8a: {  	s1 =	srdreg.scid  }
0x8b: {  	s0 =	sand.u32 $0x1, s1  }
0x8c: {  	s17 =	sshll.u32 s0, $0xA;
	s2 =	sadd.s32 s3, s2  }
0x8d: {  	s2 =	sadd.s32 s2, s17  }
0x8e: {  	[smem:$0x3FA8] =	sst s2  }
0x8f: {  	_ = 	snop  }
0x90: {  	(tm) =	ssettm $0x1  }
0x91: {  	s18 =	sld [smem:$0x3FFB];
	_ =	sdelay $0x3  }
0x92: {  	_ =	strace s18  }
0x93: {  	s2 =	sld [smem:$0x3FFC];
	_ =	sdelay $0x3  }
0x94: {  	_ =	strace s2  }
0x95: {  	s2 =	sld [smem:$0x3FFD];
	_ =	sdelay $0x3  }
0x96: {  	_ =	strace s2  }
0x97: {  	_ =	strace $0x8FFFFFFF  }
0x98: {  	s19 =	sld [smem:$0x3FDB];
	_ =	sdelay $0x1  }
0x99: {  	s20 =	simm.s32 $_scs_section_size  }
0x9a: {  	s4 =	simm.s32 $_size__tile_overlayer_lowered;
	s5 =	simm.s32 $_tile_overlayer_lowered  }
0x9b: {  	s6 =	simm.s32 $0x1BFF;
	s21 =	sshll.u32 s5, $0x1;
	s3 =	sadd.s32 s20, s19  }
0x9c: {  	s22 =	simm.s32 $0x0;
	s4 =	sshll.u32 s4, $0x1;
	s5 =	sadd.s32 s21, s3  }
0x9d: {  	[timem:s22], [sflag:s6] =	dma.local [hbm:s5], s4  }
0x9e: {  	_ =	swait.ge [sflag:s6], s4  }
0x9f: {  	s4 =	ssub.s32 $0x0, s4;
	[sflag:s6] =	ssyncset.done $0x0  }
0xa0: {  	[sflag:s6] =	ssyncadd.s32 s4;
	_ =	sdelay $0x1  }
0xa1: {  	s23 =	simm.s32 $0x1B8B  }
0xa2: {  	_ =	swait.ge [sflag:s23], $0x1  }
0xa3: {  	[sflag:s23] =	ssyncset.done $0x0  }
0xa4: {  	[sflag:s23] =	ssyncadd.s32 $0xFFFFFFFF  }
0xa5: {  	s4 =	sld [smem:$0x0]  }
0xa6: {  	s5 =	sand.u32 $0xFFFFFFFE, s1  }
0xa7: {  	p0 =	sne.s32 s1, s5  }
0xa8: {  	s5 =	sshll.u32 @p0 s5, $0xE  }
0xa9: {  	s5 =	sadd.s32 @p0 $0x11B8D, s5;
	s6 =	sshll.u32 @p0 s4, $0x11  }
0xaa: {  	s5 =	sor.u32 @p0 s6, s5  }
0xab: {  	[sflag:s5] =	ssyncadd.remote.s32 @p0 $0x1;
	_ =	sdelay $0x1  }
0xac: {  	s5 =	simm.s32 @p0 $0x1B8D  }
0xad: {  	_ =	swait.eq @p0 [sflag:s5], $0x1  }
0xae: {  	[sflag:s5] =	ssyncadd.s32 @p0 $0xFFFFFFFF  }
0xaf: {  	s6 =	sshll.u32 @!p0 s1, $0xE  }
0xb0: {  	s6 =	sor.u32 @!p0 $0x4000, s6;
	s5 =	simm.s32 @!p0 $0x1B8D  }
0xb1: {  	s4 =	sshll.u32 @!p0 s4, $0x11;
	s6 =	sadd.s32 @!p0 $0x11B8D, s6;
	_ =	swait.eq @!p0 [sflag:s5], $0x1  }
0xb2: {  	s4 =	sor.u32 @!p0 s4, s6;
	[sflag:s5] =	ssyncadd.s32 @!p0 $0xFFFFFFFF  }
0xb3: {  	s25 =	simm.s32 $0x1B8E;
	s24 =	sld [smem:$0x3FFE];
	[sflag:s4] =	ssyncadd.remote.s32 @!p0 $0x1  }
0xb4: {  	s26 =	simm.s32 $execute0_lowered;
	[smem:$0x3FD2] =	sst s25  }
0xb5: {  	s5 =	sshll.u32 s26, $0x1;
	_ =	strace $0x80000049;
	[dreg:$0x1] =	wrdreg $0xFFFFFFFF  }
0xb6: {  	s28 =	simm.s32 $_size_execute0_lowered;
	s3 =	sadd.s32 s3, s5;
	[dreg:$0x0] =	wrdreg $0x0  }
0xb7: {  	s5 =	sshll.u32 s28, $0x1;
	[dreg:$0x2] =	wrdreg s3  }
0xb8: {  	[dreg:$0x3] =	wrdreg s5  }
0xb9: {  	[dreg:$0x4] =	wrdreg $0xC0  }
0xba: {  	_ =	task [dreg:s22], $0x5FFFF  }
0xbb: {  	[dreg:$0x1] =	wrdreg $0xFFFFFFFF  }
0xbc: {  	[dreg:$0x0] =	wrdreg $0x60  }
0xbd: {  	[dreg:$0x2] =	wrdreg s24  }
0xbe: {  	[dreg:$0x3] =	wrdreg $0x9  }
0xbf: {  	_ =	task.clear_ibuf [dreg:s22], $0x4FFFF;
	_ =	strace $0x90000049  }
0xc0: {  	s29 =	simm.s32 $0x9;
	_ =	strace $0x8000004B  }
0xc1: {  	_ =	swait.ge [sflag:s29], $0x1  }
0xc2: {  	[sflag:s29] =	ssyncadd.s32 $0xFFFFFFFF  }
0xc3: {  	_ =	strace $0x9000004B  }
0xc4: {  	_ =	sfence  }
0xc5: {  	s30 =	sld [smem:$0x0];
	_ =	sdelay $0x2  }
0xc6: {  	s31 =	sshll.u32 s1, $0xD;
	s1 =	sshrl.u32 s1, $0x2  }
0xc7: {  	s4 =	sand.u32 $0x4000, s31;
	s1 =	sadd.s32 s1, s30  }
0xc8: {  	s0 =	sor.u32 s4, s0;
	s1 =	sshll.u32 s1, $0x11  }
0xc9: {  	s0 =	sor.u32 s1, s0  }
0xca: {  	s0 =	sadd.s32 $0x8F2B, s0  }
0xcb: {  	[sflag:s0] =	ssyncadd.remote.s32 $0x1  }
0xcc: {  	_ =	sfence.sel $0xFFFF  }
0xcd: {  	[dreg:$0x0] =	wrdreg $0xFFFFFFFF;
	(pc) =	sbr.abs _section_cstart, $3  }
0xce: {  	[dreg:$0x1] =	wrdreg $0xFFFFFFFF  }
0xcf: {  	_ =	task.clear_ibuf [dreg:s22], $0x2FFFF;
	_ =	strace $0x9FFFFFFF  }
0xd0: {  	(tm) =	ssettm $0x7FFFFFFF  }
0xd1: {  	_ =	shalt  }
tec
execute0_lowered:
.L_overlay_start_1:
0x0: {  	(tag) =	ssettag $0x1  }
0x1: {  	s1 =	srdreg.scid;
	s0 =	stileid.u32  }
0x2: {  	s16 =	sand.u32 $0x1, s1;
	s29 =	sshll.u32 s0, $0x1  }
0x3: {  	s17 =	sor.u32 s16, s29  }
0x4: {  	s18 =	rddreg [dreg:$0x0];
	s3 =	smul.u32 $0x50, s17  }
0x5: {  	s2 =	simm.s32 $0x0;
	s1 =	rddreg [dreg:$0x1]  }
0x6: {  	[smem:$0x7FF] =	sst s2;
	s3 =	sadd.s32 s3, s18  }
0x7: {  	_ =	strace $0x8000004A;
	s4 =	sadd.s32 $0x6F200, s3;
	s3 =	simm.s32 $0x2  }
0x8: {  	[tilespmem:s2], [sflag:$0x2] =	stream.linear.gather [hbm4b:s4+s2], $0x280, $0x38;
	[tilespmem:$0x14280] =	vst v63  }
0x9: {  	_ =	swait.ge [sflag:s3], $0x280  }
0xa: {  	s6 =	simm.s32 $0x80;
	[sflag:s3] =	ssyncset.done $0x0  }
0xb: {  	s7 =	simm.s32 $0x280;
	s5 =	sadd.s32 $0xB800, s18;
	[sflag:s3] =	ssyncadd.s32 $0xFFFFFD80  }
0xc: {  	[tilespmem:s7], [sflag:$0x1] =	stream.indirect.gather [hbm4b:s5+s6], $0x80, s2, s6, $0xb8;
	[tilespmem:$0x14280] =	vst v63  }
0xd: {  	s8 =	simm.s32 $0x4280  }
0xe: {  	[tilespmem:s8], [sflag:$0x1] =	stream.indirect.gather [hbm4b:s5+s6], $0x80, s6, s6, $0xb8;
	[tilespmem:$0x14280] =	vst v63  }
0xf: {  	s9 =	simm.s32 $0x100;
	s10 =	simm.s32 $0x8280  }
0x10: {  	[tilespmem:s10], [sflag:$0x1] =	stream.indirect.gather [hbm4b:s5+s6], $0x80, s9, s6, $0xb8;
	[tilespmem:$0x14280] =	vst v63  }
0x11: {  	s11 =	simm.s32 $0x180;
	s12 =	simm.s32 $0xC280  }
0x12: {  	[tilespmem:s12], [sflag:$0x1] =	stream.indirect.gather [hbm4b:s5+s6], $0x80, s11, s6, $0xb8;
	[tilespmem:$0x14280] =	vst v63  }
0x13: {  	s13 =	simm.s32 $0x200;
	s14 =	simm.s32 $0x10280;
	s15 =	simm.s32 $0x1  }
0x14: {  	[tilespmem:s14], [sflag:$0x1] =	stream.indirect.gather [hbm4b:s5+s6], $0x80, s13, s6, $0xb8;
	[tilespmem:$0x14280] =	vst v63  }
0x15: {  	_ =	swait.ge [sflag:s15], $0x4000  }
0x16: {  	[sflag:s15] =	ssyncset.done $0x0  }
0x17: {  	[sflag:s15] =	ssyncadd.s32 $0xFFFFC000  }
0x18: {  	_ =	swait.ge [sflag:s15], $0x4000  }
0x19: {  	[sflag:s15] =	ssyncset.done $0x0  }
0x1a: {  	[sflag:s15] =	ssyncadd.s32 $0xFFFFC000  }
0x1b: {  	_ =	swait.ge [sflag:s15], $0x4000  }
0x1c: {  	[sflag:s15] =	ssyncset.done $0x0  }
0x1d: {  	s16 =	ssub.s32 $0x2, s16;
	[sflag:s15] =	ssyncadd.s32 $0xFFFFC000  }
0x1e: {  	s19 =	sshrl.u32 s16, $0x1;
	_ =	swait.ge [sflag:s15], $0x4000  }
0x1f: {  	s30 =	ssub.s32 s16, s19;
	[sflag:s15] =	ssyncset.done $0x0  }
0x20: {  	s17 =	smul.u32 $0x2800, s17;
	s31 =	smax.u32 s30, $0x1;
	[sflag:s15] =	ssyncadd.s32 $0xFFFFC000  }
0x21: {  	p0 =	sne.s32 s31, $0x1;
	_ =	swait.ge [sflag:s15], $0x4000  }
.Ltmp0:
0x22: {  	s17 =	sadd.s32 s17, s18;
	[sflag:s15] =	ssyncset.done $0x0;
	(pc) =	sbr.rel @!p0 .LBB2_2-.Ltmp0, $4  }
0x23: {  	s16 =	sadd.s32 $0xF8600, s17;
	[sflag:s15] =	ssyncadd.s32 $0xFFFFC000  }
0x24: {  	[hbm4b:s16+s2] =	stream.linear.scatter [tilespmem:s7], [sflag:$0x2], $0x14000, $0x38;
	[tilespmem:$0x14280] =	vst v63  }
0x25: {  	_ =	swait.ge [sflag:s3], $0x14000  }
0x26: {  	s17 =	sadd.s32 $0xFFFFFFFF, s31;
	[sflag:s3] =	ssyncset.done $0x0  }
.LBB2_1:
0x27: {  	p0 =	sne.s32 s17, $0x1;
	s17 =	sadd.s32 $0xFFFFFFFF, s17;
	[sflag:s3] =	ssyncadd.s32 $0xFFFEC000  }
0x28: {  	[tilespmem:s2], [sflag:$0x2] =	stream.linear.gather [hbm4b:s4+s2], $0x280, $0x38;
	[tilespmem:$0x14280] =	vst v63  }
0x29: {  	_ =	swait.ge [sflag:s3], $0x280  }
0x2a: {  	[sflag:s3] =	ssyncset.done $0x0  }
0x2b: {  	[sflag:s3] =	ssyncadd.s32 $0xFFFFFD80  }
0x2c: {  	[tilespmem:s7], [sflag:$0x1] =	stream.indirect.gather [hbm4b:s5+s6], $0x80, s2, s6, $0xb8;
	[tilespmem:$0x14280] =	vst v63  }
0x2d: {  	_ = 	snop  }
0x2e: {  	[tilespmem:s8], [sflag:$0x1] =	stream.indirect.gather [hbm4b:s5+s6], $0x80, s6, s6, $0xb8;
	[tilespmem:$0x14280] =	vst v63  }
0x2f: {  	_ = 	snop  }
0x30: {  	[tilespmem:s10], [sflag:$0x1] =	stream.indirect.gather [hbm4b:s5+s6], $0x80, s9, s6, $0xb8;
	[tilespmem:$0x14280] =	vst v63  }
0x31: {  	_ = 	snop  }
0x32: {  	[tilespmem:s12], [sflag:$0x1] =	stream.indirect.gather [hbm4b:s5+s6], $0x80, s11, s6, $0xb8;
	[tilespmem:$0x14280] =	vst v63  }
0x33: {  	_ = 	snop  }
0x34: {  	[tilespmem:s14], [sflag:$0x1] =	stream.indirect.gather [hbm4b:s5+s6], $0x80, s13, s6, $0xb8;
	[tilespmem:$0x14280] =	vst v63  }
0x35: {  	_ =	swait.ge [sflag:s15], $0x4000  }
0x36: {  	[sflag:s15] =	ssyncset.done $0x0  }
0x37: {  	[sflag:s15] =	ssyncadd.s32 $0xFFFFC000  }
0x38: {  	_ =	swait.ge [sflag:s15], $0x4000  }
0x39: {  	[sflag:s15] =	ssyncset.done $0x0  }
0x3a: {  	[sflag:s15] =	ssyncadd.s32 $0xFFFFC000  }
0x3b: {  	_ =	swait.ge [sflag:s15], $0x4000  }
0x3c: {  	[sflag:s15] =	ssyncset.done $0x0  }
0x3d: {  	[sflag:s15] =	ssyncadd.s32 $0xFFFFC000  }
0x3e: {  	_ =	swait.ge [sflag:s15], $0x4000  }
0x3f: {  	[sflag:s15] =	ssyncset.done $0x0  }
0x40: {  	[sflag:s15] =	ssyncadd.s32 $0xFFFFC000  }
0x41: {  	_ =	swait.ge [sflag:s15], $0x4000  }
.Ltmp1:
0x42: {  	[sflag:s15] =	ssyncset.done $0x0;
	(pc) =	sbr.rel @p0 .LBB2_1-.Ltmp1, $4  }
0x43: {  	[sflag:s15] =	ssyncadd.s32 $0xFFFFC000  }
0x44: {  	[hbm4b:s16+s2] =	stream.linear.scatter [tilespmem:s7], [sflag:$0x2], $0x14000, $0x38;
	[tilespmem:$0x14280] =	vst v63  }
0x45: {  	_ =	swait.ge [sflag:s3], $0x14000  }
0x46: {  	[sflag:s3] =	ssyncset.done $0x0  }
.LBB2_2:
0x47: {  	[sflag:s3] =	ssyncadd.s32 $0xFFFEC000  }
0x48: {  	_ =	sfence.sel $0x180000  }
0x49: {  	[bflag:$0x0] =	sbarrier.arrive $0xFFFF  }
0x4a: {  	p0 =	sne.s32 s0, $0x0;
	_ =	strace $0x9000004A  }
0x4b: {  	s0 =	sadd.s32 @!p0 $0x100000, s1;
	[bflag:$0x2] =	sbarrier.arrive $0xFFFF  }
0x4c: {  	[sflag:s0] =	ssyncadd.tile.s32 @!p0 $0x1;
	_ =	shalt  }
.Lfunc_end2:
_tile_overlayer_lowered:
.L_overlay_start_2:
0x4d: {  	(tag) =	ssettag $0x2  }
0x4e: {  	s0 =	rddreg [dreg:$0x0];
	s2 =	stileid.u32  }
0x4f: {  	s1 =	rddreg [dreg:$0x1];
	p0 =	sne.s32 s2, $0x0  }
0x50: {  	s3 =	rddreg [dreg:$0x2];
	[bflag:$0x3] =	sbarrier.arrive $0xFFFF;
	s2 =	simm.s32 @!p0 $0x1C02  }
0x51: {  	[timem:s3], [sflag:s2] =	dma.local @!p0 [hbm:s0], s1  }
0x52: {  	s0 =	simm.s32 @!p0 $0x2  }
0x53: {  	_ =	swait.ge @!p0 [sflag:s0], s1  }
0x54: {  	s1 =	ssub.s32 @!p0 $0x0, s1;
	[sflag:s0] =	ssyncset.done @!p0 $0x0  }
0x55: {  	[sflag:s0] =	ssyncadd.s32 @!p0 s1  }
0x56: {  	[bflag:$0x3] =	sbarrier.arrive $0xFFFF  }
0x57: {  	_ =	shalt  }

// kernel: kernel.28.cloned.1.call-start
scs
__scs_entry_jumppad:
0x0: {  	(pc) =	sbr.rel $0x88, $3  }
0x1: {  	(tag) =	ssettag $0x0;
	lr =	simm.s32 $0x1  }
0x2: {  	[smem:$0x3F81] =	sst lr;
	_ =	strace $0xD0000000  }
0x3: {  	_ = 	snop  }
0x4: {  	_ = 	snop  }
0x5: {  	_ = 	snop  }
0x6: {  	_ = 	snop  }
0x7: {  	_ = 	snop  }
__scs_overlays_trampoline_lowered:
0x8: {  	[smem:$0x3F90] =	sst s0  }
0x9: {  	[smem:$0x3F91] =	sst s1  }
0xa: {  	[smem:$0x3F92] =	sst s2  }
0xb: {  	[smem:$0x3F93] =	sst s3  }
0xc: {  	[smem:$0x3F94] =	sst s4  }
0xd: {  	[smem:$0x3F95] =	sst s5  }
0xe: {  	[smem:$0x3F96] =	sst s6  }
0xf: {  	[smem:$0x3F97] =	sst s7  }
0x10: {  	[smem:$0x3F98] =	sst s8  }
0x11: {  	[smem:$0x3F99] =	sst s9;
	s0 =	simm.s32 @!p0 $0x0  }
0x12: {  	s1 =	sld [smem:$0x3F7F];
	s0 =	simm.s32 @p0 $0x1  }
0x13: {  	[smem:$0x3F9A] =	sst s0;
	s0 =	simm.s32 @!p1 $0x0  }
0x14: {  	s2 =	sld [smem:$0x3F7E];
	s0 =	simm.s32 @p1 $0x1  }
0x15: {  	[smem:$0x3F9B] =	sst s0;
	s0 =	simm.s32 @!p2 $0x0  }
0x16: {  	s3 =	sld [smem:$0x3FDB];
	s0 =	simm.s32 @p2 $0x1  }
0x17: {  	s4 =	simm.s32 $0x1BF5;
	[smem:$0x3F9D] =	sst s0  }
0x18: {  	s0 =	sld [smem:$0x3F80];
	_ =	swait.ge [sflag:s4], $0x0  }
0x19: {  	s7 =	sld [smem:$0x3F81]  }
0x1a: {  	s8 =	sadd.s32 $0xFFFFE003, lr  }
0x1b: {  	s9 =	sadd.s32 $0xFFFFFEF7, lr;
	s5 =	simm.s32 $0xFFFFFFFF;
	p2 =	slt.u32 s8, $0xFFFFF086  }
0x1c: {  	p1 =	slt.u32 s9, $0xF7A;
	s5 =	simm.s32 @!p2 $0x0  }
0x1d: {  	s5 =	simm.s32 @p1 $0x1;
	p0 =	seq.s32 s7, s2  }
0x1e: {  	s7 =	smul.u32 @!p0 $0xF7A, s2;
	p2 =	seq.s32 @!p0 s5, $0x0  }
0x1f: {  	s9 =	smul.u32 $0xF7A, s1;
	s8 =	simm.s32 @!p0 $0x1BF5;
	p2 =	por !p2, p0  }
0x20: {  	[sflag:s8] =	ssyncset.s32 @!p0 $0xFFFFF086;
	s6 =	sadd.s32 @!p0 s3, s7;
	s7 =	simm.s32 @!p0 $0x108  }
0x21: {  	s3 =	sadd.s32 s3, s9;
	s6 =	sadd.s32 @!p0 $0x88, s6;
	s7 =	simm.s32 @p2 $0x1082  }
0x22: {  	[simem:s7], [sflag:s8] =	dma.local @!p0 [hbm:s6], $0xF7A  }
0x23: {  	s9 =	sor.u32 $0xD0000000, s2;
	s6 =	simm.s32 $0x108;
	_ =	swait.ge @!p0 [sflag:s8], $0x0  }
0x24: {  	s3 =	sadd.s32 $0x88, s3;
	s6 =	simm.s32 @!p1 $0x1082;
	[sflag:s4] =	ssyncset.s32 $0xFFFFF086  }
0x25: {  	[simem:s6], [sflag:s4] =	dma.local [hbm:s3], $0xF7A  }
0x26: {  	[smem:$0x3F81] =	sst s1;
	(tag) =	ssettag s2;
	_ =	strace s9  }
0x27: {  	s1 =	sld [smem:$0x3F91]  }
0x28: {  	s2 =	sld [smem:$0x3F92]  }
0x29: {  	s4 =	sld [smem:$0x3F94]  }
0x2a: {  	p0 =	seq.s32 s5, $0x0;
	s5 =	sld [smem:$0x3F95]  }
0x2b: {  	s6 =	sld [smem:$0x3F96]  }
0x2c: {  	s7 =	sld [smem:$0x3F97]  }
0x2d: {  	s3 =	simm.s32 $0x108;
	s8 =	sld [smem:$0x3F98]  }
0x2e: {  	s3 =	simm.s32 @!p0 $0x1082;
	s9 =	sld [smem:$0x3F99]  }
0x2f: {  	lr =	sadd.s32 s0, s3;
	s0 =	sld [smem:$0x3F90]  }
0x30: {  	s3 =	sld [smem:$0x3F93]  }
0x31: {  	[smem:$0x3F9C] =	sst s10  }
0x32: {  	s10 =	sld [smem:$0x3F9A];
	_ =	sdelay $0x3  }
0x33: {  	p0 =	seq.s32 s10, $0x1;
	s10 =	sld [smem:$0x3F9C];
	_ =	sdelay $0x3  }
0x34: {  	[smem:$0x3F9C] =	sst s10  }
0x35: {  	s10 =	sld [smem:$0x3F9B];
	_ =	sdelay $0x3  }
0x36: {  	p1 =	seq.s32 s10, $0x1;
	s10 =	sld [smem:$0x3F9C];
	_ =	sdelay $0x3  }
0x37: {  	[smem:$0x3F9C] =	sst s10  }
0x38: {  	s10 =	sld [smem:$0x3F9D]  }
0x39: {  	_ = 	snop;
	(pc) =	sbr.ind lr, $3  }
0x3a: {  	_ = 	snop  }
0x3b: {  	_ = 	snop  }
0x3c: {  	p2 =	seq.s32 s10, $0x1;
	s10 =	sld [smem:$0x3F9C]  }
0x3d: {  	_ =	shalt  }
0x3e: {  	_ =	shalt  }
0x3f: {  	_ =	shalt  }
0x40: {  	_ =	shalt  }
0x41: {  	_ =	shalt  }
0x42: {  	_ =	shalt  }
0x43: {  	_ =	shalt  }
0x44: {  	_ =	shalt  }
0x45: {  	_ =	shalt  }
0x46: {  	_ =	shalt  }
0x47: {  	_ =	shalt  }
0x48: {  	_ =	shalt  }
0x49: {  	_ =	shalt  }
0x4a: {  	_ =	shalt  }
0x4b: {  	_ =	shalt  }
0x4c: {  	_ =	shalt  }
0x4d: {  	_ =	shalt  }
0x4e: {  	_ =	shalt  }
0x4f: {  	_ =	shalt  }
0x50: {  	_ =	shalt  }
0x51: {  	_ =	shalt  }
0x52: {  	_ =	shalt  }
0x53: {  	_ =	shalt  }
0x54: {  	_ =	shalt  }
0x55: {  	_ =	shalt  }
0x56: {  	_ =	shalt  }
0x57: {  	_ =	shalt  }
0x58: {  	_ =	shalt  }
0x59: {  	_ =	shalt  }
0x5a: {  	_ =	shalt  }
0x5b: {  	_ =	shalt  }
0x5c: {  	_ =	shalt  }
0x5d: {  	_ =	shalt  }
0x5e: {  	_ =	shalt  }
0x5f: {  	_ =	shalt  }
0x60: {  	_ =	shalt  }
0x61: {  	_ =	shalt  }
0x62: {  	_ =	shalt  }
0x63: {  	_ =	shalt  }
0x64: {  	_ =	shalt  }
0x65: {  	_ =	shalt  }
0x66: {  	_ =	shalt  }
0x67: {  	_ =	shalt  }
0x68: {  	_ =	shalt  }
0x69: {  	_ =	shalt  }
0x6a: {  	_ =	shalt  }
0x6b: {  	_ =	shalt  }
0x6c: {  	_ =	shalt  }
0x6d: {  	_ =	shalt  }
0x6e: {  	_ =	shalt  }
0x6f: {  	_ =	shalt  }
0x70: {  	_ =	shalt  }
0x71: {  	_ =	shalt  }
0x72: {  	_ =	shalt  }
0x73: {  	_ =	shalt  }
0x74: {  	_ =	shalt  }
0x75: {  	_ =	shalt  }
0x76: {  	_ =	shalt  }
0x77: {  	_ =	shalt  }
0x78: {  	_ =	shalt  }
0x79: {  	_ =	shalt  }
0x7a: {  	_ =	shalt  }
0x7b: {  	_ =	shalt  }
0x7c: {  	_ =	shalt  }
0x7d: {  	_ =	shalt  }
0x7e: {  	_ =	shalt  }
0x7f: {  	_ =	shalt  }
0x80: {  	_ =	shalt  }
0x81: {  	_ =	shalt  }
0x82: {  	_ =	shalt  }
0x83: {  	_ =	shalt  }
0x84: {  	_ =	shalt  }
0x85: {  	_ =	shalt  }
0x86: {  	_ =	shalt  }
0x87: {  	_ =	shalt  }
.Lfunc_end0:
.L_simem_size_0:
called_computation.1_lowered:
.L_overlay_start_0:
0x88: {  	s2 =	sld [smem:$0x3FD9]  }
0x89: {  	s3 =	sld [smem:$0x3FFE];
	_ =	sdelay $0x1  }
0x8a: {  	s1 =	srdreg.scid  }
0x8b: {  	s0 =	sand.u32 $0x1, s1  }
0x8c: {  	s16 =	sshll.u32 s0, $0xA;
	s2 =	sadd.s32 s3, s2  }
0x8d: {  	s2 =	sadd.s32 s2, s16  }
0x8e: {  	[smem:$0x3FA8] =	sst s2  }
0x8f: {  	_ = 	snop  }
0x90: {  	(tm) =	ssettm $0x1  }
0x91: {  	s17 =	sld [smem:$0x3FFB];
	_ =	sdelay $0x3  }
0x92: {  	_ =	strace s17  }
0x93: {  	s2 =	sld [smem:$0x3FFC];
	_ =	sdelay $0x3  }
0x94: {  	_ =	strace s2  }
0x95: {  	s2 =	sld [smem:$0x3FFD];
	_ =	sdelay $0x3  }
0x96: {  	_ =	strace s2  }
0x97: {  	_ =	strace $0x8FFFFFFF  }
0x98: {  	s18 =	sld [smem:$0x3FDB];
	_ =	sdelay $0x1  }
0x99: {  	s19 =	simm.s32 $_scs_section_size  }
0x9a: {  	s4 =	simm.s32 $_size__tile_overlayer_lowered;
	s5 =	simm.s32 $_tile_overlayer_lowered  }
0x9b: {  	s22 =	simm.s32 $0x1BFF;
	s21 =	sshll.u32 s5, $0x1;
	s2 =	sadd.s32 s19, s18  }
0x9c: {  	s6 =	simm.s32 $0x0;
	s20 =	sshll.u32 s4, $0x1;
	s4 =	sadd.s32 s21, s2  }
0x9d: {  	[timem:s6], [sflag:s22] =	dma.local [hbm:s4], s20  }
0x9e: {  	_ =	swait.ge [sflag:s22], s20  }
0x9f: {  	s3 =	ssub.s32 $0x0, s20;
	[sflag:s22] =	ssyncset.done $0x0  }
0xa0: {  	[sflag:s22] =	ssyncadd.s32 s3;
	_ =	sdelay $0x1  }
0xa1: {  	s23 =	simm.s32 $0x1B8B  }
0xa2: {  	_ =	swait.ge [sflag:s23], $0x1  }
0xa3: {  	[sflag:s23] =	ssyncset.done $0x0  }
0xa4: {  	s25 =	simm.s32 $0x1B8E;
	s24 =	sld [smem:$0x3FFE];
	[sflag:s23] =	ssyncadd.s32 $0xFFFFFFFF  }
0xa5: {  	s26 =	simm.s32 $execute0_lowered;
	[smem:$0x3FD2] =	sst s25  }
0xa6: {  	s4 =	sshll.u32 s26, $0x1;
	_ =	strace $0x80000046;
	[dreg:$0x1] =	wrdreg $0xFFFFFFFF  }
0xa7: {  	s28 =	simm.s32 $_size_execute0_lowered;
	s2 =	sadd.s32 s2, s4;
	[dreg:$0x0] =	wrdreg $0x0  }
0xa8: {  	s4 =	sshll.u32 s28, $0x1;
	[dreg:$0x2] =	wrdreg s2  }
0xa9: {  	[dreg:$0x3] =	wrdreg s4  }
0xaa: {  	[dreg:$0x4] =	wrdreg $0xC0  }
0xab: {  	_ =	task [dreg:s6], $0x5FFFF  }
0xac: {  	[dreg:$0x1] =	wrdreg $0xFFFFFFFF  }
0xad: {  	[dreg:$0x0] =	wrdreg $0x60  }
0xae: {  	[dreg:$0x2] =	wrdreg s24  }
0xaf: {  	[dreg:$0x3] =	wrdreg $0xA  }
0xb0: {  	_ =	task.clear_ibuf [dreg:s6], $0x4FFFF;
	_ =	strace $0x90000046  }
0xb1: {  	s29 =	simm.s32 $0xA;
	_ =	strace $0x80000048  }
0xb2: {  	_ =	swait.ge [sflag:s29], $0x1  }
0xb3: {  	[sflag:s29] =	ssyncadd.s32 $0xFFFFFFFF  }
0xb4: {  	_ =	strace $0x90000048  }
0xb5: {  	_ =	sfence  }
0xb6: {  	s30 =	sld [smem:$0x0];
	_ =	sdelay $0x2  }
0xb7: {  	s31 =	sshll.u32 s1, $0xD;
	s1 =	sshrl.u32 s1, $0x2  }
0xb8: {  	s3 =	sand.u32 $0x4000, s31;
	s1 =	sadd.s32 s1, s30  }
0xb9: {  	s0 =	sor.u32 s3, s0;
	s1 =	sshll.u32 s1, $0x11  }
0xba: {  	s0 =	sor.u32 s1, s0  }
0xbb: {  	s0 =	sadd.s32 $0x8F2B, s0  }
0xbc: {  	[sflag:s0] =	ssyncadd.remote.s32 $0x1  }
0xbd: {  	_ =	sfence.sel $0xFFFF  }
0xbe: {  	[dreg:$0x0] =	wrdreg $0xFFFFFFFF;
	(pc) =	sbr.abs _section_cstart, $3  }
0xbf: {  	[dreg:$0x1] =	wrdreg $0xFFFFFFFF  }
0xc0: {  	_ =	task.clear_ibuf [dreg:s6], $0x2FFFF;
	_ =	strace $0x9FFFFFFF  }
0xc1: {  	(tm) =	ssettm $0x7FFFFFFF  }
tec
execute0_lowered:
.L_overlay_start_1:
0x0: {  	(tag) =	ssettag $0x1  }
0x1: {  	s1 =	srdreg.scid;
	s0 =	stileid.u32  }
0x2: {  	s16 =	sand.u32 $0x1, s1;
	s29 =	sshll.u32 s0, $0x1  }
0x3: {  	s17 =	sor.u32 s16, s29  }
0x4: {  	s18 =	rddreg [dreg:$0x0];
	s3 =	smul.u32 $0x50, s17  }
0x5: {  	s2 =	simm.s32 $0x0;
	s1 =	rddreg [dreg:$0x1]  }
0x6: {  	[smem:$0x7FF] =	sst s2;
	s3 =	sadd.s32 s3, s18  }
0x7: {  	_ =	strace $0x80000047;
	s4 =	sadd.s32 $0xA7C00, s3;
	s3 =	simm.s32 $0x2  }
0x8: {  	[tilespmem:s2], [sflag:$0x2] =	stream.linear.gather [hbm4b:s4+s2], $0x280, $0x38;
	[tilespmem:$0x14280] =	vst v63  }
0x9: {  	_ =	swait.ge [sflag:s3], $0x280  }
0xa: {  	s6 =	simm.s32 $0x80;
	[sflag:s3] =	ssyncset.done $0x0  }
0xb: {  	s7 =	simm.s32 $0x280;
	s5 =	sadd.s32 $0xB800, s18;
	[sflag:s3] =	ssyncadd.s32 $0xFFFFFD80  }
0xc: {  	[tilespmem:s7], [sflag:$0x1] =	stream.indirect.gather [hbm4b:s5+s6], $0x80, s2, s6, $0xb8;
	[tilespmem:$0x14280] =	vst v63  }
0xd: {  	s8 =	simm.s32 $0x4280  }
0xe: {  	[tilespmem:s8], [sflag:$0x1] =	stream.indirect.gather [hbm4b:s5+s6], $0x80, s6, s6, $0xb8;
	[tilespmem:$0x14280] =	vst v63  }
0xf: {  	s9 =	simm.s32 $0x100;
	s10 =	simm.s32 $0x8280  }
0x10: {  	[tilespmem:s10], [sflag:$0x1] =	stream.indirect.gather [hbm4b:s5+s6], $0x80, s9, s6, $0xb8;
	[tilespmem:$0x14280] =	vst v63  }
0x11: {  	s11 =	simm.s32 $0x180;
	s12 =	simm.s32 $0xC280  }
0x12: {  	[tilespmem:s12], [sflag:$0x1] =	stream.indirect.gather [hbm4b:s5+s6], $0x80, s11, s6, $0xb8;
	[tilespmem:$0x14280] =	vst v63  }
0x13: {  	s13 =	simm.s32 $0x200;
	s14 =	simm.s32 $0x10280;
	s15 =	simm.s32 $0x1  }
0x14: {  	[tilespmem:s14], [sflag:$0x1] =	stream.indirect.gather [hbm4b:s5+s6], $0x80, s13, s6, $0xb8;
	[tilespmem:$0x14280] =	vst v63  }
0x15: {  	_ =	swait.ge [sflag:s15], $0x4000  }
0x16: {  	[sflag:s15] =	ssyncset.done $0x0  }
0x17: {  	[sflag:s15] =	ssyncadd.s32 $0xFFFFC000  }
0x18: {  	_ =	swait.ge [sflag:s15], $0x4000  }
0x19: {  	[sflag:s15] =	ssyncset.done $0x0  }
0x1a: {  	[sflag:s15] =	ssyncadd.s32 $0xFFFFC000  }
0x1b: {  	_ =	swait.ge [sflag:s15], $0x4000  }
0x1c: {  	[sflag:s15] =	ssyncset.done $0x0  }
0x1d: {  	s16 =	ssub.s32 $0x2, s16;
	[sflag:s15] =	ssyncadd.s32 $0xFFFFC000  }
0x1e: {  	s19 =	sshrl.u32 s16, $0x1;
	_ =	swait.ge [sflag:s15], $0x4000  }
0x1f: {  	s30 =	ssub.s32 s16, s19;
	[sflag:s15] =	ssyncset.done $0x0  }
0x20: {  	s17 =	smul.u32 $0x2800, s17;
	s31 =	smax.u32 s30, $0x1;
	[sflag:s15] =	ssyncadd.s32 $0xFFFFC000  }
0x21: {  	p0 =	sne.s32 s31, $0x1;
	_ =	swait.ge [sflag:s15], $0x4000  }
.Ltmp0:
0x22: {  	s17 =	sadd.s32 s17, s18;
	[sflag:s15] =	ssyncset.done $0x0;
	(pc) =	sbr.rel @!p0 .LBB2_2-.Ltmp0, $4  }
0x23: {  	s16 =	sadd.s32 $0x1F200, s17;
	[sflag:s15] =	ssyncadd.s32 $0xFFFFC000  }
0x24: {  	[hbm4b:s16+s2] =	stream.linear.scatter [tilespmem:s7], [sflag:$0x2], $0x14000, $0x38;
	[tilespmem:$0x14280] =	vst v63  }
0x25: {  	_ =	swait.ge [sflag:s3], $0x14000  }
0x26: {  	s17 =	sadd.s32 $0xFFFFFFFF, s31;
	[sflag:s3] =	ssyncset.done $0x0  }
.LBB2_1:
0x27: {  	p0 =	sne.s32 s17, $0x1;
	s17 =	sadd.s32 $0xFFFFFFFF, s17;
	[sflag:s3] =	ssyncadd.s32 $0xFFFEC000  }
0x28: {  	[tilespmem:s2], [sflag:$0x2] =	stream.linear.gather [hbm4b:s4+s2], $0x280, $0x38;
	[tilespmem:$0x14280] =	vst v63  }
0x29: {  	_ =	swait.ge [sflag:s3], $0x280  }
0x2a: {  	[sflag:s3] =	ssyncset.done $0x0  }
0x2b: {  	[sflag:s3] =	ssyncadd.s32 $0xFFFFFD80  }
0x2c: {  	[tilespmem:s7], [sflag:$0x1] =	stream.indirect.gather [hbm4b:s5+s6], $0x80, s2, s6, $0xb8;
	[tilespmem:$0x14280] =	vst v63  }
0x2d: {  	_ = 	snop  }
0x2e: {  	[tilespmem:s8], [sflag:$0x1] =	stream.indirect.gather [hbm4b:s5+s6], $0x80, s6, s6, $0xb8;
	[tilespmem:$0x14280] =	vst v63  }
0x2f: {  	_ = 	snop  }
0x30: {  	[tilespmem:s10], [sflag:$0x1] =	stream.indirect.gather [hbm4b:s5+s6], $0x80, s9, s6, $0xb8;
	[tilespmem:$0x14280] =	vst v63  }
0x31: {  	_ = 	snop  }
0x32: {  	[tilespmem:s12], [sflag:$0x1] =	stream.indirect.gather [hbm4b:s5+s6], $0x80, s11, s6, $0xb8;
	[tilespmem:$0x14280] =	vst v63  }
0x33: {  	_ = 	snop  }
0x34: {  	[tilespmem:s14], [sflag:$0x1] =	stream.indirect.gather [hbm4b:s5+s6], $0x80, s13, s6, $0xb8;
	[tilespmem:$0x14280] =	vst v63  }
0x35: {  	_ =	swait.ge [sflag:s15], $0x4000  }
0x36: {  	[sflag:s15] =	ssyncset.done $0x0  }
0x37: {  	[sflag:s15] =	ssyncadd.s32 $0xFFFFC000  }
0x38: {  	_ =	swait.ge [sflag:s15], $0x4000  }
0x39: {  	[sflag:s15] =	ssyncset.done $0x0  }
0x3a: {  	[sflag:s15] =	ssyncadd.s32 $0xFFFFC000  }
0x3b: {  	_ =	swait.ge [sflag:s15], $0x4000  }
0x3c: {  	[sflag:s15] =	ssyncset.done $0x0  }
0x3d: {  	[sflag:s15] =	ssyncadd.s32 $0xFFFFC000  }
0x3e: {  	_ =	swait.ge [sflag:s15], $0x4000  }
0x3f: {  	[sflag:s15] =	ssyncset.done $0x0  }
0x40: {  	[sflag:s15] =	ssyncadd.s32 $0xFFFFC000  }
0x41: {  	_ =	swait.ge [sflag:s15], $0x4000  }
.Ltmp1:
0x42: {  	[sflag:s15] =	ssyncset.done $0x0;
	(pc) =	sbr.rel @p0 .LBB2_1-.Ltmp1, $4  }
0x43: {  	[sflag:s15] =	ssyncadd.s32 $0xFFFFC000  }
0x44: {  	[hbm4b:s16+s2] =	stream.linear.scatter [tilespmem:s7], [sflag:$0x2], $0x14000, $0x38;
	[tilespmem:$0x14280] =	vst v63  }
0x45: {  	_ =	swait.ge [sflag:s3], $0x14000  }
0x46: {  	[sflag:s3] =	ssyncset.done $0x0  }
.LBB2_2:
0x47: {  	[sflag:s3] =	ssyncadd.s32 $0xFFFEC000  }
0x48: {  	_ =	sfence.sel $0x180000  }
0x49: {  	[bflag:$0x0] =	sbarrier.arrive $0xFFFF  }
0x4a: {  	p0 =	sne.s32 s0, $0x0;
	_ =	strace $0x90000047  }
0x4b: {  	s0 =	sadd.s32 @!p0 $0x100000, s1;
	[bflag:$0x2] =	sbarrier.arrive $0xFFFF  }
0x4c: {  	[sflag:s0] =	ssyncadd.tile.s32 @!p0 $0x1;
	_ =	shalt  }
.Lfunc_end2:
_tile_overlayer_lowered:
.L_overlay_start_2:
0x4d: {  	(tag) =	ssettag $0x2  }
0x4e: {  	s0 =	rddreg [dreg:$0x0];
	s2 =	stileid.u32  }
0x4f: {  	s1 =	rddreg [dreg:$0x1];
	p0 =	sne.s32 s2, $0x0  }
0x50: {  	s3 =	rddreg [dreg:$0x2];
	[bflag:$0x3] =	sbarrier.arrive $0xFFFF;
	s2 =	simm.s32 @!p0 $0x1C02  }
0x51: {  	[timem:s3], [sflag:s2] =	dma.local @!p0 [hbm:s0], s1  }
0x52: {  	s0 =	simm.s32 @!p0 $0x2  }
0x53: {  	_ =	swait.ge @!p0 [sflag:s0], s1  }
0x54: {  	s1 =	ssub.s32 @!p0 $0x0, s1;
	[sflag:s0] =	ssyncset.done @!p0 $0x0  }
0x55: {  	[sflag:s0] =	ssyncadd.s32 @!p0 s1  }
0x56: {  	[bflag:$0x3] =	sbarrier.arrive $0xFFFF  }
0x57: {  	_ =	shalt  }

// kernel: kernel.31.cloned.1.call-start
scs
__scs_entry_jumppad:
0x0: {  	(pc) =	sbr.rel $0x88, $3  }
0x1: {  	(tag) =	ssettag $0x0;
	lr =	simm.s32 $0x1  }
0x2: {  	[smem:$0x3F81] =	sst lr;
	_ =	strace $0xD0000000  }
0x3: {  	_ = 	snop  }
0x4: {  	_ = 	snop  }
0x5: {  	_ = 	snop  }
0x6: {  	_ = 	snop  }
0x7: {  	_ = 	snop  }
__scs_overlays_trampoline_lowered:
0x8: {  	[smem:$0x3F90] =	sst s0  }
0x9: {  	[smem:$0x3F91] =	sst s1  }
0xa: {  	[smem:$0x3F92] =	sst s2  }
0xb: {  	[smem:$0x3F93] =	sst s3  }
0xc: {  	[smem:$0x3F94] =	sst s4  }
0xd: {  	[smem:$0x3F95] =	sst s5  }
0xe: {  	[smem:$0x3F96] =	sst s6  }
0xf: {  	[smem:$0x3F97] =	sst s7  }
0x10: {  	[smem:$0x3F98] =	sst s8  }
0x11: {  	[smem:$0x3F99] =	sst s9;
	s0 =	simm.s32 @!p0 $0x0  }
0x12: {  	s1 =	sld [smem:$0x3F7F];
	s0 =	simm.s32 @p0 $0x1  }
0x13: {  	[smem:$0x3F9A] =	sst s0;
	s0 =	simm.s32 @!p1 $0x0  }
0x14: {  	s2 =	sld [smem:$0x3F7E];
	s0 =	simm.s32 @p1 $0x1  }
0x15: {  	[smem:$0x3F9B] =	sst s0;
	s0 =	simm.s32 @!p2 $0x0  }
0x16: {  	s3 =	sld [smem:$0x3FDB];
	s0 =	simm.s32 @p2 $0x1  }
0x17: {  	s4 =	simm.s32 $0x1BF5;
	[smem:$0x3F9D] =	sst s0  }
0x18: {  	s0 =	sld [smem:$0x3F80];
	_ =	swait.ge [sflag:s4], $0x0  }
0x19: {  	s7 =	sld [smem:$0x3F81]  }
0x1a: {  	s8 =	sadd.s32 $0xFFFFE003, lr  }
0x1b: {  	s9 =	sadd.s32 $0xFFFFFEF7, lr;
	s5 =	simm.s32 $0xFFFFFFFF;
	p2 =	slt.u32 s8, $0xFFFFF086  }
0x1c: {  	p1 =	slt.u32 s9, $0xF7A;
	s5 =	simm.s32 @!p2 $0x0  }
0x1d: {  	s5 =	simm.s32 @p1 $0x1;
	p0 =	seq.s32 s7, s2  }
0x1e: {  	s7 =	smul.u32 @!p0 $0xF7A, s2;
	p2 =	seq.s32 @!p0 s5, $0x0  }
0x1f: {  	s9 =	smul.u32 $0xF7A, s1;
	s8 =	simm.s32 @!p0 $0x1BF5;
	p2 =	por !p2, p0  }
0x20: {  	[sflag:s8] =	ssyncset.s32 @!p0 $0xFFFFF086;
	s6 =	sadd.s32 @!p0 s3, s7;
	s7 =	simm.s32 @!p0 $0x108  }
0x21: {  	s3 =	sadd.s32 s3, s9;
	s6 =	sadd.s32 @!p0 $0x88, s6;
	s7 =	simm.s32 @p2 $0x1082  }
0x22: {  	[simem:s7], [sflag:s8] =	dma.local @!p0 [hbm:s6], $0xF7A  }
0x23: {  	s9 =	sor.u32 $0xD0000000, s2;
	s6 =	simm.s32 $0x108;
	_ =	swait.ge @!p0 [sflag:s8], $0x0  }
0x24: {  	s3 =	sadd.s32 $0x88, s3;
	s6 =	simm.s32 @!p1 $0x1082;
	[sflag:s4] =	ssyncset.s32 $0xFFFFF086  }
0x25: {  	[simem:s6], [sflag:s4] =	dma.local [hbm:s3], $0xF7A  }
0x26: {  	[smem:$0x3F81] =	sst s1;
	(tag) =	ssettag s2;
	_ =	strace s9  }
0x27: {  	s1 =	sld [smem:$0x3F91]  }
0x28: {  	s2 =	sld [smem:$0x3F92]  }
0x29: {  	s4 =	sld [smem:$0x3F94]  }
0x2a: {  	p0 =	seq.s32 s5, $0x0;
	s5 =	sld [smem:$0x3F95]  }
0x2b: {  	s6 =	sld [smem:$0x3F96]  }
0x2c: {  	s7 =	sld [smem:$0x3F97]  }
0x2d: {  	s3 =	simm.s32 $0x108;
	s8 =	sld [smem:$0x3F98]  }
0x2e: {  	s3 =	simm.s32 @!p0 $0x1082;
	s9 =	sld [smem:$0x3F99]  }
0x2f: {  	lr =	sadd.s32 s0, s3;
	s0 =	sld [smem:$0x3F90]  }
0x30: {  	s3 =	sld [smem:$0x3F93]  }
0x31: {  	[smem:$0x3F9C] =	sst s10  }
0x32: {  	s10 =	sld [smem:$0x3F9A];
	_ =	sdelay $0x3  }
0x33: {  	p0 =	seq.s32 s10, $0x1;
	s10 =	sld [smem:$0x3F9C];
	_ =	sdelay $0x3  }
0x34: {  	[smem:$0x3F9C] =	sst s10  }
0x35: {  	s10 =	sld [smem:$0x3F9B];
	_ =	sdelay $0x3  }
0x36: {  	p1 =	seq.s32 s10, $0x1;
	s10 =	sld [smem:$0x3F9C];
	_ =	sdelay $0x3  }
0x37: {  	[smem:$0x3F9C] =	sst s10  }
0x38: {  	s10 =	sld [smem:$0x3F9D]  }
0x39: {  	_ = 	snop;
	(pc) =	sbr.ind lr, $3  }
0x3a: {  	_ = 	snop  }
0x3b: {  	_ = 	snop  }
0x3c: {  	p2 =	seq.s32 s10, $0x1;
	s10 =	sld [smem:$0x3F9C]  }
0x3d: {  	_ =	shalt  }
0x3e: {  	_ =	shalt  }
0x3f: {  	_ =	shalt  }
0x40: {  	_ =	shalt  }
0x41: {  	_ =	shalt  }
0x42: {  	_ =	shalt  }
0x43: {  	_ =	shalt  }
0x44: {  	_ =	shalt  }
0x45: {  	_ =	shalt  }
0x46: {  	_ =	shalt  }
0x47: {  	_ =	shalt  }
0x48: {  	_ =	shalt  }
0x49: {  	_ =	shalt  }
0x4a: {  	_ =	shalt  }
0x4b: {  	_ =	shalt  }
0x4c: {  	_ =	shalt  }
0x4d: {  	_ =	shalt  }
0x4e: {  	_ =	shalt  }
0x4f: {  	_ =	shalt  }
0x50: {  	_ =	shalt  }
0x51: {  	_ =	shalt  }
0x52: {  	_ =	shalt  }
0x53: {  	_ =	shalt  }
0x54: {  	_ =	shalt  }
0x55: {  	_ =	shalt  }
0x56: {  	_ =	shalt  }
0x57: {  	_ =	shalt  }
0x58: {  	_ =	shalt  }
0x59: {  	_ =	shalt  }
0x5a: {  	_ =	shalt  }
0x5b: {  	_ =	shalt  }
0x5c: {  	_ =	shalt  }
0x5d: {  	_ =	shalt  }
0x5e: {  	_ =	shalt  }
0x5f: {  	_ =	shalt  }
0x60: {  	_ =	shalt  }
0x61: {  	_ =	shalt  }
0x62: {  	_ =	shalt  }
0x63: {  	_ =	shalt  }
0x64: {  	_ =	shalt  }
0x65: {  	_ =	shalt  }
0x66: {  	_ =	shalt  }
0x67: {  	_ =	shalt  }
0x68: {  	_ =	shalt  }
0x69: {  	_ =	shalt  }
0x6a: {  	_ =	shalt  }
0x6b: {  	_ =	shalt  }
0x6c: {  	_ =	shalt  }
0x6d: {  	_ =	shalt  }
0x6e: {  	_ =	shalt  }
0x6f: {  	_ =	shalt  }
0x70: {  	_ =	shalt  }
0x71: {  	_ =	shalt  }
0x72: {  	_ =	shalt  }
0x73: {  	_ =	shalt  }
0x74: {  	_ =	shalt  }
0x75: {  	_ =	shalt  }
0x76: {  	_ =	shalt  }
0x77: {  	_ =	shalt  }
0x78: {  	_ =	shalt  }
0x79: {  	_ =	shalt  }
0x7a: {  	_ =	shalt  }
0x7b: {  	_ =	shalt  }
0x7c: {  	_ =	shalt  }
0x7d: {  	_ =	shalt  }
0x7e: {  	_ =	shalt  }
0x7f: {  	_ =	shalt  }
0x80: {  	_ =	shalt  }
0x81: {  	_ =	shalt  }
0x82: {  	_ =	shalt  }
0x83: {  	_ =	shalt  }
0x84: {  	_ =	shalt  }
0x85: {  	_ =	shalt  }
0x86: {  	_ =	shalt  }
0x87: {  	_ =	shalt  }
.Lfunc_end0:
.L_simem_size_0:
called_computation.2_lowered:
.L_overlay_start_0:
0x88: {  	s2 =	sld [smem:$0x3FD9]  }
0x89: {  	s3 =	sld [smem:$0x3FFE];
	_ =	sdelay $0x1  }
0x8a: {  	s1 =	srdreg.scid  }
0x8b: {  	s0 =	sand.u32 $0x1, s1  }
0x8c: {  	s17 =	sshll.u32 s0, $0xA;
	s2 =	sadd.s32 s3, s2  }
0x8d: {  	s2 =	sadd.s32 s2, s17  }
0x8e: {  	[smem:$0x3FA8] =	sst s2  }
0x8f: {  	_ = 	snop  }
0x90: {  	(tm) =	ssettm $0x1  }
0x91: {  	s18 =	sld [smem:$0x3FFB];
	_ =	sdelay $0x3  }
0x92: {  	_ =	strace s18  }
0x93: {  	s2 =	sld [smem:$0x3FFC];
	_ =	sdelay $0x3  }
0x94: {  	_ =	strace s2  }
0x95: {  	s2 =	sld [smem:$0x3FFD];
	_ =	sdelay $0x3  }
0x96: {  	_ =	strace s2  }
0x97: {  	_ =	strace $0x8FFFFFFF  }
0x98: {  	s19 =	sld [smem:$0x3FDB];
	_ =	sdelay $0x1  }
0x99: {  	s20 =	simm.s32 $_scs_section_size  }
0x9a: {  	s4 =	simm.s32 $_size__tile_overlayer_lowered;
	s5 =	simm.s32 $_tile_overlayer_lowered  }
0x9b: {  	s6 =	simm.s32 $0x1BFF;
	s21 =	sshll.u32 s5, $0x1;
	s3 =	sadd.s32 s20, s19  }
0x9c: {  	s22 =	simm.s32 $0x0;
	s4 =	sshll.u32 s4, $0x1;
	s5 =	sadd.s32 s21, s3  }
0x9d: {  	[timem:s22], [sflag:s6] =	dma.local [hbm:s5], s4  }
0x9e: {  	_ =	swait.ge [sflag:s6], s4  }
0x9f: {  	s4 =	ssub.s32 $0x0, s4;
	[sflag:s6] =	ssyncset.done $0x0  }
0xa0: {  	[sflag:s6] =	ssyncadd.s32 s4;
	_ =	sdelay $0x1  }
0xa1: {  	s23 =	simm.s32 $0x1B8B  }
0xa2: {  	_ =	swait.ge [sflag:s23], $0x1  }
0xa3: {  	[sflag:s23] =	ssyncset.done $0x0  }
0xa4: {  	[sflag:s23] =	ssyncadd.s32 $0xFFFFFFFF  }
0xa5: {  	s4 =	sld [smem:$0x0]  }
0xa6: {  	s5 =	sand.u32 $0xFFFFFFFE, s1  }
0xa7: {  	p0 =	sne.s32 s1, s5  }
0xa8: {  	s5 =	sshll.u32 @p0 s5, $0xE  }
0xa9: {  	s5 =	sadd.s32 @p0 $0x11B8D, s5;
	s6 =	sshll.u32 @p0 s4, $0x11  }
0xaa: {  	s5 =	sor.u32 @p0 s6, s5  }
0xab: {  	[sflag:s5] =	ssyncadd.remote.s32 @p0 $0x1;
	_ =	sdelay $0x1  }
0xac: {  	s5 =	simm.s32 @p0 $0x1B8D  }
0xad: {  	_ =	swait.eq @p0 [sflag:s5], $0x1  }
0xae: {  	[sflag:s5] =	ssyncadd.s32 @p0 $0xFFFFFFFF  }
0xaf: {  	s6 =	sshll.u32 @!p0 s1, $0xE  }
0xb0: {  	s6 =	sor.u32 @!p0 $0x4000, s6;
	s5 =	simm.s32 @!p0 $0x1B8D  }
0xb1: {  	s4 =	sshll.u32 @!p0 s4, $0x11;
	s6 =	sadd.s32 @!p0 $0x11B8D, s6;
	_ =	swait.eq @!p0 [sflag:s5], $0x1  }
0xb2: {  	s4 =	sor.u32 @!p0 s4, s6;
	[sflag:s5] =	ssyncadd.s32 @!p0 $0xFFFFFFFF  }
0xb3: {  	s25 =	simm.s32 $0x1B8E;
	s24 =	sld [smem:$0x3FFE];
	[sflag:s4] =	ssyncadd.remote.s32 @!p0 $0x1  }
0xb4: {  	s26 =	simm.s32 $execute0_lowered;
	[smem:$0x3FD2] =	sst s25  }
0xb5: {  	s5 =	sshll.u32 s26, $0x1;
	_ =	strace $0x8000004F;
	[dreg:$0x1] =	wrdreg $0xFFFFFFFF  }
0xb6: {  	s28 =	simm.s32 $_size_execute0_lowered;
	s3 =	sadd.s32 s3, s5;
	[dreg:$0x0] =	wrdreg $0x0  }
0xb7: {  	s5 =	sshll.u32 s28, $0x1;
	[dreg:$0x2] =	wrdreg s3  }
0xb8: {  	[dreg:$0x3] =	wrdreg s5  }
0xb9: {  	[dreg:$0x4] =	wrdreg $0xC0  }
0xba: {  	_ =	task [dreg:s22], $0x5FFFF  }
0xbb: {  	[dreg:$0x1] =	wrdreg $0xFFFFFFFF  }
0xbc: {  	[dreg:$0x0] =	wrdreg $0x60  }
0xbd: {  	[dreg:$0x2] =	wrdreg s24  }
0xbe: {  	[dreg:$0x3] =	wrdreg $0x142800  }
0xbf: {  	[dreg:$0x4] =	wrdreg $0x9  }
0xc0: {  	_ =	task.clear_ibuf [dreg:s22], $0x5FFFF;
	_ =	strace $0x9000004F  }
0xc1: {  	s29 =	simm.s32 $0x9;
	_ =	strace $0x80000051  }
0xc2: {  	_ =	swait.ge [sflag:s29], $0x1  }
0xc3: {  	[sflag:s29] =	ssyncadd.s32 $0xFFFFFFFF  }
0xc4: {  	_ =	strace $0x90000051  }
0xc5: {  	_ =	sfence  }
0xc6: {  	s30 =	sld [smem:$0x0];
	_ =	sdelay $0x2  }
0xc7: {  	s31 =	sshll.u32 s1, $0xD;
	s1 =	sshrl.u32 s1, $0x2  }
0xc8: {  	s4 =	sand.u32 $0x4000, s31;
	s1 =	sadd.s32 s1, s30  }
0xc9: {  	s0 =	sor.u32 s4, s0;
	s1 =	sshll.u32 s1, $0x11  }
0xca: {  	s0 =	sor.u32 s1, s0  }
0xcb: {  	s0 =	sadd.s32 $0x8F2B, s0  }
0xcc: {  	[sflag:s0] =	ssyncadd.remote.s32 $0x1  }
0xcd: {  	_ =	sfence.sel $0xFFFF  }
0xce: {  	[dreg:$0x0] =	wrdreg $0xFFFFFFFF;
	(pc) =	sbr.abs _section_cstart, $3  }
0xcf: {  	[dreg:$0x1] =	wrdreg $0xFFFFFFFF  }
0xd0: {  	_ =	task.clear_ibuf [dreg:s22], $0x2FFFF;
	_ =	strace $0x9FFFFFFF  }
0xd1: {  	(tm) =	ssettm $0x7FFFFFFF  }
tec
execute0_lowered:
.L_overlay_start_1:
0x0: {  	(tag) =	ssettag $0x1  }
0x1: {  	s19 =	rddreg [dreg:$0x0]  }
0x2: {  	s2 =	rddreg [dreg:$0x1];
	s1 =	stileid.u32  }
0x3: {  	s0 =	rddreg [dreg:$0x2];
	s3 =	simm.s32 $0x0;
	s5 =	srdreg.scid  }
0x4: {  	s4 =	smul.u32 $0xA000, s1;
	[smem:$0x7FF] =	sst s3  }
0x5: {  	s20 =	sand.u32 $0x1, s5;
	s25 =	sshll.u32 s1, $0x1;
	s29 =	sshll.u32 s1, $0x6  }
0x6: {  	_ =	strace $0x80000050;
	s8 =	sor.u32 s20, s25;
	s6 =	sshrl.u32 s4, $0x3  }
0x7: {  	s5 =	sor.u32 $0x1C01, s29;
	s28 =	sadd.s32 s4, s2;
	s26 =	sadd.s32 s6, s19  }
0x8: {  	s7 =	sshrl.u32 s28, $0x3;
	s6 =	simm.s32 $0x1;
	s4 =	sadd.s32 $0x79000, s26  }
0x9: {  	[spmem:s7], [sflag:s5] =	dma.local [hbm:s4], $0x1400  }
0xa: {  	s9 =	smul.u32 $0x50, s8;
	_ =	swait.ge [sflag:s6], $0x1400  }
0xb: {  	[sflag:s6] =	ssyncset.done $0x0  }
0xc: {  	s9 =	sadd.s32 s9, s19;
	[sflag:s6] =	ssyncadd.s32 $0xFFFFEC00  }
0xd: {  	s10 =	smul.u32 $0x2800, s8;
	s8 =	sadd.s32 $0x6FC00, s9;
	[bflag:$0x0] =	sbarrier.arrive $0xFFFF  }
0xe: {  	[tilespmem:s3], [sflag:$0x1] =	stream.linear.gather [hbm4b:s8+s3], $0x280, $0x38;
	[tilespmem:$0x1E280] =	vst v63  }
0xf: {  	_ =	swait.ge [sflag:s6], $0x280  }
0x10: {  	s30 =	sadd.s32 s10, s19;
	[sflag:s6] =	ssyncset.done $0x0  }
0x11: {  	s10 =	simm.s32 $0x280;
	s9 =	sadd.s32 $0xF8600, s30;
	[sflag:s6] =	ssyncadd.s32 $0xFFFFFD80  }
0x12: {  	[tilespmem:s10], [sflag:$0x1] =	stream.linear.gather [hbm4b:s9+s3], $0x14000, $0x38;
	[tilespmem:$0x1E280] =	vst v63  }
0x13: {  	_ =	swait.ge [sflag:s6], $0x14000  }
0x14: {  	[sflag:s6] =	ssyncset.done $0x0  }
0x15: {  	s11 =	simm.s32 $0x80;
	[sflag:s6] =	ssyncadd.s32 $0xFFFEC000  }
0x16: {  	[spmem:s2] =	stream.indirect.scatter.add.f32 [tilespmem:s10], [sflag:$0x1], $0x80, s3, s11, $0xb8;
	[tilespmem:$0x1E280] =	vst v63  }
0x17: {  	_ =	swait.ge [sflag:s6], $0x4000  }
0x18: {  	[sflag:s6] =	ssyncset.done $0x0  }
0x19: {  	s12 =	simm.s32 $0x4280;
	[sflag:s6] =	ssyncadd.s32 $0xFFFFC000  }
0x1a: {  	[spmem:s2] =	stream.indirect.scatter.add.f32 [tilespmem:s12], [sflag:$0x1], $0x80, s11, s11, $0xb8;
	[tilespmem:$0x1E280] =	vst v63  }
0x1b: {  	_ =	swait.ge [sflag:s6], $0x4000  }
0x1c: {  	[sflag:s6] =	ssyncset.done $0x0  }
0x1d: {  	s13 =	simm.s32 $0x100;
	s14 =	simm.s32 $0x8280;
	[sflag:s6] =	ssyncadd.s32 $0xFFFFC000  }
0x1e: {  	[spmem:s2] =	stream.indirect.scatter.add.f32 [tilespmem:s14], [sflag:$0x1], $0x80, s13, s11, $0xb8;
	[tilespmem:$0x1E280] =	vst v63  }
0x1f: {  	_ =	swait.ge [sflag:s6], $0x4000  }
0x20: {  	s15 =	simm.s32 $0x180;
	[sflag:s6] =	ssyncset.done $0x0  }
0x21: {  	s16 =	simm.s32 $0xC280;
	s17 =	simm.s32 $0x200;
	[sflag:s6] =	ssyncadd.s32 $0xFFFFC000  }
0x22: {  	[spmem:s2] =	stream.indirect.scatter.add.f32 [tilespmem:s16], [sflag:$0x1], $0x80, s15, s11, $0xb8;
	[tilespmem:$0x1E280] =	vst v63  }
0x23: {  	s22 =	smul.u32 $0x14000, s20;
	s20 =	ssub.s32 $0x2, s20;
	_ =	swait.ge [sflag:s6], $0x4000  }
0x24: {  	s18 =	simm.s32 $0x10280;
	s31 =	sshrl.u32 s20, $0x1;
	[sflag:s6] =	ssyncset.done $0x0  }
0x25: {  	s21 =	smul.u32 $0x1400, s1;
	s20 =	ssub.s32 s20, s31;
	[sflag:s6] =	ssyncadd.s32 $0xFFFFC000  }
0x26: {  	[spmem:s2] =	stream.indirect.scatter.add.f32 [tilespmem:s18], [sflag:$0x1], $0x80, s17, s11, $0xb8;
	[tilespmem:$0x1E280] =	vst v63  }
0x27: {  	s20 =	smax.u32 s20, $0x1;
	_ =	swait.ge [sflag:s6], $0x4000  }
0x28: {  	s21 =	sadd.s32 s21, s22;
	p0 =	sne.s32 s20, $0x1;
	[sflag:s6] =	ssyncset.done $0x0  }
.Ltmp0:
0x29: {  	s19 =	sadd.s32 s21, s19;
	[sflag:s6] =	ssyncadd.s32 $0xFFFFC000;
	(pc) =	sbr.rel @!p0 .LBB2_2-.Ltmp0, $4  }
0x2a: {  	s19 =	sadd.s32 $0x170600, s19;
	[bflag:$0x0] =	sbarrier.arrive $0xFFFF  }
0x2b: {  	[hbm:s19], [sflag:s5] =	dma.local [spmem:s7], $0x1400  }
0x2c: {  	_ =	swait.ge [sflag:s6], $0x1400  }
0x2d: {  	s20 =	sadd.s32 $0xFFFFFFFF, s20;
	[sflag:s6] =	ssyncset.done $0x0  }
.LBB2_1:
0x2e: {  	p0 =	sne.s32 s20, $0x1;
	s20 =	sadd.s32 $0xFFFFFFFF, s20;
	[sflag:s6] =	ssyncadd.s32 $0xFFFFEC00  }
0x2f: {  	[spmem:s7], [sflag:s5] =	dma.local [hbm:s4], $0x1400  }
0x30: {  	_ =	swait.ge [sflag:s6], $0x1400  }
0x31: {  	[sflag:s6] =	ssyncset.done $0x0  }
0x32: {  	[sflag:s6] =	ssyncadd.s32 $0xFFFFEC00  }
0x33: {  	[bflag:$0x0] =	sbarrier.arrive $0xFFFF  }
0x34: {  	[tilespmem:s3], [sflag:$0x1] =	stream.linear.gather [hbm4b:s8+s3], $0x280, $0x38;
	[tilespmem:$0x1E280] =	vst v63  }
0x35: {  	_ =	swait.ge [sflag:s6], $0x280  }
0x36: {  	[sflag:s6] =	ssyncset.done $0x0  }
0x37: {  	[sflag:s6] =	ssyncadd.s32 $0xFFFFFD80  }
0x38: {  	[tilespmem:s10], [sflag:$0x1] =	stream.linear.gather [hbm4b:s9+s3], $0x14000, $0x38;
	[tilespmem:$0x1E280] =	vst v63  }
0x39: {  	_ =	swait.ge [sflag:s6], $0x14000  }
0x3a: {  	[sflag:s6] =	ssyncset.done $0x0  }
0x3b: {  	[sflag:s6] =	ssyncadd.s32 $0xFFFEC000  }
0x3c: {  	[spmem:s2] =	stream.indirect.scatter.add.f32 [tilespmem:s10], [sflag:$0x1], $0x80, s3, s11, $0xb8;
	[tilespmem:$0x1E280] =	vst v63  }
0x3d: {  	_ =	swait.ge [sflag:s6], $0x4000  }
0x3e: {  	[sflag:s6] =	ssyncset.done $0x0  }
0x3f: {  	[sflag:s6] =	ssyncadd.s32 $0xFFFFC000  }
0x40: {  	[spmem:s2] =	stream.indirect.scatter.add.f32 [tilespmem:s12], [sflag:$0x1], $0x80, s11, s11, $0xb8;
	[tilespmem:$0x1E280] =	vst v63  }
0x41: {  	_ =	swait.ge [sflag:s6], $0x4000  }
0x42: {  	[sflag:s6] =	ssyncset.done $0x0  }
0x43: {  	[sflag:s6] =	ssyncadd.s32 $0xFFFFC000  }
0x44: {  	[spmem:s2] =	stream.indirect.scatter.add.f32 [tilespmem:s14], [sflag:$0x1], $0x80, s13, s11, $0xb8;
	[tilespmem:$0x1E280] =	vst v63  }
0x45: {  	_ =	swait.ge [sflag:s6], $0x4000  }
0x46: {  	[sflag:s6] =	ssyncset.done $0x0  }
0x47: {  	[sflag:s6] =	ssyncadd.s32 $0xFFFFC000  }
0x48: {  	[spmem:s2] =	stream.indirect.scatter.add.f32 [tilespmem:s16], [sflag:$0x1], $0x80, s15, s11, $0xb8;
	[tilespmem:$0x1E280] =	vst v63  }
0x49: {  	_ =	swait.ge [sflag:s6], $0x4000  }
0x4a: {  	[sflag:s6] =	ssyncset.done $0x0  }
0x4b: {  	[sflag:s6] =	ssyncadd.s32 $0xFFFFC000  }
0x4c: {  	[spmem:s2] =	stream.indirect.scatter.add.f32 [tilespmem:s18], [sflag:$0x1], $0x80, s17, s11, $0xb8;
	[tilespmem:$0x1E280] =	vst v63  }
0x4d: {  	_ =	swait.ge [sflag:s6], $0x4000  }
0x4e: {  	[sflag:s6] =	ssyncset.done $0x0  }
.Ltmp1:
0x4f: {  	[sflag:s6] =	ssyncadd.s32 $0xFFFFC000;
	(pc) =	sbr.rel @p0 .LBB2_1-.Ltmp1, $4  }
0x50: {  	[bflag:$0x0] =	sbarrier.arrive $0xFFFF  }
0x51: {  	[hbm:s19], [sflag:s5] =	dma.local [spmem:s7], $0x1400  }
0x52: {  	_ =	swait.ge [sflag:s6], $0x1400  }
0x53: {  	[sflag:s6] =	ssyncset.done $0x0  }
.LBB2_2:
0x54: {  	[sflag:s6] =	ssyncadd.s32 $0xFFFFEC00  }
0x55: {  	_ =	sfence.sel $0x180000  }
0x56: {  	[bflag:$0x0] =	sbarrier.arrive $0xFFFF  }
0x57: {  	p0 =	sne.s32 s1, $0x0;
	_ =	strace $0x90000050  }
0x58: {  	s0 =	sadd.s32 @!p0 $0x100000, s0;
	[bflag:$0x2] =	sbarrier.arrive $0xFFFF  }
0x59: {  	[sflag:s0] =	ssyncadd.tile.s32 @!p0 $0x1;
	_ =	shalt  }
.Lfunc_end2:
_tile_overlayer_lowered:
.L_overlay_start_2:
0x5a: {  	(tag) =	ssettag $0x2  }
0x5b: {  	s0 =	rddreg [dreg:$0x0];
	s2 =	stileid.u32  }
0x5c: {  	s1 =	rddreg [dreg:$0x1];
	p0 =	sne.s32 s2, $0x0  }
0x5d: {  	s3 =	rddreg [dreg:$0x2];
	[bflag:$0x3] =	sbarrier.arrive $0xFFFF;
	s2 =	simm.s32 @!p0 $0x1C01  }
0x5e: {  	[timem:s3], [sflag:s2] =	dma.local @!p0 [hbm:s0], s1  }
0x5f: {  	s0 =	simm.s32 @!p0 $0x1  }
0x60: {  	_ =	swait.ge @!p0 [sflag:s0], s1  }
0x61: {  	s1 =	ssub.s32 @!p0 $0x0, s1;
	[sflag:s0] =	ssyncset.done @!p0 $0x0  }
0x62: {  	[sflag:s0] =	ssyncadd.s32 @!p0 s1  }
0x63: {  	[bflag:$0x3] =	sbarrier.arrive $0xFFFF  }
0x64: {  	_ =	shalt  }

// kernel: kernel.34.cloned.1.call-start
scs
__scs_entry_jumppad:
0x0: {  	(pc) =	sbr.rel $0x88, $3  }
0x1: {  	(tag) =	ssettag $0x0;
	lr =	simm.s32 $0x1  }
0x2: {  	[smem:$0x3F81] =	sst lr;
	_ =	strace $0xD0000000  }
0x3: {  	_ = 	snop  }
0x4: {  	_ = 	snop  }
0x5: {  	_ = 	snop  }
0x6: {  	_ = 	snop  }
0x7: {  	_ = 	snop  }
__scs_overlays_trampoline_lowered:
0x8: {  	[smem:$0x3F90] =	sst s0  }
0x9: {  	[smem:$0x3F91] =	sst s1  }
0xa: {  	[smem:$0x3F92] =	sst s2  }
0xb: {  	[smem:$0x3F93] =	sst s3  }
0xc: {  	[smem:$0x3F94] =	sst s4  }
0xd: {  	[smem:$0x3F95] =	sst s5  }
0xe: {  	[smem:$0x3F96] =	sst s6  }
0xf: {  	[smem:$0x3F97] =	sst s7  }
0x10: {  	[smem:$0x3F98] =	sst s8  }
0x11: {  	[smem:$0x3F99] =	sst s9;
	s0 =	simm.s32 @!p0 $0x0  }
0x12: {  	s1 =	sld [smem:$0x3F7F];
	s0 =	simm.s32 @p0 $0x1  }
0x13: {  	[smem:$0x3F9A] =	sst s0;
	s0 =	simm.s32 @!p1 $0x0  }
0x14: {  	s2 =	sld [smem:$0x3F7E];
	s0 =	simm.s32 @p1 $0x1  }
0x15: {  	[smem:$0x3F9B] =	sst s0;
	s0 =	simm.s32 @!p2 $0x0  }
0x16: {  	s3 =	sld [smem:$0x3FDB];
	s0 =	simm.s32 @p2 $0x1  }
0x17: {  	s4 =	simm.s32 $0x1BF5;
	[smem:$0x3F9D] =	sst s0  }
0x18: {  	s0 =	sld [smem:$0x3F80];
	_ =	swait.ge [sflag:s4], $0x0  }
0x19: {  	s7 =	sld [smem:$0x3F81]  }
0x1a: {  	s8 =	sadd.s32 $0xFFFFE003, lr  }
0x1b: {  	s9 =	sadd.s32 $0xFFFFFEF7, lr;
	s5 =	simm.s32 $0xFFFFFFFF;
	p2 =	slt.u32 s8, $0xFFFFF086  }
0x1c: {  	p1 =	slt.u32 s9, $0xF7A;
	s5 =	simm.s32 @!p2 $0x0  }
0x1d: {  	s5 =	simm.s32 @p1 $0x1;
	p0 =	seq.s32 s7, s2  }
0x1e: {  	s7 =	smul.u32 @!p0 $0xF7A, s2;
	p2 =	seq.s32 @!p0 s5, $0x0  }
0x1f: {  	s9 =	smul.u32 $0xF7A, s1;
	s8 =	simm.s32 @!p0 $0x1BF5;
	p2 =	por !p2, p0  }
0x20: {  	[sflag:s8] =	ssyncset.s32 @!p0 $0xFFFFF086;
	s6 =	sadd.s32 @!p0 s3, s7;
	s7 =	simm.s32 @!p0 $0x108  }
0x21: {  	s3 =	sadd.s32 s3, s9;
	s6 =	sadd.s32 @!p0 $0x88, s6;
	s7 =	simm.s32 @p2 $0x1082  }
0x22: {  	[simem:s7], [sflag:s8] =	dma.local @!p0 [hbm:s6], $0xF7A  }
0x23: {  	s9 =	sor.u32 $0xD0000000, s2;
	s6 =	simm.s32 $0x108;
	_ =	swait.ge @!p0 [sflag:s8], $0x0  }
0x24: {  	s3 =	sadd.s32 $0x88, s3;
	s6 =	simm.s32 @!p1 $0x1082;
	[sflag:s4] =	ssyncset.s32 $0xFFFFF086  }
0x25: {  	[simem:s6], [sflag:s4] =	dma.local [hbm:s3], $0xF7A  }
0x26: {  	[smem:$0x3F81] =	sst s1;
	(tag) =	ssettag s2;
	_ =	strace s9  }
0x27: {  	s1 =	sld [smem:$0x3F91]  }
0x28: {  	s2 =	sld [smem:$0x3F92]  }
0x29: {  	s4 =	sld [smem:$0x3F94]  }
0x2a: {  	p0 =	seq.s32 s5, $0x0;
	s5 =	sld [smem:$0x3F95]  }
0x2b: {  	s6 =	sld [smem:$0x3F96]  }
0x2c: {  	s7 =	sld [smem:$0x3F97]  }
0x2d: {  	s3 =	simm.s32 $0x108;
	s8 =	sld [smem:$0x3F98]  }
0x2e: {  	s3 =	simm.s32 @!p0 $0x1082;
	s9 =	sld [smem:$0x3F99]  }
0x2f: {  	lr =	sadd.s32 s0, s3;
	s0 =	sld [smem:$0x3F90]  }
0x30: {  	s3 =	sld [smem:$0x3F93]  }
0x31: {  	[smem:$0x3F9C] =	sst s10  }
0x32: {  	s10 =	sld [smem:$0x3F9A];
	_ =	sdelay $0x3  }
0x33: {  	p0 =	seq.s32 s10, $0x1;
	s10 =	sld [smem:$0x3F9C];
	_ =	sdelay $0x3  }
0x34: {  	[smem:$0x3F9C] =	sst s10  }
0x35: {  	s10 =	sld [smem:$0x3F9B];
	_ =	sdelay $0x3  }
0x36: {  	p1 =	seq.s32 s10, $0x1;
	s10 =	sld [smem:$0x3F9C];
	_ =	sdelay $0x3  }
0x37: {  	[smem:$0x3F9C] =	sst s10  }
0x38: {  	s10 =	sld [smem:$0x3F9D]  }
0x39: {  	_ = 	snop;
	(pc) =	sbr.ind lr, $3  }
0x3a: {  	_ = 	snop  }
0x3b: {  	_ = 	snop  }
0x3c: {  	p2 =	seq.s32 s10, $0x1;
	s10 =	sld [smem:$0x3F9C]  }
0x3d: {  	_ =	shalt  }
0x3e: {  	_ =	shalt  }
0x3f: {  	_ =	shalt  }
0x40: {  	_ =	shalt  }
0x41: {  	_ =	shalt  }
0x42: {  	_ =	shalt  }
0x43: {  	_ =	shalt  }
0x44: {  	_ =	shalt  }
0x45: {  	_ =	shalt  }
0x46: {  	_ =	shalt  }
0x47: {  	_ =	shalt  }
0x48: {  	_ =	shalt  }
0x49: {  	_ =	shalt  }
0x4a: {  	_ =	shalt  }
0x4b: {  	_ =	shalt  }
0x4c: {  	_ =	shalt  }
0x4d: {  	_ =	shalt  }
0x4e: {  	_ =	shalt  }
0x4f: {  	_ =	shalt  }
0x50: {  	_ =	shalt  }
0x51: {  	_ =	shalt  }
0x52: {  	_ =	shalt  }
0x53: {  	_ =	shalt  }
0x54: {  	_ =	shalt  }
0x55: {  	_ =	shalt  }
0x56: {  	_ =	shalt  }
0x57: {  	_ =	shalt  }
0x58: {  	_ =	shalt  }
0x59: {  	_ =	shalt  }
0x5a: {  	_ =	shalt  }
0x5b: {  	_ =	shalt  }
0x5c: {  	_ =	shalt  }
0x5d: {  	_ =	shalt  }
0x5e: {  	_ =	shalt  }
0x5f: {  	_ =	shalt  }
0x60: {  	_ =	shalt  }
0x61: {  	_ =	shalt  }
0x62: {  	_ =	shalt  }
0x63: {  	_ =	shalt  }
0x64: {  	_ =	shalt  }
0x65: {  	_ =	shalt  }
0x66: {  	_ =	shalt  }
0x67: {  	_ =	shalt  }
0x68: {  	_ =	shalt  }
0x69: {  	_ =	shalt  }
0x6a: {  	_ =	shalt  }
0x6b: {  	_ =	shalt  }
0x6c: {  	_ =	shalt  }
0x6d: {  	_ =	shalt  }
0x6e: {  	_ =	shalt  }
0x6f: {  	_ =	shalt  }
0x70: {  	_ =	shalt  }
0x71: {  	_ =	shalt  }
0x72: {  	_ =	shalt  }
0x73: {  	_ =	shalt  }
0x74: {  	_ =	shalt  }
0x75: {  	_ =	shalt  }
0x76: {  	_ =	shalt  }
0x77: {  	_ =	shalt  }
0x78: {  	_ =	shalt  }
0x79: {  	_ =	shalt  }
0x7a: {  	_ =	shalt  }
0x7b: {  	_ =	shalt  }
0x7c: {  	_ =	shalt  }
0x7d: {  	_ =	shalt  }
0x7e: {  	_ =	shalt  }
0x7f: {  	_ =	shalt  }
0x80: {  	_ =	shalt  }
0x81: {  	_ =	shalt  }
0x82: {  	_ =	shalt  }
0x83: {  	_ =	shalt  }
0x84: {  	_ =	shalt  }
0x85: {  	_ =	shalt  }
0x86: {  	_ =	shalt  }
0x87: {  	_ =	shalt  }
.Lfunc_end0:
.L_simem_size_0:
called_computation.3_lowered:
.L_overlay_start_0:
0x88: {  	s2 =	sld [smem:$0x3FD9]  }
0x89: {  	s3 =	sld [smem:$0x3FFE];
	_ =	sdelay $0x1  }
0x8a: {  	s1 =	srdreg.scid  }
0x8b: {  	s0 =	sand.u32 $0x1, s1  }
0x8c: {  	s17 =	sshll.u32 s0, $0xA;
	s2 =	sadd.s32 s3, s2  }
0x8d: {  	s2 =	sadd.s32 s2, s17  }
0x8e: {  	[smem:$0x3FA8] =	sst s2  }
0x8f: {  	_ = 	snop  }
0x90: {  	(tm) =	ssettm $0x1  }
0x91: {  	s18 =	sld [smem:$0x3FFB];
	_ =	sdelay $0x3  }
0x92: {  	_ =	strace s18  }
0x93: {  	s2 =	sld [smem:$0x3FFC];
	_ =	sdelay $0x3  }
0x94: {  	_ =	strace s2  }
0x95: {  	s2 =	sld [smem:$0x3FFD];
	_ =	sdelay $0x3  }
0x96: {  	_ =	strace s2  }
0x97: {  	_ =	strace $0x8FFFFFFF  }
0x98: {  	s19 =	sld [smem:$0x3FDB];
	_ =	sdelay $0x1  }
0x99: {  	s20 =	simm.s32 $_scs_section_size  }
0x9a: {  	s4 =	simm.s32 $_size__tile_overlayer_lowered;
	s5 =	simm.s32 $_tile_overlayer_lowered  }
0x9b: {  	s6 =	simm.s32 $0x1BFF;
	s21 =	sshll.u32 s5, $0x1;
	s3 =	sadd.s32 s20, s19  }
0x9c: {  	s22 =	simm.s32 $0x0;
	s4 =	sshll.u32 s4, $0x1;
	s5 =	sadd.s32 s21, s3  }
0x9d: {  	[timem:s22], [sflag:s6] =	dma.local [hbm:s5], s4  }
0x9e: {  	_ =	swait.ge [sflag:s6], s4  }
0x9f: {  	s4 =	ssub.s32 $0x0, s4;
	[sflag:s6] =	ssyncset.done $0x0  }
0xa0: {  	[sflag:s6] =	ssyncadd.s32 s4;
	_ =	sdelay $0x1  }
0xa1: {  	s23 =	simm.s32 $0x1B8B  }
0xa2: {  	_ =	swait.ge [sflag:s23], $0x1  }
0xa3: {  	[sflag:s23] =	ssyncset.done $0x0  }
0xa4: {  	[sflag:s23] =	ssyncadd.s32 $0xFFFFFFFF  }
0xa5: {  	s4 =	sld [smem:$0x0]  }
0xa6: {  	s5 =	sand.u32 $0xFFFFFFFE, s1  }
0xa7: {  	p0 =	sne.s32 s1, s5  }
0xa8: {  	s5 =	sshll.u32 @p0 s5, $0xE  }
0xa9: {  	s5 =	sadd.s32 @p0 $0x11B8D, s5;
	s6 =	sshll.u32 @p0 s4, $0x11  }
0xaa: {  	s5 =	sor.u32 @p0 s6, s5  }
0xab: {  	[sflag:s5] =	ssyncadd.remote.s32 @p0 $0x1;
	_ =	sdelay $0x1  }
0xac: {  	s5 =	simm.s32 @p0 $0x1B8D  }
0xad: {  	_ =	swait.eq @p0 [sflag:s5], $0x1  }
0xae: {  	[sflag:s5] =	ssyncadd.s32 @p0 $0xFFFFFFFF  }
0xaf: {  	s6 =	sshll.u32 @!p0 s1, $0xE  }
0xb0: {  	s6 =	sor.u32 @!p0 $0x4000, s6;
	s5 =	simm.s32 @!p0 $0x1B8D  }
0xb1: {  	s4 =	sshll.u32 @!p0 s4, $0x11;
	s6 =	sadd.s32 @!p0 $0x11B8D, s6;
	_ =	swait.eq @!p0 [sflag:s5], $0x1  }
0xb2: {  	s4 =	sor.u32 @!p0 s4, s6;
	[sflag:s5] =	ssyncadd.s32 @!p0 $0xFFFFFFFF  }
0xb3: {  	s25 =	simm.s32 $0x1B8E;
	s24 =	sld [smem:$0x3FFE];
	[sflag:s4] =	ssyncadd.remote.s32 @!p0 $0x1  }
0xb4: {  	s26 =	simm.s32 $execute0_lowered;
	[smem:$0x3FD2] =	sst s25  }
0xb5: {  	s5 =	sshll.u32 s26, $0x1;
	_ =	strace $0x8000004C;
	[dreg:$0x1] =	wrdreg $0xFFFFFFFF  }
0xb6: {  	s28 =	simm.s32 $_size_execute0_lowered;
	s3 =	sadd.s32 s3, s5;
	[dreg:$0x0] =	wrdreg $0x0  }
0xb7: {  	s5 =	sshll.u32 s28, $0x1;
	[dreg:$0x2] =	wrdreg s3  }
0xb8: {  	[dreg:$0x3] =	wrdreg s5  }
0xb9: {  	[dreg:$0x4] =	wrdreg $0xC0  }
0xba: {  	_ =	task [dreg:s22], $0x5FFFF  }
0xbb: {  	[dreg:$0x1] =	wrdreg $0xFFFFFFFF  }
0xbc: {  	[dreg:$0x0] =	wrdreg $0x60  }
0xbd: {  	[dreg:$0x2] =	wrdreg s24  }
0xbe: {  	[dreg:$0x3] =	wrdreg $0x142800  }
0xbf: {  	[dreg:$0x4] =	wrdreg $0xA  }
0xc0: {  	_ =	task.clear_ibuf [dreg:s22], $0x5FFFF;
	_ =	strace $0x9000004C  }
0xc1: {  	s29 =	simm.s32 $0xA;
	_ =	strace $0x8000004E  }
0xc2: {  	_ =	swait.ge [sflag:s29], $0x1  }
0xc3: {  	[sflag:s29] =	ssyncadd.s32 $0xFFFFFFFF  }
0xc4: {  	_ =	strace $0x9000004E  }
0xc5: {  	_ =	sfence  }
0xc6: {  	s30 =	sld [smem:$0x0];
	_ =	sdelay $0x2  }
0xc7: {  	s31 =	sshll.u32 s1, $0xD;
	s1 =	sshrl.u32 s1, $0x2  }
0xc8: {  	s4 =	sand.u32 $0x4000, s31;
	s1 =	sadd.s32 s1, s30  }
0xc9: {  	s0 =	sor.u32 s4, s0;
	s1 =	sshll.u32 s1, $0x11  }
0xca: {  	s0 =	sor.u32 s1, s0  }
0xcb: {  	s0 =	sadd.s32 $0x8F2B, s0  }
0xcc: {  	[sflag:s0] =	ssyncadd.remote.s32 $0x1  }
0xcd: {  	_ =	sfence.sel $0xFFFF  }
0xce: {  	[dreg:$0x0] =	wrdreg $0xFFFFFFFF;
	(pc) =	sbr.abs _section_cstart, $3  }
0xcf: {  	[dreg:$0x1] =	wrdreg $0xFFFFFFFF  }
0xd0: {  	_ =	task.clear_ibuf [dreg:s22], $0x2FFFF;
	_ =	strace $0x9FFFFFFF  }
0xd1: {  	(tm) =	ssettm $0x7FFFFFFF  }
tec
execute0_lowered:
.L_overlay_start_1:
0x0: {  	(tag) =	ssettag $0x1  }
0x1: {  	s19 =	rddreg [dreg:$0x0]  }
0x2: {  	s2 =	rddreg [dreg:$0x1];
	s1 =	stileid.u32  }
0x3: {  	s0 =	rddreg [dreg:$0x2];
	s3 =	simm.s32 $0x0;
	s5 =	srdreg.scid  }
0x4: {  	s4 =	smul.u32 $0xA000, s1;
	[smem:$0x7FF] =	sst s3  }
0x5: {  	s20 =	sand.u32 $0x1, s5;
	s25 =	sshll.u32 s1, $0x1;
	s29 =	sshll.u32 s1, $0x6  }
0x6: {  	_ =	strace $0x8000004D;
	s8 =	sor.u32 s20, s25;
	s6 =	sshrl.u32 s4, $0x3  }
0x7: {  	s5 =	sor.u32 $0x1C01, s29;
	s28 =	sadd.s32 s4, s2;
	s26 =	sadd.s32 s6, s19  }
0x8: {  	s7 =	sshrl.u32 s28, $0x3;
	s6 =	simm.s32 $0x1;
	s4 =	sadd.s32 $0x79000, s26  }
0x9: {  	[spmem:s7], [sflag:s5] =	dma.local [hbm:s4], $0x1400  }
0xa: {  	s9 =	smul.u32 $0x50, s8;
	_ =	swait.ge [sflag:s6], $0x1400  }
0xb: {  	[sflag:s6] =	ssyncset.done $0x0  }
0xc: {  	s9 =	sadd.s32 s9, s19;
	[sflag:s6] =	ssyncadd.s32 $0xFFFFEC00  }
0xd: {  	s10 =	smul.u32 $0x2800, s8;
	s8 =	sadd.s32 $0x70600, s9;
	[bflag:$0x0] =	sbarrier.arrive $0xFFFF  }
0xe: {  	[tilespmem:s3], [sflag:$0x1] =	stream.linear.gather [hbm4b:s8+s3], $0x280, $0x38;
	[tilespmem:$0x1E280] =	vst v63  }
0xf: {  	_ =	swait.ge [sflag:s6], $0x280  }
0x10: {  	s30 =	sadd.s32 s10, s19;
	[sflag:s6] =	ssyncset.done $0x0  }
0x11: {  	s10 =	simm.s32 $0x280;
	s9 =	sadd.s32 $0x1F200, s30;
	[sflag:s6] =	ssyncadd.s32 $0xFFFFFD80  }
0x12: {  	[tilespmem:s10], [sflag:$0x1] =	stream.linear.gather [hbm4b:s9+s3], $0x14000, $0x38;
	[tilespmem:$0x1E280] =	vst v63  }
0x13: {  	_ =	swait.ge [sflag:s6], $0x14000  }
0x14: {  	[sflag:s6] =	ssyncset.done $0x0  }
0x15: {  	s11 =	simm.s32 $0x80;
	[sflag:s6] =	ssyncadd.s32 $0xFFFEC000  }
0x16: {  	[spmem:s2] =	stream.indirect.scatter.add.f32 [tilespmem:s10], [sflag:$0x1], $0x80, s3, s11, $0xb8;
	[tilespmem:$0x1E280] =	vst v63  }
0x17: {  	_ =	swait.ge [sflag:s6], $0x4000  }
0x18: {  	[sflag:s6] =	ssyncset.done $0x0  }
0x19: {  	s12 =	simm.s32 $0x4280;
	[sflag:s6] =	ssyncadd.s32 $0xFFFFC000  }
0x1a: {  	[spmem:s2] =	stream.indirect.scatter.add.f32 [tilespmem:s12], [sflag:$0x1], $0x80, s11, s11, $0xb8;
	[tilespmem:$0x1E280] =	vst v63  }
0x1b: {  	_ =	swait.ge [sflag:s6], $0x4000  }
0x1c: {  	[sflag:s6] =	ssyncset.done $0x0  }
0x1d: {  	s13 =	simm.s32 $0x100;
	s14 =	simm.s32 $0x8280;
	[sflag:s6] =	ssyncadd.s32 $0xFFFFC000  }
0x1e: {  	[spmem:s2] =	stream.indirect.scatter.add.f32 [tilespmem:s14], [sflag:$0x1], $0x80, s13, s11, $0xb8;
	[tilespmem:$0x1E280] =	vst v63  }
0x1f: {  	_ =	swait.ge [sflag:s6], $0x4000  }
0x20: {  	s15 =	simm.s32 $0x180;
	[sflag:s6] =	ssyncset.done $0x0  }
0x21: {  	s16 =	simm.s32 $0xC280;
	s17 =	simm.s32 $0x200;
	[sflag:s6] =	ssyncadd.s32 $0xFFFFC000  }
0x22: {  	[spmem:s2] =	stream.indirect.scatter.add.f32 [tilespmem:s16], [sflag:$0x1], $0x80, s15, s11, $0xb8;
	[tilespmem:$0x1E280] =	vst v63  }
0x23: {  	s22 =	smul.u32 $0x14000, s20;
	s20 =	ssub.s32 $0x2, s20;
	_ =	swait.ge [sflag:s6], $0x4000  }
0x24: {  	s18 =	simm.s32 $0x10280;
	s31 =	sshrl.u32 s20, $0x1;
	[sflag:s6] =	ssyncset.done $0x0  }
0x25: {  	s21 =	smul.u32 $0x1400, s1;
	s20 =	ssub.s32 s20, s31;
	[sflag:s6] =	ssyncadd.s32 $0xFFFFC000  }
0x26: {  	[spmem:s2] =	stream.indirect.scatter.add.f32 [tilespmem:s18], [sflag:$0x1], $0x80, s17, s11, $0xb8;
	[tilespmem:$0x1E280] =	vst v63  }
0x27: {  	s20 =	smax.u32 s20, $0x1;
	_ =	swait.ge [sflag:s6], $0x4000  }
0x28: {  	s21 =	sadd.s32 s21, s22;
	p0 =	sne.s32 s20, $0x1;
	[sflag:s6] =	ssyncset.done $0x0  }
.Ltmp0:
0x29: {  	s19 =	sadd.s32 s21, s19;
	[sflag:s6] =	ssyncadd.s32 $0xFFFFC000;
	(pc) =	sbr.rel @!p0 .LBB2_2-.Ltmp0, $4  }
0x2a: {  	s19 =	sadd.s32 $0x148600, s19;
	[bflag:$0x0] =	sbarrier.arrive $0xFFFF  }
0x2b: {  	[hbm:s19], [sflag:s5] =	dma.local [spmem:s7], $0x1400  }
0x2c: {  	_ =	swait.ge [sflag:s6], $0x1400  }
0x2d: {  	s20 =	sadd.s32 $0xFFFFFFFF, s20;
	[sflag:s6] =	ssyncset.done $0x0  }
.LBB2_1:
0x2e: {  	p0 =	sne.s32 s20, $0x1;
	s20 =	sadd.s32 $0xFFFFFFFF, s20;
	[sflag:s6] =	ssyncadd.s32 $0xFFFFEC00  }
0x2f: {  	[spmem:s7], [sflag:s5] =	dma.local [hbm:s4], $0x1400  }
0x30: {  	_ =	swait.ge [sflag:s6], $0x1400  }
0x31: {  	[sflag:s6] =	ssyncset.done $0x0  }
0x32: {  	[sflag:s6] =	ssyncadd.s32 $0xFFFFEC00  }
0x33: {  	[bflag:$0x0] =	sbarrier.arrive $0xFFFF  }
0x34: {  	[tilespmem:s3], [sflag:$0x1] =	stream.linear.gather [hbm4b:s8+s3], $0x280, $0x38;
	[tilespmem:$0x1E280] =	vst v63  }
0x35: {  	_ =	swait.ge [sflag:s6], $0x280  }
0x36: {  	[sflag:s6] =	ssyncset.done $0x0  }
0x37: {  	[sflag:s6] =	ssyncadd.s32 $0xFFFFFD80  }
0x38: {  	[tilespmem:s10], [sflag:$0x1] =	stream.linear.gather [hbm4b:s9+s3], $0x14000, $0x38;
	[tilespmem:$0x1E280] =	vst v63  }
0x39: {  	_ =	swait.ge [sflag:s6], $0x14000  }
0x3a: {  	[sflag:s6] =	ssyncset.done $0x0  }
0x3b: {  	[sflag:s6] =	ssyncadd.s32 $0xFFFEC000  }
0x3c: {  	[spmem:s2] =	stream.indirect.scatter.add.f32 [tilespmem:s10], [sflag:$0x1], $0x80, s3, s11, $0xb8;
	[tilespmem:$0x1E280] =	vst v63  }
0x3d: {  	_ =	swait.ge [sflag:s6], $0x4000  }
0x3e: {  	[sflag:s6] =	ssyncset.done $0x0  }
0x3f: {  	[sflag:s6] =	ssyncadd.s32 $0xFFFFC000  }
0x40: {  	[spmem:s2] =	stream.indirect.scatter.add.f32 [tilespmem:s12], [sflag:$0x1], $0x80, s11, s11, $0xb8;
	[tilespmem:$0x1E280] =	vst v63  }
0x41: {  	_ =	swait.ge [sflag:s6], $0x4000  }
0x42: {  	[sflag:s6] =	ssyncset.done $0x0  }
0x43: {  	[sflag:s6] =	ssyncadd.s32 $0xFFFFC000  }
0x44: {  	[spmem:s2] =	stream.indirect.scatter.add.f32 [tilespmem:s14], [sflag:$0x1], $0x80, s13, s11, $0xb8;
	[tilespmem:$0x1E280] =	vst v63  }
0x45: {  	_ =	swait.ge [sflag:s6], $0x4000  }
0x46: {  	[sflag:s6] =	ssyncset.done $0x0  }
0x47: {  	[sflag:s6] =	ssyncadd.s32 $0xFFFFC000  }
0x48: {  	[spmem:s2] =	stream.indirect.scatter.add.f32 [tilespmem:s16], [sflag:$0x1], $0x80, s15, s11, $0xb8;
	[tilespmem:$0x1E280] =	vst v63  }
0x49: {  	_ =	swait.ge [sflag:s6], $0x4000  }
0x4a: {  	[sflag:s6] =	ssyncset.done $0x0  }
0x4b: {  	[sflag:s6] =	ssyncadd.s32 $0xFFFFC000  }
0x4c: {  	[spmem:s2] =	stream.indirect.scatter.add.f32 [tilespmem:s18], [sflag:$0x1], $0x80, s17, s11, $0xb8;
	[tilespmem:$0x1E280] =	vst v63  }
0x4d: {  	_ =	swait.ge [sflag:s6], $0x4000  }
0x4e: {  	[sflag:s6] =	ssyncset.done $0x0  }
.Ltmp1:
0x4f: {  	[sflag:s6] =	ssyncadd.s32 $0xFFFFC000;
	(pc) =	sbr.rel @p0 .LBB2_1-.Ltmp1, $4  }
0x50: {  	[bflag:$0x0] =	sbarrier.arrive $0xFFFF  }
0x51: {  	[hbm:s19], [sflag:s5] =	dma.local [spmem:s7], $0x1400  }
0x52: {  	_ =	swait.ge [sflag:s6], $0x1400  }
0x53: {  	[sflag:s6] =	ssyncset.done $0x0  }
.LBB2_2:
0x54: {  	[sflag:s6] =	ssyncadd.s32 $0xFFFFEC00  }
0x55: {  	_ =	sfence.sel $0x180000  }
0x56: {  	[bflag:$0x0] =	sbarrier.arrive $0xFFFF  }
0x57: {  	p0 =	sne.s32 s1, $0x0;
	_ =	strace $0x9000004D  }
0x58: {  	s0 =	sadd.s32 @!p0 $0x100000, s0;
	[bflag:$0x2] =	sbarrier.arrive $0xFFFF  }
0x59: {  	[sflag:s0] =	ssyncadd.tile.s32 @!p0 $0x1;
	_ =	shalt  }
.Lfunc_end2:
_tile_overlayer_lowered:
.L_overlay_start_2:
0x5a: {  	(tag) =	ssettag $0x2  }
0x5b: {  	s0 =	rddreg [dreg:$0x0];
	s2 =	stileid.u32  }
0x5c: {  	s1 =	rddreg [dreg:$0x1];
	p0 =	sne.s32 s2, $0x0  }
0x5d: {  	s3 =	rddreg [dreg:$0x2];
	[bflag:$0x3] =	sbarrier.arrive $0xFFFF;
	s2 =	simm.s32 @!p0 $0x1C01  }
0x5e: {  	[timem:s3], [sflag:s2] =	dma.local @!p0 [hbm:s0], s1  }
0x5f: {  	s0 =	simm.s32 @!p0 $0x1  }
0x60: {  	_ =	swait.ge @!p0 [sflag:s0], s1  }
0x61: {  	s1 =	ssub.s32 @!p0 $0x0, s1;
	[sflag:s0] =	ssyncset.done @!p0 $0x0  }
0x62: {  	[sflag:s0] =	ssyncadd.s32 @!p0 s1  }
0x63: {  	[bflag:$0x3] =	sbarrier.arrive $0xFFFF  }
0x64: {  	_ =	shalt  }

// kernel: kernel.37.cloned.1.call-start
scs
__scs_entry_jumppad:
0x0: {  	(pc) =	sbr.rel $0x88, $3  }
0x1: {  	(tag) =	ssettag $0x0;
	lr =	simm.s32 $0x1  }
0x2: {  	[smem:$0x3F81] =	sst lr;
	_ =	strace $0xD0000000  }
0x3: {  	_ = 	snop  }
0x4: {  	_ = 	snop  }
0x5: {  	_ = 	snop  }
0x6: {  	_ = 	snop  }
0x7: {  	_ = 	snop  }
__scs_overlays_trampoline_lowered:
0x8: {  	[smem:$0x3F90] =	sst s0  }
0x9: {  	[smem:$0x3F91] =	sst s1  }
0xa: {  	[smem:$0x3F92] =	sst s2  }
0xb: {  	[smem:$0x3F93] =	sst s3  }
0xc: {  	[smem:$0x3F94] =	sst s4  }
0xd: {  	[smem:$0x3F95] =	sst s5  }
0xe: {  	[smem:$0x3F96] =	sst s6  }
0xf: {  	[smem:$0x3F97] =	sst s7  }
0x10: {  	[smem:$0x3F98] =	sst s8  }
0x11: {  	[smem:$0x3F99] =	sst s9;
	s0 =	simm.s32 @!p0 $0x0  }
0x12: {  	s1 =	sld [smem:$0x3F7F];
	s0 =	simm.s32 @p0 $0x1  }
0x13: {  	[smem:$0x3F9A] =	sst s0;
	s0 =	simm.s32 @!p1 $0x0  }
0x14: {  	s2 =	sld [smem:$0x3F7E];
	s0 =	simm.s32 @p1 $0x1  }
0x15: {  	[smem:$0x3F9B] =	sst s0;
	s0 =	simm.s32 @!p2 $0x0  }
0x16: {  	s3 =	sld [smem:$0x3FDB];
	s0 =	simm.s32 @p2 $0x1  }
0x17: {  	s4 =	simm.s32 $0x1BF5;
	[smem:$0x3F9D] =	sst s0  }
0x18: {  	s0 =	sld [smem:$0x3F80];
	_ =	swait.ge [sflag:s4], $0x0  }
0x19: {  	s7 =	sld [smem:$0x3F81]  }
0x1a: {  	s8 =	sadd.s32 $0xFFFFE003, lr  }
0x1b: {  	s9 =	sadd.s32 $0xFFFFFEF7, lr;
	s5 =	simm.s32 $0xFFFFFFFF;
	p2 =	slt.u32 s8, $0xFFFFF086  }
0x1c: {  	p1 =	slt.u32 s9, $0xF7A;
	s5 =	simm.s32 @!p2 $0x0  }
0x1d: {  	s5 =	simm.s32 @p1 $0x1;
	p0 =	seq.s32 s7, s2  }
0x1e: {  	s7 =	smul.u32 @!p0 $0xF7A, s2;
	p2 =	seq.s32 @!p0 s5, $0x0  }
0x1f: {  	s9 =	smul.u32 $0xF7A, s1;
	s8 =	simm.s32 @!p0 $0x1BF5;
	p2 =	por !p2, p0  }
0x20: {  	[sflag:s8] =	ssyncset.s32 @!p0 $0xFFFFF086;
	s6 =	sadd.s32 @!p0 s3, s7;
	s7 =	simm.s32 @!p0 $0x108  }
0x21: {  	s3 =	sadd.s32 s3, s9;
	s6 =	sadd.s32 @!p0 $0x88, s6;
	s7 =	simm.s32 @p2 $0x1082  }
0x22: {  	[simem:s7], [sflag:s8] =	dma.local @!p0 [hbm:s6], $0xF7A  }
0x23: {  	s9 =	sor.u32 $0xD0000000, s2;
	s6 =	simm.s32 $0x108;
	_ =	swait.ge @!p0 [sflag:s8], $0x0  }
0x24: {  	s3 =	sadd.s32 $0x88, s3;
	s6 =	simm.s32 @!p1 $0x1082;
	[sflag:s4] =	ssyncset.s32 $0xFFFFF086  }
0x25: {  	[simem:s6], [sflag:s4] =	dma.local [hbm:s3], $0xF7A  }
0x26: {  	[smem:$0x3F81] =	sst s1;
	(tag) =	ssettag s2;
	_ =	strace s9  }
0x27: {  	s1 =	sld [smem:$0x3F91]  }
0x28: {  	s2 =	sld [smem:$0x3F92]  }
0x29: {  	s4 =	sld [smem:$0x3F94]  }
0x2a: {  	p0 =	seq.s32 s5, $0x0;
	s5 =	sld [smem:$0x3F95]  }
0x2b: {  	s6 =	sld [smem:$0x3F96]  }
0x2c: {  	s7 =	sld [smem:$0x3F97]  }
0x2d: {  	s3 =	simm.s32 $0x108;
	s8 =	sld [smem:$0x3F98]  }
0x2e: {  	s3 =	simm.s32 @!p0 $0x1082;
	s9 =	sld [smem:$0x3F99]  }
0x2f: {  	lr =	sadd.s32 s0, s3;
	s0 =	sld [smem:$0x3F90]  }
0x30: {  	s3 =	sld [smem:$0x3F93]  }
0x31: {  	[smem:$0x3F9C] =	sst s10  }
0x32: {  	s10 =	sld [smem:$0x3F9A];
	_ =	sdelay $0x3  }
0x33: {  	p0 =	seq.s32 s10, $0x1;
	s10 =	sld [smem:$0x3F9C];
	_ =	sdelay $0x3  }
0x34: {  	[smem:$0x3F9C] =	sst s10  }
0x35: {  	s10 =	sld [smem:$0x3F9B];
	_ =	sdelay $0x3  }
0x36: {  	p1 =	seq.s32 s10, $0x1;
	s10 =	sld [smem:$0x3F9C];
	_ =	sdelay $0x3  }
0x37: {  	[smem:$0x3F9C] =	sst s10  }
0x38: {  	s10 =	sld [smem:$0x3F9D]  }
0x39: {  	_ = 	snop;
	(pc) =	sbr.ind lr, $3  }
0x3a: {  	_ = 	snop  }
0x3b: {  	_ = 	snop  }
0x3c: {  	p2 =	seq.s32 s10, $0x1;
	s10 =	sld [smem:$0x3F9C]  }
0x3d: {  	_ =	shalt  }
0x3e: {  	_ =	shalt  }
0x3f: {  	_ =	shalt  }
0x40: {  	_ =	shalt  }
0x41: {  	_ =	shalt  }
0x42: {  	_ =	shalt  }
0x43: {  	_ =	shalt  }
0x44: {  	_ =	shalt  }
0x45: {  	_ =	shalt  }
0x46: {  	_ =	shalt  }
0x47: {  	_ =	shalt  }
0x48: {  	_ =	shalt  }
0x49: {  	_ =	shalt  }
0x4a: {  	_ =	shalt  }
0x4b: {  	_ =	shalt  }
0x4c: {  	_ =	shalt  }
0x4d: {  	_ =	shalt  }
0x4e: {  	_ =	shalt  }
0x4f: {  	_ =	shalt  }
0x50: {  	_ =	shalt  }
0x51: {  	_ =	shalt  }
0x52: {  	_ =	shalt  }
0x53: {  	_ =	shalt  }
0x54: {  	_ =	shalt  }
0x55: {  	_ =	shalt  }
0x56: {  	_ =	shalt  }
0x57: {  	_ =	shalt  }
0x58: {  	_ =	shalt  }
0x59: {  	_ =	shalt  }
0x5a: {  	_ =	shalt  }
0x5b: {  	_ =	shalt  }
0x5c: {  	_ =	shalt  }
0x5d: {  	_ =	shalt  }
0x5e: {  	_ =	shalt  }
0x5f: {  	_ =	shalt  }
0x60: {  	_ =	shalt  }
0x61: {  	_ =	shalt  }
0x62: {  	_ =	shalt  }
0x63: {  	_ =	shalt  }
0x64: {  	_ =	shalt  }
0x65: {  	_ =	shalt  }
0x66: {  	_ =	shalt  }
0x67: {  	_ =	shalt  }
0x68: {  	_ =	shalt  }
0x69: {  	_ =	shalt  }
0x6a: {  	_ =	shalt  }
0x6b: {  	_ =	shalt  }
0x6c: {  	_ =	shalt  }
0x6d: {  	_ =	shalt  }
0x6e: {  	_ =	shalt  }
0x6f: {  	_ =	shalt  }
0x70: {  	_ =	shalt  }
0x71: {  	_ =	shalt  }
0x72: {  	_ =	shalt  }
0x73: {  	_ =	shalt  }
0x74: {  	_ =	shalt  }
0x75: {  	_ =	shalt  }
0x76: {  	_ =	shalt  }
0x77: {  	_ =	shalt  }
0x78: {  	_ =	shalt  }
0x79: {  	_ =	shalt  }
0x7a: {  	_ =	shalt  }
0x7b: {  	_ =	shalt  }
0x7c: {  	_ =	shalt  }
0x7d: {  	_ =	shalt  }
0x7e: {  	_ =	shalt  }
0x7f: {  	_ =	shalt  }
0x80: {  	_ =	shalt  }
0x81: {  	_ =	shalt  }
0x82: {  	_ =	shalt  }
0x83: {  	_ =	shalt  }
0x84: {  	_ =	shalt  }
0x85: {  	_ =	shalt  }
0x86: {  	_ =	shalt  }
0x87: {  	_ =	shalt  }
.Lfunc_end0:
.L_simem_size_0:
called_computation.4_lowered:
.L_overlay_start_0:
0x88: {  	s2 =	sld [smem:$0x3FD9]  }
0x89: {  	s3 =	sld [smem:$0x3FFE];
	_ =	sdelay $0x1  }
0x8a: {  	s1 =	srdreg.scid  }
0x8b: {  	s0 =	sand.u32 $0x1, s1  }
0x8c: {  	s17 =	sshll.u32 s0, $0xA;
	s2 =	sadd.s32 s3, s2  }
0x8d: {  	s2 =	sadd.s32 s2, s17  }
0x8e: {  	[smem:$0x3FA8] =	sst s2  }
0x8f: {  	_ = 	snop  }
0x90: {  	(tm) =	ssettm $0x1  }
0x91: {  	s18 =	sld [smem:$0x3FFB];
	_ =	sdelay $0x3  }
0x92: {  	_ =	strace s18  }
0x93: {  	s2 =	sld [smem:$0x3FFC];
	_ =	sdelay $0x3  }
0x94: {  	_ =	strace s2  }
0x95: {  	s2 =	sld [smem:$0x3FFD];
	_ =	sdelay $0x3  }
0x96: {  	_ =	strace s2  }
0x97: {  	_ =	strace $0x8FFFFFFF  }
0x98: {  	s19 =	sld [smem:$0x3FDB];
	_ =	sdelay $0x1  }
0x99: {  	s20 =	simm.s32 $_scs_section_size  }
0x9a: {  	s4 =	simm.s32 $_size__tile_overlayer_lowered;
	s5 =	simm.s32 $_tile_overlayer_lowered  }
0x9b: {  	s6 =	simm.s32 $0x1BFF;
	s21 =	sshll.u32 s5, $0x1;
	s3 =	sadd.s32 s20, s19  }
0x9c: {  	s22 =	simm.s32 $0x0;
	s4 =	sshll.u32 s4, $0x1;
	s5 =	sadd.s32 s21, s3  }
0x9d: {  	[timem:s22], [sflag:s6] =	dma.local [hbm:s5], s4  }
0x9e: {  	_ =	swait.ge [sflag:s6], s4  }
0x9f: {  	s4 =	ssub.s32 $0x0, s4;
	[sflag:s6] =	ssyncset.done $0x0  }
0xa0: {  	[sflag:s6] =	ssyncadd.s32 s4;
	_ =	sdelay $0x1  }
0xa1: {  	s23 =	simm.s32 $0x1B8B  }
0xa2: {  	_ =	swait.ge [sflag:s23], $0x1  }
0xa3: {  	[sflag:s23] =	ssyncset.done $0x0  }
0xa4: {  	[sflag:s23] =	ssyncadd.s32 $0xFFFFFFFF  }
0xa5: {  	s4 =	sld [smem:$0x0]  }
0xa6: {  	s5 =	sand.u32 $0xFFFFFFFE, s1  }
0xa7: {  	p0 =	sne.s32 s1, s5  }
0xa8: {  	s5 =	sshll.u32 @p0 s5, $0xE  }
0xa9: {  	s5 =	sadd.s32 @p0 $0x11B8D, s5;
	s6 =	sshll.u32 @p0 s4, $0x11  }
0xaa: {  	s5 =	sor.u32 @p0 s6, s5  }
0xab: {  	[sflag:s5] =	ssyncadd.remote.s32 @p0 $0x1;
	_ =	sdelay $0x1  }
0xac: {  	s5 =	simm.s32 @p0 $0x1B8D  }
0xad: {  	_ =	swait.eq @p0 [sflag:s5], $0x1  }
0xae: {  	[sflag:s5] =	ssyncadd.s32 @p0 $0xFFFFFFFF  }
0xaf: {  	s6 =	sshll.u32 @!p0 s1, $0xE  }
0xb0: {  	s6 =	sor.u32 @!p0 $0x4000, s6;
	s5 =	simm.s32 @!p0 $0x1B8D  }
0xb1: {  	s4 =	sshll.u32 @!p0 s4, $0x11;
	s6 =	sadd.s32 @!p0 $0x11B8D, s6;
	_ =	swait.eq @!p0 [sflag:s5], $0x1  }
0xb2: {  	s4 =	sor.u32 @!p0 s4, s6;
	[sflag:s5] =	ssyncadd.s32 @!p0 $0xFFFFFFFF  }
0xb3: {  	s25 =	simm.s32 $0x1B8E;
	s24 =	sld [smem:$0x3FFE];
	[sflag:s4] =	ssyncadd.remote.s32 @!p0 $0x1  }
0xb4: {  	s26 =	simm.s32 $execute0_lowered;
	[smem:$0x3FD2] =	sst s25  }
0xb5: {  	s5 =	sshll.u32 s26, $0x1;
	_ =	strace $0x80000055;
	[dreg:$0x1] =	wrdreg $0xFFFFFFFF  }
0xb6: {  	s28 =	simm.s32 $_size_execute0_lowered;
	s3 =	sadd.s32 s3, s5;
	[dreg:$0x0] =	wrdreg $0x0  }
0xb7: {  	s5 =	sshll.u32 s28, $0x1;
	[dreg:$0x2] =	wrdreg s3  }
0xb8: {  	[dreg:$0x3] =	wrdreg s5  }
0xb9: {  	[dreg:$0x4] =	wrdreg $0xC0  }
0xba: {  	_ =	task [dreg:s22], $0x5FFFF  }
0xbb: {  	[dreg:$0x1] =	wrdreg $0xFFFFFFFF  }
0xbc: {  	[dreg:$0x0] =	wrdreg $0x60  }
0xbd: {  	[dreg:$0x2] =	wrdreg s24  }
0xbe: {  	[dreg:$0x3] =	wrdreg $0x9  }
0xbf: {  	_ =	task.clear_ibuf [dreg:s22], $0x4FFFF;
	_ =	strace $0x90000055  }
0xc0: {  	s29 =	simm.s32 $0x9;
	_ =	strace $0x80000057  }
0xc1: {  	_ =	swait.ge [sflag:s29], $0x1  }
0xc2: {  	[sflag:s29] =	ssyncadd.s32 $0xFFFFFFFF  }
0xc3: {  	_ =	strace $0x90000057  }
0xc4: {  	_ =	sfence  }
0xc5: {  	s30 =	sld [smem:$0x0];
	_ =	sdelay $0x2  }
0xc6: {  	s31 =	sshll.u32 s1, $0xD;
	s1 =	sshrl.u32 s1, $0x2  }
0xc7: {  	s4 =	sand.u32 $0x4000, s31;
	s1 =	sadd.s32 s1, s30  }
0xc8: {  	s0 =	sor.u32 s4, s0;
	s1 =	sshll.u32 s1, $0x11  }
0xc9: {  	s0 =	sor.u32 s1, s0  }
0xca: {  	s0 =	sadd.s32 $0x8F2B, s0  }
0xcb: {  	[sflag:s0] =	ssyncadd.remote.s32 $0x1  }
0xcc: {  	_ =	sfence.sel $0xFFFF  }
0xcd: {  	[dreg:$0x0] =	wrdreg $0xFFFFFFFF;
	(pc) =	sbr.abs _section_cstart, $3  }
0xce: {  	[dreg:$0x1] =	wrdreg $0xFFFFFFFF  }
0xcf: {  	_ =	task.clear_ibuf [dreg:s22], $0x2FFFF;
	_ =	strace $0x9FFFFFFF  }
0xd0: {  	(tm) =	ssettm $0x7FFFFFFF  }
0xd1: {  	_ =	shalt  }
tec
execute0_lowered:
.L_overlay_start_1:
0x0: {  	(tag) =	ssettag $0x1  }
0x1: {  	s1 =	srdreg.scid;
	s0 =	stileid.u32  }
0x2: {  	s16 =	sand.u32 $0x1, s1;
	s29 =	sshll.u32 s0, $0x1  }
0x3: {  	s17 =	sor.u32 s16, s29  }
0x4: {  	s18 =	rddreg [dreg:$0x0];
	s3 =	smul.u32 $0x50, s17  }
0x5: {  	s2 =	simm.s32 $0x0;
	s1 =	rddreg [dreg:$0x1]  }
0x6: {  	[smem:$0x7FF] =	sst s2;
	s3 =	sadd.s32 s3, s18  }
0x7: {  	_ =	strace $0x80000056;
	s4 =	sadd.s32 $0x6F200, s3;
	s3 =	simm.s32 $0x2  }
0x8: {  	[tilespmem:s2], [sflag:$0x2] =	stream.linear.gather [hbm4b:s4+s2], $0x280, $0x38;
	[tilespmem:$0x14280] =	vst v63  }
0x9: {  	_ =	swait.ge [sflag:s3], $0x280  }
0xa: {  	s6 =	simm.s32 $0x80;
	[sflag:s3] =	ssyncset.done $0x0  }
0xb: {  	s7 =	simm.s32 $0x280;
	s5 =	sadd.s32 $0x8D000, s18;
	[sflag:s3] =	ssyncadd.s32 $0xFFFFFD80  }
0xc: {  	[tilespmem:s7], [sflag:$0x1] =	stream.indirect.gather [hbm4b:s5+s6], $0x80, s2, s6, $0xb8;
	[tilespmem:$0x14280] =	vst v63  }
0xd: {  	s8 =	simm.s32 $0x4280  }
0xe: {  	[tilespmem:s8], [sflag:$0x1] =	stream.indirect.gather [hbm4b:s5+s6], $0x80, s6, s6, $0xb8;
	[tilespmem:$0x14280] =	vst v63  }
0xf: {  	s9 =	simm.s32 $0x100;
	s10 =	simm.s32 $0x8280  }
0x10: {  	[tilespmem:s10], [sflag:$0x1] =	stream.indirect.gather [hbm4b:s5+s6], $0x80, s9, s6, $0xb8;
	[tilespmem:$0x14280] =	vst v63  }
0x11: {  	s11 =	simm.s32 $0x180;
	s12 =	simm.s32 $0xC280  }
0x12: {  	[tilespmem:s12], [sflag:$0x1] =	stream.indirect.gather [hbm4b:s5+s6], $0x80, s11, s6, $0xb8;
	[tilespmem:$0x14280] =	vst v63  }
0x13: {  	s13 =	simm.s32 $0x200;
	s14 =	simm.s32 $0x10280;
	s15 =	simm.s32 $0x1  }
0x14: {  	[tilespmem:s14], [sflag:$0x1] =	stream.indirect.gather [hbm4b:s5+s6], $0x80, s13, s6, $0xb8;
	[tilespmem:$0x14280] =	vst v63  }
0x15: {  	_ =	swait.ge [sflag:s15], $0x4000  }
0x16: {  	[sflag:s15] =	ssyncset.done $0x0  }
0x17: {  	[sflag:s15] =	ssyncadd.s32 $0xFFFFC000  }
0x18: {  	_ =	swait.ge [sflag:s15], $0x4000  }
0x19: {  	[sflag:s15] =	ssyncset.done $0x0  }
0x1a: {  	[sflag:s15] =	ssyncadd.s32 $0xFFFFC000  }
0x1b: {  	_ =	swait.ge [sflag:s15], $0x4000  }
0x1c: {  	[sflag:s15] =	ssyncset.done $0x0  }
0x1d: {  	s16 =	ssub.s32 $0x2, s16;
	[sflag:s15] =	ssyncadd.s32 $0xFFFFC000  }
0x1e: {  	s19 =	sshrl.u32 s16, $0x1;
	_ =	swait.ge [sflag:s15], $0x4000  }
0x1f: {  	s30 =	ssub.s32 s16, s19;
	[sflag:s15] =	ssyncset.done $0x0  }
0x20: {  	s17 =	smul.u32 $0x2800, s17;
	s31 =	smax.u32 s30, $0x1;
	[sflag:s15] =	ssyncadd.s32 $0xFFFFC000  }
0x21: {  	p0 =	sne.s32 s31, $0x1;
	_ =	swait.ge [sflag:s15], $0x4000  }
.Ltmp0:
0x22: {  	s17 =	sadd.s32 s17, s18;
	[sflag:s15] =	ssyncset.done $0x0;
	(pc) =	sbr.rel @!p0 .LBB2_2-.Ltmp0, $4  }
0x23: {  	s16 =	sadd.s32 $0xF8600, s17;
	[sflag:s15] =	ssyncadd.s32 $0xFFFFC000  }
0x24: {  	[hbm4b:s16+s2] =	stream.linear.scatter [tilespmem:s7], [sflag:$0x2], $0x14000, $0x38;
	[tilespmem:$0x14280] =	vst v63  }
0x25: {  	_ =	swait.ge [sflag:s3], $0x14000  }
0x26: {  	s17 =	sadd.s32 $0xFFFFFFFF, s31;
	[sflag:s3] =	ssyncset.done $0x0  }
.LBB2_1:
0x27: {  	p0 =	sne.s32 s17, $0x1;
	s17 =	sadd.s32 $0xFFFFFFFF, s17;
	[sflag:s3] =	ssyncadd.s32 $0xFFFEC000  }
0x28: {  	[tilespmem:s2], [sflag:$0x2] =	stream.linear.gather [hbm4b:s4+s2], $0x280, $0x38;
	[tilespmem:$0x14280] =	vst v63  }
0x29: {  	_ =	swait.ge [sflag:s3], $0x280  }
0x2a: {  	[sflag:s3] =	ssyncset.done $0x0  }
0x2b: {  	[sflag:s3] =	ssyncadd.s32 $0xFFFFFD80  }
0x2c: {  	[tilespmem:s7], [sflag:$0x1] =	stream.indirect.gather [hbm4b:s5+s6], $0x80, s2, s6, $0xb8;
	[tilespmem:$0x14280] =	vst v63  }
0x2d: {  	_ = 	snop  }
0x2e: {  	[tilespmem:s8], [sflag:$0x1] =	stream.indirect.gather [hbm4b:s5+s6], $0x80, s6, s6, $0xb8;
	[tilespmem:$0x14280] =	vst v63  }
0x2f: {  	_ = 	snop  }
0x30: {  	[tilespmem:s10], [sflag:$0x1] =	stream.indirect.gather [hbm4b:s5+s6], $0x80, s9, s6, $0xb8;
	[tilespmem:$0x14280] =	vst v63  }
0x31: {  	_ = 	snop  }
0x32: {  	[tilespmem:s12], [sflag:$0x1] =	stream.indirect.gather [hbm4b:s5+s6], $0x80, s11, s6, $0xb8;
	[tilespmem:$0x14280] =	vst v63  }
0x33: {  	_ = 	snop  }
0x34: {  	[tilespmem:s14], [sflag:$0x1] =	stream.indirect.gather [hbm4b:s5+s6], $0x80, s13, s6, $0xb8;
	[tilespmem:$0x14280] =	vst v63  }
0x35: {  	_ =	swait.ge [sflag:s15], $0x4000  }
0x36: {  	[sflag:s15] =	ssyncset.done $0x0  }
0x37: {  	[sflag:s15] =	ssyncadd.s32 $0xFFFFC000  }
0x38: {  	_ =	swait.ge [sflag:s15], $0x4000  }
0x39: {  	[sflag:s15] =	ssyncset.done $0x0  }
0x3a: {  	[sflag:s15] =	ssyncadd.s32 $0xFFFFC000  }
0x3b: {  	_ =	swait.ge [sflag:s15], $0x4000  }
0x3c: {  	[sflag:s15] =	ssyncset.done $0x0  }
0x3d: {  	[sflag:s15] =	ssyncadd.s32 $0xFFFFC000  }
0x3e: {  	_ =	swait.ge [sflag:s15], $0x4000  }
0x3f: {  	[sflag:s15] =	ssyncset.done $0x0  }
0x40: {  	[sflag:s15] =	ssyncadd.s32 $0xFFFFC000  }
0x41: {  	_ =	swait.ge [sflag:s15], $0x4000  }
.Ltmp1:
0x42: {  	[sflag:s15] =	ssyncset.done $0x0;
	(pc) =	sbr.rel @p0 .LBB2_1-.Ltmp1, $4  }
0x43: {  	[sflag:s15] =	ssyncadd.s32 $0xFFFFC000  }
0x44: {  	[hbm4b:s16+s2] =	stream.linear.scatter [tilespmem:s7], [sflag:$0x2], $0x14000, $0x38;
	[tilespmem:$0x14280] =	vst v63  }
0x45: {  	_ =	swait.ge [sflag:s3], $0x14000  }
0x46: {  	[sflag:s3] =	ssyncset.done $0x0  }
.LBB2_2:
0x47: {  	[sflag:s3] =	ssyncadd.s32 $0xFFFEC000  }
0x48: {  	_ =	sfence.sel $0x180000  }
0x49: {  	[bflag:$0x0] =	sbarrier.arrive $0xFFFF  }
0x4a: {  	p0 =	sne.s32 s0, $0x0;
	_ =	strace $0x90000056  }
0x4b: {  	s0 =	sadd.s32 @!p0 $0x100000, s1;
	[bflag:$0x2] =	sbarrier.arrive $0xFFFF  }
0x4c: {  	[sflag:s0] =	ssyncadd.tile.s32 @!p0 $0x1;
	_ =	shalt  }
.Lfunc_end2:
_tile_overlayer_lowered:
.L_overlay_start_2:
0x4d: {  	(tag) =	ssettag $0x2  }
0x4e: {  	s0 =	rddreg [dreg:$0x0];
	s2 =	stileid.u32  }
0x4f: {  	s1 =	rddreg [dreg:$0x1];
	p0 =	sne.s32 s2, $0x0  }
0x50: {  	s3 =	rddreg [dreg:$0x2];
	[bflag:$0x3] =	sbarrier.arrive $0xFFFF;
	s2 =	simm.s32 @!p0 $0x1C02  }
0x51: {  	[timem:s3], [sflag:s2] =	dma.local @!p0 [hbm:s0], s1  }
0x52: {  	s0 =	simm.s32 @!p0 $0x2  }
0x53: {  	_ =	swait.ge @!p0 [sflag:s0], s1  }
0x54: {  	s1 =	ssub.s32 @!p0 $0x0, s1;
	[sflag:s0] =	ssyncset.done @!p0 $0x0  }
0x55: {  	[sflag:s0] =	ssyncadd.s32 @!p0 s1  }
0x56: {  	[bflag:$0x3] =	sbarrier.arrive $0xFFFF  }
0x57: {  	_ =	shalt  }

// kernel: kernel.40.cloned.1.call-start
scs
__scs_entry_jumppad:
0x0: {  	(pc) =	sbr.rel $0x88, $3  }
0x1: {  	(tag) =	ssettag $0x0;
	lr =	simm.s32 $0x1  }
0x2: {  	[smem:$0x3F81] =	sst lr;
	_ =	strace $0xD0000000  }
0x3: {  	_ = 	snop  }
0x4: {  	_ = 	snop  }
0x5: {  	_ = 	snop  }
0x6: {  	_ = 	snop  }
0x7: {  	_ = 	snop  }
__scs_overlays_trampoline_lowered:
0x8: {  	[smem:$0x3F90] =	sst s0  }
0x9: {  	[smem:$0x3F91] =	sst s1  }
0xa: {  	[smem:$0x3F92] =	sst s2  }
0xb: {  	[smem:$0x3F93] =	sst s3  }
0xc: {  	[smem:$0x3F94] =	sst s4  }
0xd: {  	[smem:$0x3F95] =	sst s5  }
0xe: {  	[smem:$0x3F96] =	sst s6  }
0xf: {  	[smem:$0x3F97] =	sst s7  }
0x10: {  	[smem:$0x3F98] =	sst s8  }
0x11: {  	[smem:$0x3F99] =	sst s9;
	s0 =	simm.s32 @!p0 $0x0  }
0x12: {  	s1 =	sld [smem:$0x3F7F];
	s0 =	simm.s32 @p0 $0x1  }
0x13: {  	[smem:$0x3F9A] =	sst s0;
	s0 =	simm.s32 @!p1 $0x0  }
0x14: {  	s2 =	sld [smem:$0x3F7E];
	s0 =	simm.s32 @p1 $0x1  }
0x15: {  	[smem:$0x3F9B] =	sst s0;
	s0 =	simm.s32 @!p2 $0x0  }
0x16: {  	s3 =	sld [smem:$0x3FDB];
	s0 =	simm.s32 @p2 $0x1  }
0x17: {  	s4 =	simm.s32 $0x1BF5;
	[smem:$0x3F9D] =	sst s0  }
0x18: {  	s0 =	sld [smem:$0x3F80];
	_ =	swait.ge [sflag:s4], $0x0  }
0x19: {  	s7 =	sld [smem:$0x3F81]  }
0x1a: {  	s8 =	sadd.s32 $0xFFFFE003, lr  }
0x1b: {  	s9 =	sadd.s32 $0xFFFFFEF7, lr;
	s5 =	simm.s32 $0xFFFFFFFF;
	p2 =	slt.u32 s8, $0xFFFFF086  }
0x1c: {  	p1 =	slt.u32 s9, $0xF7A;
	s5 =	simm.s32 @!p2 $0x0  }
0x1d: {  	s5 =	simm.s32 @p1 $0x1;
	p0 =	seq.s32 s7, s2  }
0x1e: {  	s7 =	smul.u32 @!p0 $0xF7A, s2;
	p2 =	seq.s32 @!p0 s5, $0x0  }
0x1f: {  	s9 =	smul.u32 $0xF7A, s1;
	s8 =	simm.s32 @!p0 $0x1BF5;
	p2 =	por !p2, p0  }
0x20: {  	[sflag:s8] =	ssyncset.s32 @!p0 $0xFFFFF086;
	s6 =	sadd.s32 @!p0 s3, s7;
	s7 =	simm.s32 @!p0 $0x108  }
0x21: {  	s3 =	sadd.s32 s3, s9;
	s6 =	sadd.s32 @!p0 $0x88, s6;
	s7 =	simm.s32 @p2 $0x1082  }
0x22: {  	[simem:s7], [sflag:s8] =	dma.local @!p0 [hbm:s6], $0xF7A  }
0x23: {  	s9 =	sor.u32 $0xD0000000, s2;
	s6 =	simm.s32 $0x108;
	_ =	swait.ge @!p0 [sflag:s8], $0x0  }
0x24: {  	s3 =	sadd.s32 $0x88, s3;
	s6 =	simm.s32 @!p1 $0x1082;
	[sflag:s4] =	ssyncset.s32 $0xFFFFF086  }
0x25: {  	[simem:s6], [sflag:s4] =	dma.local [hbm:s3], $0xF7A  }
0x26: {  	[smem:$0x3F81] =	sst s1;
	(tag) =	ssettag s2;
	_ =	strace s9  }
0x27: {  	s1 =	sld [smem:$0x3F91]  }
0x28: {  	s2 =	sld [smem:$0x3F92]  }
0x29: {  	s4 =	sld [smem:$0x3F94]  }
0x2a: {  	p0 =	seq.s32 s5, $0x0;
	s5 =	sld [smem:$0x3F95]  }
0x2b: {  	s6 =	sld [smem:$0x3F96]  }
0x2c: {  	s7 =	sld [smem:$0x3F97]  }
0x2d: {  	s3 =	simm.s32 $0x108;
	s8 =	sld [smem:$0x3F98]  }
0x2e: {  	s3 =	simm.s32 @!p0 $0x1082;
	s9 =	sld [smem:$0x3F99]  }
0x2f: {  	lr =	sadd.s32 s0, s3;
	s0 =	sld [smem:$0x3F90]  }
0x30: {  	s3 =	sld [smem:$0x3F93]  }
0x31: {  	[smem:$0x3F9C] =	sst s10  }
0x32: {  	s10 =	sld [smem:$0x3F9A];
	_ =	sdelay $0x3  }
0x33: {  	p0 =	seq.s32 s10, $0x1;
	s10 =	sld [smem:$0x3F9C];
	_ =	sdelay $0x3  }
0x34: {  	[smem:$0x3F9C] =	sst s10  }
0x35: {  	s10 =	sld [smem:$0x3F9B];
	_ =	sdelay $0x3  }
0x36: {  	p1 =	seq.s32 s10, $0x1;
	s10 =	sld [smem:$0x3F9C];
	_ =	sdelay $0x3  }
0x37: {  	[smem:$0x3F9C] =	sst s10  }
0x38: {  	s10 =	sld [smem:$0x3F9D]  }
0x39: {  	_ = 	snop;
	(pc) =	sbr.ind lr, $3  }
0x3a: {  	_ = 	snop  }
0x3b: {  	_ = 	snop  }
0x3c: {  	p2 =	seq.s32 s10, $0x1;
	s10 =	sld [smem:$0x3F9C]  }
0x3d: {  	_ =	shalt  }
0x3e: {  	_ =	shalt  }
0x3f: {  	_ =	shalt  }
0x40: {  	_ =	shalt  }
0x41: {  	_ =	shalt  }
0x42: {  	_ =	shalt  }
0x43: {  	_ =	shalt  }
0x44: {  	_ =	shalt  }
0x45: {  	_ =	shalt  }
0x46: {  	_ =	shalt  }
0x47: {  	_ =	shalt  }
0x48: {  	_ =	shalt  }
0x49: {  	_ =	shalt  }
0x4a: {  	_ =	shalt  }
0x4b: {  	_ =	shalt  }
0x4c: {  	_ =	shalt  }
0x4d: {  	_ =	shalt  }
0x4e: {  	_ =	shalt  }
0x4f: {  	_ =	shalt  }
0x50: {  	_ =	shalt  }
0x51: {  	_ =	shalt  }
0x52: {  	_ =	shalt  }
0x53: {  	_ =	shalt  }
0x54: {  	_ =	shalt  }
0x55: {  	_ =	shalt  }
0x56: {  	_ =	shalt  }
0x57: {  	_ =	shalt  }
0x58: {  	_ =	shalt  }
0x59: {  	_ =	shalt  }
0x5a: {  	_ =	shalt  }
0x5b: {  	_ =	shalt  }
0x5c: {  	_ =	shalt  }
0x5d: {  	_ =	shalt  }
0x5e: {  	_ =	shalt  }
0x5f: {  	_ =	shalt  }
0x60: {  	_ =	shalt  }
0x61: {  	_ =	shalt  }
0x62: {  	_ =	shalt  }
0x63: {  	_ =	shalt  }
0x64: {  	_ =	shalt  }
0x65: {  	_ =	shalt  }
0x66: {  	_ =	shalt  }
0x67: {  	_ =	shalt  }
0x68: {  	_ =	shalt  }
0x69: {  	_ =	shalt  }
0x6a: {  	_ =	shalt  }
0x6b: {  	_ =	shalt  }
0x6c: {  	_ =	shalt  }
0x6d: {  	_ =	shalt  }
0x6e: {  	_ =	shalt  }
0x6f: {  	_ =	shalt  }
0x70: {  	_ =	shalt  }
0x71: {  	_ =	shalt  }
0x72: {  	_ =	shalt  }
0x73: {  	_ =	shalt  }
0x74: {  	_ =	shalt  }
0x75: {  	_ =	shalt  }
0x76: {  	_ =	shalt  }
0x77: {  	_ =	shalt  }
0x78: {  	_ =	shalt  }
0x79: {  	_ =	shalt  }
0x7a: {  	_ =	shalt  }
0x7b: {  	_ =	shalt  }
0x7c: {  	_ =	shalt  }
0x7d: {  	_ =	shalt  }
0x7e: {  	_ =	shalt  }
0x7f: {  	_ =	shalt  }
0x80: {  	_ =	shalt  }
0x81: {  	_ =	shalt  }
0x82: {  	_ =	shalt  }
0x83: {  	_ =	shalt  }
0x84: {  	_ =	shalt  }
0x85: {  	_ =	shalt  }
0x86: {  	_ =	shalt  }
0x87: {  	_ =	shalt  }
.Lfunc_end0:
.L_simem_size_0:
called_computation.5_lowered:
.L_overlay_start_0:
0x88: {  	s2 =	sld [smem:$0x3FD9]  }
0x89: {  	s3 =	sld [smem:$0x3FFE];
	_ =	sdelay $0x1  }
0x8a: {  	s1 =	srdreg.scid  }
0x8b: {  	s0 =	sand.u32 $0x1, s1  }
0x8c: {  	s16 =	sshll.u32 s0, $0xA;
	s2 =	sadd.s32 s3, s2  }
0x8d: {  	s2 =	sadd.s32 s2, s16  }
0x8e: {  	[smem:$0x3FA8] =	sst s2  }
0x8f: {  	_ = 	snop  }
0x90: {  	(tm) =	ssettm $0x1  }
0x91: {  	s17 =	sld [smem:$0x3FFB];
	_ =	sdelay $0x3  }
0x92: {  	_ =	strace s17  }
0x93: {  	s2 =	sld [smem:$0x3FFC];
	_ =	sdelay $0x3  }
0x94: {  	_ =	strace s2  }
0x95: {  	s2 =	sld [smem:$0x3FFD];
	_ =	sdelay $0x3  }
0x96: {  	_ =	strace s2  }
0x97: {  	_ =	strace $0x8FFFFFFF  }
0x98: {  	s18 =	sld [smem:$0x3FDB];
	_ =	sdelay $0x1  }
0x99: {  	s19 =	simm.s32 $_scs_section_size  }
0x9a: {  	s4 =	simm.s32 $_size__tile_overlayer_lowered;
	s5 =	simm.s32 $_tile_overlayer_lowered  }
0x9b: {  	s22 =	simm.s32 $0x1BFF;
	s21 =	sshll.u32 s5, $0x1;
	s2 =	sadd.s32 s19, s18  }
0x9c: {  	s6 =	simm.s32 $0x0;
	s20 =	sshll.u32 s4, $0x1;
	s4 =	sadd.s32 s21, s2  }
0x9d: {  	[timem:s6], [sflag:s22] =	dma.local [hbm:s4], s20  }
0x9e: {  	_ =	swait.ge [sflag:s22], s20  }
0x9f: {  	s3 =	ssub.s32 $0x0, s20;
	[sflag:s22] =	ssyncset.done $0x0  }
0xa0: {  	[sflag:s22] =	ssyncadd.s32 s3;
	_ =	sdelay $0x1  }
0xa1: {  	s23 =	simm.s32 $0x1B8B  }
0xa2: {  	_ =	swait.ge [sflag:s23], $0x1  }
0xa3: {  	[sflag:s23] =	ssyncset.done $0x0  }
0xa4: {  	s25 =	simm.s32 $0x1B8E;
	s24 =	sld [smem:$0x3FFE];
	[sflag:s23] =	ssyncadd.s32 $0xFFFFFFFF  }
0xa5: {  	s26 =	simm.s32 $execute0_lowered;
	[smem:$0x3FD2] =	sst s25  }
0xa6: {  	s4 =	sshll.u32 s26, $0x1;
	_ =	strace $0x80000052;
	[dreg:$0x1] =	wrdreg $0xFFFFFFFF  }
0xa7: {  	s28 =	simm.s32 $_size_execute0_lowered;
	s2 =	sadd.s32 s2, s4;
	[dreg:$0x0] =	wrdreg $0x0  }
0xa8: {  	s4 =	sshll.u32 s28, $0x1;
	[dreg:$0x2] =	wrdreg s2  }
0xa9: {  	[dreg:$0x3] =	wrdreg s4  }
0xaa: {  	[dreg:$0x4] =	wrdreg $0xC0  }
0xab: {  	_ =	task [dreg:s6], $0x5FFFF  }
0xac: {  	[dreg:$0x1] =	wrdreg $0xFFFFFFFF  }
0xad: {  	[dreg:$0x0] =	wrdreg $0x60  }
0xae: {  	[dreg:$0x2] =	wrdreg s24  }
0xaf: {  	[dreg:$0x3] =	wrdreg $0xA  }
0xb0: {  	_ =	task.clear_ibuf [dreg:s6], $0x4FFFF;
	_ =	strace $0x90000052  }
0xb1: {  	s29 =	simm.s32 $0xA;
	_ =	strace $0x80000054  }
0xb2: {  	_ =	swait.ge [sflag:s29], $0x1  }
0xb3: {  	[sflag:s29] =	ssyncadd.s32 $0xFFFFFFFF  }
0xb4: {  	_ =	strace $0x90000054  }
0xb5: {  	_ =	sfence  }
0xb6: {  	s30 =	sld [smem:$0x0];
	_ =	sdelay $0x2  }
0xb7: {  	s31 =	sshll.u32 s1, $0xD;
	s1 =	sshrl.u32 s1, $0x2  }
0xb8: {  	s3 =	sand.u32 $0x4000, s31;
	s1 =	sadd.s32 s1, s30  }
0xb9: {  	s0 =	sor.u32 s3, s0;
	s1 =	sshll.u32 s1, $0x11  }
0xba: {  	s0 =	sor.u32 s1, s0  }
0xbb: {  	s0 =	sadd.s32 $0x8F2B, s0  }
0xbc: {  	[sflag:s0] =	ssyncadd.remote.s32 $0x1  }
0xbd: {  	_ =	sfence.sel $0xFFFF  }
0xbe: {  	[dreg:$0x0] =	wrdreg $0xFFFFFFFF;
	(pc) =	sbr.abs _section_cstart, $3  }
0xbf: {  	[dreg:$0x1] =	wrdreg $0xFFFFFFFF  }
0xc0: {  	_ =	task.clear_ibuf [dreg:s6], $0x2FFFF;
	_ =	strace $0x9FFFFFFF  }
0xc1: {  	(tm) =	ssettm $0x7FFFFFFF  }
tec
execute0_lowered:
.L_overlay_start_1:
0x0: {  	(tag) =	ssettag $0x1  }
0x1: {  	s1 =	srdreg.scid;
	s0 =	stileid.u32  }
0x2: {  	s16 =	sand.u32 $0x1, s1;
	s29 =	sshll.u32 s0, $0x1  }
0x3: {  	s17 =	sor.u32 s16, s29  }
0x4: {  	s18 =	rddreg [dreg:$0x0];
	s3 =	smul.u32 $0x50, s17  }
0x5: {  	s2 =	simm.s32 $0x0;
	s1 =	rddreg [dreg:$0x1]  }
0x6: {  	[smem:$0x7FF] =	sst s2;
	s3 =	sadd.s32 s3, s18  }
0x7: {  	_ =	strace $0x80000053;
	s4 =	sadd.s32 $0xA7C00, s3;
	s3 =	simm.s32 $0x2  }
0x8: {  	[tilespmem:s2], [sflag:$0x2] =	stream.linear.gather [hbm4b:s4+s2], $0x280, $0x38;
	[tilespmem:$0x14280] =	vst v63  }
0x9: {  	_ =	swait.ge [sflag:s3], $0x280  }
0xa: {  	s6 =	simm.s32 $0x80;
	[sflag:s3] =	ssyncset.done $0x0  }
0xb: {  	s7 =	simm.s32 $0x280;
	s5 =	sadd.s32 $0x8D000, s18;
	[sflag:s3] =	ssyncadd.s32 $0xFFFFFD80  }
0xc: {  	[tilespmem:s7], [sflag:$0x1] =	stream.indirect.gather [hbm4b:s5+s6], $0x80, s2, s6, $0xb8;
	[tilespmem:$0x14280] =	vst v63  }
0xd: {  	s8 =	simm.s32 $0x4280  }
0xe: {  	[tilespmem:s8], [sflag:$0x1] =	stream.indirect.gather [hbm4b:s5+s6], $0x80, s6, s6, $0xb8;
	[tilespmem:$0x14280] =	vst v63  }
0xf: {  	s9 =	simm.s32 $0x100;
	s10 =	simm.s32 $0x8280  }
0x10: {  	[tilespmem:s10], [sflag:$0x1] =	stream.indirect.gather [hbm4b:s5+s6], $0x80, s9, s6, $0xb8;
	[tilespmem:$0x14280] =	vst v63  }
0x11: {  	s11 =	simm.s32 $0x180;
	s12 =	simm.s32 $0xC280  }
0x12: {  	[tilespmem:s12], [sflag:$0x1] =	stream.indirect.gather [hbm4b:s5+s6], $0x80, s11, s6, $0xb8;
	[tilespmem:$0x14280] =	vst v63  }
0x13: {  	s13 =	simm.s32 $0x200;
	s14 =	simm.s32 $0x10280;
	s15 =	simm.s32 $0x1  }
0x14: {  	[tilespmem:s14], [sflag:$0x1] =	stream.indirect.gather [hbm4b:s5+s6], $0x80, s13, s6, $0xb8;
	[tilespmem:$0x14280] =	vst v63  }
0x15: {  	_ =	swait.ge [sflag:s15], $0x4000  }
0x16: {  	[sflag:s15] =	ssyncset.done $0x0  }
0x17: {  	[sflag:s15] =	ssyncadd.s32 $0xFFFFC000  }
0x18: {  	_ =	swait.ge [sflag:s15], $0x4000  }
0x19: {  	[sflag:s15] =	ssyncset.done $0x0  }
0x1a: {  	[sflag:s15] =	ssyncadd.s32 $0xFFFFC000  }
0x1b: {  	_ =	swait.ge [sflag:s15], $0x4000  }
0x1c: {  	[sflag:s15] =	ssyncset.done $0x0  }
0x1d: {  	s16 =	ssub.s32 $0x2, s16;
	[sflag:s15] =	ssyncadd.s32 $0xFFFFC000  }
0x1e: {  	s19 =	sshrl.u32 s16, $0x1;
	_ =	swait.ge [sflag:s15], $0x4000  }
0x1f: {  	s30 =	ssub.s32 s16, s19;
	[sflag:s15] =	ssyncset.done $0x0  }
0x20: {  	s17 =	smul.u32 $0x2800, s17;
	s31 =	smax.u32 s30, $0x1;
	[sflag:s15] =	ssyncadd.s32 $0xFFFFC000  }
0x21: {  	p0 =	sne.s32 s31, $0x1;
	_ =	swait.ge [sflag:s15], $0x4000  }
.Ltmp0:
0x22: {  	s17 =	sadd.s32 s17, s18;
	[sflag:s15] =	ssyncset.done $0x0;
	(pc) =	sbr.rel @!p0 .LBB2_2-.Ltmp0, $4  }
0x23: {  	s16 =	sadd.s32 $0xB800, s17;
	[sflag:s15] =	ssyncadd.s32 $0xFFFFC000  }
0x24: {  	[hbm4b:s16+s2] =	stream.linear.scatter [tilespmem:s7], [sflag:$0x2], $0x14000, $0x38;
	[tilespmem:$0x14280] =	vst v63  }
0x25: {  	_ =	swait.ge [sflag:s3], $0x14000  }
0x26: {  	s17 =	sadd.s32 $0xFFFFFFFF, s31;
	[sflag:s3] =	ssyncset.done $0x0  }
.LBB2_1:
0x27: {  	p0 =	sne.s32 s17, $0x1;
	s17 =	sadd.s32 $0xFFFFFFFF, s17;
	[sflag:s3] =	ssyncadd.s32 $0xFFFEC000  }
0x28: {  	[tilespmem:s2], [sflag:$0x2] =	stream.linear.gather [hbm4b:s4+s2], $0x280, $0x38;
	[tilespmem:$0x14280] =	vst v63  }
0x29: {  	_ =	swait.ge [sflag:s3], $0x280  }
0x2a: {  	[sflag:s3] =	ssyncset.done $0x0  }
0x2b: {  	[sflag:s3] =	ssyncadd.s32 $0xFFFFFD80  }
0x2c: {  	[tilespmem:s7], [sflag:$0x1] =	stream.indirect.gather [hbm4b:s5+s6], $0x80, s2, s6, $0xb8;
	[tilespmem:$0x14280] =	vst v63  }
0x2d: {  	_ = 	snop  }
0x2e: {  	[tilespmem:s8], [sflag:$0x1] =	stream.indirect.gather [hbm4b:s5+s6], $0x80, s6, s6, $0xb8;
	[tilespmem:$0x14280] =	vst v63  }
0x2f: {  	_ = 	snop  }
0x30: {  	[tilespmem:s10], [sflag:$0x1] =	stream.indirect.gather [hbm4b:s5+s6], $0x80, s9, s6, $0xb8;
	[tilespmem:$0x14280] =	vst v63  }
0x31: {  	_ = 	snop  }
0x32: {  	[tilespmem:s12], [sflag:$0x1] =	stream.indirect.gather [hbm4b:s5+s6], $0x80, s11, s6, $0xb8;
	[tilespmem:$0x14280] =	vst v63  }
0x33: {  	_ = 	snop  }
0x34: {  	[tilespmem:s14], [sflag:$0x1] =	stream.indirect.gather [hbm4b:s5+s6], $0x80, s13, s6, $0xb8;
	[tilespmem:$0x14280] =	vst v63  }
0x35: {  	_ =	swait.ge [sflag:s15], $0x4000  }
0x36: {  	[sflag:s15] =	ssyncset.done $0x0  }
0x37: {  	[sflag:s15] =	ssyncadd.s32 $0xFFFFC000  }
0x38: {  	_ =	swait.ge [sflag:s15], $0x4000  }
0x39: {  	[sflag:s15] =	ssyncset.done $0x0  }
0x3a: {  	[sflag:s15] =	ssyncadd.s32 $0xFFFFC000  }
0x3b: {  	_ =	swait.ge [sflag:s15], $0x4000  }
0x3c: {  	[sflag:s15] =	ssyncset.done $0x0  }
0x3d: {  	[sflag:s15] =	ssyncadd.s32 $0xFFFFC000  }
0x3e: {  	_ =	swait.ge [sflag:s15], $0x4000  }
0x3f: {  	[sflag:s15] =	ssyncset.done $0x0  }
0x40: {  	[sflag:s15] =	ssyncadd.s32 $0xFFFFC000  }
0x41: {  	_ =	swait.ge [sflag:s15], $0x4000  }
.Ltmp1:
0x42: {  	[sflag:s15] =	ssyncset.done $0x0;
	(pc) =	sbr.rel @p0 .LBB2_1-.Ltmp1, $4  }
0x43: {  	[sflag:s15] =	ssyncadd.s32 $0xFFFFC000  }
0x44: {  	[hbm4b:s16+s2] =	stream.linear.scatter [tilespmem:s7], [sflag:$0x2], $0x14000, $0x38;
	[tilespmem:$0x14280] =	vst v63  }
0x45: {  	_ =	swait.ge [sflag:s3], $0x14000  }
0x46: {  	[sflag:s3] =	ssyncset.done $0x0  }
.LBB2_2:
0x47: {  	[sflag:s3] =	ssyncadd.s32 $0xFFFEC000  }
0x48: {  	_ =	sfence.sel $0x180000  }
0x49: {  	[bflag:$0x0] =	sbarrier.arrive $0xFFFF  }
0x4a: {  	p0 =	sne.s32 s0, $0x0;
	_ =	strace $0x90000053  }
0x4b: {  	s0 =	sadd.s32 @!p0 $0x100000, s1;
	[bflag:$0x2] =	sbarrier.arrive $0xFFFF  }
0x4c: {  	[sflag:s0] =	ssyncadd.tile.s32 @!p0 $0x1;
	_ =	shalt  }
.Lfunc_end2:
_tile_overlayer_lowered:
.L_overlay_start_2:
0x4d: {  	(tag) =	ssettag $0x2  }
0x4e: {  	s0 =	rddreg [dreg:$0x0];
	s2 =	stileid.u32  }
0x4f: {  	s1 =	rddreg [dreg:$0x1];
	p0 =	sne.s32 s2, $0x0  }
0x50: {  	s3 =	rddreg [dreg:$0x2];
	[bflag:$0x3] =	sbarrier.arrive $0xFFFF;
	s2 =	simm.s32 @!p0 $0x1C02  }
0x51: {  	[timem:s3], [sflag:s2] =	dma.local @!p0 [hbm:s0], s1  }
0x52: {  	s0 =	simm.s32 @!p0 $0x2  }
0x53: {  	_ =	swait.ge @!p0 [sflag:s0], s1  }
0x54: {  	s1 =	ssub.s32 @!p0 $0x0, s1;
	[sflag:s0] =	ssyncset.done @!p0 $0x0  }
0x55: {  	[sflag:s0] =	ssyncadd.s32 @!p0 s1  }
0x56: {  	[bflag:$0x3] =	sbarrier.arrive $0xFFFF  }
0x57: {  	_ =	shalt  }

// kernel: kernel.43.cloned.1.call-start
scs
__scs_entry_jumppad:
0x0: {  	(pc) =	sbr.rel $0x88, $3  }
0x1: {  	(tag) =	ssettag $0x0;
	lr =	simm.s32 $0x1  }
0x2: {  	[smem:$0x3F81] =	sst lr;
	_ =	strace $0xD0000000  }
0x3: {  	_ = 	snop  }
0x4: {  	_ = 	snop  }
0x5: {  	_ = 	snop  }
0x6: {  	_ = 	snop  }
0x7: {  	_ = 	snop  }
__scs_overlays_trampoline_lowered:
0x8: {  	[smem:$0x3F90] =	sst s0  }
0x9: {  	[smem:$0x3F91] =	sst s1  }
0xa: {  	[smem:$0x3F92] =	sst s2  }
0xb: {  	[smem:$0x3F93] =	sst s3  }
0xc: {  	[smem:$0x3F94] =	sst s4  }
0xd: {  	[smem:$0x3F95] =	sst s5  }
0xe: {  	[smem:$0x3F96] =	sst s6  }
0xf: {  	[smem:$0x3F97] =	sst s7  }
0x10: {  	[smem:$0x3F98] =	sst s8  }
0x11: {  	[smem:$0x3F99] =	sst s9;
	s0 =	simm.s32 @!p0 $0x0  }
0x12: {  	s1 =	sld [smem:$0x3F7F];
	s0 =	simm.s32 @p0 $0x1  }
0x13: {  	[smem:$0x3F9A] =	sst s0;
	s0 =	simm.s32 @!p1 $0x0  }
0x14: {  	s2 =	sld [smem:$0x3F7E];
	s0 =	simm.s32 @p1 $0x1  }
0x15: {  	[smem:$0x3F9B] =	sst s0;
	s0 =	simm.s32 @!p2 $0x0  }
0x16: {  	s3 =	sld [smem:$0x3FDB];
	s0 =	simm.s32 @p2 $0x1  }
0x17: {  	s4 =	simm.s32 $0x1BF5;
	[smem:$0x3F9D] =	sst s0  }
0x18: {  	s0 =	sld [smem:$0x3F80];
	_ =	swait.ge [sflag:s4], $0x0  }
0x19: {  	s7 =	sld [smem:$0x3F81]  }
0x1a: {  	s8 =	sadd.s32 $0xFFFFE003, lr  }
0x1b: {  	s9 =	sadd.s32 $0xFFFFFEF7, lr;
	s5 =	simm.s32 $0xFFFFFFFF;
	p2 =	slt.u32 s8, $0xFFFFF086  }
0x1c: {  	p1 =	slt.u32 s9, $0xF7A;
	s5 =	simm.s32 @!p2 $0x0  }
0x1d: {  	s5 =	simm.s32 @p1 $0x1;
	p0 =	seq.s32 s7, s2  }
0x1e: {  	s7 =	smul.u32 @!p0 $0xF7A, s2;
	p2 =	seq.s32 @!p0 s5, $0x0  }
0x1f: {  	s9 =	smul.u32 $0xF7A, s1;
	s8 =	simm.s32 @!p0 $0x1BF5;
	p2 =	por !p2, p0  }
0x20: {  	[sflag:s8] =	ssyncset.s32 @!p0 $0xFFFFF086;
	s6 =	sadd.s32 @!p0 s3, s7;
	s7 =	simm.s32 @!p0 $0x108  }
0x21: {  	s3 =	sadd.s32 s3, s9;
	s6 =	sadd.s32 @!p0 $0x88, s6;
	s7 =	simm.s32 @p2 $0x1082  }
0x22: {  	[simem:s7], [sflag:s8] =	dma.local @!p0 [hbm:s6], $0xF7A  }
0x23: {  	s9 =	sor.u32 $0xD0000000, s2;
	s6 =	simm.s32 $0x108;
	_ =	swait.ge @!p0 [sflag:s8], $0x0  }
0x24: {  	s3 =	sadd.s32 $0x88, s3;
	s6 =	simm.s32 @!p1 $0x1082;
	[sflag:s4] =	ssyncset.s32 $0xFFFFF086  }
0x25: {  	[simem:s6], [sflag:s4] =	dma.local [hbm:s3], $0xF7A  }
0x26: {  	[smem:$0x3F81] =	sst s1;
	(tag) =	ssettag s2;
	_ =	strace s9  }
0x27: {  	s1 =	sld [smem:$0x3F91]  }
0x28: {  	s2 =	sld [smem:$0x3F92]  }
0x29: {  	s4 =	sld [smem:$0x3F94]  }
0x2a: {  	p0 =	seq.s32 s5, $0x0;
	s5 =	sld [smem:$0x3F95]  }
0x2b: {  	s6 =	sld [smem:$0x3F96]  }
0x2c: {  	s7 =	sld [smem:$0x3F97]  }
0x2d: {  	s3 =	simm.s32 $0x108;
	s8 =	sld [smem:$0x3F98]  }
0x2e: {  	s3 =	simm.s32 @!p0 $0x1082;
	s9 =	sld [smem:$0x3F99]  }
0x2f: {  	lr =	sadd.s32 s0, s3;
	s0 =	sld [smem:$0x3F90]  }
0x30: {  	s3 =	sld [smem:$0x3F93]  }
0x31: {  	[smem:$0x3F9C] =	sst s10  }
0x32: {  	s10 =	sld [smem:$0x3F9A];
	_ =	sdelay $0x3  }
0x33: {  	p0 =	seq.s32 s10, $0x1;
	s10 =	sld [smem:$0x3F9C];
	_ =	sdelay $0x3  }
0x34: {  	[smem:$0x3F9C] =	sst s10  }
0x35: {  	s10 =	sld [smem:$0x3F9B];
	_ =	sdelay $0x3  }
0x36: {  	p1 =	seq.s32 s10, $0x1;
	s10 =	sld [smem:$0x3F9C];
	_ =	sdelay $0x3  }
0x37: {  	[smem:$0x3F9C] =	sst s10  }
0x38: {  	s10 =	sld [smem:$0x3F9D]  }
0x39: {  	_ = 	snop;
	(pc) =	sbr.ind lr, $3  }
0x3a: {  	_ = 	snop  }
0x3b: {  	_ = 	snop  }
0x3c: {  	p2 =	seq.s32 s10, $0x1;
	s10 =	sld [smem:$0x3F9C]  }
0x3d: {  	_ =	shalt  }
0x3e: {  	_ =	shalt  }
0x3f: {  	_ =	shalt  }
0x40: {  	_ =	shalt  }
0x41: {  	_ =	shalt  }
0x42: {  	_ =	shalt  }
0x43: {  	_ =	shalt  }
0x44: {  	_ =	shalt  }
0x45: {  	_ =	shalt  }
0x46: {  	_ =	shalt  }
0x47: {  	_ =	shalt  }
0x48: {  	_ =	shalt  }
0x49: {  	_ =	shalt  }
0x4a: {  	_ =	shalt  }
0x4b: {  	_ =	shalt  }
0x4c: {  	_ =	shalt  }
0x4d: {  	_ =	shalt  }
0x4e: {  	_ =	shalt  }
0x4f: {  	_ =	shalt  }
0x50: {  	_ =	shalt  }
0x51: {  	_ =	shalt  }
0x52: {  	_ =	shalt  }
0x53: {  	_ =	shalt  }
0x54: {  	_ =	shalt  }
0x55: {  	_ =	shalt  }
0x56: {  	_ =	shalt  }
0x57: {  	_ =	shalt  }
0x58: {  	_ =	shalt  }
0x59: {  	_ =	shalt  }
0x5a: {  	_ =	shalt  }
0x5b: {  	_ =	shalt  }
0x5c: {  	_ =	shalt  }
0x5d: {  	_ =	shalt  }
0x5e: {  	_ =	shalt  }
0x5f: {  	_ =	shalt  }
0x60: {  	_ =	shalt  }
0x61: {  	_ =	shalt  }
0x62: {  	_ =	shalt  }
0x63: {  	_ =	shalt  }
0x64: {  	_ =	shalt  }
0x65: {  	_ =	shalt  }
0x66: {  	_ =	shalt  }
0x67: {  	_ =	shalt  }
0x68: {  	_ =	shalt  }
0x69: {  	_ =	shalt  }
0x6a: {  	_ =	shalt  }
0x6b: {  	_ =	shalt  }
0x6c: {  	_ =	shalt  }
0x6d: {  	_ =	shalt  }
0x6e: {  	_ =	shalt  }
0x6f: {  	_ =	shalt  }
0x70: {  	_ =	shalt  }
0x71: {  	_ =	shalt  }
0x72: {  	_ =	shalt  }
0x73: {  	_ =	shalt  }
0x74: {  	_ =	shalt  }
0x75: {  	_ =	shalt  }
0x76: {  	_ =	shalt  }
0x77: {  	_ =	shalt  }
0x78: {  	_ =	shalt  }
0x79: {  	_ =	shalt  }
0x7a: {  	_ =	shalt  }
0x7b: {  	_ =	shalt  }
0x7c: {  	_ =	shalt  }
0x7d: {  	_ =	shalt  }
0x7e: {  	_ =	shalt  }
0x7f: {  	_ =	shalt  }
0x80: {  	_ =	shalt  }
0x81: {  	_ =	shalt  }
0x82: {  	_ =	shalt  }
0x83: {  	_ =	shalt  }
0x84: {  	_ =	shalt  }
0x85: {  	_ =	shalt  }
0x86: {  	_ =	shalt  }
0x87: {  	_ =	shalt  }
.Lfunc_end0:
.L_simem_size_0:
called_computation.6_lowered:
.L_overlay_start_0:
0x88: {  	s2 =	sld [smem:$0x3FD9]  }
0x89: {  	s3 =	sld [smem:$0x3FFE];
	_ =	sdelay $0x1  }
0x8a: {  	s1 =	srdreg.scid  }
0x8b: {  	s0 =	sand.u32 $0x1, s1  }
0x8c: {  	s17 =	sshll.u32 s0, $0xA;
	s2 =	sadd.s32 s3, s2  }
0x8d: {  	s2 =	sadd.s32 s2, s17  }
0x8e: {  	[smem:$0x3FA8] =	sst s2  }
0x8f: {  	_ = 	snop  }
0x90: {  	(tm) =	ssettm $0x1  }
0x91: {  	s18 =	sld [smem:$0x3FFB];
	_ =	sdelay $0x3  }
0x92: {  	_ =	strace s18  }
0x93: {  	s2 =	sld [smem:$0x3FFC];
	_ =	sdelay $0x3  }
0x94: {  	_ =	strace s2  }
0x95: {  	s2 =	sld [smem:$0x3FFD];
	_ =	sdelay $0x3  }
0x96: {  	_ =	strace s2  }
0x97: {  	_ =	strace $0x8FFFFFFF  }
0x98: {  	s19 =	sld [smem:$0x3FDB];
	_ =	sdelay $0x1  }
0x99: {  	s20 =	simm.s32 $_scs_section_size  }
0x9a: {  	s4 =	simm.s32 $_size__tile_overlayer_lowered;
	s5 =	simm.s32 $_tile_overlayer_lowered  }
0x9b: {  	s6 =	simm.s32 $0x1BFF;
	s21 =	sshll.u32 s5, $0x1;
	s3 =	sadd.s32 s20, s19  }
0x9c: {  	s22 =	simm.s32 $0x0;
	s4 =	sshll.u32 s4, $0x1;
	s5 =	sadd.s32 s21, s3  }
0x9d: {  	[timem:s22], [sflag:s6] =	dma.local [hbm:s5], s4  }
0x9e: {  	_ =	swait.ge [sflag:s6], s4  }
0x9f: {  	s4 =	ssub.s32 $0x0, s4;
	[sflag:s6] =	ssyncset.done $0x0  }
0xa0: {  	[sflag:s6] =	ssyncadd.s32 s4;
	_ =	sdelay $0x1  }
0xa1: {  	s23 =	simm.s32 $0x1B8B  }
0xa2: {  	_ =	swait.ge [sflag:s23], $0x1  }
0xa3: {  	[sflag:s23] =	ssyncset.done $0x0  }
0xa4: {  	[sflag:s23] =	ssyncadd.s32 $0xFFFFFFFF  }
0xa5: {  	s4 =	sld [smem:$0x0]  }
0xa6: {  	s5 =	sand.u32 $0xFFFFFFFE, s1  }
0xa7: {  	p0 =	sne.s32 s1, s5  }
0xa8: {  	s5 =	sshll.u32 @p0 s5, $0xE  }
0xa9: {  	s5 =	sadd.s32 @p0 $0x11B8D, s5;
	s6 =	sshll.u32 @p0 s4, $0x11  }
0xaa: {  	s5 =	sor.u32 @p0 s6, s5  }
0xab: {  	[sflag:s5] =	ssyncadd.remote.s32 @p0 $0x1;
	_ =	sdelay $0x1  }
0xac: {  	s5 =	simm.s32 @p0 $0x1B8D  }
0xad: {  	_ =	swait.eq @p0 [sflag:s5], $0x1  }
0xae: {  	[sflag:s5] =	ssyncadd.s32 @p0 $0xFFFFFFFF  }
0xaf: {  	s6 =	sshll.u32 @!p0 s1, $0xE  }
0xb0: {  	s6 =	sor.u32 @!p0 $0x4000, s6;
	s5 =	simm.s32 @!p0 $0x1B8D  }
0xb1: {  	s4 =	sshll.u32 @!p0 s4, $0x11;
	s6 =	sadd.s32 @!p0 $0x11B8D, s6;
	_ =	swait.eq @!p0 [sflag:s5], $0x1  }
0xb2: {  	s4 =	sor.u32 @!p0 s4, s6;
	[sflag:s5] =	ssyncadd.s32 @!p0 $0xFFFFFFFF  }
0xb3: {  	s25 =	simm.s32 $0x1B8E;
	s24 =	sld [smem:$0x3FFE];
	[sflag:s4] =	ssyncadd.remote.s32 @!p0 $0x1  }
0xb4: {  	s26 =	simm.s32 $execute0_lowered;
	[smem:$0x3FD2] =	sst s25  }
0xb5: {  	s5 =	sshll.u32 s26, $0x1;
	_ =	strace $0x8000005B;
	[dreg:$0x1] =	wrdreg $0xFFFFFFFF  }
0xb6: {  	s28 =	simm.s32 $_size_execute0_lowered;
	s3 =	sadd.s32 s3, s5;
	[dreg:$0x0] =	wrdreg $0x0  }
0xb7: {  	s5 =	sshll.u32 s28, $0x1;
	[dreg:$0x2] =	wrdreg s3  }
0xb8: {  	[dreg:$0x3] =	wrdreg s5  }
0xb9: {  	[dreg:$0x4] =	wrdreg $0xC0  }
0xba: {  	_ =	task [dreg:s22], $0x5FFFF  }
0xbb: {  	[dreg:$0x1] =	wrdreg $0xFFFFFFFF  }
0xbc: {  	[dreg:$0x0] =	wrdreg $0x60  }
0xbd: {  	[dreg:$0x2] =	wrdreg s24  }
0xbe: {  	[dreg:$0x3] =	wrdreg $0x142800  }
0xbf: {  	[dreg:$0x4] =	wrdreg $0x9  }
0xc0: {  	_ =	task.clear_ibuf [dreg:s22], $0x5FFFF;
	_ =	strace $0x9000005B  }
0xc1: {  	s29 =	simm.s32 $0x9;
	_ =	strace $0x8000005D  }
0xc2: {  	_ =	swait.ge [sflag:s29], $0x1  }
0xc3: {  	[sflag:s29] =	ssyncadd.s32 $0xFFFFFFFF  }
0xc4: {  	_ =	strace $0x9000005D  }
0xc5: {  	_ =	sfence  }
0xc6: {  	s30 =	sld [smem:$0x0];
	_ =	sdelay $0x2  }
0xc7: {  	s31 =	sshll.u32 s1, $0xD;
	s1 =	sshrl.u32 s1, $0x2  }
0xc8: {  	s4 =	sand.u32 $0x4000, s31;
	s1 =	sadd.s32 s1, s30  }
0xc9: {  	s0 =	sor.u32 s4, s0;
	s1 =	sshll.u32 s1, $0x11  }
0xca: {  	s0 =	sor.u32 s1, s0  }
0xcb: {  	s0 =	sadd.s32 $0x8F2B, s0  }
0xcc: {  	[sflag:s0] =	ssyncadd.remote.s32 $0x1  }
0xcd: {  	_ =	sfence.sel $0xFFFF  }
0xce: {  	[dreg:$0x0] =	wrdreg $0xFFFFFFFF;
	(pc) =	sbr.abs _section_cstart, $3  }
0xcf: {  	[dreg:$0x1] =	wrdreg $0xFFFFFFFF  }
0xd0: {  	_ =	task.clear_ibuf [dreg:s22], $0x2FFFF;
	_ =	strace $0x9FFFFFFF  }
0xd1: {  	(tm) =	ssettm $0x7FFFFFFF  }
tec
execute0_lowered:
.L_overlay_start_1:
0x0: {  	(tag) =	ssettag $0x1  }
0x1: {  	s19 =	rddreg [dreg:$0x0]  }
0x2: {  	s2 =	rddreg [dreg:$0x1];
	s1 =	stileid.u32  }
0x3: {  	s0 =	rddreg [dreg:$0x2];
	s3 =	simm.s32 $0x0;
	s5 =	srdreg.scid  }
0x4: {  	s4 =	smul.u32 $0xA000, s1;
	[smem:$0x7FF] =	sst s3  }
0x5: {  	s20 =	sand.u32 $0x1, s5;
	s25 =	sshll.u32 s1, $0x1;
	s29 =	sshll.u32 s1, $0x6  }
0x6: {  	_ =	strace $0x8000005C;
	s8 =	sor.u32 s20, s25;
	s6 =	sshrl.u32 s4, $0x3  }
0x7: {  	s5 =	sor.u32 $0x1C01, s29;
	s28 =	sadd.s32 s4, s2;
	s26 =	sadd.s32 s6, s19  }
0x8: {  	s7 =	sshrl.u32 s28, $0x3;
	s6 =	simm.s32 $0x1;
	s4 =	sadd.s32 $0x79000, s26  }
0x9: {  	[spmem:s7], [sflag:s5] =	dma.local [hbm:s4], $0x1400  }
0xa: {  	s9 =	smul.u32 $0x50, s8;
	_ =	swait.ge [sflag:s6], $0x1400  }
0xb: {  	[sflag:s6] =	ssyncset.done $0x0  }
0xc: {  	s9 =	sadd.s32 s9, s19;
	[sflag:s6] =	ssyncadd.s32 $0xFFFFEC00  }
0xd: {  	s10 =	smul.u32 $0x2800, s8;
	s8 =	sadd.s32 $0x6FC00, s9;
	[bflag:$0x0] =	sbarrier.arrive $0xFFFF  }
0xe: {  	[tilespmem:s3], [sflag:$0x1] =	stream.linear.gather [hbm4b:s8+s3], $0x280, $0x38;
	[tilespmem:$0x1E280] =	vst v63  }
0xf: {  	_ =	swait.ge [sflag:s6], $0x280  }
0x10: {  	s30 =	sadd.s32 s10, s19;
	[sflag:s6] =	ssyncset.done $0x0  }
0x11: {  	s10 =	simm.s32 $0x280;
	s9 =	sadd.s32 $0xF8600, s30;
	[sflag:s6] =	ssyncadd.s32 $0xFFFFFD80  }
0x12: {  	[tilespmem:s10], [sflag:$0x1] =	stream.linear.gather [hbm4b:s9+s3], $0x14000, $0x38;
	[tilespmem:$0x1E280] =	vst v63  }
0x13: {  	_ =	swait.ge [sflag:s6], $0x14000  }
0x14: {  	[sflag:s6] =	ssyncset.done $0x0  }
0x15: {  	s11 =	simm.s32 $0x80;
	[sflag:s6] =	ssyncadd.s32 $0xFFFEC000  }
0x16: {  	[spmem:s2] =	stream.indirect.scatter.add.f32 [tilespmem:s10], [sflag:$0x1], $0x80, s3, s11, $0xb8;
	[tilespmem:$0x1E280] =	vst v63  }
0x17: {  	_ =	swait.ge [sflag:s6], $0x4000  }
0x18: {  	[sflag:s6] =	ssyncset.done $0x0  }
0x19: {  	s12 =	simm.s32 $0x4280;
	[sflag:s6] =	ssyncadd.s32 $0xFFFFC000  }
0x1a: {  	[spmem:s2] =	stream.indirect.scatter.add.f32 [tilespmem:s12], [sflag:$0x1], $0x80, s11, s11, $0xb8;
	[tilespmem:$0x1E280] =	vst v63  }
0x1b: {  	_ =	swait.ge [sflag:s6], $0x4000  }
0x1c: {  	[sflag:s6] =	ssyncset.done $0x0  }
0x1d: {  	s13 =	simm.s32 $0x100;
	s14 =	simm.s32 $0x8280;
	[sflag:s6] =	ssyncadd.s32 $0xFFFFC000  }
0x1e: {  	[spmem:s2] =	stream.indirect.scatter.add.f32 [tilespmem:s14], [sflag:$0x1], $0x80, s13, s11, $0xb8;
	[tilespmem:$0x1E280] =	vst v63  }
0x1f: {  	_ =	swait.ge [sflag:s6], $0x4000  }
0x20: {  	s15 =	simm.s32 $0x180;
	[sflag:s6] =	ssyncset.done $0x0  }
0x21: {  	s16 =	simm.s32 $0xC280;
	s17 =	simm.s32 $0x200;
	[sflag:s6] =	ssyncadd.s32 $0xFFFFC000  }
0x22: {  	[spmem:s2] =	stream.indirect.scatter.add.f32 [tilespmem:s16], [sflag:$0x1], $0x80, s15, s11, $0xb8;
	[tilespmem:$0x1E280] =	vst v63  }
0x23: {  	s22 =	smul.u32 $0x14000, s20;
	s20 =	ssub.s32 $0x2, s20;
	_ =	swait.ge [sflag:s6], $0x4000  }
0x24: {  	s18 =	simm.s32 $0x10280;
	s31 =	sshrl.u32 s20, $0x1;
	[sflag:s6] =	ssyncset.done $0x0  }
0x25: {  	s21 =	smul.u32 $0x1400, s1;
	s20 =	ssub.s32 s20, s31;
	[sflag:s6] =	ssyncadd.s32 $0xFFFFC000  }
0x26: {  	[spmem:s2] =	stream.indirect.scatter.add.f32 [tilespmem:s18], [sflag:$0x1], $0x80, s17, s11, $0xb8;
	[tilespmem:$0x1E280] =	vst v63  }
0x27: {  	s20 =	smax.u32 s20, $0x1;
	_ =	swait.ge [sflag:s6], $0x4000  }
0x28: {  	s21 =	sadd.s32 s21, s22;
	p0 =	sne.s32 s20, $0x1;
	[sflag:s6] =	ssyncset.done $0x0  }
.Ltmp0:
0x29: {  	s19 =	sadd.s32 s21, s19;
	[sflag:s6] =	ssyncadd.s32 $0xFFFFC000;
	(pc) =	sbr.rel @!p0 .LBB2_2-.Ltmp0, $4  }
0x2a: {  	s19 =	sadd.s32 $0x170600, s19;
	[bflag:$0x0] =	sbarrier.arrive $0xFFFF  }
0x2b: {  	[hbm:s19], [sflag:s5] =	dma.local [spmem:s7], $0x1400  }
0x2c: {  	_ =	swait.ge [sflag:s6], $0x1400  }
0x2d: {  	s20 =	sadd.s32 $0xFFFFFFFF, s20;
	[sflag:s6] =	ssyncset.done $0x0  }
.LBB2_1:
0x2e: {  	p0 =	sne.s32 s20, $0x1;
	s20 =	sadd.s32 $0xFFFFFFFF, s20;
	[sflag:s6] =	ssyncadd.s32 $0xFFFFEC00  }
0x2f: {  	[spmem:s7], [sflag:s5] =	dma.local [hbm:s4], $0x1400  }
0x30: {  	_ =	swait.ge [sflag:s6], $0x1400  }
0x31: {  	[sflag:s6] =	ssyncset.done $0x0  }
0x32: {  	[sflag:s6] =	ssyncadd.s32 $0xFFFFEC00  }
0x33: {  	[bflag:$0x0] =	sbarrier.arrive $0xFFFF  }
0x34: {  	[tilespmem:s3], [sflag:$0x1] =	stream.linear.gather [hbm4b:s8+s3], $0x280, $0x38;
	[tilespmem:$0x1E280] =	vst v63  }
0x35: {  	_ =	swait.ge [sflag:s6], $0x280  }
0x36: {  	[sflag:s6] =	ssyncset.done $0x0  }
0x37: {  	[sflag:s6] =	ssyncadd.s32 $0xFFFFFD80  }
0x38: {  	[tilespmem:s10], [sflag:$0x1] =	stream.linear.gather [hbm4b:s9+s3], $0x14000, $0x38;
	[tilespmem:$0x1E280] =	vst v63  }
0x39: {  	_ =	swait.ge [sflag:s6], $0x14000  }
0x3a: {  	[sflag:s6] =	ssyncset.done $0x0  }
0x3b: {  	[sflag:s6] =	ssyncadd.s32 $0xFFFEC000  }
0x3c: {  	[spmem:s2] =	stream.indirect.scatter.add.f32 [tilespmem:s10], [sflag:$0x1], $0x80, s3, s11, $0xb8;
	[tilespmem:$0x1E280] =	vst v63  }
0x3d: {  	_ =	swait.ge [sflag:s6], $0x4000  }
0x3e: {  	[sflag:s6] =	ssyncset.done $0x0  }
0x3f: {  	[sflag:s6] =	ssyncadd.s32 $0xFFFFC000  }
0x40: {  	[spmem:s2] =	stream.indirect.scatter.add.f32 [tilespmem:s12], [sflag:$0x1], $0x80, s11, s11, $0xb8;
	[tilespmem:$0x1E280] =	vst v63  }
0x41: {  	_ =	swait.ge [sflag:s6], $0x4000  }
0x42: {  	[sflag:s6] =	ssyncset.done $0x0  }
0x43: {  	[sflag:s6] =	ssyncadd.s32 $0xFFFFC000  }
0x44: {  	[spmem:s2] =	stream.indirect.scatter.add.f32 [tilespmem:s14], [sflag:$0x1], $0x80, s13, s11, $0xb8;
	[tilespmem:$0x1E280] =	vst v63  }
0x45: {  	_ =	swait.ge [sflag:s6], $0x4000  }
0x46: {  	[sflag:s6] =	ssyncset.done $0x0  }
0x47: {  	[sflag:s6] =	ssyncadd.s32 $0xFFFFC000  }
0x48: {  	[spmem:s2] =	stream.indirect.scatter.add.f32 [tilespmem:s16], [sflag:$0x1], $0x80, s15, s11, $0xb8;
	[tilespmem:$0x1E280] =	vst v63  }
0x49: {  	_ =	swait.ge [sflag:s6], $0x4000  }
0x4a: {  	[sflag:s6] =	ssyncset.done $0x0  }
0x4b: {  	[sflag:s6] =	ssyncadd.s32 $0xFFFFC000  }
0x4c: {  	[spmem:s2] =	stream.indirect.scatter.add.f32 [tilespmem:s18], [sflag:$0x1], $0x80, s17, s11, $0xb8;
	[tilespmem:$0x1E280] =	vst v63  }
0x4d: {  	_ =	swait.ge [sflag:s6], $0x4000  }
0x4e: {  	[sflag:s6] =	ssyncset.done $0x0  }
.Ltmp1:
0x4f: {  	[sflag:s6] =	ssyncadd.s32 $0xFFFFC000;
	(pc) =	sbr.rel @p0 .LBB2_1-.Ltmp1, $4  }
0x50: {  	[bflag:$0x0] =	sbarrier.arrive $0xFFFF  }
0x51: {  	[hbm:s19], [sflag:s5] =	dma.local [spmem:s7], $0x1400  }
0x52: {  	_ =	swait.ge [sflag:s6], $0x1400  }
0x53: {  	[sflag:s6] =	ssyncset.done $0x0  }
.LBB2_2:
0x54: {  	[sflag:s6] =	ssyncadd.s32 $0xFFFFEC00  }
0x55: {  	_ =	sfence.sel $0x180000  }
0x56: {  	[bflag:$0x0] =	sbarrier.arrive $0xFFFF  }
0x57: {  	p0 =	sne.s32 s1, $0x0;
	_ =	strace $0x9000005C  }
0x58: {  	s0 =	sadd.s32 @!p0 $0x100000, s0;
	[bflag:$0x2] =	sbarrier.arrive $0xFFFF  }
0x59: {  	[sflag:s0] =	ssyncadd.tile.s32 @!p0 $0x1;
	_ =	shalt  }
.Lfunc_end2:
_tile_overlayer_lowered:
.L_overlay_start_2:
0x5a: {  	(tag) =	ssettag $0x2  }
0x5b: {  	s0 =	rddreg [dreg:$0x0];
	s2 =	stileid.u32  }
0x5c: {  	s1 =	rddreg [dreg:$0x1];
	p0 =	sne.s32 s2, $0x0  }
0x5d: {  	s3 =	rddreg [dreg:$0x2];
	[bflag:$0x3] =	sbarrier.arrive $0xFFFF;
	s2 =	simm.s32 @!p0 $0x1C01  }
0x5e: {  	[timem:s3], [sflag:s2] =	dma.local @!p0 [hbm:s0], s1  }
0x5f: {  	s0 =	simm.s32 @!p0 $0x1  }
0x60: {  	_ =	swait.ge @!p0 [sflag:s0], s1  }
0x61: {  	s1 =	ssub.s32 @!p0 $0x0, s1;
	[sflag:s0] =	ssyncset.done @!p0 $0x0  }
0x62: {  	[sflag:s0] =	ssyncadd.s32 @!p0 s1  }
0x63: {  	[bflag:$0x3] =	sbarrier.arrive $0xFFFF  }
0x64: {  	_ =	shalt  }

// kernel: kernel.46.cloned.1.call-start
scs
__scs_entry_jumppad:
0x0: {  	(pc) =	sbr.rel $0x88, $3  }
0x1: {  	(tag) =	ssettag $0x0;
	lr =	simm.s32 $0x1  }
0x2: {  	[smem:$0x3F81] =	sst lr;
	_ =	strace $0xD0000000  }
0x3: {  	_ = 	snop  }
0x4: {  	_ = 	snop  }
0x5: {  	_ = 	snop  }
0x6: {  	_ = 	snop  }
0x7: {  	_ = 	snop  }
__scs_overlays_trampoline_lowered:
0x8: {  	[smem:$0x3F90] =	sst s0  }
0x9: {  	[smem:$0x3F91] =	sst s1  }
0xa: {  	[smem:$0x3F92] =	sst s2  }
0xb: {  	[smem:$0x3F93] =	sst s3  }
0xc: {  	[smem:$0x3F94] =	sst s4  }
0xd: {  	[smem:$0x3F95] =	sst s5  }
0xe: {  	[smem:$0x3F96] =	sst s6  }
0xf: {  	[smem:$0x3F97] =	sst s7  }
0x10: {  	[smem:$0x3F98] =	sst s8  }
0x11: {  	[smem:$0x3F99] =	sst s9;
	s0 =	simm.s32 @!p0 $0x0  }
0x12: {  	s1 =	sld [smem:$0x3F7F];
	s0 =	simm.s32 @p0 $0x1  }
0x13: {  	[smem:$0x3F9A] =	sst s0;
	s0 =	simm.s32 @!p1 $0x0  }
0x14: {  	s2 =	sld [smem:$0x3F7E];
	s0 =	simm.s32 @p1 $0x1  }
0x15: {  	[smem:$0x3F9B] =	sst s0;
	s0 =	simm.s32 @!p2 $0x0  }
0x16: {  	s3 =	sld [smem:$0x3FDB];
	s0 =	simm.s32 @p2 $0x1  }
0x17: {  	s4 =	simm.s32 $0x1BF5;
	[smem:$0x3F9D] =	sst s0  }
0x18: {  	s0 =	sld [smem:$0x3F80];
	_ =	swait.ge [sflag:s4], $0x0  }
0x19: {  	s7 =	sld [smem:$0x3F81]  }
0x1a: {  	s8 =	sadd.s32 $0xFFFFE003, lr  }
0x1b: {  	s9 =	sadd.s32 $0xFFFFFEF7, lr;
	s5 =	simm.s32 $0xFFFFFFFF;
	p2 =	slt.u32 s8, $0xFFFFF086  }
0x1c: {  	p1 =	slt.u32 s9, $0xF7A;
	s5 =	simm.s32 @!p2 $0x0  }
0x1d: {  	s5 =	simm.s32 @p1 $0x1;
	p0 =	seq.s32 s7, s2  }
0x1e: {  	s7 =	smul.u32 @!p0 $0xF7A, s2;
	p2 =	seq.s32 @!p0 s5, $0x0  }
0x1f: {  	s9 =	smul.u32 $0xF7A, s1;
	s8 =	simm.s32 @!p0 $0x1BF5;
	p2 =	por !p2, p0  }
0x20: {  	[sflag:s8] =	ssyncset.s32 @!p0 $0xFFFFF086;
	s6 =	sadd.s32 @!p0 s3, s7;
	s7 =	simm.s32 @!p0 $0x108  }
0x21: {  	s3 =	sadd.s32 s3, s9;
	s6 =	sadd.s32 @!p0 $0x88, s6;
	s7 =	simm.s32 @p2 $0x1082  }
0x22: {  	[simem:s7], [sflag:s8] =	dma.local @!p0 [hbm:s6], $0xF7A  }
0x23: {  	s9 =	sor.u32 $0xD0000000, s2;
	s6 =	simm.s32 $0x108;
	_ =	swait.ge @!p0 [sflag:s8], $0x0  }
0x24: {  	s3 =	sadd.s32 $0x88, s3;
	s6 =	simm.s32 @!p1 $0x1082;
	[sflag:s4] =	ssyncset.s32 $0xFFFFF086  }
0x25: {  	[simem:s6], [sflag:s4] =	dma.local [hbm:s3], $0xF7A  }
0x26: {  	[smem:$0x3F81] =	sst s1;
	(tag) =	ssettag s2;
	_ =	strace s9  }
0x27: {  	s1 =	sld [smem:$0x3F91]  }
0x28: {  	s2 =	sld [smem:$0x3F92]  }
0x29: {  	s4 =	sld [smem:$0x3F94]  }
0x2a: {  	p0 =	seq.s32 s5, $0x0;
	s5 =	sld [smem:$0x3F95]  }
0x2b: {  	s6 =	sld [smem:$0x3F96]  }
0x2c: {  	s7 =	sld [smem:$0x3F97]  }
0x2d: {  	s3 =	simm.s32 $0x108;
	s8 =	sld [smem:$0x3F98]  }
0x2e: {  	s3 =	simm.s32 @!p0 $0x1082;
	s9 =	sld [smem:$0x3F99]  }
0x2f: {  	lr =	sadd.s32 s0, s3;
	s0 =	sld [smem:$0x3F90]  }
0x30: {  	s3 =	sld [smem:$0x3F93]  }
0x31: {  	[smem:$0x3F9C] =	sst s10  }
0x32: {  	s10 =	sld [smem:$0x3F9A];
	_ =	sdelay $0x3  }
0x33: {  	p0 =	seq.s32 s10, $0x1;
	s10 =	sld [smem:$0x3F9C];
	_ =	sdelay $0x3  }
0x34: {  	[smem:$0x3F9C] =	sst s10  }
0x35: {  	s10 =	sld [smem:$0x3F9B];
	_ =	sdelay $0x3  }
0x36: {  	p1 =	seq.s32 s10, $0x1;
	s10 =	sld [smem:$0x3F9C];
	_ =	sdelay $0x3  }
0x37: {  	[smem:$0x3F9C] =	sst s10  }
0x38: {  	s10 =	sld [smem:$0x3F9D]  }
0x39: {  	_ = 	snop;
	(pc) =	sbr.ind lr, $3  }
0x3a: {  	_ = 	snop  }
0x3b: {  	_ = 	snop  }
0x3c: {  	p2 =	seq.s32 s10, $0x1;
	s10 =	sld [smem:$0x3F9C]  }
0x3d: {  	_ =	shalt  }
0x3e: {  	_ =	shalt  }
0x3f: {  	_ =	shalt  }
0x40: {  	_ =	shalt  }
0x41: {  	_ =	shalt  }
0x42: {  	_ =	shalt  }
0x43: {  	_ =	shalt  }
0x44: {  	_ =	shalt  }
0x45: {  	_ =	shalt  }
0x46: {  	_ =	shalt  }
0x47: {  	_ =	shalt  }
0x48: {  	_ =	shalt  }
0x49: {  	_ =	shalt  }
0x4a: {  	_ =	shalt  }
0x4b: {  	_ =	shalt  }
0x4c: {  	_ =	shalt  }
0x4d: {  	_ =	shalt  }
0x4e: {  	_ =	shalt  }
0x4f: {  	_ =	shalt  }
0x50: {  	_ =	shalt  }
0x51: {  	_ =	shalt  }
0x52: {  	_ =	shalt  }
0x53: {  	_ =	shalt  }
0x54: {  	_ =	shalt  }
0x55: {  	_ =	shalt  }
0x56: {  	_ =	shalt  }
0x57: {  	_ =	shalt  }
0x58: {  	_ =	shalt  }
0x59: {  	_ =	shalt  }
0x5a: {  	_ =	shalt  }
0x5b: {  	_ =	shalt  }
0x5c: {  	_ =	shalt  }
0x5d: {  	_ =	shalt  }
0x5e: {  	_ =	shalt  }
0x5f: {  	_ =	shalt  }
0x60: {  	_ =	shalt  }
0x61: {  	_ =	shalt  }
0x62: {  	_ =	shalt  }
0x63: {  	_ =	shalt  }
0x64: {  	_ =	shalt  }
0x65: {  	_ =	shalt  }
0x66: {  	_ =	shalt  }
0x67: {  	_ =	shalt  }
0x68: {  	_ =	shalt  }
0x69: {  	_ =	shalt  }
0x6a: {  	_ =	shalt  }
0x6b: {  	_ =	shalt  }
0x6c: {  	_ =	shalt  }
0x6d: {  	_ =	shalt  }
0x6e: {  	_ =	shalt  }
0x6f: {  	_ =	shalt  }
0x70: {  	_ =	shalt  }
0x71: {  	_ =	shalt  }
0x72: {  	_ =	shalt  }
0x73: {  	_ =	shalt  }
0x74: {  	_ =	shalt  }
0x75: {  	_ =	shalt  }
0x76: {  	_ =	shalt  }
0x77: {  	_ =	shalt  }
0x78: {  	_ =	shalt  }
0x79: {  	_ =	shalt  }
0x7a: {  	_ =	shalt  }
0x7b: {  	_ =	shalt  }
0x7c: {  	_ =	shalt  }
0x7d: {  	_ =	shalt  }
0x7e: {  	_ =	shalt  }
0x7f: {  	_ =	shalt  }
0x80: {  	_ =	shalt  }
0x81: {  	_ =	shalt  }
0x82: {  	_ =	shalt  }
0x83: {  	_ =	shalt  }
0x84: {  	_ =	shalt  }
0x85: {  	_ =	shalt  }
0x86: {  	_ =	shalt  }
0x87: {  	_ =	shalt  }
.Lfunc_end0:
.L_simem_size_0:
called_computation.7_lowered:
.L_overlay_start_0:
0x88: {  	s2 =	sld [smem:$0x3FD9]  }
0x89: {  	s3 =	sld [smem:$0x3FFE];
	_ =	sdelay $0x1  }
0x8a: {  	s1 =	srdreg.scid  }
0x8b: {  	s0 =	sand.u32 $0x1, s1  }
0x8c: {  	s17 =	sshll.u32 s0, $0xA;
	s2 =	sadd.s32 s3, s2  }
0x8d: {  	s2 =	sadd.s32 s2, s17  }
0x8e: {  	[smem:$0x3FA8] =	sst s2  }
0x8f: {  	_ = 	snop  }
0x90: {  	(tm) =	ssettm $0x1  }
0x91: {  	s18 =	sld [smem:$0x3FFB];
	_ =	sdelay $0x3  }
0x92: {  	_ =	strace s18  }
0x93: {  	s2 =	sld [smem:$0x3FFC];
	_ =	sdelay $0x3  }
0x94: {  	_ =	strace s2  }
0x95: {  	s2 =	sld [smem:$0x3FFD];
	_ =	sdelay $0x3  }
0x96: {  	_ =	strace s2  }
0x97: {  	_ =	strace $0x8FFFFFFF  }
0x98: {  	s19 =	sld [smem:$0x3FDB];
	_ =	sdelay $0x1  }
0x99: {  	s20 =	simm.s32 $_scs_section_size  }
0x9a: {  	s4 =	simm.s32 $_size__tile_overlayer_lowered;
	s5 =	simm.s32 $_tile_overlayer_lowered  }
0x9b: {  	s6 =	simm.s32 $0x1BFF;
	s21 =	sshll.u32 s5, $0x1;
	s3 =	sadd.s32 s20, s19  }
0x9c: {  	s22 =	simm.s32 $0x0;
	s4 =	sshll.u32 s4, $0x1;
	s5 =	sadd.s32 s21, s3  }
0x9d: {  	[timem:s22], [sflag:s6] =	dma.local [hbm:s5], s4  }
0x9e: {  	_ =	swait.ge [sflag:s6], s4  }
0x9f: {  	s4 =	ssub.s32 $0x0, s4;
	[sflag:s6] =	ssyncset.done $0x0  }
0xa0: {  	[sflag:s6] =	ssyncadd.s32 s4;
	_ =	sdelay $0x1  }
0xa1: {  	s23 =	simm.s32 $0x1B8B  }
0xa2: {  	_ =	swait.ge [sflag:s23], $0x1  }
0xa3: {  	[sflag:s23] =	ssyncset.done $0x0  }
0xa4: {  	[sflag:s23] =	ssyncadd.s32 $0xFFFFFFFF  }
0xa5: {  	s4 =	sld [smem:$0x0]  }
0xa6: {  	s5 =	sand.u32 $0xFFFFFFFE, s1  }
0xa7: {  	p0 =	sne.s32 s1, s5  }
0xa8: {  	s5 =	sshll.u32 @p0 s5, $0xE  }
0xa9: {  	s5 =	sadd.s32 @p0 $0x11B8D, s5;
	s6 =	sshll.u32 @p0 s4, $0x11  }
0xaa: {  	s5 =	sor.u32 @p0 s6, s5  }
0xab: {  	[sflag:s5] =	ssyncadd.remote.s32 @p0 $0x1;
	_ =	sdelay $0x1  }
0xac: {  	s5 =	simm.s32 @p0 $0x1B8D  }
0xad: {  	_ =	swait.eq @p0 [sflag:s5], $0x1  }
0xae: {  	[sflag:s5] =	ssyncadd.s32 @p0 $0xFFFFFFFF  }
0xaf: {  	s6 =	sshll.u32 @!p0 s1, $0xE  }
0xb0: {  	s6 =	sor.u32 @!p0 $0x4000, s6;
	s5 =	simm.s32 @!p0 $0x1B8D  }
0xb1: {  	s4 =	sshll.u32 @!p0 s4, $0x11;
	s6 =	sadd.s32 @!p0 $0x11B8D, s6;
	_ =	swait.eq @!p0 [sflag:s5], $0x1  }
0xb2: {  	s4 =	sor.u32 @!p0 s4, s6;
	[sflag:s5] =	ssyncadd.s32 @!p0 $0xFFFFFFFF  }
0xb3: {  	s25 =	simm.s32 $0x1B8E;
	s24 =	sld [smem:$0x3FFE];
	[sflag:s4] =	ssyncadd.remote.s32 @!p0 $0x1  }
0xb4: {  	s26 =	simm.s32 $execute0_lowered;
	[smem:$0x3FD2] =	sst s25  }
0xb5: {  	s5 =	sshll.u32 s26, $0x1;
	_ =	strace $0x80000058;
	[dreg:$0x1] =	wrdreg $0xFFFFFFFF  }
0xb6: {  	s28 =	simm.s32 $_size_execute0_lowered;
	s3 =	sadd.s32 s3, s5;
	[dreg:$0x0] =	wrdreg $0x0  }
0xb7: {  	s5 =	sshll.u32 s28, $0x1;
	[dreg:$0x2] =	wrdreg s3  }
0xb8: {  	[dreg:$0x3] =	wrdreg s5  }
0xb9: {  	[dreg:$0x4] =	wrdreg $0xC0  }
0xba: {  	_ =	task [dreg:s22], $0x5FFFF  }
0xbb: {  	[dreg:$0x1] =	wrdreg $0xFFFFFFFF  }
0xbc: {  	[dreg:$0x0] =	wrdreg $0x60  }
0xbd: {  	[dreg:$0x2] =	wrdreg s24  }
0xbe: {  	[dreg:$0x3] =	wrdreg $0x142800  }
0xbf: {  	[dreg:$0x4] =	wrdreg $0xA  }
0xc0: {  	_ =	task.clear_ibuf [dreg:s22], $0x5FFFF;
	_ =	strace $0x90000058  }
0xc1: {  	s29 =	simm.s32 $0xA;
	_ =	strace $0x8000005A  }
0xc2: {  	_ =	swait.ge [sflag:s29], $0x1  }
0xc3: {  	[sflag:s29] =	ssyncadd.s32 $0xFFFFFFFF  }
0xc4: {  	_ =	strace $0x9000005A  }
0xc5: {  	_ =	sfence  }
0xc6: {  	s30 =	sld [smem:$0x0];
	_ =	sdelay $0x2  }
0xc7: {  	s31 =	sshll.u32 s1, $0xD;
	s1 =	sshrl.u32 s1, $0x2  }
0xc8: {  	s4 =	sand.u32 $0x4000, s31;
	s1 =	sadd.s32 s1, s30  }
0xc9: {  	s0 =	sor.u32 s4, s0;
	s1 =	sshll.u32 s1, $0x11  }
0xca: {  	s0 =	sor.u32 s1, s0  }
0xcb: {  	s0 =	sadd.s32 $0x8F2B, s0  }
0xcc: {  	[sflag:s0] =	ssyncadd.remote.s32 $0x1  }
0xcd: {  	_ =	sfence.sel $0xFFFF  }
0xce: {  	[dreg:$0x0] =	wrdreg $0xFFFFFFFF;
	(pc) =	sbr.abs _section_cstart, $3  }
0xcf: {  	[dreg:$0x1] =	wrdreg $0xFFFFFFFF  }
0xd0: {  	_ =	task.clear_ibuf [dreg:s22], $0x2FFFF;
	_ =	strace $0x9FFFFFFF  }
0xd1: {  	(tm) =	ssettm $0x7FFFFFFF  }
tec
execute0_lowered:
.L_overlay_start_1:
0x0: {  	(tag) =	ssettag $0x1  }
0x1: {  	s19 =	rddreg [dreg:$0x0]  }
0x2: {  	s2 =	rddreg [dreg:$0x1];
	s1 =	stileid.u32  }
0x3: {  	s0 =	rddreg [dreg:$0x2];
	s3 =	simm.s32 $0x0;
	s5 =	srdreg.scid  }
0x4: {  	s4 =	smul.u32 $0xA000, s1;
	[smem:$0x7FF] =	sst s3  }
0x5: {  	s20 =	sand.u32 $0x1, s5;
	s25 =	sshll.u32 s1, $0x1;
	s29 =	sshll.u32 s1, $0x6  }
0x6: {  	_ =	strace $0x80000059;
	s8 =	sor.u32 s20, s25;
	s6 =	sshrl.u32 s4, $0x3  }
0x7: {  	s5 =	sor.u32 $0x1C01, s29;
	s28 =	sadd.s32 s4, s2;
	s26 =	sadd.s32 s6, s19  }
0x8: {  	s7 =	sshrl.u32 s28, $0x3;
	s6 =	simm.s32 $0x1;
	s4 =	sadd.s32 $0x79000, s26  }
0x9: {  	[spmem:s7], [sflag:s5] =	dma.local [hbm:s4], $0x1400  }
0xa: {  	s9 =	smul.u32 $0x50, s8;
	_ =	swait.ge [sflag:s6], $0x1400  }
0xb: {  	[sflag:s6] =	ssyncset.done $0x0  }
0xc: {  	s9 =	sadd.s32 s9, s19;
	[sflag:s6] =	ssyncadd.s32 $0xFFFFEC00  }
0xd: {  	s10 =	smul.u32 $0x2800, s8;
	s8 =	sadd.s32 $0x70600, s9;
	[bflag:$0x0] =	sbarrier.arrive $0xFFFF  }
0xe: {  	[tilespmem:s3], [sflag:$0x1] =	stream.linear.gather [hbm4b:s8+s3], $0x280, $0x38;
	[tilespmem:$0x1E280] =	vst v63  }
0xf: {  	_ =	swait.ge [sflag:s6], $0x280  }
0x10: {  	s30 =	sadd.s32 s10, s19;
	[sflag:s6] =	ssyncset.done $0x0  }
0x11: {  	s10 =	simm.s32 $0x280;
	s9 =	sadd.s32 $0xB800, s30;
	[sflag:s6] =	ssyncadd.s32 $0xFFFFFD80  }
0x12: {  	[tilespmem:s10], [sflag:$0x1] =	stream.linear.gather [hbm4b:s9+s3], $0x14000, $0x38;
	[tilespmem:$0x1E280] =	vst v63  }
0x13: {  	_ =	swait.ge [sflag:s6], $0x14000  }
0x14: {  	[sflag:s6] =	ssyncset.done $0x0  }
0x15: {  	s11 =	simm.s32 $0x80;
	[sflag:s6] =	ssyncadd.s32 $0xFFFEC000  }
0x16: {  	[spmem:s2] =	stream.indirect.scatter.add.f32 [tilespmem:s10], [sflag:$0x1], $0x80, s3, s11, $0xb8;
	[tilespmem:$0x1E280] =	vst v63  }
0x17: {  	_ =	swait.ge [sflag:s6], $0x4000  }
0x18: {  	[sflag:s6] =	ssyncset.done $0x0  }
0x19: {  	s12 =	simm.s32 $0x4280;
	[sflag:s6] =	ssyncadd.s32 $0xFFFFC000  }
0x1a: {  	[spmem:s2] =	stream.indirect.scatter.add.f32 [tilespmem:s12], [sflag:$0x1], $0x80, s11, s11, $0xb8;
	[tilespmem:$0x1E280] =	vst v63  }
0x1b: {  	_ =	swait.ge [sflag:s6], $0x4000  }
0x1c: {  	[sflag:s6] =	ssyncset.done $0x0  }
0x1d: {  	s13 =	simm.s32 $0x100;
	s14 =	simm.s32 $0x8280;
	[sflag:s6] =	ssyncadd.s32 $0xFFFFC000  }
0x1e: {  	[spmem:s2] =	stream.indirect.scatter.add.f32 [tilespmem:s14], [sflag:$0x1], $0x80, s13, s11, $0xb8;
	[tilespmem:$0x1E280] =	vst v63  }
0x1f: {  	_ =	swait.ge [sflag:s6], $0x4000  }
0x20: {  	s15 =	simm.s32 $0x180;
	[sflag:s6] =	ssyncset.done $0x0  }
0x21: {  	s16 =	simm.s32 $0xC280;
	s17 =	simm.s32 $0x200;
	[sflag:s6] =	ssyncadd.s32 $0xFFFFC000  }
0x22: {  	[spmem:s2] =	stream.indirect.scatter.add.f32 [tilespmem:s16], [sflag:$0x1], $0x80, s15, s11, $0xb8;
	[tilespmem:$0x1E280] =	vst v63  }
0x23: {  	s22 =	smul.u32 $0x14000, s20;
	s20 =	ssub.s32 $0x2, s20;
	_ =	swait.ge [sflag:s6], $0x4000  }
0x24: {  	s18 =	simm.s32 $0x10280;
	s31 =	sshrl.u32 s20, $0x1;
	[sflag:s6] =	ssyncset.done $0x0  }
0x25: {  	s21 =	smul.u32 $0x1400, s1;
	s20 =	ssub.s32 s20, s31;
	[sflag:s6] =	ssyncadd.s32 $0xFFFFC000  }
0x26: {  	[spmem:s2] =	stream.indirect.scatter.add.f32 [tilespmem:s18], [sflag:$0x1], $0x80, s17, s11, $0xb8;
	[tilespmem:$0x1E280] =	vst v63  }
0x27: {  	s20 =	smax.u32 s20, $0x1;
	_ =	swait.ge [sflag:s6], $0x4000  }
0x28: {  	s21 =	sadd.s32 s21, s22;
	p0 =	sne.s32 s20, $0x1;
	[sflag:s6] =	ssyncset.done $0x0  }
.Ltmp0:
0x29: {  	s19 =	sadd.s32 s21, s19;
	[sflag:s6] =	ssyncadd.s32 $0xFFFFC000;
	(pc) =	sbr.rel @!p0 .LBB2_2-.Ltmp0, $4  }
0x2a: {  	s19 =	sadd.s32 $0x148600, s19;
	[bflag:$0x0] =	sbarrier.arrive $0xFFFF  }
0x2b: {  	[hbm:s19], [sflag:s5] =	dma.local [spmem:s7], $0x1400  }
0x2c: {  	_ =	swait.ge [sflag:s6], $0x1400  }
0x2d: {  	s20 =	sadd.s32 $0xFFFFFFFF, s20;
	[sflag:s6] =	ssyncset.done $0x0  }
.LBB2_1:
0x2e: {  	p0 =	sne.s32 s20, $0x1;
	s20 =	sadd.s32 $0xFFFFFFFF, s20;
	[sflag:s6] =	ssyncadd.s32 $0xFFFFEC00  }
0x2f: {  	[spmem:s7], [sflag:s5] =	dma.local [hbm:s4], $0x1400  }
0x30: {  	_ =	swait.ge [sflag:s6], $0x1400  }
0x31: {  	[sflag:s6] =	ssyncset.done $0x0  }
0x32: {  	[sflag:s6] =	ssyncadd.s32 $0xFFFFEC00  }
0x33: {  	[bflag:$0x0] =	sbarrier.arrive $0xFFFF  }
0x34: {  	[tilespmem:s3], [sflag:$0x1] =	stream.linear.gather [hbm4b:s8+s3], $0x280, $0x38;
	[tilespmem:$0x1E280] =	vst v63  }
0x35: {  	_ =	swait.ge [sflag:s6], $0x280  }
0x36: {  	[sflag:s6] =	ssyncset.done $0x0  }
0x37: {  	[sflag:s6] =	ssyncadd.s32 $0xFFFFFD80  }
0x38: {  	[tilespmem:s10], [sflag:$0x1] =	stream.linear.gather [hbm4b:s9+s3], $0x14000, $0x38;
	[tilespmem:$0x1E280] =	vst v63  }
0x39: {  	_ =	swait.ge [sflag:s6], $0x14000  }
0x3a: {  	[sflag:s6] =	ssyncset.done $0x0  }
0x3b: {  	[sflag:s6] =	ssyncadd.s32 $0xFFFEC000  }
0x3c: {  	[spmem:s2] =	stream.indirect.scatter.add.f32 [tilespmem:s10], [sflag:$0x1], $0x80, s3, s11, $0xb8;
	[tilespmem:$0x1E280] =	vst v63  }
0x3d: {  	_ =	swait.ge [sflag:s6], $0x4000  }
0x3e: {  	[sflag:s6] =	ssyncset.done $0x0  }
0x3f: {  	[sflag:s6] =	ssyncadd.s32 $0xFFFFC000  }
0x40: {  	[spmem:s2] =	stream.indirect.scatter.add.f32 [tilespmem:s12], [sflag:$0x1], $0x80, s11, s11, $0xb8;
	[tilespmem:$0x1E280] =	vst v63  }
0x41: {  	_ =	swait.ge [sflag:s6], $0x4000  }
0x42: {  	[sflag:s6] =	ssyncset.done $0x0  }
0x43: {  	[sflag:s6] =	ssyncadd.s32 $0xFFFFC000  }
0x44: {  	[spmem:s2] =	stream.indirect.scatter.add.f32 [tilespmem:s14], [sflag:$0x1], $0x80, s13, s11, $0xb8;
	[tilespmem:$0x1E280] =	vst v63  }
0x45: {  	_ =	swait.ge [sflag:s6], $0x4000  }
0x46: {  	[sflag:s6] =	ssyncset.done $0x0  }
0x47: {  	[sflag:s6] =	ssyncadd.s32 $0xFFFFC000  }
0x48: {  	[spmem:s2] =	stream.indirect.scatter.add.f32 [tilespmem:s16], [sflag:$0x1], $0x80, s15, s11, $0xb8;
	[tilespmem:$0x1E280] =	vst v63  }
0x49: {  	_ =	swait.ge [sflag:s6], $0x4000  }
0x4a: {  	[sflag:s6] =	ssyncset.done $0x0  }
0x4b: {  	[sflag:s6] =	ssyncadd.s32 $0xFFFFC000  }
0x4c: {  	[spmem:s2] =	stream.indirect.scatter.add.f32 [tilespmem:s18], [sflag:$0x1], $0x80, s17, s11, $0xb8;
	[tilespmem:$0x1E280] =	vst v63  }
0x4d: {  	_ =	swait.ge [sflag:s6], $0x4000  }
0x4e: {  	[sflag:s6] =	ssyncset.done $0x0  }
.Ltmp1:
0x4f: {  	[sflag:s6] =	ssyncadd.s32 $0xFFFFC000;
	(pc) =	sbr.rel @p0 .LBB2_1-.Ltmp1, $4  }
0x50: {  	[bflag:$0x0] =	sbarrier.arrive $0xFFFF  }
0x51: {  	[hbm:s19], [sflag:s5] =	dma.local [spmem:s7], $0x1400  }
0x52: {  	_ =	swait.ge [sflag:s6], $0x1400  }
0x53: {  	[sflag:s6] =	ssyncset.done $0x0  }
.LBB2_2:
0x54: {  	[sflag:s6] =	ssyncadd.s32 $0xFFFFEC00  }
0x55: {  	_ =	sfence.sel $0x180000  }
0x56: {  	[bflag:$0x0] =	sbarrier.arrive $0xFFFF  }
0x57: {  	p0 =	sne.s32 s1, $0x0;
	_ =	strace $0x90000059  }
0x58: {  	s0 =	sadd.s32 @!p0 $0x100000, s0;
	[bflag:$0x2] =	sbarrier.arrive $0xFFFF  }
0x59: {  	[sflag:s0] =	ssyncadd.tile.s32 @!p0 $0x1;
	_ =	shalt  }
.Lfunc_end2:
_tile_overlayer_lowered:
.L_overlay_start_2:
0x5a: {  	(tag) =	ssettag $0x2  }
0x5b: {  	s0 =	rddreg [dreg:$0x0];
	s2 =	stileid.u32  }
0x5c: {  	s1 =	rddreg [dreg:$0x1];
	p0 =	sne.s32 s2, $0x0  }
0x5d: {  	s3 =	rddreg [dreg:$0x2];
	[bflag:$0x3] =	sbarrier.arrive $0xFFFF;
	s2 =	simm.s32 @!p0 $0x1C01  }
0x5e: {  	[timem:s3], [sflag:s2] =	dma.local @!p0 [hbm:s0], s1  }
0x5f: {  	s0 =	simm.s32 @!p0 $0x1  }
0x60: {  	_ =	swait.ge @!p0 [sflag:s0], s1  }
0x61: {  	s1 =	ssub.s32 @!p0 $0x0, s1;
	[sflag:s0] =	ssyncset.done @!p0 $0x0  }
0x62: {  	[sflag:s0] =	ssyncadd.s32 @!p0 s1  }
0x63: {  	[bflag:$0x3] =	sbarrier.arrive $0xFFFF  }
0x64: {  	_ =	shalt  }

// kernel: kernel.49.cloned.1.call-start
scs
__scs_entry_jumppad:
0x0: {  	(pc) =	sbr.rel $0x88, $3  }
0x1: {  	(tag) =	ssettag $0x0;
	lr =	simm.s32 $0x1  }
0x2: {  	[smem:$0x3F81] =	sst lr;
	_ =	strace $0xD0000000  }
0x3: {  	_ = 	snop  }
0x4: {  	_ = 	snop  }
0x5: {  	_ = 	snop  }
0x6: {  	_ = 	snop  }
0x7: {  	_ = 	snop  }
__scs_overlays_trampoline_lowered:
0x8: {  	[smem:$0x3F90] =	sst s0  }
0x9: {  	[smem:$0x3F91] =	sst s1  }
0xa: {  	[smem:$0x3F92] =	sst s2  }
0xb: {  	[smem:$0x3F93] =	sst s3  }
0xc: {  	[smem:$0x3F94] =	sst s4  }
0xd: {  	[smem:$0x3F95] =	sst s5  }
0xe: {  	[smem:$0x3F96] =	sst s6  }
0xf: {  	[smem:$0x3F97] =	sst s7  }
0x10: {  	[smem:$0x3F98] =	sst s8  }
0x11: {  	[smem:$0x3F99] =	sst s9;
	s0 =	simm.s32 @!p0 $0x0  }
0x12: {  	s1 =	sld [smem:$0x3F7F];
	s0 =	simm.s32 @p0 $0x1  }
0x13: {  	[smem:$0x3F9A] =	sst s0;
	s0 =	simm.s32 @!p1 $0x0  }
0x14: {  	s2 =	sld [smem:$0x3F7E];
	s0 =	simm.s32 @p1 $0x1  }
0x15: {  	[smem:$0x3F9B] =	sst s0;
	s0 =	simm.s32 @!p2 $0x0  }
0x16: {  	s3 =	sld [smem:$0x3FDB];
	s0 =	simm.s32 @p2 $0x1  }
0x17: {  	s4 =	simm.s32 $0x1BF5;
	[smem:$0x3F9D] =	sst s0  }
0x18: {  	s0 =	sld [smem:$0x3F80];
	_ =	swait.ge [sflag:s4], $0x0  }
0x19: {  	s7 =	sld [smem:$0x3F81]  }
0x1a: {  	s8 =	sadd.s32 $0xFFFFE003, lr  }
0x1b: {  	s9 =	sadd.s32 $0xFFFFFEF7, lr;
	s5 =	simm.s32 $0xFFFFFFFF;
	p2 =	slt.u32 s8, $0xFFFFF086  }
0x1c: {  	p1 =	slt.u32 s9, $0xF7A;
	s5 =	simm.s32 @!p2 $0x0  }
0x1d: {  	s5 =	simm.s32 @p1 $0x1;
	p0 =	seq.s32 s7, s2  }
0x1e: {  	s7 =	smul.u32 @!p0 $0xF7A, s2;
	p2 =	seq.s32 @!p0 s5, $0x0  }
0x1f: {  	s9 =	smul.u32 $0xF7A, s1;
	s8 =	simm.s32 @!p0 $0x1BF5;
	p2 =	por !p2, p0  }
0x20: {  	[sflag:s8] =	ssyncset.s32 @!p0 $0xFFFFF086;
	s6 =	sadd.s32 @!p0 s3, s7;
	s7 =	simm.s32 @!p0 $0x108  }
0x21: {  	s3 =	sadd.s32 s3, s9;
	s6 =	sadd.s32 @!p0 $0x88, s6;
	s7 =	simm.s32 @p2 $0x1082  }
0x22: {  	[simem:s7], [sflag:s8] =	dma.local @!p0 [hbm:s6], $0xF7A  }
0x23: {  	s9 =	sor.u32 $0xD0000000, s2;
	s6 =	simm.s32 $0x108;
	_ =	swait.ge @!p0 [sflag:s8], $0x0  }
0x24: {  	s3 =	sadd.s32 $0x88, s3;
	s6 =	simm.s32 @!p1 $0x1082;
	[sflag:s4] =	ssyncset.s32 $0xFFFFF086  }
0x25: {  	[simem:s6], [sflag:s4] =	dma.local [hbm:s3], $0xF7A  }
0x26: {  	[smem:$0x3F81] =	sst s1;
	(tag) =	ssettag s2;
	_ =	strace s9  }
0x27: {  	s1 =	sld [smem:$0x3F91]  }
0x28: {  	s2 =	sld [smem:$0x3F92]  }
0x29: {  	s4 =	sld [smem:$0x3F94]  }
0x2a: {  	p0 =	seq.s32 s5, $0x0;
	s5 =	sld [smem:$0x3F95]  }
0x2b: {  	s6 =	sld [smem:$0x3F96]  }
0x2c: {  	s7 =	sld [smem:$0x3F97]  }
0x2d: {  	s3 =	simm.s32 $0x108;
	s8 =	sld [smem:$0x3F98]  }
0x2e: {  	s3 =	simm.s32 @!p0 $0x1082;
	s9 =	sld [smem:$0x3F99]  }
0x2f: {  	lr =	sadd.s32 s0, s3;
	s0 =	sld [smem:$0x3F90]  }
0x30: {  	s3 =	sld [smem:$0x3F93]  }
0x31: {  	[smem:$0x3F9C] =	sst s10  }
0x32: {  	s10 =	sld [smem:$0x3F9A];
	_ =	sdelay $0x3  }
0x33: {  	p0 =	seq.s32 s10, $0x1;
	s10 =	sld [smem:$0x3F9C];
	_ =	sdelay $0x3  }
0x34: {  	[smem:$0x3F9C] =	sst s10  }
0x35: {  	s10 =	sld [smem:$0x3F9B];
	_ =	sdelay $0x3  }
0x36: {  	p1 =	seq.s32 s10, $0x1;
	s10 =	sld [smem:$0x3F9C];
	_ =	sdelay $0x3  }
0x37: {  	[smem:$0x3F9C] =	sst s10  }
0x38: {  	s10 =	sld [smem:$0x3F9D]  }
0x39: {  	_ = 	snop;
	(pc) =	sbr.ind lr, $3  }
0x3a: {  	_ = 	snop  }
0x3b: {  	_ = 	snop  }
0x3c: {  	p2 =	seq.s32 s10, $0x1;
	s10 =	sld [smem:$0x3F9C]  }
0x3d: {  	_ =	shalt  }
0x3e: {  	_ =	shalt  }
0x3f: {  	_ =	shalt  }
0x40: {  	_ =	shalt  }
0x41: {  	_ =	shalt  }
0x42: {  	_ =	shalt  }
0x43: {  	_ =	shalt  }
0x44: {  	_ =	shalt  }
0x45: {  	_ =	shalt  }
0x46: {  	_ =	shalt  }
0x47: {  	_ =	shalt  }
0x48: {  	_ =	shalt  }
0x49: {  	_ =	shalt  }
0x4a: {  	_ =	shalt  }
0x4b: {  	_ =	shalt  }
0x4c: {  	_ =	shalt  }
0x4d: {  	_ =	shalt  }
0x4e: {  	_ =	shalt  }
0x4f: {  	_ =	shalt  }
0x50: {  	_ =	shalt  }
0x51: {  	_ =	shalt  }
0x52: {  	_ =	shalt  }
0x53: {  	_ =	shalt  }
0x54: {  	_ =	shalt  }
0x55: {  	_ =	shalt  }
0x56: {  	_ =	shalt  }
0x57: {  	_ =	shalt  }
0x58: {  	_ =	shalt  }
0x59: {  	_ =	shalt  }
0x5a: {  	_ =	shalt  }
0x5b: {  	_ =	shalt  }
0x5c: {  	_ =	shalt  }
0x5d: {  	_ =	shalt  }
0x5e: {  	_ =	shalt  }
0x5f: {  	_ =	shalt  }
0x60: {  	_ =	shalt  }
0x61: {  	_ =	shalt  }
0x62: {  	_ =	shalt  }
0x63: {  	_ =	shalt  }
0x64: {  	_ =	shalt  }
0x65: {  	_ =	shalt  }
0x66: {  	_ =	shalt  }
0x67: {  	_ =	shalt  }
0x68: {  	_ =	shalt  }
0x69: {  	_ =	shalt  }
0x6a: {  	_ =	shalt  }
0x6b: {  	_ =	shalt  }
0x6c: {  	_ =	shalt  }
0x6d: {  	_ =	shalt  }
0x6e: {  	_ =	shalt  }
0x6f: {  	_ =	shalt  }
0x70: {  	_ =	shalt  }
0x71: {  	_ =	shalt  }
0x72: {  	_ =	shalt  }
0x73: {  	_ =	shalt  }
0x74: {  	_ =	shalt  }
0x75: {  	_ =	shalt  }
0x76: {  	_ =	shalt  }
0x77: {  	_ =	shalt  }
0x78: {  	_ =	shalt  }
0x79: {  	_ =	shalt  }
0x7a: {  	_ =	shalt  }
0x7b: {  	_ =	shalt  }
0x7c: {  	_ =	shalt  }
0x7d: {  	_ =	shalt  }
0x7e: {  	_ =	shalt  }
0x7f: {  	_ =	shalt  }
0x80: {  	_ =	shalt  }
0x81: {  	_ =	shalt  }
0x82: {  	_ =	shalt  }
0x83: {  	_ =	shalt  }
0x84: {  	_ =	shalt  }
0x85: {  	_ =	shalt  }
0x86: {  	_ =	shalt  }
0x87: {  	_ =	shalt  }
.Lfunc_end0:
.L_simem_size_0:
called_computation.8_lowered:
.L_overlay_start_0:
0x88: {  	s2 =	sld [smem:$0x3FD9]  }
0x89: {  	s3 =	sld [smem:$0x3FFE];
	_ =	sdelay $0x1  }
0x8a: {  	s1 =	srdreg.scid  }
0x8b: {  	s0 =	sand.u32 $0x1, s1  }
0x8c: {  	s17 =	sshll.u32 s0, $0xA;
	s2 =	sadd.s32 s3, s2  }
0x8d: {  	s2 =	sadd.s32 s2, s17  }
0x8e: {  	[smem:$0x3FA8] =	sst s2  }
0x8f: {  	_ = 	snop  }
0x90: {  	(tm) =	ssettm $0x1  }
0x91: {  	s18 =	sld [smem:$0x3FFB];
	_ =	sdelay $0x3  }
0x92: {  	_ =	strace s18  }
0x93: {  	s2 =	sld [smem:$0x3FFC];
	_ =	sdelay $0x3  }
0x94: {  	_ =	strace s2  }
0x95: {  	s2 =	sld [smem:$0x3FFD];
	_ =	sdelay $0x3  }
0x96: {  	_ =	strace s2  }
0x97: {  	_ =	strace $0x8FFFFFFF  }
0x98: {  	s19 =	sld [smem:$0x3FDB];
	_ =	sdelay $0x1  }
0x99: {  	s20 =	simm.s32 $_scs_section_size  }
0x9a: {  	s4 =	simm.s32 $_size__tile_overlayer_lowered;
	s5 =	simm.s32 $_tile_overlayer_lowered  }
0x9b: {  	s6 =	simm.s32 $0x1BFF;
	s21 =	sshll.u32 s5, $0x1;
	s3 =	sadd.s32 s20, s19  }
0x9c: {  	s22 =	simm.s32 $0x0;
	s4 =	sshll.u32 s4, $0x1;
	s5 =	sadd.s32 s21, s3  }
0x9d: {  	[timem:s22], [sflag:s6] =	dma.local [hbm:s5], s4  }
0x9e: {  	_ =	swait.ge [sflag:s6], s4  }
0x9f: {  	s4 =	ssub.s32 $0x0, s4;
	[sflag:s6] =	ssyncset.done $0x0  }
0xa0: {  	[sflag:s6] =	ssyncadd.s32 s4;
	_ =	sdelay $0x1  }
0xa1: {  	s23 =	simm.s32 $0x1B8B  }
0xa2: {  	_ =	swait.ge [sflag:s23], $0x1  }
0xa3: {  	[sflag:s23] =	ssyncset.done $0x0  }
0xa4: {  	[sflag:s23] =	ssyncadd.s32 $0xFFFFFFFF  }
0xa5: {  	s4 =	sld [smem:$0x0]  }
0xa6: {  	s5 =	sand.u32 $0xFFFFFFFE, s1  }
0xa7: {  	p0 =	sne.s32 s1, s5  }
0xa8: {  	s5 =	sshll.u32 @p0 s5, $0xE  }
0xa9: {  	s5 =	sadd.s32 @p0 $0x11B8D, s5;
	s6 =	sshll.u32 @p0 s4, $0x11  }
0xaa: {  	s5 =	sor.u32 @p0 s6, s5  }
0xab: {  	[sflag:s5] =	ssyncadd.remote.s32 @p0 $0x1;
	_ =	sdelay $0x1  }
0xac: {  	s5 =	simm.s32 @p0 $0x1B8D  }
0xad: {  	_ =	swait.eq @p0 [sflag:s5], $0x1  }
0xae: {  	[sflag:s5] =	ssyncadd.s32 @p0 $0xFFFFFFFF  }
0xaf: {  	s6 =	sshll.u32 @!p0 s1, $0xE  }
0xb0: {  	s6 =	sor.u32 @!p0 $0x4000, s6;
	s5 =	simm.s32 @!p0 $0x1B8D  }
0xb1: {  	s4 =	sshll.u32 @!p0 s4, $0x11;
	s6 =	sadd.s32 @!p0 $0x11B8D, s6;
	_ =	swait.eq @!p0 [sflag:s5], $0x1  }
0xb2: {  	s4 =	sor.u32 @!p0 s4, s6;
	[sflag:s5] =	ssyncadd.s32 @!p0 $0xFFFFFFFF  }
0xb3: {  	s25 =	simm.s32 $0x1B8E;
	s24 =	sld [smem:$0x3FFE];
	[sflag:s4] =	ssyncadd.remote.s32 @!p0 $0x1  }
0xb4: {  	s26 =	simm.s32 $execute0_lowered;
	[smem:$0x3FD2] =	sst s25  }
0xb5: {  	s5 =	sshll.u32 s26, $0x1;
	_ =	strace $0x80000061;
	[dreg:$0x1] =	wrdreg $0xFFFFFFFF  }
0xb6: {  	s28 =	simm.s32 $_size_execute0_lowered;
	s3 =	sadd.s32 s3, s5;
	[dreg:$0x0] =	wrdreg $0x0  }
0xb7: {  	s5 =	sshll.u32 s28, $0x1;
	[dreg:$0x2] =	wrdreg s3  }
0xb8: {  	[dreg:$0x3] =	wrdreg s5  }
0xb9: {  	[dreg:$0x4] =	wrdreg $0xC0  }
0xba: {  	_ =	task [dreg:s22], $0x5FFFF  }
0xbb: {  	[dreg:$0x1] =	wrdreg $0xFFFFFFFF  }
0xbc: {  	[dreg:$0x0] =	wrdreg $0x60  }
0xbd: {  	[dreg:$0x2] =	wrdreg s24  }
0xbe: {  	[dreg:$0x3] =	wrdreg $0x9  }
0xbf: {  	_ =	task.clear_ibuf [dreg:s22], $0x4FFFF;
	_ =	strace $0x90000061  }
0xc0: {  	s29 =	simm.s32 $0x9;
	_ =	strace $0x80000063  }
0xc1: {  	_ =	swait.ge [sflag:s29], $0x1  }
0xc2: {  	[sflag:s29] =	ssyncadd.s32 $0xFFFFFFFF  }
0xc3: {  	_ =	strace $0x90000063  }
0xc4: {  	_ =	sfence  }
0xc5: {  	s30 =	sld [smem:$0x0];
	_ =	sdelay $0x2  }
0xc6: {  	s31 =	sshll.u32 s1, $0xD;
	s1 =	sshrl.u32 s1, $0x2  }
0xc7: {  	s4 =	sand.u32 $0x4000, s31;
	s1 =	sadd.s32 s1, s30  }
0xc8: {  	s0 =	sor.u32 s4, s0;
	s1 =	sshll.u32 s1, $0x11  }
0xc9: {  	s0 =	sor.u32 s1, s0  }
0xca: {  	s0 =	sadd.s32 $0x8F2B, s0  }
0xcb: {  	[sflag:s0] =	ssyncadd.remote.s32 $0x1  }
0xcc: {  	_ =	sfence.sel $0xFFFF  }
0xcd: {  	[dreg:$0x0] =	wrdreg $0xFFFFFFFF;
	(pc) =	sbr.abs _section_cstart, $3  }
0xce: {  	[dreg:$0x1] =	wrdreg $0xFFFFFFFF  }
0xcf: {  	_ =	task.clear_ibuf [dreg:s22], $0x2FFFF;
	_ =	strace $0x9FFFFFFF  }
0xd0: {  	(tm) =	ssettm $0x7FFFFFFF  }
0xd1: {  	_ =	shalt  }
tec
execute0_lowered:
.L_overlay_start_1:
0x0: {  	(tag) =	ssettag $0x1  }
0x1: {  	s1 =	srdreg.scid;
	s0 =	stileid.u32  }
0x2: {  	s16 =	sand.u32 $0x1, s1;
	s29 =	sshll.u32 s0, $0x1  }
0x3: {  	s17 =	sor.u32 s16, s29  }
0x4: {  	s18 =	rddreg [dreg:$0x0];
	s3 =	smul.u32 $0x50, s17  }
0x5: {  	s2 =	simm.s32 $0x0;
	s1 =	rddreg [dreg:$0x1]  }
0x6: {  	[smem:$0x7FF] =	sst s2;
	s3 =	sadd.s32 s3, s18  }
0x7: {  	_ =	strace $0x80000062;
	s4 =	sadd.s32 $0x6F200, s3;
	s3 =	simm.s32 $0x2  }
0x8: {  	[tilespmem:s2], [sflag:$0x2] =	stream.linear.gather [hbm4b:s4+s2], $0x280, $0x38;
	[tilespmem:$0x14280] =	vst v63  }
0x9: {  	_ =	swait.ge [sflag:s3], $0x280  }
0xa: {  	s6 =	simm.s32 $0x80;
	[sflag:s3] =	ssyncset.done $0x0  }
0xb: {  	s7 =	simm.s32 $0x280;
	s5 =	sadd.s32 $0x8D000, s18;
	[sflag:s3] =	ssyncadd.s32 $0xFFFFFD80  }
0xc: {  	[tilespmem:s7], [sflag:$0x1] =	stream.indirect.gather [hbm4b:s5+s6], $0x80, s2, s6, $0xb8;
	[tilespmem:$0x14280] =	vst v63  }
0xd: {  	s8 =	simm.s32 $0x4280  }
0xe: {  	[tilespmem:s8], [sflag:$0x1] =	stream.indirect.gather [hbm4b:s5+s6], $0x80, s6, s6, $0xb8;
	[tilespmem:$0x14280] =	vst v63  }
0xf: {  	s9 =	simm.s32 $0x100;
	s10 =	simm.s32 $0x8280  }
0x10: {  	[tilespmem:s10], [sflag:$0x1] =	stream.indirect.gather [hbm4b:s5+s6], $0x80, s9, s6, $0xb8;
	[tilespmem:$0x14280] =	vst v63  }
0x11: {  	s11 =	simm.s32 $0x180;
	s12 =	simm.s32 $0xC280  }
0x12: {  	[tilespmem:s12], [sflag:$0x1] =	stream.indirect.gather [hbm4b:s5+s6], $0x80, s11, s6, $0xb8;
	[tilespmem:$0x14280] =	vst v63  }
0x13: {  	s13 =	simm.s32 $0x200;
	s14 =	simm.s32 $0x10280;
	s15 =	simm.s32 $0x1  }
0x14: {  	[tilespmem:s14], [sflag:$0x1] =	stream.indirect.gather [hbm4b:s5+s6], $0x80, s13, s6, $0xb8;
	[tilespmem:$0x14280] =	vst v63  }
0x15: {  	_ =	swait.ge [sflag:s15], $0x4000  }
0x16: {  	[sflag:s15] =	ssyncset.done $0x0  }
0x17: {  	[sflag:s15] =	ssyncadd.s32 $0xFFFFC000  }
0x18: {  	_ =	swait.ge [sflag:s15], $0x4000  }
0x19: {  	[sflag:s15] =	ssyncset.done $0x0  }
0x1a: {  	[sflag:s15] =	ssyncadd.s32 $0xFFFFC000  }
0x1b: {  	_ =	swait.ge [sflag:s15], $0x4000  }
0x1c: {  	[sflag:s15] =	ssyncset.done $0x0  }
0x1d: {  	s16 =	ssub.s32 $0x2, s16;
	[sflag:s15] =	ssyncadd.s32 $0xFFFFC000  }
0x1e: {  	s19 =	sshrl.u32 s16, $0x1;
	_ =	swait.ge [sflag:s15], $0x4000  }
0x1f: {  	s30 =	ssub.s32 s16, s19;
	[sflag:s15] =	ssyncset.done $0x0  }
0x20: {  	s17 =	smul.u32 $0x2800, s17;
	s31 =	smax.u32 s30, $0x1;
	[sflag:s15] =	ssyncadd.s32 $0xFFFFC000  }
0x21: {  	p0 =	sne.s32 s31, $0x1;
	_ =	swait.ge [sflag:s15], $0x4000  }
.Ltmp0:
0x22: {  	s17 =	sadd.s32 s17, s18;
	[sflag:s15] =	ssyncset.done $0x0;
	(pc) =	sbr.rel @!p0 .LBB2_2-.Ltmp0, $4  }
0x23: {  	s16 =	sadd.s32 $0xF8600, s17;
	[sflag:s15] =	ssyncadd.s32 $0xFFFFC000  }
0x24: {  	[hbm4b:s16+s2] =	stream.linear.scatter [tilespmem:s7], [sflag:$0x2], $0x14000, $0x38;
	[tilespmem:$0x14280] =	vst v63  }
0x25: {  	_ =	swait.ge [sflag:s3], $0x14000  }
0x26: {  	s17 =	sadd.s32 $0xFFFFFFFF, s31;
	[sflag:s3] =	ssyncset.done $0x0  }
.LBB2_1:
0x27: {  	p0 =	sne.s32 s17, $0x1;
	s17 =	sadd.s32 $0xFFFFFFFF, s17;
	[sflag:s3] =	ssyncadd.s32 $0xFFFEC000  }
0x28: {  	[tilespmem:s2], [sflag:$0x2] =	stream.linear.gather [hbm4b:s4+s2], $0x280, $0x38;
	[tilespmem:$0x14280] =	vst v63  }
0x29: {  	_ =	swait.ge [sflag:s3], $0x280  }
0x2a: {  	[sflag:s3] =	ssyncset.done $0x0  }
0x2b: {  	[sflag:s3] =	ssyncadd.s32 $0xFFFFFD80  }
0x2c: {  	[tilespmem:s7], [sflag:$0x1] =	stream.indirect.gather [hbm4b:s5+s6], $0x80, s2, s6, $0xb8;
	[tilespmem:$0x14280] =	vst v63  }
0x2d: {  	_ = 	snop  }
0x2e: {  	[tilespmem:s8], [sflag:$0x1] =	stream.indirect.gather [hbm4b:s5+s6], $0x80, s6, s6, $0xb8;
	[tilespmem:$0x14280] =	vst v63  }
0x2f: {  	_ = 	snop  }
0x30: {  	[tilespmem:s10], [sflag:$0x1] =	stream.indirect.gather [hbm4b:s5+s6], $0x80, s9, s6, $0xb8;
	[tilespmem:$0x14280] =	vst v63  }
0x31: {  	_ = 	snop  }
0x32: {  	[tilespmem:s12], [sflag:$0x1] =	stream.indirect.gather [hbm4b:s5+s6], $0x80, s11, s6, $0xb8;
	[tilespmem:$0x14280] =	vst v63  }
0x33: {  	_ = 	snop  }
0x34: {  	[tilespmem:s14], [sflag:$0x1] =	stream.indirect.gather [hbm4b:s5+s6], $0x80, s13, s6, $0xb8;
	[tilespmem:$0x14280] =	vst v63  }
0x35: {  	_ =	swait.ge [sflag:s15], $0x4000  }
0x36: {  	[sflag:s15] =	ssyncset.done $0x0  }
0x37: {  	[sflag:s15] =	ssyncadd.s32 $0xFFFFC000  }
0x38: {  	_ =	swait.ge [sflag:s15], $0x4000  }
0x39: {  	[sflag:s15] =	ssyncset.done $0x0  }
0x3a: {  	[sflag:s15] =	ssyncadd.s32 $0xFFFFC000  }
0x3b: {  	_ =	swait.ge [sflag:s15], $0x4000  }
0x3c: {  	[sflag:s15] =	ssyncset.done $0x0  }
0x3d: {  	[sflag:s15] =	ssyncadd.s32 $0xFFFFC000  }
0x3e: {  	_ =	swait.ge [sflag:s15], $0x4000  }
0x3f: {  	[sflag:s15] =	ssyncset.done $0x0  }
0x40: {  	[sflag:s15] =	ssyncadd.s32 $0xFFFFC000  }
0x41: {  	_ =	swait.ge [sflag:s15], $0x4000  }
.Ltmp1:
0x42: {  	[sflag:s15] =	ssyncset.done $0x0;
	(pc) =	sbr.rel @p0 .LBB2_1-.Ltmp1, $4  }
0x43: {  	[sflag:s15] =	ssyncadd.s32 $0xFFFFC000  }
0x44: {  	[hbm4b:s16+s2] =	stream.linear.scatter [tilespmem:s7], [sflag:$0x2], $0x14000, $0x38;
	[tilespmem:$0x14280] =	vst v63  }
0x45: {  	_ =	swait.ge [sflag:s3], $0x14000  }
0x46: {  	[sflag:s3] =	ssyncset.done $0x0  }
.LBB2_2:
0x47: {  	[sflag:s3] =	ssyncadd.s32 $0xFFFEC000  }
0x48: {  	_ =	sfence.sel $0x180000  }
0x49: {  	[bflag:$0x0] =	sbarrier.arrive $0xFFFF  }
0x4a: {  	p0 =	sne.s32 s0, $0x0;
	_ =	strace $0x90000062  }
0x4b: {  	s0 =	sadd.s32 @!p0 $0x100000, s1;
	[bflag:$0x2] =	sbarrier.arrive $0xFFFF  }
0x4c: {  	[sflag:s0] =	ssyncadd.tile.s32 @!p0 $0x1;
	_ =	shalt  }
.Lfunc_end2:
_tile_overlayer_lowered:
.L_overlay_start_2:
0x4d: {  	(tag) =	ssettag $0x2  }
0x4e: {  	s0 =	rddreg [dreg:$0x0];
	s2 =	stileid.u32  }
0x4f: {  	s1 =	rddreg [dreg:$0x1];
	p0 =	sne.s32 s2, $0x0  }
0x50: {  	s3 =	rddreg [dreg:$0x2];
	[bflag:$0x3] =	sbarrier.arrive $0xFFFF;
	s2 =	simm.s32 @!p0 $0x1C02  }
0x51: {  	[timem:s3], [sflag:s2] =	dma.local @!p0 [hbm:s0], s1  }
0x52: {  	s0 =	simm.s32 @!p0 $0x2  }
0x53: {  	_ =	swait.ge @!p0 [sflag:s0], s1  }
0x54: {  	s1 =	ssub.s32 @!p0 $0x0, s1;
	[sflag:s0] =	ssyncset.done @!p0 $0x0  }
0x55: {  	[sflag:s0] =	ssyncadd.s32 @!p0 s1  }
0x56: {  	[bflag:$0x3] =	sbarrier.arrive $0xFFFF  }
0x57: {  	_ =	shalt  }

// kernel: kernel.52.cloned.1.call-start
scs
__scs_entry_jumppad:
0x0: {  	(pc) =	sbr.rel $0x88, $3  }
0x1: {  	(tag) =	ssettag $0x0;
	lr =	simm.s32 $0x1  }
0x2: {  	[smem:$0x3F81] =	sst lr;
	_ =	strace $0xD0000000  }
0x3: {  	_ = 	snop  }
0x4: {  	_ = 	snop  }
0x5: {  	_ = 	snop  }
0x6: {  	_ = 	snop  }
0x7: {  	_ = 	snop  }
__scs_overlays_trampoline_lowered:
0x8: {  	[smem:$0x3F90] =	sst s0  }
0x9: {  	[smem:$0x3F91] =	sst s1  }
0xa: {  	[smem:$0x3F92] =	sst s2  }
0xb: {  	[smem:$0x3F93] =	sst s3  }
0xc: {  	[smem:$0x3F94] =	sst s4  }
0xd: {  	[smem:$0x3F95] =	sst s5  }
0xe: {  	[smem:$0x3F96] =	sst s6  }
0xf: {  	[smem:$0x3F97] =	sst s7  }
0x10: {  	[smem:$0x3F98] =	sst s8  }
0x11: {  	[smem:$0x3F99] =	sst s9;
	s0 =	simm.s32 @!p0 $0x0  }
0x12: {  	s1 =	sld [smem:$0x3F7F];
	s0 =	simm.s32 @p0 $0x1  }
0x13: {  	[smem:$0x3F9A] =	sst s0;
	s0 =	simm.s32 @!p1 $0x0  }
0x14: {  	s2 =	sld [smem:$0x3F7E];
	s0 =	simm.s32 @p1 $0x1  }
0x15: {  	[smem:$0x3F9B] =	sst s0;
	s0 =	simm.s32 @!p2 $0x0  }
0x16: {  	s3 =	sld [smem:$0x3FDB];
	s0 =	simm.s32 @p2 $0x1  }
0x17: {  	s4 =	simm.s32 $0x1BF5;
	[smem:$0x3F9D] =	sst s0  }
0x18: {  	s0 =	sld [smem:$0x3F80];
	_ =	swait.ge [sflag:s4], $0x0  }
0x19: {  	s7 =	sld [smem:$0x3F81]  }
0x1a: {  	s8 =	sadd.s32 $0xFFFFE003, lr  }
0x1b: {  	s9 =	sadd.s32 $0xFFFFFEF7, lr;
	s5 =	simm.s32 $0xFFFFFFFF;
	p2 =	slt.u32 s8, $0xFFFFF086  }
0x1c: {  	p1 =	slt.u32 s9, $0xF7A;
	s5 =	simm.s32 @!p2 $0x0  }
0x1d: {  	s5 =	simm.s32 @p1 $0x1;
	p0 =	seq.s32 s7, s2  }
0x1e: {  	s7 =	smul.u32 @!p0 $0xF7A, s2;
	p2 =	seq.s32 @!p0 s5, $0x0  }
0x1f: {  	s9 =	smul.u32 $0xF7A, s1;
	s8 =	simm.s32 @!p0 $0x1BF5;
	p2 =	por !p2, p0  }
0x20: {  	[sflag:s8] =	ssyncset.s32 @!p0 $0xFFFFF086;
	s6 =	sadd.s32 @!p0 s3, s7;
	s7 =	simm.s32 @!p0 $0x108  }
0x21: {  	s3 =	sadd.s32 s3, s9;
	s6 =	sadd.s32 @!p0 $0x88, s6;
	s7 =	simm.s32 @p2 $0x1082  }
0x22: {  	[simem:s7], [sflag:s8] =	dma.local @!p0 [hbm:s6], $0xF7A  }
0x23: {  	s9 =	sor.u32 $0xD0000000, s2;
	s6 =	simm.s32 $0x108;
	_ =	swait.ge @!p0 [sflag:s8], $0x0  }
0x24: {  	s3 =	sadd.s32 $0x88, s3;
	s6 =	simm.s32 @!p1 $0x1082;
	[sflag:s4] =	ssyncset.s32 $0xFFFFF086  }
0x25: {  	[simem:s6], [sflag:s4] =	dma.local [hbm:s3], $0xF7A  }
0x26: {  	[smem:$0x3F81] =	sst s1;
	(tag) =	ssettag s2;
	_ =	strace s9  }
0x27: {  	s1 =	sld [smem:$0x3F91]  }
0x28: {  	s2 =	sld [smem:$0x3F92]  }
0x29: {  	s4 =	sld [smem:$0x3F94]  }
0x2a: {  	p0 =	seq.s32 s5, $0x0;
	s5 =	sld [smem:$0x3F95]  }
0x2b: {  	s6 =	sld [smem:$0x3F96]  }
0x2c: {  	s7 =	sld [smem:$0x3F97]  }
0x2d: {  	s3 =	simm.s32 $0x108;
	s8 =	sld [smem:$0x3F98]  }
0x2e: {  	s3 =	simm.s32 @!p0 $0x1082;
	s9 =	sld [smem:$0x3F99]  }
0x2f: {  	lr =	sadd.s32 s0, s3;
	s0 =	sld [smem:$0x3F90]  }
0x30: {  	s3 =	sld [smem:$0x3F93]  }
0x31: {  	[smem:$0x3F9C] =	sst s10  }
0x32: {  	s10 =	sld [smem:$0x3F9A];
	_ =	sdelay $0x3  }
0x33: {  	p0 =	seq.s32 s10, $0x1;
	s10 =	sld [smem:$0x3F9C];
	_ =	sdelay $0x3  }
0x34: {  	[smem:$0x3F9C] =	sst s10  }
0x35: {  	s10 =	sld [smem:$0x3F9B];
	_ =	sdelay $0x3  }
0x36: {  	p1 =	seq.s32 s10, $0x1;
	s10 =	sld [smem:$0x3F9C];
	_ =	sdelay $0x3  }
0x37: {  	[smem:$0x3F9C] =	sst s10  }
0x38: {  	s10 =	sld [smem:$0x3F9D]  }
0x39: {  	_ = 	snop;
	(pc) =	sbr.ind lr, $3  }
0x3a: {  	_ = 	snop  }
0x3b: {  	_ = 	snop  }
0x3c: {  	p2 =	seq.s32 s10, $0x1;
	s10 =	sld [smem:$0x3F9C]  }
0x3d: {  	_ =	shalt  }
0x3e: {  	_ =	shalt  }
0x3f: {  	_ =	shalt  }
0x40: {  	_ =	shalt  }
0x41: {  	_ =	shalt  }
0x42: {  	_ =	shalt  }
0x43: {  	_ =	shalt  }
0x44: {  	_ =	shalt  }
0x45: {  	_ =	shalt  }
0x46: {  	_ =	shalt  }
0x47: {  	_ =	shalt  }
0x48: {  	_ =	shalt  }
0x49: {  	_ =	shalt  }
0x4a: {  	_ =	shalt  }
0x4b: {  	_ =	shalt  }
0x4c: {  	_ =	shalt  }
0x4d: {  	_ =	shalt  }
0x4e: {  	_ =	shalt  }
0x4f: {  	_ =	shalt  }
0x50: {  	_ =	shalt  }
0x51: {  	_ =	shalt  }
0x52: {  	_ =	shalt  }
0x53: {  	_ =	shalt  }
0x54: {  	_ =	shalt  }
0x55: {  	_ =	shalt  }
0x56: {  	_ =	shalt  }
0x57: {  	_ =	shalt  }
0x58: {  	_ =	shalt  }
0x59: {  	_ =	shalt  }
0x5a: {  	_ =	shalt  }
0x5b: {  	_ =	shalt  }
0x5c: {  	_ =	shalt  }
0x5d: {  	_ =	shalt  }
0x5e: {  	_ =	shalt  }
0x5f: {  	_ =	shalt  }
0x60: {  	_ =	shalt  }
0x61: {  	_ =	shalt  }
0x62: {  	_ =	shalt  }
0x63: {  	_ =	shalt  }
0x64: {  	_ =	shalt  }
0x65: {  	_ =	shalt  }
0x66: {  	_ =	shalt  }
0x67: {  	_ =	shalt  }
0x68: {  	_ =	shalt  }
0x69: {  	_ =	shalt  }
0x6a: {  	_ =	shalt  }
0x6b: {  	_ =	shalt  }
0x6c: {  	_ =	shalt  }
0x6d: {  	_ =	shalt  }
0x6e: {  	_ =	shalt  }
0x6f: {  	_ =	shalt  }
0x70: {  	_ =	shalt  }
0x71: {  	_ =	shalt  }
0x72: {  	_ =	shalt  }
0x73: {  	_ =	shalt  }
0x74: {  	_ =	shalt  }
0x75: {  	_ =	shalt  }
0x76: {  	_ =	shalt  }
0x77: {  	_ =	shalt  }
0x78: {  	_ =	shalt  }
0x79: {  	_ =	shalt  }
0x7a: {  	_ =	shalt  }
0x7b: {  	_ =	shalt  }
0x7c: {  	_ =	shalt  }
0x7d: {  	_ =	shalt  }
0x7e: {  	_ =	shalt  }
0x7f: {  	_ =	shalt  }
0x80: {  	_ =	shalt  }
0x81: {  	_ =	shalt  }
0x82: {  	_ =	shalt  }
0x83: {  	_ =	shalt  }
0x84: {  	_ =	shalt  }
0x85: {  	_ =	shalt  }
0x86: {  	_ =	shalt  }
0x87: {  	_ =	shalt  }
.Lfunc_end0:
.L_simem_size_0:
called_computation.9_lowered:
.L_overlay_start_0:
0x88: {  	s2 =	sld [smem:$0x3FD9]  }
0x89: {  	s3 =	sld [smem:$0x3FFE];
	_ =	sdelay $0x1  }
0x8a: {  	s1 =	srdreg.scid  }
0x8b: {  	s0 =	sand.u32 $0x1, s1  }
0x8c: {  	s16 =	sshll.u32 s0, $0xA;
	s2 =	sadd.s32 s3, s2  }
0x8d: {  	s2 =	sadd.s32 s2, s16  }
0x8e: {  	[smem:$0x3FA8] =	sst s2  }
0x8f: {  	_ = 	snop  }
0x90: {  	(tm) =	ssettm $0x1  }
0x91: {  	s17 =	sld [smem:$0x3FFB];
	_ =	sdelay $0x3  }
0x92: {  	_ =	strace s17  }
0x93: {  	s2 =	sld [smem:$0x3FFC];
	_ =	sdelay $0x3  }
0x94: {  	_ =	strace s2  }
0x95: {  	s2 =	sld [smem:$0x3FFD];
	_ =	sdelay $0x3  }
0x96: {  	_ =	strace s2  }
0x97: {  	_ =	strace $0x8FFFFFFF  }
0x98: {  	s18 =	sld [smem:$0x3FDB];
	_ =	sdelay $0x1  }
0x99: {  	s19 =	simm.s32 $_scs_section_size  }
0x9a: {  	s4 =	simm.s32 $_size__tile_overlayer_lowered;
	s5 =	simm.s32 $_tile_overlayer_lowered  }
0x9b: {  	s22 =	simm.s32 $0x1BFF;
	s21 =	sshll.u32 s5, $0x1;
	s2 =	sadd.s32 s19, s18  }
0x9c: {  	s6 =	simm.s32 $0x0;
	s20 =	sshll.u32 s4, $0x1;
	s4 =	sadd.s32 s21, s2  }
0x9d: {  	[timem:s6], [sflag:s22] =	dma.local [hbm:s4], s20  }
0x9e: {  	_ =	swait.ge [sflag:s22], s20  }
0x9f: {  	s3 =	ssub.s32 $0x0, s20;
	[sflag:s22] =	ssyncset.done $0x0  }
0xa0: {  	[sflag:s22] =	ssyncadd.s32 s3;
	_ =	sdelay $0x1  }
0xa1: {  	s23 =	simm.s32 $0x1B8B  }
0xa2: {  	_ =	swait.ge [sflag:s23], $0x1  }
0xa3: {  	[sflag:s23] =	ssyncset.done $0x0  }
0xa4: {  	s25 =	simm.s32 $0x1B8E;
	s24 =	sld [smem:$0x3FFE];
	[sflag:s23] =	ssyncadd.s32 $0xFFFFFFFF  }
0xa5: {  	s26 =	simm.s32 $execute0_lowered;
	[smem:$0x3FD2] =	sst s25  }
0xa6: {  	s4 =	sshll.u32 s26, $0x1;
	_ =	strace $0x8000005E;
	[dreg:$0x1] =	wrdreg $0xFFFFFFFF  }
0xa7: {  	s28 =	simm.s32 $_size_execute0_lowered;
	s2 =	sadd.s32 s2, s4;
	[dreg:$0x0] =	wrdreg $0x0  }
0xa8: {  	s4 =	sshll.u32 s28, $0x1;
	[dreg:$0x2] =	wrdreg s2  }
0xa9: {  	[dreg:$0x3] =	wrdreg s4  }
0xaa: {  	[dreg:$0x4] =	wrdreg $0xC0  }
0xab: {  	_ =	task [dreg:s6], $0x5FFFF  }
0xac: {  	[dreg:$0x1] =	wrdreg $0xFFFFFFFF  }
0xad: {  	[dreg:$0x0] =	wrdreg $0x60  }
0xae: {  	[dreg:$0x2] =	wrdreg s24  }
0xaf: {  	[dreg:$0x3] =	wrdreg $0xA  }
0xb0: {  	_ =	task.clear_ibuf [dreg:s6], $0x4FFFF;
	_ =	strace $0x9000005E  }
0xb1: {  	s29 =	simm.s32 $0xA;
	_ =	strace $0x80000060  }
0xb2: {  	_ =	swait.ge [sflag:s29], $0x1  }
0xb3: {  	[sflag:s29] =	ssyncadd.s32 $0xFFFFFFFF  }
0xb4: {  	_ =	strace $0x90000060  }
0xb5: {  	_ =	sfence  }
0xb6: {  	s30 =	sld [smem:$0x0];
	_ =	sdelay $0x2  }
0xb7: {  	s31 =	sshll.u32 s1, $0xD;
	s1 =	sshrl.u32 s1, $0x2  }
0xb8: {  	s3 =	sand.u32 $0x4000, s31;
	s1 =	sadd.s32 s1, s30  }
0xb9: {  	s0 =	sor.u32 s3, s0;
	s1 =	sshll.u32 s1, $0x11  }
0xba: {  	s0 =	sor.u32 s1, s0  }
0xbb: {  	s0 =	sadd.s32 $0x8F2B, s0  }
0xbc: {  	[sflag:s0] =	ssyncadd.remote.s32 $0x1  }
0xbd: {  	_ =	sfence.sel $0xFFFF  }
0xbe: {  	[dreg:$0x0] =	wrdreg $0xFFFFFFFF;
	(pc) =	sbr.abs _section_cstart, $3  }
0xbf: {  	[dreg:$0x1] =	wrdreg $0xFFFFFFFF  }
0xc0: {  	_ =	task.clear_ibuf [dreg:s6], $0x2FFFF;
	_ =	strace $0x9FFFFFFF  }
0xc1: {  	(tm) =	ssettm $0x7FFFFFFF  }
tec
execute0_lowered:
.L_overlay_start_1:
0x0: {  	(tag) =	ssettag $0x1  }
0x1: {  	s1 =	srdreg.scid;
	s0 =	stileid.u32  }
0x2: {  	s16 =	sand.u32 $0x1, s1;
	s29 =	sshll.u32 s0, $0x1  }
0x3: {  	s17 =	sor.u32 s16, s29  }
0x4: {  	s18 =	rddreg [dreg:$0x0];
	s3 =	smul.u32 $0x50, s17  }
0x5: {  	s2 =	simm.s32 $0x0;
	s1 =	rddreg [dreg:$0x1]  }
0x6: {  	[smem:$0x7FF] =	sst s2;
	s3 =	sadd.s32 s3, s18  }
0x7: {  	_ =	strace $0x8000005F;
	s4 =	sadd.s32 $0xA7C00, s3;
	s3 =	simm.s32 $0x2  }
0x8: {  	[tilespmem:s2], [sflag:$0x2] =	stream.linear.gather [hbm4b:s4+s2], $0x280, $0x38;
	[tilespmem:$0x14280] =	vst v63  }
0x9: {  	_ =	swait.ge [sflag:s3], $0x280  }
0xa: {  	s6 =	simm.s32 $0x80;
	[sflag:s3] =	ssyncset.done $0x0  }
0xb: {  	s7 =	simm.s32 $0x280;
	s5 =	sadd.s32 $0x8D000, s18;
	[sflag:s3] =	ssyncadd.s32 $0xFFFFFD80  }
0xc: {  	[tilespmem:s7], [sflag:$0x1] =	stream.indirect.gather [hbm4b:s5+s6], $0x80, s2, s6, $0xb8;
	[tilespmem:$0x14280] =	vst v63  }
0xd: {  	s8 =	simm.s32 $0x4280  }
0xe: {  	[tilespmem:s8], [sflag:$0x1] =	stream.indirect.gather [hbm4b:s5+s6], $0x80, s6, s6, $0xb8;
	[tilespmem:$0x14280] =	vst v63  }
0xf: {  	s9 =	simm.s32 $0x100;
	s10 =	simm.s32 $0x8280  }
0x10: {  	[tilespmem:s10], [sflag:$0x1] =	stream.indirect.gather [hbm4b:s5+s6], $0x80, s9, s6, $0xb8;
	[tilespmem:$0x14280] =	vst v63  }
0x11: {  	s11 =	simm.s32 $0x180;
	s12 =	simm.s32 $0xC280  }
0x12: {  	[tilespmem:s12], [sflag:$0x1] =	stream.indirect.gather [hbm4b:s5+s6], $0x80, s11, s6, $0xb8;
	[tilespmem:$0x14280] =	vst v63  }
0x13: {  	s13 =	simm.s32 $0x200;
	s14 =	simm.s32 $0x10280;
	s15 =	simm.s32 $0x1  }
0x14: {  	[tilespmem:s14], [sflag:$0x1] =	stream.indirect.gather [hbm4b:s5+s6], $0x80, s13, s6, $0xb8;
	[tilespmem:$0x14280] =	vst v63  }
0x15: {  	_ =	swait.ge [sflag:s15], $0x4000  }
0x16: {  	[sflag:s15] =	ssyncset.done $0x0  }
0x17: {  	[sflag:s15] =	ssyncadd.s32 $0xFFFFC000  }
0x18: {  	_ =	swait.ge [sflag:s15], $0x4000  }
0x19: {  	[sflag:s15] =	ssyncset.done $0x0  }
0x1a: {  	[sflag:s15] =	ssyncadd.s32 $0xFFFFC000  }
0x1b: {  	_ =	swait.ge [sflag:s15], $0x4000  }
0x1c: {  	[sflag:s15] =	ssyncset.done $0x0  }
0x1d: {  	s16 =	ssub.s32 $0x2, s16;
	[sflag:s15] =	ssyncadd.s32 $0xFFFFC000  }
0x1e: {  	s19 =	sshrl.u32 s16, $0x1;
	_ =	swait.ge [sflag:s15], $0x4000  }
0x1f: {  	s30 =	ssub.s32 s16, s19;
	[sflag:s15] =	ssyncset.done $0x0  }
0x20: {  	s17 =	smul.u32 $0x2800, s17;
	s31 =	smax.u32 s30, $0x1;
	[sflag:s15] =	ssyncadd.s32 $0xFFFFC000  }
0x21: {  	p0 =	sne.s32 s31, $0x1;
	_ =	swait.ge [sflag:s15], $0x4000  }
.Ltmp0:
0x22: {  	s17 =	sadd.s32 s17, s18;
	[sflag:s15] =	ssyncset.done $0x0;
	(pc) =	sbr.rel @!p0 .LBB2_2-.Ltmp0, $4  }
0x23: {  	s16 =	sadd.s32 $0xB800, s17;
	[sflag:s15] =	ssyncadd.s32 $0xFFFFC000  }
0x24: {  	[hbm4b:s16+s2] =	stream.linear.scatter [tilespmem:s7], [sflag:$0x2], $0x14000, $0x38;
	[tilespmem:$0x14280] =	vst v63  }
0x25: {  	_ =	swait.ge [sflag:s3], $0x14000  }
0x26: {  	s17 =	sadd.s32 $0xFFFFFFFF, s31;
	[sflag:s3] =	ssyncset.done $0x0  }
.LBB2_1:
0x27: {  	p0 =	sne.s32 s17, $0x1;
	s17 =	sadd.s32 $0xFFFFFFFF, s17;
	[sflag:s3] =	ssyncadd.s32 $0xFFFEC000  }
0x28: {  	[tilespmem:s2], [sflag:$0x2] =	stream.linear.gather [hbm4b:s4+s2], $0x280, $0x38;
	[tilespmem:$0x14280] =	vst v63  }
0x29: {  	_ =	swait.ge [sflag:s3], $0x280  }
0x2a: {  	[sflag:s3] =	ssyncset.done $0x0  }
0x2b: {  	[sflag:s3] =	ssyncadd.s32 $0xFFFFFD80  }
0x2c: {  	[tilespmem:s7], [sflag:$0x1] =	stream.indirect.gather [hbm4b:s5+s6], $0x80, s2, s6, $0xb8;
	[tilespmem:$0x14280] =	vst v63  }
0x2d: {  	_ = 	snop  }
0x2e: {  	[tilespmem:s8], [sflag:$0x1] =	stream.indirect.gather [hbm4b:s5+s6], $0x80, s6, s6, $0xb8;
	[tilespmem:$0x14280] =	vst v63  }
0x2f: {  	_ = 	snop  }
0x30: {  	[tilespmem:s10], [sflag:$0x1] =	stream.indirect.gather [hbm4b:s5+s6], $0x80, s9, s6, $0xb8;
	[tilespmem:$0x14280] =	vst v63  }
0x31: {  	_ = 	snop  }
0x32: {  	[tilespmem:s12], [sflag:$0x1] =	stream.indirect.gather [hbm4b:s5+s6], $0x80, s11, s6, $0xb8;
	[tilespmem:$0x14280] =	vst v63  }
0x33: {  	_ = 	snop  }
0x34: {  	[tilespmem:s14], [sflag:$0x1] =	stream.indirect.gather [hbm4b:s5+s6], $0x80, s13, s6, $0xb8;
	[tilespmem:$0x14280] =	vst v63  }
0x35: {  	_ =	swait.ge [sflag:s15], $0x4000  }
0x36: {  	[sflag:s15] =	ssyncset.done $0x0  }
0x37: {  	[sflag:s15] =	ssyncadd.s32 $0xFFFFC000  }
0x38: {  	_ =	swait.ge [sflag:s15], $0x4000  }
0x39: {  	[sflag:s15] =	ssyncset.done $0x0  }
0x3a: {  	[sflag:s15] =	ssyncadd.s32 $0xFFFFC000  }
0x3b: {  	_ =	swait.ge [sflag:s15], $0x4000  }
0x3c: {  	[sflag:s15] =	ssyncset.done $0x0  }
0x3d: {  	[sflag:s15] =	ssyncadd.s32 $0xFFFFC000  }
0x3e: {  	_ =	swait.ge [sflag:s15], $0x4000  }
0x3f: {  	[sflag:s15] =	ssyncset.done $0x0  }
0x40: {  	[sflag:s15] =	ssyncadd.s32 $0xFFFFC000  }
0x41: {  	_ =	swait.ge [sflag:s15], $0x4000  }
.Ltmp1:
0x42: {  	[sflag:s15] =	ssyncset.done $0x0;
	(pc) =	sbr.rel @p0 .LBB2_1-.Ltmp1, $4  }
0x43: {  	[sflag:s15] =	ssyncadd.s32 $0xFFFFC000  }
0x44: {  	[hbm4b:s16+s2] =	stream.linear.scatter [tilespmem:s7], [sflag:$0x2], $0x14000, $0x38;
	[tilespmem:$0x14280] =	vst v63  }
0x45: {  	_ =	swait.ge [sflag:s3], $0x14000  }
0x46: {  	[sflag:s3] =	ssyncset.done $0x0  }
.LBB2_2:
0x47: {  	[sflag:s3] =	ssyncadd.s32 $0xFFFEC000  }
0x48: {  	_ =	sfence.sel $0x180000  }
0x49: {  	[bflag:$0x0] =	sbarrier.arrive $0xFFFF  }
0x4a: {  	p0 =	sne.s32 s0, $0x0;
	_ =	strace $0x9000005F  }
0x4b: {  	s0 =	sadd.s32 @!p0 $0x100000, s1;
	[bflag:$0x2] =	sbarrier.arrive $0xFFFF  }
0x4c: {  	[sflag:s0] =	ssyncadd.tile.s32 @!p0 $0x1;
	_ =	shalt  }
.Lfunc_end2:
_tile_overlayer_lowered:
.L_overlay_start_2:
0x4d: {  	(tag) =	ssettag $0x2  }
0x4e: {  	s0 =	rddreg [dreg:$0x0];
	s2 =	stileid.u32  }
0x4f: {  	s1 =	rddreg [dreg:$0x1];
	p0 =	sne.s32 s2, $0x0  }
0x50: {  	s3 =	rddreg [dreg:$0x2];
	[bflag:$0x3] =	sbarrier.arrive $0xFFFF;
	s2 =	simm.s32 @!p0 $0x1C02  }
0x51: {  	[timem:s3], [sflag:s2] =	dma.local @!p0 [hbm:s0], s1  }
0x52: {  	s0 =	simm.s32 @!p0 $0x2  }
0x53: {  	_ =	swait.ge @!p0 [sflag:s0], s1  }
0x54: {  	s1 =	ssub.s32 @!p0 $0x0, s1;
	[sflag:s0] =	ssyncset.done @!p0 $0x0  }
0x55: {  	[sflag:s0] =	ssyncadd.s32 @!p0 s1  }
0x56: {  	[bflag:$0x3] =	sbarrier.arrive $0xFFFF  }
0x57: {  	_ =	shalt  }

// kernel: kernel.55.cloned.1.call-start
scs
__scs_entry_jumppad:
0x0: {  	(pc) =	sbr.rel $0x88, $3  }
0x1: {  	(tag) =	ssettag $0x0;
	lr =	simm.s32 $0x1  }
0x2: {  	[smem:$0x3F81] =	sst lr;
	_ =	strace $0xD0000000  }
0x3: {  	_ = 	snop  }
0x4: {  	_ = 	snop  }
0x5: {  	_ = 	snop  }
0x6: {  	_ = 	snop  }
0x7: {  	_ = 	snop  }
__scs_overlays_trampoline_lowered:
0x8: {  	[smem:$0x3F90] =	sst s0  }
0x9: {  	[smem:$0x3F91] =	sst s1  }
0xa: {  	[smem:$0x3F92] =	sst s2  }
0xb: {  	[smem:$0x3F93] =	sst s3  }
0xc: {  	[smem:$0x3F94] =	sst s4  }
0xd: {  	[smem:$0x3F95] =	sst s5  }
0xe: {  	[smem:$0x3F96] =	sst s6  }
0xf: {  	[smem:$0x3F97] =	sst s7  }
0x10: {  	[smem:$0x3F98] =	sst s8  }
0x11: {  	[smem:$0x3F99] =	sst s9;
	s0 =	simm.s32 @!p0 $0x0  }
0x12: {  	s1 =	sld [smem:$0x3F7F];
	s0 =	simm.s32 @p0 $0x1  }
0x13: {  	[smem:$0x3F9A] =	sst s0;
	s0 =	simm.s32 @!p1 $0x0  }
0x14: {  	s2 =	sld [smem:$0x3F7E];
	s0 =	simm.s32 @p1 $0x1  }
0x15: {  	[smem:$0x3F9B] =	sst s0;
	s0 =	simm.s32 @!p2 $0x0  }
0x16: {  	s3 =	sld [smem:$0x3FDB];
	s0 =	simm.s32 @p2 $0x1  }
0x17: {  	s4 =	simm.s32 $0x1BF5;
	[smem:$0x3F9D] =	sst s0  }
0x18: {  	s0 =	sld [smem:$0x3F80];
	_ =	swait.ge [sflag:s4], $0x0  }
0x19: {  	s7 =	sld [smem:$0x3F81]  }
0x1a: {  	s8 =	sadd.s32 $0xFFFFE003, lr  }
0x1b: {  	s9 =	sadd.s32 $0xFFFFFEF7, lr;
	s5 =	simm.s32 $0xFFFFFFFF;
	p2 =	slt.u32 s8, $0xFFFFF086  }
0x1c: {  	p1 =	slt.u32 s9, $0xF7A;
	s5 =	simm.s32 @!p2 $0x0  }
0x1d: {  	s5 =	simm.s32 @p1 $0x1;
	p0 =	seq.s32 s7, s2  }
0x1e: {  	s7 =	smul.u32 @!p0 $0xF7A, s2;
	p2 =	seq.s32 @!p0 s5, $0x0  }
0x1f: {  	s9 =	smul.u32 $0xF7A, s1;
	s8 =	simm.s32 @!p0 $0x1BF5;
	p2 =	por !p2, p0  }
0x20: {  	[sflag:s8] =	ssyncset.s32 @!p0 $0xFFFFF086;
	s6 =	sadd.s32 @!p0 s3, s7;
	s7 =	simm.s32 @!p0 $0x108  }
0x21: {  	s3 =	sadd.s32 s3, s9;
	s6 =	sadd.s32 @!p0 $0x88, s6;
	s7 =	simm.s32 @p2 $0x1082  }
0x22: {  	[simem:s7], [sflag:s8] =	dma.local @!p0 [hbm:s6], $0xF7A  }
0x23: {  	s9 =	sor.u32 $0xD0000000, s2;
	s6 =	simm.s32 $0x108;
	_ =	swait.ge @!p0 [sflag:s8], $0x0  }
0x24: {  	s3 =	sadd.s32 $0x88, s3;
	s6 =	simm.s32 @!p1 $0x1082;
	[sflag:s4] =	ssyncset.s32 $0xFFFFF086  }
0x25: {  	[simem:s6], [sflag:s4] =	dma.local [hbm:s3], $0xF7A  }
0x26: {  	[smem:$0x3F81] =	sst s1;
	(tag) =	ssettag s2;
	_ =	strace s9  }
0x27: {  	s1 =	sld [smem:$0x3F91]  }
0x28: {  	s2 =	sld [smem:$0x3F92]  }
0x29: {  	s4 =	sld [smem:$0x3F94]  }
0x2a: {  	p0 =	seq.s32 s5, $0x0;
	s5 =	sld [smem:$0x3F95]  }
0x2b: {  	s6 =	sld [smem:$0x3F96]  }
0x2c: {  	s7 =	sld [smem:$0x3F97]  }
0x2d: {  	s3 =	simm.s32 $0x108;
	s8 =	sld [smem:$0x3F98]  }
0x2e: {  	s3 =	simm.s32 @!p0 $0x1082;
	s9 =	sld [smem:$0x3F99]  }
0x2f: {  	lr =	sadd.s32 s0, s3;
	s0 =	sld [smem:$0x3F90]  }
0x30: {  	s3 =	sld [smem:$0x3F93]  }
0x31: {  	[smem:$0x3F9C] =	sst s10  }
0x32: {  	s10 =	sld [smem:$0x3F9A];
	_ =	sdelay $0x3  }
0x33: {  	p0 =	seq.s32 s10, $0x1;
	s10 =	sld [smem:$0x3F9C];
	_ =	sdelay $0x3  }
0x34: {  	[smem:$0x3F9C] =	sst s10  }
0x35: {  	s10 =	sld [smem:$0x3F9B];
	_ =	sdelay $0x3  }
0x36: {  	p1 =	seq.s32 s10, $0x1;
	s10 =	sld [smem:$0x3F9C];
	_ =	sdelay $0x3  }
0x37: {  	[smem:$0x3F9C] =	sst s10  }
0x38: {  	s10 =	sld [smem:$0x3F9D]  }
0x39: {  	_ = 	snop;
	(pc) =	sbr.ind lr, $3  }
0x3a: {  	_ = 	snop  }
0x3b: {  	_ = 	snop  }
0x3c: {  	p2 =	seq.s32 s10, $0x1;
	s10 =	sld [smem:$0x3F9C]  }
0x3d: {  	_ =	shalt  }
0x3e: {  	_ =	shalt  }
0x3f: {  	_ =	shalt  }
0x40: {  	_ =	shalt  }
0x41: {  	_ =	shalt  }
0x42: {  	_ =	shalt  }
0x43: {  	_ =	shalt  }
0x44: {  	_ =	shalt  }
0x45: {  	_ =	shalt  }
0x46: {  	_ =	shalt  }
0x47: {  	_ =	shalt  }
0x48: {  	_ =	shalt  }
0x49: {  	_ =	shalt  }
0x4a: {  	_ =	shalt  }
0x4b: {  	_ =	shalt  }
0x4c: {  	_ =	shalt  }
0x4d: {  	_ =	shalt  }
0x4e: {  	_ =	shalt  }
0x4f: {  	_ =	shalt  }
0x50: {  	_ =	shalt  }
0x51: {  	_ =	shalt  }
0x52: {  	_ =	shalt  }
0x53: {  	_ =	shalt  }
0x54: {  	_ =	shalt  }
0x55: {  	_ =	shalt  }
0x56: {  	_ =	shalt  }
0x57: {  	_ =	shalt  }
0x58: {  	_ =	shalt  }
0x59: {  	_ =	shalt  }
0x5a: {  	_ =	shalt  }
0x5b: {  	_ =	shalt  }
0x5c: {  	_ =	shalt  }
0x5d: {  	_ =	shalt  }
0x5e: {  	_ =	shalt  }
0x5f: {  	_ =	shalt  }
0x60: {  	_ =	shalt  }
0x61: {  	_ =	shalt  }
0x62: {  	_ =	shalt  }
0x63: {  	_ =	shalt  }
0x64: {  	_ =	shalt  }
0x65: {  	_ =	shalt  }
0x66: {  	_ =	shalt  }
0x67: {  	_ =	shalt  }
0x68: {  	_ =	shalt  }
0x69: {  	_ =	shalt  }
0x6a: {  	_ =	shalt  }
0x6b: {  	_ =	shalt  }
0x6c: {  	_ =	shalt  }
0x6d: {  	_ =	shalt  }
0x6e: {  	_ =	shalt  }
0x6f: {  	_ =	shalt  }
0x70: {  	_ =	shalt  }
0x71: {  	_ =	shalt  }
0x72: {  	_ =	shalt  }
0x73: {  	_ =	shalt  }
0x74: {  	_ =	shalt  }
0x75: {  	_ =	shalt  }
0x76: {  	_ =	shalt  }
0x77: {  	_ =	shalt  }
0x78: {  	_ =	shalt  }
0x79: {  	_ =	shalt  }
0x7a: {  	_ =	shalt  }
0x7b: {  	_ =	shalt  }
0x7c: {  	_ =	shalt  }
0x7d: {  	_ =	shalt  }
0x7e: {  	_ =	shalt  }
0x7f: {  	_ =	shalt  }
0x80: {  	_ =	shalt  }
0x81: {  	_ =	shalt  }
0x82: {  	_ =	shalt  }
0x83: {  	_ =	shalt  }
0x84: {  	_ =	shalt  }
0x85: {  	_ =	shalt  }
0x86: {  	_ =	shalt  }
0x87: {  	_ =	shalt  }
.Lfunc_end0:
.L_simem_size_0:
called_computation.10_lowered:
.L_overlay_start_0:
0x88: {  	s2 =	sld [smem:$0x3FD9]  }
0x89: {  	s3 =	sld [smem:$0x3FFE];
	_ =	sdelay $0x1  }
0x8a: {  	s1 =	srdreg.scid  }
0x8b: {  	s0 =	sand.u32 $0x1, s1  }
0x8c: {  	s17 =	sshll.u32 s0, $0xA;
	s2 =	sadd.s32 s3, s2  }
0x8d: {  	s2 =	sadd.s32 s2, s17  }
0x8e: {  	[smem:$0x3FA8] =	sst s2  }
0x8f: {  	_ = 	snop  }
0x90: {  	(tm) =	ssettm $0x1  }
0x91: {  	s18 =	sld [smem:$0x3FFB];
	_ =	sdelay $0x3  }
0x92: {  	_ =	strace s18  }
0x93: {  	s2 =	sld [smem:$0x3FFC];
	_ =	sdelay $0x3  }
0x94: {  	_ =	strace s2  }
0x95: {  	s2 =	sld [smem:$0x3FFD];
	_ =	sdelay $0x3  }
0x96: {  	_ =	strace s2  }
0x97: {  	_ =	strace $0x8FFFFFFF  }
0x98: {  	s19 =	sld [smem:$0x3FDB];
	_ =	sdelay $0x1  }
0x99: {  	s20 =	simm.s32 $_scs_section_size  }
0x9a: {  	s4 =	simm.s32 $_size__tile_overlayer_lowered;
	s5 =	simm.s32 $_tile_overlayer_lowered  }
0x9b: {  	s6 =	simm.s32 $0x1BFF;
	s21 =	sshll.u32 s5, $0x1;
	s3 =	sadd.s32 s20, s19  }
0x9c: {  	s22 =	simm.s32 $0x0;
	s4 =	sshll.u32 s4, $0x1;
	s5 =	sadd.s32 s21, s3  }
0x9d: {  	[timem:s22], [sflag:s6] =	dma.local [hbm:s5], s4  }
0x9e: {  	_ =	swait.ge [sflag:s6], s4  }
0x9f: {  	s4 =	ssub.s32 $0x0, s4;
	[sflag:s6] =	ssyncset.done $0x0  }
0xa0: {  	[sflag:s6] =	ssyncadd.s32 s4;
	_ =	sdelay $0x1  }
0xa1: {  	s23 =	simm.s32 $0x1B8B  }
0xa2: {  	_ =	swait.ge [sflag:s23], $0x1  }
0xa3: {  	[sflag:s23] =	ssyncset.done $0x0  }
0xa4: {  	[sflag:s23] =	ssyncadd.s32 $0xFFFFFFFF  }
0xa5: {  	s4 =	sld [smem:$0x0]  }
0xa6: {  	s5 =	sand.u32 $0xFFFFFFFE, s1  }
0xa7: {  	p0 =	sne.s32 s1, s5  }
0xa8: {  	s5 =	sshll.u32 @p0 s5, $0xE  }
0xa9: {  	s5 =	sadd.s32 @p0 $0x11B8D, s5;
	s6 =	sshll.u32 @p0 s4, $0x11  }
0xaa: {  	s5 =	sor.u32 @p0 s6, s5  }
0xab: {  	[sflag:s5] =	ssyncadd.remote.s32 @p0 $0x1;
	_ =	sdelay $0x1  }
0xac: {  	s5 =	simm.s32 @p0 $0x1B8D  }
0xad: {  	_ =	swait.eq @p0 [sflag:s5], $0x1  }
0xae: {  	[sflag:s5] =	ssyncadd.s32 @p0 $0xFFFFFFFF  }
0xaf: {  	s6 =	sshll.u32 @!p0 s1, $0xE  }
0xb0: {  	s6 =	sor.u32 @!p0 $0x4000, s6;
	s5 =	simm.s32 @!p0 $0x1B8D  }
0xb1: {  	s4 =	sshll.u32 @!p0 s4, $0x11;
	s6 =	sadd.s32 @!p0 $0x11B8D, s6;
	_ =	swait.eq @!p0 [sflag:s5], $0x1  }
0xb2: {  	s4 =	sor.u32 @!p0 s4, s6;
	[sflag:s5] =	ssyncadd.s32 @!p0 $0xFFFFFFFF  }
0xb3: {  	s25 =	simm.s32 $0x1B8E;
	s24 =	sld [smem:$0x3FFE];
	[sflag:s4] =	ssyncadd.remote.s32 @!p0 $0x1  }
0xb4: {  	s26 =	simm.s32 $execute0_lowered;
	[smem:$0x3FD2] =	sst s25  }
0xb5: {  	s5 =	sshll.u32 s26, $0x1;
	_ =	strace $0x80000067;
	[dreg:$0x1] =	wrdreg $0xFFFFFFFF  }
0xb6: {  	s28 =	simm.s32 $_size_execute0_lowered;
	s3 =	sadd.s32 s3, s5;
	[dreg:$0x0] =	wrdreg $0x0  }
0xb7: {  	s5 =	sshll.u32 s28, $0x1;
	[dreg:$0x2] =	wrdreg s3  }
0xb8: {  	[dreg:$0x3] =	wrdreg s5  }
0xb9: {  	[dreg:$0x4] =	wrdreg $0xC0  }
0xba: {  	_ =	task [dreg:s22], $0x5FFFF  }
0xbb: {  	[dreg:$0x1] =	wrdreg $0xFFFFFFFF  }
0xbc: {  	[dreg:$0x0] =	wrdreg $0x60  }
0xbd: {  	[dreg:$0x2] =	wrdreg s24  }
0xbe: {  	[dreg:$0x3] =	wrdreg $0x142800  }
0xbf: {  	[dreg:$0x4] =	wrdreg $0x9  }
0xc0: {  	_ =	task.clear_ibuf [dreg:s22], $0x5FFFF;
	_ =	strace $0x90000067  }
0xc1: {  	s29 =	simm.s32 $0x9;
	_ =	strace $0x80000069  }
0xc2: {  	_ =	swait.ge [sflag:s29], $0x1  }
0xc3: {  	[sflag:s29] =	ssyncadd.s32 $0xFFFFFFFF  }
0xc4: {  	_ =	strace $0x90000069  }
0xc5: {  	_ =	sfence  }
0xc6: {  	s30 =	sld [smem:$0x0];
	_ =	sdelay $0x2  }
0xc7: {  	s31 =	sshll.u32 s1, $0xD;
	s1 =	sshrl.u32 s1, $0x2  }
0xc8: {  	s4 =	sand.u32 $0x4000, s31;
	s1 =	sadd.s32 s1, s30  }
0xc9: {  	s0 =	sor.u32 s4, s0;
	s1 =	sshll.u32 s1, $0x11  }
0xca: {  	s0 =	sor.u32 s1, s0  }
0xcb: {  	s0 =	sadd.s32 $0x8F2B, s0  }
0xcc: {  	[sflag:s0] =	ssyncadd.remote.s32 $0x1  }
0xcd: {  	_ =	sfence.sel $0xFFFF  }
0xce: {  	[dreg:$0x0] =	wrdreg $0xFFFFFFFF;
	(pc) =	sbr.abs _section_cstart, $3  }
0xcf: {  	[dreg:$0x1] =	wrdreg $0xFFFFFFFF  }
0xd0: {  	_ =	task.clear_ibuf [dreg:s22], $0x2FFFF;
	_ =	strace $0x9FFFFFFF  }
0xd1: {  	(tm) =	ssettm $0x7FFFFFFF  }
tec
execute0_lowered:
.L_overlay_start_1:
0x0: {  	(tag) =	ssettag $0x1  }
0x1: {  	s19 =	rddreg [dreg:$0x0]  }
0x2: {  	s2 =	rddreg [dreg:$0x1];
	s1 =	stileid.u32  }
0x3: {  	s0 =	rddreg [dreg:$0x2];
	s3 =	simm.s32 $0x0;
	s5 =	srdreg.scid  }
0x4: {  	s4 =	smul.u32 $0xA000, s1;
	[smem:$0x7FF] =	sst s3  }
0x5: {  	s20 =	sand.u32 $0x1, s5;
	s25 =	sshll.u32 s1, $0x1;
	s29 =	sshll.u32 s1, $0x6  }
0x6: {  	_ =	strace $0x80000068;
	s8 =	sor.u32 s20, s25;
	s6 =	sshrl.u32 s4, $0x3  }
0x7: {  	s5 =	sor.u32 $0x1C01, s29;
	s28 =	sadd.s32 s4, s2;
	s26 =	sadd.s32 s6, s19  }
0x8: {  	s7 =	sshrl.u32 s28, $0x3;
	s6 =	simm.s32 $0x1;
	s4 =	sadd.s32 $0x79000, s26  }
0x9: {  	[spmem:s7], [sflag:s5] =	dma.local [hbm:s4], $0x1400  }
0xa: {  	s9 =	smul.u32 $0x50, s8;
	_ =	swait.ge [sflag:s6], $0x1400  }
0xb: {  	[sflag:s6] =	ssyncset.done $0x0  }
0xc: {  	s9 =	sadd.s32 s9, s19;
	[sflag:s6] =	ssyncadd.s32 $0xFFFFEC00  }
0xd: {  	s10 =	smul.u32 $0x2800, s8;
	s8 =	sadd.s32 $0x6FC00, s9;
	[bflag:$0x0] =	sbarrier.arrive $0xFFFF  }
0xe: {  	[tilespmem:s3], [sflag:$0x1] =	stream.linear.gather [hbm4b:s8+s3], $0x280, $0x38;
	[tilespmem:$0x1E280] =	vst v63  }
0xf: {  	_ =	swait.ge [sflag:s6], $0x280  }
0x10: {  	s30 =	sadd.s32 s10, s19;
	[sflag:s6] =	ssyncset.done $0x0  }
0x11: {  	s10 =	simm.s32 $0x280;
	s9 =	sadd.s32 $0xF0A00, s30;
	[sflag:s6] =	ssyncadd.s32 $0xFFFFFD80  }
0x12: {  	[tilespmem:s10], [sflag:$0x1] =	stream.linear.gather [hbm4b:s9+s3], $0x14000, $0x38;
	[tilespmem:$0x1E280] =	vst v63  }
0x13: {  	_ =	swait.ge [sflag:s6], $0x14000  }
0x14: {  	[sflag:s6] =	ssyncset.done $0x0  }
0x15: {  	s11 =	simm.s32 $0x80;
	[sflag:s6] =	ssyncadd.s32 $0xFFFEC000  }
0x16: {  	[spmem:s2] =	stream.indirect.scatter.add.f32 [tilespmem:s10], [sflag:$0x1], $0x80, s3, s11, $0xb8;
	[tilespmem:$0x1E280] =	vst v63  }
0x17: {  	_ =	swait.ge [sflag:s6], $0x4000  }
0x18: {  	[sflag:s6] =	ssyncset.done $0x0  }
0x19: {  	s12 =	simm.s32 $0x4280;
	[sflag:s6] =	ssyncadd.s32 $0xFFFFC000  }
0x1a: {  	[spmem:s2] =	stream.indirect.scatter.add.f32 [tilespmem:s12], [sflag:$0x1], $0x80, s11, s11, $0xb8;
	[tilespmem:$0x1E280] =	vst v63  }
0x1b: {  	_ =	swait.ge [sflag:s6], $0x4000  }
0x1c: {  	[sflag:s6] =	ssyncset.done $0x0  }
0x1d: {  	s13 =	simm.s32 $0x100;
	s14 =	simm.s32 $0x8280;
	[sflag:s6] =	ssyncadd.s32 $0xFFFFC000  }
0x1e: {  	[spmem:s2] =	stream.indirect.scatter.add.f32 [tilespmem:s14], [sflag:$0x1], $0x80, s13, s11, $0xb8;
	[tilespmem:$0x1E280] =	vst v63  }
0x1f: {  	_ =	swait.ge [sflag:s6], $0x4000  }
0x20: {  	s15 =	simm.s32 $0x180;
	[sflag:s6] =	ssyncset.done $0x0  }
0x21: {  	s16 =	simm.s32 $0xC280;
	s17 =	simm.s32 $0x200;
	[sflag:s6] =	ssyncadd.s32 $0xFFFFC000  }
0x22: {  	[spmem:s2] =	stream.indirect.scatter.add.f32 [tilespmem:s16], [sflag:$0x1], $0x80, s15, s11, $0xb8;
	[tilespmem:$0x1E280] =	vst v63  }
0x23: {  	s22 =	smul.u32 $0x14000, s20;
	s20 =	ssub.s32 $0x2, s20;
	_ =	swait.ge [sflag:s6], $0x4000  }
0x24: {  	s18 =	simm.s32 $0x10280;
	s31 =	sshrl.u32 s20, $0x1;
	[sflag:s6] =	ssyncset.done $0x0  }
0x25: {  	s21 =	smul.u32 $0x1400, s1;
	s20 =	ssub.s32 s20, s31;
	[sflag:s6] =	ssyncadd.s32 $0xFFFFC000  }
0x26: {  	[spmem:s2] =	stream.indirect.scatter.add.f32 [tilespmem:s18], [sflag:$0x1], $0x80, s17, s11, $0xb8;
	[tilespmem:$0x1E280] =	vst v63  }
0x27: {  	s20 =	smax.u32 s20, $0x1;
	_ =	swait.ge [sflag:s6], $0x4000  }
0x28: {  	s21 =	sadd.s32 s21, s22;
	p0 =	sne.s32 s20, $0x1;
	[sflag:s6] =	ssyncset.done $0x0  }
.Ltmp0:
0x29: {  	s19 =	sadd.s32 s21, s19;
	[sflag:s6] =	ssyncadd.s32 $0xFFFFC000;
	(pc) =	sbr.rel @!p0 .LBB2_2-.Ltmp0, $4  }
0x2a: {  	s19 =	sadd.s32 $0x33800, s19;
	[bflag:$0x0] =	sbarrier.arrive $0xFFFF  }
0x2b: {  	[hbm:s19], [sflag:s5] =	dma.local [spmem:s7], $0x1400  }
0x2c: {  	_ =	swait.ge [sflag:s6], $0x1400  }
0x2d: {  	s20 =	sadd.s32 $0xFFFFFFFF, s20;
	[sflag:s6] =	ssyncset.done $0x0  }
.LBB2_1:
0x2e: {  	p0 =	sne.s32 s20, $0x1;
	s20 =	sadd.s32 $0xFFFFFFFF, s20;
	[sflag:s6] =	ssyncadd.s32 $0xFFFFEC00  }
0x2f: {  	[spmem:s7], [sflag:s5] =	dma.local [hbm:s4], $0x1400  }
0x30: {  	_ =	swait.ge [sflag:s6], $0x1400  }
0x31: {  	[sflag:s6] =	ssyncset.done $0x0  }
0x32: {  	[sflag:s6] =	ssyncadd.s32 $0xFFFFEC00  }
0x33: {  	[bflag:$0x0] =	sbarrier.arrive $0xFFFF  }
0x34: {  	[tilespmem:s3], [sflag:$0x1] =	stream.linear.gather [hbm4b:s8+s3], $0x280, $0x38;
	[tilespmem:$0x1E280] =	vst v63  }
0x35: {  	_ =	swait.ge [sflag:s6], $0x280  }
0x36: {  	[sflag:s6] =	ssyncset.done $0x0  }
0x37: {  	[sflag:s6] =	ssyncadd.s32 $0xFFFFFD80  }
0x38: {  	[tilespmem:s10], [sflag:$0x1] =	stream.linear.gather [hbm4b:s9+s3], $0x14000, $0x38;
	[tilespmem:$0x1E280] =	vst v63  }
0x39: {  	_ =	swait.ge [sflag:s6], $0x14000  }
0x3a: {  	[sflag:s6] =	ssyncset.done $0x0  }
0x3b: {  	[sflag:s6] =	ssyncadd.s32 $0xFFFEC000  }
0x3c: {  	[spmem:s2] =	stream.indirect.scatter.add.f32 [tilespmem:s10], [sflag:$0x1], $0x80, s3, s11, $0xb8;
	[tilespmem:$0x1E280] =	vst v63  }
0x3d: {  	_ =	swait.ge [sflag:s6], $0x4000  }
0x3e: {  	[sflag:s6] =	ssyncset.done $0x0  }
0x3f: {  	[sflag:s6] =	ssyncadd.s32 $0xFFFFC000  }
0x40: {  	[spmem:s2] =	stream.indirect.scatter.add.f32 [tilespmem:s12], [sflag:$0x1], $0x80, s11, s11, $0xb8;
	[tilespmem:$0x1E280] =	vst v63  }
0x41: {  	_ =	swait.ge [sflag:s6], $0x4000  }
0x42: {  	[sflag:s6] =	ssyncset.done $0x0  }
0x43: {  	[sflag:s6] =	ssyncadd.s32 $0xFFFFC000  }
0x44: {  	[spmem:s2] =	stream.indirect.scatter.add.f32 [tilespmem:s14], [sflag:$0x1], $0x80, s13, s11, $0xb8;
	[tilespmem:$0x1E280] =	vst v63  }
0x45: {  	_ =	swait.ge [sflag:s6], $0x4000  }
0x46: {  	[sflag:s6] =	ssyncset.done $0x0  }
0x47: {  	[sflag:s6] =	ssyncadd.s32 $0xFFFFC000  }
0x48: {  	[spmem:s2] =	stream.indirect.scatter.add.f32 [tilespmem:s16], [sflag:$0x1], $0x80, s15, s11, $0xb8;
	[tilespmem:$0x1E280] =	vst v63  }
0x49: {  	_ =	swait.ge [sflag:s6], $0x4000  }
0x4a: {  	[sflag:s6] =	ssyncset.done $0x0  }
0x4b: {  	[sflag:s6] =	ssyncadd.s32 $0xFFFFC000  }
0x4c: {  	[spmem:s2] =	stream.indirect.scatter.add.f32 [tilespmem:s18], [sflag:$0x1], $0x80, s17, s11, $0xb8;
	[tilespmem:$0x1E280] =	vst v63  }
0x4d: {  	_ =	swait.ge [sflag:s6], $0x4000  }
0x4e: {  	[sflag:s6] =	ssyncset.done $0x0  }
.Ltmp1:
0x4f: {  	[sflag:s6] =	ssyncadd.s32 $0xFFFFC000;
	(pc) =	sbr.rel @p0 .LBB2_1-.Ltmp1, $4  }
0x50: {  	[bflag:$0x0] =	sbarrier.arrive $0xFFFF  }
0x51: {  	[hbm:s19], [sflag:s5] =	dma.local [spmem:s7], $0x1400  }
0x52: {  	_ =	swait.ge [sflag:s6], $0x1400  }
0x53: {  	[sflag:s6] =	ssyncset.done $0x0  }
.LBB2_2:
0x54: {  	[sflag:s6] =	ssyncadd.s32 $0xFFFFEC00  }
0x55: {  	_ =	sfence.sel $0x180000  }
0x56: {  	[bflag:$0x0] =	sbarrier.arrive $0xFFFF  }
0x57: {  	p0 =	sne.s32 s1, $0x0;
	_ =	strace $0x90000068  }
0x58: {  	s0 =	sadd.s32 @!p0 $0x100000, s0;
	[bflag:$0x2] =	sbarrier.arrive $0xFFFF  }
0x59: {  	[sflag:s0] =	ssyncadd.tile.s32 @!p0 $0x1;
	_ =	shalt  }
.Lfunc_end2:
_tile_overlayer_lowered:
.L_overlay_start_2:
0x5a: {  	(tag) =	ssettag $0x2  }
0x5b: {  	s0 =	rddreg [dreg:$0x0];
	s2 =	stileid.u32  }
0x5c: {  	s1 =	rddreg [dreg:$0x1];
	p0 =	sne.s32 s2, $0x0  }
0x5d: {  	s3 =	rddreg [dreg:$0x2];
	[bflag:$0x3] =	sbarrier.arrive $0xFFFF;
	s2 =	simm.s32 @!p0 $0x1C01  }
0x5e: {  	[timem:s3], [sflag:s2] =	dma.local @!p0 [hbm:s0], s1  }
0x5f: {  	s0 =	simm.s32 @!p0 $0x1  }
0x60: {  	_ =	swait.ge @!p0 [sflag:s0], s1  }
0x61: {  	s1 =	ssub.s32 @!p0 $0x0, s1;
	[sflag:s0] =	ssyncset.done @!p0 $0x0  }
0x62: {  	[sflag:s0] =	ssyncadd.s32 @!p0 s1  }
0x63: {  	[bflag:$0x3] =	sbarrier.arrive $0xFFFF  }
0x64: {  	_ =	shalt  }

// kernel: kernel.58.cloned.1.call-start
scs
__scs_entry_jumppad:
0x0: {  	(pc) =	sbr.rel $0x88, $3  }
0x1: {  	(tag) =	ssettag $0x0;
	lr =	simm.s32 $0x1  }
0x2: {  	[smem:$0x3F81] =	sst lr;
	_ =	strace $0xD0000000  }
0x3: {  	_ = 	snop  }
0x4: {  	_ = 	snop  }
0x5: {  	_ = 	snop  }
0x6: {  	_ = 	snop  }
0x7: {  	_ = 	snop  }
__scs_overlays_trampoline_lowered:
0x8: {  	[smem:$0x3F90] =	sst s0  }
0x9: {  	[smem:$0x3F91] =	sst s1  }
0xa: {  	[smem:$0x3F92] =	sst s2  }
0xb: {  	[smem:$0x3F93] =	sst s3  }
0xc: {  	[smem:$0x3F94] =	sst s4  }
0xd: {  	[smem:$0x3F95] =	sst s5  }
0xe: {  	[smem:$0x3F96] =	sst s6  }
0xf: {  	[smem:$0x3F97] =	sst s7  }
0x10: {  	[smem:$0x3F98] =	sst s8  }
0x11: {  	[smem:$0x3F99] =	sst s9;
	s0 =	simm.s32 @!p0 $0x0  }
0x12: {  	s1 =	sld [smem:$0x3F7F];
	s0 =	simm.s32 @p0 $0x1  }
0x13: {  	[smem:$0x3F9A] =	sst s0;
	s0 =	simm.s32 @!p1 $0x0  }
0x14: {  	s2 =	sld [smem:$0x3F7E];
	s0 =	simm.s32 @p1 $0x1  }
0x15: {  	[smem:$0x3F9B] =	sst s0;
	s0 =	simm.s32 @!p2 $0x0  }
0x16: {  	s3 =	sld [smem:$0x3FDB];
	s0 =	simm.s32 @p2 $0x1  }
0x17: {  	s4 =	simm.s32 $0x1BF5;
	[smem:$0x3F9D] =	sst s0  }
0x18: {  	s0 =	sld [smem:$0x3F80];
	_ =	swait.ge [sflag:s4], $0x0  }
0x19: {  	s7 =	sld [smem:$0x3F81]  }
0x1a: {  	s8 =	sadd.s32 $0xFFFFE003, lr  }
0x1b: {  	s9 =	sadd.s32 $0xFFFFFEF7, lr;
	s5 =	simm.s32 $0xFFFFFFFF;
	p2 =	slt.u32 s8, $0xFFFFF086  }
0x1c: {  	p1 =	slt.u32 s9, $0xF7A;
	s5 =	simm.s32 @!p2 $0x0  }
0x1d: {  	s5 =	simm.s32 @p1 $0x1;
	p0 =	seq.s32 s7, s2  }
0x1e: {  	s7 =	smul.u32 @!p0 $0xF7A, s2;
	p2 =	seq.s32 @!p0 s5, $0x0  }
0x1f: {  	s9 =	smul.u32 $0xF7A, s1;
	s8 =	simm.s32 @!p0 $0x1BF5;
	p2 =	por !p2, p0  }
0x20: {  	[sflag:s8] =	ssyncset.s32 @!p0 $0xFFFFF086;
	s6 =	sadd.s32 @!p0 s3, s7;
	s7 =	simm.s32 @!p0 $0x108  }
0x21: {  	s3 =	sadd.s32 s3, s9;
	s6 =	sadd.s32 @!p0 $0x88, s6;
	s7 =	simm.s32 @p2 $0x1082  }
0x22: {  	[simem:s7], [sflag:s8] =	dma.local @!p0 [hbm:s6], $0xF7A  }
0x23: {  	s9 =	sor.u32 $0xD0000000, s2;
	s6 =	simm.s32 $0x108;
	_ =	swait.ge @!p0 [sflag:s8], $0x0  }
0x24: {  	s3 =	sadd.s32 $0x88, s3;
	s6 =	simm.s32 @!p1 $0x1082;
	[sflag:s4] =	ssyncset.s32 $0xFFFFF086  }
0x25: {  	[simem:s6], [sflag:s4] =	dma.local [hbm:s3], $0xF7A  }
0x26: {  	[smem:$0x3F81] =	sst s1;
	(tag) =	ssettag s2;
	_ =	strace s9  }
0x27: {  	s1 =	sld [smem:$0x3F91]  }
0x28: {  	s2 =	sld [smem:$0x3F92]  }
0x29: {  	s4 =	sld [smem:$0x3F94]  }
0x2a: {  	p0 =	seq.s32 s5, $0x0;
	s5 =	sld [smem:$0x3F95]  }
0x2b: {  	s6 =	sld [smem:$0x3F96]  }
0x2c: {  	s7 =	sld [smem:$0x3F97]  }
0x2d: {  	s3 =	simm.s32 $0x108;
	s8 =	sld [smem:$0x3F98]  }
0x2e: {  	s3 =	simm.s32 @!p0 $0x1082;
	s9 =	sld [smem:$0x3F99]  }
0x2f: {  	lr =	sadd.s32 s0, s3;
	s0 =	sld [smem:$0x3F90]  }
0x30: {  	s3 =	sld [smem:$0x3F93]  }
0x31: {  	[smem:$0x3F9C] =	sst s10  }
0x32: {  	s10 =	sld [smem:$0x3F9A];
	_ =	sdelay $0x3  }
0x33: {  	p0 =	seq.s32 s10, $0x1;
	s10 =	sld [smem:$0x3F9C];
	_ =	sdelay $0x3  }
0x34: {  	[smem:$0x3F9C] =	sst s10  }
0x35: {  	s10 =	sld [smem:$0x3F9B];
	_ =	sdelay $0x3  }
0x36: {  	p1 =	seq.s32 s10, $0x1;
	s10 =	sld [smem:$0x3F9C];
	_ =	sdelay $0x3  }
0x37: {  	[smem:$0x3F9C] =	sst s10  }
0x38: {  	s10 =	sld [smem:$0x3F9D]  }
0x39: {  	_ = 	snop;
	(pc) =	sbr.ind lr, $3  }
0x3a: {  	_ = 	snop  }
0x3b: {  	_ = 	snop  }
0x3c: {  	p2 =	seq.s32 s10, $0x1;
	s10 =	sld [smem:$0x3F9C]  }
0x3d: {  	_ =	shalt  }
0x3e: {  	_ =	shalt  }
0x3f: {  	_ =	shalt  }
0x40: {  	_ =	shalt  }
0x41: {  	_ =	shalt  }
0x42: {  	_ =	shalt  }
0x43: {  	_ =	shalt  }
0x44: {  	_ =	shalt  }
0x45: {  	_ =	shalt  }
0x46: {  	_ =	shalt  }
0x47: {  	_ =	shalt  }
0x48: {  	_ =	shalt  }
0x49: {  	_ =	shalt  }
0x4a: {  	_ =	shalt  }
0x4b: {  	_ =	shalt  }
0x4c: {  	_ =	shalt  }
0x4d: {  	_ =	shalt  }
0x4e: {  	_ =	shalt  }
0x4f: {  	_ =	shalt  }
0x50: {  	_ =	shalt  }
0x51: {  	_ =	shalt  }
0x52: {  	_ =	shalt  }
0x53: {  	_ =	shalt  }
0x54: {  	_ =	shalt  }
0x55: {  	_ =	shalt  }
0x56: {  	_ =	shalt  }
0x57: {  	_ =	shalt  }
0x58: {  	_ =	shalt  }
0x59: {  	_ =	shalt  }
0x5a: {  	_ =	shalt  }
0x5b: {  	_ =	shalt  }
0x5c: {  	_ =	shalt  }
0x5d: {  	_ =	shalt  }
0x5e: {  	_ =	shalt  }
0x5f: {  	_ =	shalt  }
0x60: {  	_ =	shalt  }
0x61: {  	_ =	shalt  }
0x62: {  	_ =	shalt  }
0x63: {  	_ =	shalt  }
0x64: {  	_ =	shalt  }
0x65: {  	_ =	shalt  }
0x66: {  	_ =	shalt  }
0x67: {  	_ =	shalt  }
0x68: {  	_ =	shalt  }
0x69: {  	_ =	shalt  }
0x6a: {  	_ =	shalt  }
0x6b: {  	_ =	shalt  }
0x6c: {  	_ =	shalt  }
0x6d: {  	_ =	shalt  }
0x6e: {  	_ =	shalt  }
0x6f: {  	_ =	shalt  }
0x70: {  	_ =	shalt  }
0x71: {  	_ =	shalt  }
0x72: {  	_ =	shalt  }
0x73: {  	_ =	shalt  }
0x74: {  	_ =	shalt  }
0x75: {  	_ =	shalt  }
0x76: {  	_ =	shalt  }
0x77: {  	_ =	shalt  }
0x78: {  	_ =	shalt  }
0x79: {  	_ =	shalt  }
0x7a: {  	_ =	shalt  }
0x7b: {  	_ =	shalt  }
0x7c: {  	_ =	shalt  }
0x7d: {  	_ =	shalt  }
0x7e: {  	_ =	shalt  }
0x7f: {  	_ =	shalt  }
0x80: {  	_ =	shalt  }
0x81: {  	_ =	shalt  }
0x82: {  	_ =	shalt  }
0x83: {  	_ =	shalt  }
0x84: {  	_ =	shalt  }
0x85: {  	_ =	shalt  }
0x86: {  	_ =	shalt  }
0x87: {  	_ =	shalt  }
.Lfunc_end0:
.L_simem_size_0:
called_computation.11_lowered:
.L_overlay_start_0:
0x88: {  	s2 =	sld [smem:$0x3FD9]  }
0x89: {  	s3 =	sld [smem:$0x3FFE];
	_ =	sdelay $0x1  }
0x8a: {  	s1 =	srdreg.scid  }
0x8b: {  	s0 =	sand.u32 $0x1, s1  }
0x8c: {  	s17 =	sshll.u32 s0, $0xA;
	s2 =	sadd.s32 s3, s2  }
0x8d: {  	s2 =	sadd.s32 s2, s17  }
0x8e: {  	[smem:$0x3FA8] =	sst s2  }
0x8f: {  	_ = 	snop  }
0x90: {  	(tm) =	ssettm $0x1  }
0x91: {  	s18 =	sld [smem:$0x3FFB];
	_ =	sdelay $0x3  }
0x92: {  	_ =	strace s18  }
0x93: {  	s2 =	sld [smem:$0x3FFC];
	_ =	sdelay $0x3  }
0x94: {  	_ =	strace s2  }
0x95: {  	s2 =	sld [smem:$0x3FFD];
	_ =	sdelay $0x3  }
0x96: {  	_ =	strace s2  }
0x97: {  	_ =	strace $0x8FFFFFFF  }
0x98: {  	s19 =	sld [smem:$0x3FDB];
	_ =	sdelay $0x1  }
0x99: {  	s20 =	simm.s32 $_scs_section_size  }
0x9a: {  	s4 =	simm.s32 $_size__tile_overlayer_lowered;
	s5 =	simm.s32 $_tile_overlayer_lowered  }
0x9b: {  	s6 =	simm.s32 $0x1BFF;
	s21 =	sshll.u32 s5, $0x1;
	s3 =	sadd.s32 s20, s19  }
0x9c: {  	s22 =	simm.s32 $0x0;
	s4 =	sshll.u32 s4, $0x1;
	s5 =	sadd.s32 s21, s3  }
0x9d: {  	[timem:s22], [sflag:s6] =	dma.local [hbm:s5], s4  }
0x9e: {  	_ =	swait.ge [sflag:s6], s4  }
0x9f: {  	s4 =	ssub.s32 $0x0, s4;
	[sflag:s6] =	ssyncset.done $0x0  }
0xa0: {  	[sflag:s6] =	ssyncadd.s32 s4;
	_ =	sdelay $0x1  }
0xa1: {  	s23 =	simm.s32 $0x1B8B  }
0xa2: {  	_ =	swait.ge [sflag:s23], $0x1  }
0xa3: {  	[sflag:s23] =	ssyncset.done $0x0  }
0xa4: {  	[sflag:s23] =	ssyncadd.s32 $0xFFFFFFFF  }
0xa5: {  	s4 =	sld [smem:$0x0]  }
0xa6: {  	s5 =	sand.u32 $0xFFFFFFFE, s1  }
0xa7: {  	p0 =	sne.s32 s1, s5  }
0xa8: {  	s5 =	sshll.u32 @p0 s5, $0xE  }
0xa9: {  	s5 =	sadd.s32 @p0 $0x11B8D, s5;
	s6 =	sshll.u32 @p0 s4, $0x11  }
0xaa: {  	s5 =	sor.u32 @p0 s6, s5  }
0xab: {  	[sflag:s5] =	ssyncadd.remote.s32 @p0 $0x1;
	_ =	sdelay $0x1  }
0xac: {  	s5 =	simm.s32 @p0 $0x1B8D  }
0xad: {  	_ =	swait.eq @p0 [sflag:s5], $0x1  }
0xae: {  	[sflag:s5] =	ssyncadd.s32 @p0 $0xFFFFFFFF  }
0xaf: {  	s6 =	sshll.u32 @!p0 s1, $0xE  }
0xb0: {  	s6 =	sor.u32 @!p0 $0x4000, s6;
	s5 =	simm.s32 @!p0 $0x1B8D  }
0xb1: {  	s4 =	sshll.u32 @!p0 s4, $0x11;
	s6 =	sadd.s32 @!p0 $0x11B8D, s6;
	_ =	swait.eq @!p0 [sflag:s5], $0x1  }
0xb2: {  	s4 =	sor.u32 @!p0 s4, s6;
	[sflag:s5] =	ssyncadd.s32 @!p0 $0xFFFFFFFF  }
0xb3: {  	s25 =	simm.s32 $0x1B8E;
	s24 =	sld [smem:$0x3FFE];
	[sflag:s4] =	ssyncadd.remote.s32 @!p0 $0x1  }
0xb4: {  	s26 =	simm.s32 $execute0_lowered;
	[smem:$0x3FD2] =	sst s25  }
0xb5: {  	s5 =	sshll.u32 s26, $0x1;
	_ =	strace $0x80000064;
	[dreg:$0x1] =	wrdreg $0xFFFFFFFF  }
0xb6: {  	s28 =	simm.s32 $_size_execute0_lowered;
	s3 =	sadd.s32 s3, s5;
	[dreg:$0x0] =	wrdreg $0x0  }
0xb7: {  	s5 =	sshll.u32 s28, $0x1;
	[dreg:$0x2] =	wrdreg s3  }
0xb8: {  	[dreg:$0x3] =	wrdreg s5  }
0xb9: {  	[dreg:$0x4] =	wrdreg $0xC0  }
0xba: {  	_ =	task [dreg:s22], $0x5FFFF  }
0xbb: {  	[dreg:$0x1] =	wrdreg $0xFFFFFFFF  }
0xbc: {  	[dreg:$0x0] =	wrdreg $0x60  }
0xbd: {  	[dreg:$0x2] =	wrdreg s24  }
0xbe: {  	[dreg:$0x3] =	wrdreg $0x142800  }
0xbf: {  	[dreg:$0x4] =	wrdreg $0xA  }
0xc0: {  	_ =	task.clear_ibuf [dreg:s22], $0x5FFFF;
	_ =	strace $0x90000064  }
0xc1: {  	s29 =	simm.s32 $0xA;
	_ =	strace $0x80000066  }
0xc2: {  	_ =	swait.ge [sflag:s29], $0x1  }
0xc3: {  	[sflag:s29] =	ssyncadd.s32 $0xFFFFFFFF  }
0xc4: {  	_ =	strace $0x90000066  }
0xc5: {  	_ =	sfence  }
0xc6: {  	s30 =	sld [smem:$0x0];
	_ =	sdelay $0x2  }
0xc7: {  	s31 =	sshll.u32 s1, $0xD;
	s1 =	sshrl.u32 s1, $0x2  }
0xc8: {  	s4 =	sand.u32 $0x4000, s31;
	s1 =	sadd.s32 s1, s30  }
0xc9: {  	s0 =	sor.u32 s4, s0;
	s1 =	sshll.u32 s1, $0x11  }
0xca: {  	s0 =	sor.u32 s1, s0  }
0xcb: {  	s0 =	sadd.s32 $0x8F2B, s0  }
0xcc: {  	[sflag:s0] =	ssyncadd.remote.s32 $0x1  }
0xcd: {  	_ =	sfence.sel $0xFFFF  }
0xce: {  	[dreg:$0x0] =	wrdreg $0xFFFFFFFF;
	(pc) =	sbr.abs _section_cstart, $3  }
0xcf: {  	[dreg:$0x1] =	wrdreg $0xFFFFFFFF  }
0xd0: {  	_ =	task.clear_ibuf [dreg:s22], $0x2FFFF;
	_ =	strace $0x9FFFFFFF  }
0xd1: {  	(tm) =	ssettm $0x7FFFFFFF  }
tec
execute0_lowered:
.L_overlay_start_1:
0x0: {  	(tag) =	ssettag $0x1  }
0x1: {  	s19 =	rddreg [dreg:$0x0]  }
0x2: {  	s2 =	rddreg [dreg:$0x1];
	s1 =	stileid.u32  }
0x3: {  	s0 =	rddreg [dreg:$0x2];
	s3 =	simm.s32 $0x0;
	s5 =	srdreg.scid  }
0x4: {  	s4 =	smul.u32 $0xA000, s1;
	[smem:$0x7FF] =	sst s3  }
0x5: {  	s20 =	sand.u32 $0x1, s5;
	s25 =	sshll.u32 s1, $0x1;
	s29 =	sshll.u32 s1, $0x6  }
0x6: {  	_ =	strace $0x80000065;
	s8 =	sor.u32 s20, s25;
	s6 =	sshrl.u32 s4, $0x3  }
0x7: {  	s5 =	sor.u32 $0x1C01, s29;
	s28 =	sadd.s32 s4, s2;
	s26 =	sadd.s32 s6, s19  }
0x8: {  	s7 =	sshrl.u32 s28, $0x3;
	s6 =	simm.s32 $0x1;
	s4 =	sadd.s32 $0x79000, s26  }
0x9: {  	[spmem:s7], [sflag:s5] =	dma.local [hbm:s4], $0x1400  }
0xa: {  	s9 =	smul.u32 $0x50, s8;
	_ =	swait.ge [sflag:s6], $0x1400  }
0xb: {  	[sflag:s6] =	ssyncset.done $0x0  }
0xc: {  	s9 =	sadd.s32 s9, s19;
	[sflag:s6] =	ssyncadd.s32 $0xFFFFEC00  }
0xd: {  	s10 =	smul.u32 $0x2800, s8;
	s8 =	sadd.s32 $0x70600, s9;
	[bflag:$0x0] =	sbarrier.arrive $0xFFFF  }
0xe: {  	[tilespmem:s3], [sflag:$0x1] =	stream.linear.gather [hbm4b:s8+s3], $0x280, $0x38;
	[tilespmem:$0x1E280] =	vst v63  }
0xf: {  	_ =	swait.ge [sflag:s6], $0x280  }
0x10: {  	s30 =	sadd.s32 s10, s19;
	[sflag:s6] =	ssyncset.done $0x0  }
0x11: {  	s10 =	simm.s32 $0x280;
	s9 =	sadd.s32 $0xA0A00, s30;
	[sflag:s6] =	ssyncadd.s32 $0xFFFFFD80  }
0x12: {  	[tilespmem:s10], [sflag:$0x1] =	stream.linear.gather [hbm4b:s9+s3], $0x14000, $0x38;
	[tilespmem:$0x1E280] =	vst v63  }
0x13: {  	_ =	swait.ge [sflag:s6], $0x14000  }
0x14: {  	[sflag:s6] =	ssyncset.done $0x0  }
0x15: {  	s11 =	simm.s32 $0x80;
	[sflag:s6] =	ssyncadd.s32 $0xFFFEC000  }
0x16: {  	[spmem:s2] =	stream.indirect.scatter.add.f32 [tilespmem:s10], [sflag:$0x1], $0x80, s3, s11, $0xb8;
	[tilespmem:$0x1E280] =	vst v63  }
0x17: {  	_ =	swait.ge [sflag:s6], $0x4000  }
0x18: {  	[sflag:s6] =	ssyncset.done $0x0  }
0x19: {  	s12 =	simm.s32 $0x4280;
	[sflag:s6] =	ssyncadd.s32 $0xFFFFC000  }
0x1a: {  	[spmem:s2] =	stream.indirect.scatter.add.f32 [tilespmem:s12], [sflag:$0x1], $0x80, s11, s11, $0xb8;
	[tilespmem:$0x1E280] =	vst v63  }
0x1b: {  	_ =	swait.ge [sflag:s6], $0x4000  }
0x1c: {  	[sflag:s6] =	ssyncset.done $0x0  }
0x1d: {  	s13 =	simm.s32 $0x100;
	s14 =	simm.s32 $0x8280;
	[sflag:s6] =	ssyncadd.s32 $0xFFFFC000  }
0x1e: {  	[spmem:s2] =	stream.indirect.scatter.add.f32 [tilespmem:s14], [sflag:$0x1], $0x80, s13, s11, $0xb8;
	[tilespmem:$0x1E280] =	vst v63  }
0x1f: {  	_ =	swait.ge [sflag:s6], $0x4000  }
0x20: {  	s15 =	simm.s32 $0x180;
	[sflag:s6] =	ssyncset.done $0x0  }
0x21: {  	s16 =	simm.s32 $0xC280;
	s17 =	simm.s32 $0x200;
	[sflag:s6] =	ssyncadd.s32 $0xFFFFC000  }
0x22: {  	[spmem:s2] =	stream.indirect.scatter.add.f32 [tilespmem:s16], [sflag:$0x1], $0x80, s15, s11, $0xb8;
	[tilespmem:$0x1E280] =	vst v63  }
0x23: {  	s22 =	smul.u32 $0x14000, s20;
	s20 =	ssub.s32 $0x2, s20;
	_ =	swait.ge [sflag:s6], $0x4000  }
0x24: {  	s18 =	simm.s32 $0x10280;
	s31 =	sshrl.u32 s20, $0x1;
	[sflag:s6] =	ssyncset.done $0x0  }
0x25: {  	s21 =	smul.u32 $0x1400, s1;
	s20 =	ssub.s32 s20, s31;
	[sflag:s6] =	ssyncadd.s32 $0xFFFFC000  }
0x26: {  	[spmem:s2] =	stream.indirect.scatter.add.f32 [tilespmem:s18], [sflag:$0x1], $0x80, s17, s11, $0xb8;
	[tilespmem:$0x1E280] =	vst v63  }
0x27: {  	s20 =	smax.u32 s20, $0x1;
	_ =	swait.ge [sflag:s6], $0x4000  }
0x28: {  	s21 =	sadd.s32 s21, s22;
	p0 =	sne.s32 s20, $0x1;
	[sflag:s6] =	ssyncset.done $0x0  }
.Ltmp0:
0x29: {  	s19 =	sadd.s32 s21, s19;
	[sflag:s6] =	ssyncadd.s32 $0xFFFFC000;
	(pc) =	sbr.rel @!p0 .LBB2_2-.Ltmp0, $4  }
0x2a: {  	s19 =	sadd.s32 $0xB800, s19;
	[bflag:$0x0] =	sbarrier.arrive $0xFFFF  }
0x2b: {  	[hbm:s19], [sflag:s5] =	dma.local [spmem:s7], $0x1400  }
0x2c: {  	_ =	swait.ge [sflag:s6], $0x1400  }
0x2d: {  	s20 =	sadd.s32 $0xFFFFFFFF, s20;
	[sflag:s6] =	ssyncset.done $0x0  }
.LBB2_1:
0x2e: {  	p0 =	sne.s32 s20, $0x1;
	s20 =	sadd.s32 $0xFFFFFFFF, s20;
	[sflag:s6] =	ssyncadd.s32 $0xFFFFEC00  }
0x2f: {  	[spmem:s7], [sflag:s5] =	dma.local [hbm:s4], $0x1400  }
0x30: {  	_ =	swait.ge [sflag:s6], $0x1400  }
0x31: {  	[sflag:s6] =	ssyncset.done $0x0  }
0x32: {  	[sflag:s6] =	ssyncadd.s32 $0xFFFFEC00  }
0x33: {  	[bflag:$0x0] =	sbarrier.arrive $0xFFFF  }
0x34: {  	[tilespmem:s3], [sflag:$0x1] =	stream.linear.gather [hbm4b:s8+s3], $0x280, $0x38;
	[tilespmem:$0x1E280] =	vst v63  }
0x35: {  	_ =	swait.ge [sflag:s6], $0x280  }
0x36: {  	[sflag:s6] =	ssyncset.done $0x0  }
0x37: {  	[sflag:s6] =	ssyncadd.s32 $0xFFFFFD80  }
0x38: {  	[tilespmem:s10], [sflag:$0x1] =	stream.linear.gather [hbm4b:s9+s3], $0x14000, $0x38;
	[tilespmem:$0x1E280] =	vst v63  }
0x39: {  	_ =	swait.ge [sflag:s6], $0x14000  }
0x3a: {  	[sflag:s6] =	ssyncset.done $0x0  }
0x3b: {  	[sflag:s6] =	ssyncadd.s32 $0xFFFEC000  }
0x3c: {  	[spmem:s2] =	stream.indirect.scatter.add.f32 [tilespmem:s10], [sflag:$0x1], $0x80, s3, s11, $0xb8;
	[tilespmem:$0x1E280] =	vst v63  }
0x3d: {  	_ =	swait.ge [sflag:s6], $0x4000  }
0x3e: {  	[sflag:s6] =	ssyncset.done $0x0  }
0x3f: {  	[sflag:s6] =	ssyncadd.s32 $0xFFFFC000  }
0x40: {  	[spmem:s2] =	stream.indirect.scatter.add.f32 [tilespmem:s12], [sflag:$0x1], $0x80, s11, s11, $0xb8;
	[tilespmem:$0x1E280] =	vst v63  }
0x41: {  	_ =	swait.ge [sflag:s6], $0x4000  }
0x42: {  	[sflag:s6] =	ssyncset.done $0x0  }
0x43: {  	[sflag:s6] =	ssyncadd.s32 $0xFFFFC000  }
0x44: {  	[spmem:s2] =	stream.indirect.scatter.add.f32 [tilespmem:s14], [sflag:$0x1], $0x80, s13, s11, $0xb8;
	[tilespmem:$0x1E280] =	vst v63  }
0x45: {  	_ =	swait.ge [sflag:s6], $0x4000  }
0x46: {  	[sflag:s6] =	ssyncset.done $0x0  }
0x47: {  	[sflag:s6] =	ssyncadd.s32 $0xFFFFC000  }
0x48: {  	[spmem:s2] =	stream.indirect.scatter.add.f32 [tilespmem:s16], [sflag:$0x1], $0x80, s15, s11, $0xb8;
	[tilespmem:$0x1E280] =	vst v63  }
0x49: {  	_ =	swait.ge [sflag:s6], $0x4000  }
0x4a: {  	[sflag:s6] =	ssyncset.done $0x0  }
0x4b: {  	[sflag:s6] =	ssyncadd.s32 $0xFFFFC000  }
0x4c: {  	[spmem:s2] =	stream.indirect.scatter.add.f32 [tilespmem:s18], [sflag:$0x1], $0x80, s17, s11, $0xb8;
	[tilespmem:$0x1E280] =	vst v63  }
0x4d: {  	_ =	swait.ge [sflag:s6], $0x4000  }
0x4e: {  	[sflag:s6] =	ssyncset.done $0x0  }
.Ltmp1:
0x4f: {  	[sflag:s6] =	ssyncadd.s32 $0xFFFFC000;
	(pc) =	sbr.rel @p0 .LBB2_1-.Ltmp1, $4  }
0x50: {  	[bflag:$0x0] =	sbarrier.arrive $0xFFFF  }
0x51: {  	[hbm:s19], [sflag:s5] =	dma.local [spmem:s7], $0x1400  }
0x52: {  	_ =	swait.ge [sflag:s6], $0x1400  }
0x53: {  	[sflag:s6] =	ssyncset.done $0x0  }
.LBB2_2:
0x54: {  	[sflag:s6] =	ssyncadd.s32 $0xFFFFEC00  }
0x55: {  	_ =	sfence.sel $0x180000  }
0x56: {  	[bflag:$0x0] =	sbarrier.arrive $0xFFFF  }
0x57: {  	p0 =	sne.s32 s1, $0x0;
	_ =	strace $0x90000065  }
0x58: {  	s0 =	sadd.s32 @!p0 $0x100000, s0;
	[bflag:$0x2] =	sbarrier.arrive $0xFFFF  }
0x59: {  	[sflag:s0] =	ssyncadd.tile.s32 @!p0 $0x1;
	_ =	shalt  }
.Lfunc_end2:
_tile_overlayer_lowered:
.L_overlay_start_2:
0x5a: {  	(tag) =	ssettag $0x2  }
0x5b: {  	s0 =	rddreg [dreg:$0x0];
	s2 =	stileid.u32  }
0x5c: {  	s1 =	rddreg [dreg:$0x1];
	p0 =	sne.s32 s2, $0x0  }
0x5d: {  	s3 =	rddreg [dreg:$0x2];
	[bflag:$0x3] =	sbarrier.arrive $0xFFFF;
	s2 =	simm.s32 @!p0 $0x1C01  }
0x5e: {  	[timem:s3], [sflag:s2] =	dma.local @!p0 [hbm:s0], s1  }
0x5f: {  	s0 =	simm.s32 @!p0 $0x1  }
0x60: {  	_ =	swait.ge @!p0 [sflag:s0], s1  }
0x61: {  	s1 =	ssub.s32 @!p0 $0x0, s1;
	[sflag:s0] =	ssyncset.done @!p0 $0x0  }
0x62: {  	[sflag:s0] =	ssyncadd.s32 @!p0 s1  }
0x63: {  	[bflag:$0x3] =	sbarrier.arrive $0xFFFF  }
0x64: {  	_ =	shalt  }

</sc_bundles>
